<compile_context>
chip_gen: v7x
topology: tpu7x:2x2x1
jax: 0.10.2.dev20260603
libtpu: 0.0.44.dev20260713+nightly
codegen_flags: <defaults>
</compile_context>

<pallas_src>
import functools

import jax
import jax.numpy as jnp
from jax import lax
from jax.experimental import pallas as pl
from jax.experimental.pallas import tpu as pltpu
from jax.experimental.pallas import tpu_sc as plsc

N = 10000
D = 128
E = 320000

NPAD = 10240
NC = 2
NS = 16
NW = NC * NS
K = 128
CH = 80
GROUPS = 10
PER_GROUP = CH // GROUPS
EPW = CH * K
EPAD = NW * EPW
ROWS_PER_SUB = NPAD // NS


def _sc_segment_sum(h_msg, srcr, dstr):
    mesh = plsc.VectorSubcoreMesh(core_axis_name="c", subcore_axis_name="s",
                                  num_cores=NC, num_subcores=NS)

    @functools.partial(
        pl.kernel,
        out_type=jax.ShapeDtypeStruct((NC, NPAD, D), jnp.float32),
        mesh=mesh,
        scratch_types=[
            pltpu.VMEM((CH, K), jnp.int32),
            pltpu.VMEM((2, PER_GROUP, K), jnp.int32),
            pltpu.VMEM((2, K, D), jnp.float32),
            pltpu.VMEM_SHARED((NPAD, D), jnp.float32),
            pltpu.SemaphoreType.DMA,
            pltpu.SemaphoreType.DMA,
            pltpu.SemaphoreType.DMA,
            pltpu.SemaphoreType.DMA,
        ],
    )
    def k(h_hbm, src_hbm, dst_hbm, out_hbm, src_v, dst_g, rows_v, acc,
          gsem0, gsem1, isem0, isem1):
        cid = lax.axis_index("c")
        sid = lax.axis_index("s")
        wid = sid * NC + cid

        z16 = jnp.zeros((16,), jnp.float32)

        def zrow(r, _):
            for c in range(D // 16):
                rows_v[0, r, pl.ds(c * 16, 16)] = z16
            return 0

        lax.fori_loop(0, K, zrow, 0)
        for t in range(ROWS_PER_SUB // K):
            pltpu.sync_copy(rows_v.at[0],
                            acc.at[pl.ds(sid * ROWS_PER_SUB + t * K, K)])
        pltpu.sync_copy(src_hbm.at[wid], src_v)
        plsc.subcore_barrier()

        gsems = (gsem0, gsem1)
        pltpu.async_copy(h_hbm.at[src_v.at[0]], rows_v.at[0], gsem0)
        pltpu.async_copy(dst_hbm.at[wid, pl.ds(0, PER_GROUP)], dst_g.at[0], isem0)

        def group(g, _):
            base = g * PER_GROUP
            even = (g & 1) == 0
            gsel = g & 1
            gn = jnp.minimum(g + 1, GROUPS - 1)

            @pl.when(even)
            def _():
                pltpu.make_async_copy(dst_hbm.at[wid, pl.ds(0, PER_GROUP)],
                                      dst_g.at[0], isem0).wait()
                pltpu.async_copy(dst_hbm.at[wid, pl.ds(gn * PER_GROUP, PER_GROUP)],
                                 dst_g.at[1], isem1)

            @pl.when(jnp.logical_not(even))
            def _():
                pltpu.make_async_copy(dst_hbm.at[wid, pl.ds(0, PER_GROUP)],
                                      dst_g.at[1], isem1).wait()
                pltpu.async_copy(dst_hbm.at[wid, pl.ds(gn * PER_GROUP, PER_GROUP)],
                                 dst_g.at[0], isem0)

            for i in range(PER_GROUP):
                j = base + i
                jn = jnp.minimum(j + 1, CH - 1)
                p = i % 2
                pn = (i + 1) % 2
                pltpu.async_copy(h_hbm.at[src_v.at[jn]], rows_v.at[pn], gsems[pn])
                pltpu.make_async_copy(h_hbm.at[src_v.at[0]], rows_v.at[p],
                                      gsems[p]).wait()
                pltpu.sync_copy(rows_v.at[p], acc.at[dst_g.at[gsel, i]], add=True)
            return 0

        lax.fori_loop(0, GROUPS, group, 0)
        pltpu.make_async_copy(h_hbm.at[src_v.at[0]], rows_v.at[0], gsem0).wait()
        pltpu.make_async_copy(dst_hbm.at[wid, pl.ds(0, PER_GROUP)],
                              dst_g.at[0], isem0).wait()
        plsc.subcore_barrier()
        pltpu.sync_copy(acc.at[pl.ds(sid * ROWS_PER_SUB, ROWS_PER_SUB)],
                        out_hbm.at[cid, pl.ds(sid * ROWS_PER_SUB, ROWS_PER_SUB)])

    return k(h_msg, srcr, dstr)


def _bf16_rtne(a):
    u = lax.bitcast_convert_type(a, jnp.uint32)
    u = (u + jnp.uint32(0x7FFF) + ((u >> 16) & jnp.uint32(1))) & jnp.uint32(0xFFFF0000)
    return lax.bitcast_convert_type(u, jnp.float32)


def _gru_body_msg(parts_ref, h_ref, wm_ref, wiT_ref, whT_ref, bi_ref, bh_ref,
                  out_ref, msg_ref):
    _gru_common(parts_ref, h_ref, wm_ref, wiT_ref, whT_ref, bi_ref, bh_ref,
                out_ref, msg_ref)


def _gru_body_last(parts_ref, h_ref, wm_ref, wiT_ref, whT_ref, bi_ref, bh_ref,
                   out_ref):
    _gru_common(parts_ref, h_ref, wm_ref, wiT_ref, whT_ref, bi_ref, bh_ref,
                out_ref, None)


def _gru_common(parts_ref, h_ref, wm_ref, wiT_ref, whT_ref, bi_ref, bh_ref,
                out_ref, msg_ref):
    s = parts_ref[0] + parts_ref[1]
    agg = jnp.dot(s, wm_ref[...], preferred_element_type=jnp.float32,
                  precision=jax.lax.Precision.HIGHEST)
    gi = jnp.dot(agg, wiT_ref[...], preferred_element_type=jnp.float32) + bi_ref[...]
    h = h_ref[...]
    gh = jnp.dot(h, whT_ref[...], preferred_element_type=jnp.float32) + bh_ref[...]
    r = jax.nn.sigmoid(gi[:, :D] + gh[:, :D])
    z = jax.nn.sigmoid(gi[:, D:2 * D] + gh[:, D:2 * D])
    n = jnp.tanh(gi[:, 2 * D:] + r * gh[:, 2 * D:])
    out = jnp.maximum((1.0 - z) * n + z * h, 0.0)
    out_ref[...] = out
    if msg_ref is not None:
        msg_ref[...] = _bf16_rtne(out)


def _tc_gru(parts, h_pad, Wm_r, WiT, WhT, bi, bh, want_msg):
    B = 2048
    grid = (NPAD // B,)
    in_specs = [
        pl.BlockSpec((NC, B, D), lambda i: (0, i, 0)),
        pl.BlockSpec((B, D), lambda i: (i, 0)),
        pl.BlockSpec((D, D), lambda i: (0, 0)),
        pl.BlockSpec((D, 3 * D), lambda i: (0, 0)),
        pl.BlockSpec((D, 3 * D), lambda i: (0, 0)),
        pl.BlockSpec((1, 3 * D), lambda i: (0, 0)),
        pl.BlockSpec((1, 3 * D), lambda i: (0, 0)),
    ]
    if want_msg:
        return pl.pallas_call(
            _gru_body_msg,
            grid=grid,
            in_specs=in_specs,
            out_specs=[pl.BlockSpec((B, D), lambda i: (i, 0)),
                       pl.BlockSpec((B, D), lambda i: (i, 0))],
            out_shape=[jax.ShapeDtypeStruct((NPAD, D), jnp.float32),
                       jax.ShapeDtypeStruct((NPAD, D), jnp.float32)],
        )(parts, h_pad, Wm_r, WiT, WhT, bi, bh)
    return pl.pallas_call(
        _gru_body_last,
        grid=grid,
        in_specs=in_specs,
        out_specs=pl.BlockSpec((B, D), lambda i: (i, 0)),
        out_shape=jax.ShapeDtypeStruct((NPAD, D), jnp.float32),
    )(parts, h_pad, Wm_r, WiT, WhT, bi, bh), None


def kernel(x, edge_index, Wm1, Wi1, Wh1, bi1, bh1, Wm2, Wi2, Wh2, bi2, bh2,
           Wm3, Wi3, Wh3, bi3, bh3):
    src = edge_index[0].astype(jnp.int32)
    dst = edge_index[1].astype(jnp.int32)
    npad_extra = NPAD - N
    pad_len = EPAD - E
    pad_idx = N + jnp.arange(pad_len, dtype=jnp.int32) % npad_extra
    srcr = jnp.concatenate([src, pad_idx]).reshape(NW, CH, K)
    dstr = jnp.concatenate([dst, pad_idx]).reshape(NW, CH, K)

    h_pad = jnp.pad(x, ((0, npad_extra), (0, 0)))
    h_msg = _bf16_rtne(h_pad)

    layers = ((Wm1, Wi1, Wh1, bi1, bh1),
              (Wm2, Wi2, Wh2, bi2, bh2),
              (Wm3, Wi3, Wh3, bi3, bh3))
    for li, (Wm, Wi, Wh, bi, bh) in enumerate(layers):
        parts = _sc_segment_sum(h_msg, srcr, dstr)
        h_pad, h_msg = _tc_gru(parts, h_pad, _bf16_rtne(Wm), Wi.T, Wh.T,
                               bi.reshape(1, 3 * D), bh.reshape(1, 3 * D),
                               want_msg=(li < 2))
    return h_pad[:N]

# --- scband reference (transcript-rebuilt; emitter-appended) ---
"""Pipeline reference for scband-l3-gated-graph-conv-84859963834408 (READ-ONLY COPY).

The authoritative reference and input builder live on the scoring server;
editing this copy changes nothing except your own understanding.
"""

import jax, jax.numpy as jnp
import numpy as np

N = 10000
E = 320000
D = 128


def _gated_conv(h, edge_index, Wm, Wi, Wh, bi, bh):
    # message: linear transform of source node features, scatter-add to dst
    src = edge_index[0]
    dst = edge_index[1]
    msg = jnp.take(h, src, axis=0) @ Wm
    agg = jnp.zeros_like(h).at[dst].add(msg)
    # GRUCell(agg, h) with torch parameter convention
    gi = agg @ Wi.T + bi
    gh = h @ Wh.T + bh
    i_r, i_z, i_n = jnp.split(gi, 3, axis=-1)
    h_r, h_z, h_n = jnp.split(gh, 3, axis=-1)
    r = jax.nn.sigmoid(i_r + h_r)
    z = jax.nn.sigmoid(i_z + h_z)
    n = jnp.tanh(i_n + r * h_n)
    return (1.0 - z) * n + z * h


def setup_inputs(seed: int = 0) -> dict:
    key = jax.random.key(seed)
    ks = jax.random.split(key, 20)
    s = 1.0 / np.sqrt(D)
    inp = {
        'x': jax.random.normal(ks[0], (N, D), dtype=jnp.float32),
        'edge_index': jax.random.randint(ks[1], (2, E), 0, N, dtype=jnp.int64),
    }
    i = 2
    for l in (1, 2, 3):
        inp[f'Wm{l}'] = jax.random.normal(ks[i], (D, D), dtype=jnp.float32) * s; i += 1
        inp[f'Wi{l}'] = jax.random.normal(ks[i], (3 * D, D), dtype=jnp.float32) * s; i += 1
        inp[f'Wh{l}'] = jax.random.normal(ks[i], (3 * D, D), dtype=jnp.float32) * s; i += 1
        inp[f'bi{l}'] = jnp.zeros((3 * D,), dtype=jnp.float32)
        inp[f'bh{l}'] = jnp.zeros((3 * D,), dtype=jnp.float32)
    return inp


def reference(x, edge_index, Wm1, Wi1, Wh1, bi1, bh1, Wm2, Wi2, Wh2, bi2, bh2, Wm3, Wi3, Wh3, bi3, bh3):
    # dropout p=0.1 is identity in eval mode
    h = jax.nn.relu(_gated_conv(x, edge_index, Wm1, Wi1, Wh1, bi1, bh1))
    h = jax.nn.relu(_gated_conv(h, edge_index, Wm2, Wi2, Wh2, bi2, bh2))
    h = jax.nn.relu(_gated_conv(h, edge_index, Wm3, Wi3, Wh3, bi3, bh3))
    return h

if __name__ == "__main__":
    import jax
    _d = setup_inputs()
    print(jax.jit(kernel)(*tuple(_d.values())))

</pallas_src>

<mosaic_0001>
#map = affine_map<(d0, d1) -> (0, 0)>
#map1 = affine_map<(d0, d1) -> (0, 0, 0)>
module attributes {stable_mosaic.version = 14 : i64} {
  func.func @k(%arg0: i32, %arg1: i32, %arg2: memref<10240x128xf32, #tpu.memory_space<hbm>>, %arg3: memref<32x80x128xi32, #tpu.memory_space<hbm>>, %arg4: memref<32x80x128xi32, #tpu.memory_space<hbm>>, %arg5: memref<2x10240x128xf32, #tpu.memory_space<hbm>>, %arg6: memref<80x128xi32, #tpu.memory_space<vmem>>, %arg7: memref<2x8x128xi32, #tpu.memory_space<vmem>>, %arg8: memref<2x128x128xf32, #tpu.memory_space<vmem>>, %arg9: memref<10240x128xf32, #tpu.memory_space<vmem_shared>>, %arg10: memref<!tpu.dma_semaphore, #tpu.memory_space<semaphore_mem>>, %arg11: memref<!tpu.dma_semaphore, #tpu.memory_space<semaphore_mem>>, %arg12: memref<!tpu.dma_semaphore, #tpu.memory_space<semaphore_mem>>, %arg13: memref<!tpu.dma_semaphore, #tpu.memory_space<semaphore_mem>>) attributes {dimension_semantics = [#tpu.dimension_semantics<core_parallel>, #tpu.dimension_semantics<subcore_parallel>], iteration_bounds = array<i64: 2, 16>, scalar_prefetch = 0 : i64, scratch_operands = 8 : i64, tpu.core_type = #tpu.core_type<sc_vector_subcore>, window_params = [{transform_indices = #map}, {transform_indices = #map1}, {transform_indices = #map1}, {transform_indices = #map1}]} {
    %mul3A = arith.constant 2 : i32
    %mul3A_0 = arith.muli %arg1, %mul3A : i32
    %add3A = arith.addi %mul3A_0, %arg0 : i32
    %broadcast_in_dim3A = arith.constant 0.000000e+00 : f32
    %broadcast_in_dim3A_1 = vector.broadcast %broadcast_in_dim3A : f32 to vector<16xf32>
    %scan3A = arith.constant 0 : i32
    %scan3A_2 = arith.constant 0 : i32
    %scan3A_3 = arith.constant 128 : i32
    %scan3A_4 = arith.addi %scan3A_2, %scan3A_3 : i32
    %scan3A_5 = arith.constant 1 : i32
    %scan3A_6 = scf.for %scan3A_100 = %scan3A_2 to %scan3A_4 step %scan3A_5 iter_args(%scan3A_101 = %scan3A) -> (i32)  : i32 {
      %swap3A = arith.constant 0 : i32
      %swap3A_102 = arith.index_cast %swap3A : i32 to index
      %swap3A_103 = arith.index_cast %scan3A_100 : i32 to index
      %swap3A_104 = arith.constant 0 : index
      %swap3A_105 = tpu.vector_load %arg8[%swap3A_102, %swap3A_103, %swap3A_104] {strides = array<i32>} : memref<2x128x128xf32, #tpu.memory_space<vmem>>, vector<1x1x16xf32>,
      %swap3A_106 = vector.shape_cast %swap3A_105 : vector<1x1x16xf32> to vector<16xf32>
      %swap3A_107 = vector.shape_cast %broadcast_in_dim3A_1 : vector<16xf32> to vector<1x1x16xf32>
      tpu.vector_store %arg8[%swap3A_102, %swap3A_103, %swap3A_104], %swap3A_107 {strides = array<i32>} : memref<2x128x128xf32, #tpu.memory_space<vmem>>, vector<1x1x16xf32>,
      %swap3A_108 = arith.constant 0 : i32
      %swap3A_109 = arith.index_cast %swap3A_108 : i32 to index
      %swap3A_110 = arith.index_cast %scan3A_100 : i32 to index
      %swap3A_111 = arith.constant 16 : index
      %swap3A_112 = tpu.vector_load %arg8[%swap3A_109, %swap3A_110, %swap3A_111] {strides = array<i32>} : memref<2x128x128xf32, #tpu.memory_space<vmem>>, vector<1x1x16xf32>,
      %swap3A_113 = vector.shape_cast %swap3A_112 : vector<1x1x16xf32> to vector<16xf32>
      %swap3A_114 = vector.shape_cast %broadcast_in_dim3A_1 : vector<16xf32> to vector<1x1x16xf32>
      tpu.vector_store %arg8[%swap3A_109, %swap3A_110, %swap3A_111], %swap3A_114 {strides = array<i32>} : memref<2x128x128xf32, #tpu.memory_space<vmem>>, vector<1x1x16xf32>,
      %swap3A_115 = arith.constant 0 : i32
      %swap3A_116 = arith.index_cast %swap3A_115 : i32 to index
      %swap3A_117 = arith.index_cast %scan3A_100 : i32 to index
      %swap3A_118 = arith.constant 32 : index
      %swap3A_119 = tpu.vector_load %arg8[%swap3A_116, %swap3A_117, %swap3A_118] {strides = array<i32>} : memref<2x128x128xf32, #tpu.memory_space<vmem>>, vector<1x1x16xf32>,
      %swap3A_120 = vector.shape_cast %swap3A_119 : vector<1x1x16xf32> to vector<16xf32>
      %swap3A_121 = vector.shape_cast %broadcast_in_dim3A_1 : vector<16xf32> to vector<1x1x16xf32>
      tpu.vector_store %arg8[%swap3A_116, %swap3A_117, %swap3A_118], %swap3A_121 {strides = array<i32>} : memref<2x128x128xf32, #tpu.memory_space<vmem>>, vector<1x1x16xf32>,
      %swap3A_122 = arith.constant 0 : i32
      %swap3A_123 = arith.index_cast %swap3A_122 : i32 to index
      %swap3A_124 = arith.index_cast %scan3A_100 : i32 to index
      %swap3A_125 = arith.constant 48 : index
      %swap3A_126 = tpu.vector_load %arg8[%swap3A_123, %swap3A_124, %swap3A_125] {strides = array<i32>} : memref<2x128x128xf32, #tpu.memory_space<vmem>>, vector<1x1x16xf32>,
      %swap3A_127 = vector.shape_cast %swap3A_126 : vector<1x1x16xf32> to vector<16xf32>
      %swap3A_128 = vector.shape_cast %broadcast_in_dim3A_1 : vector<16xf32> to vector<1x1x16xf32>
      tpu.vector_store %arg8[%swap3A_123, %swap3A_124, %swap3A_125], %swap3A_128 {strides = array<i32>} : memref<2x128x128xf32, #tpu.memory_space<vmem>>, vector<1x1x16xf32>,
      %swap3A_129 = arith.constant 0 : i32
      %swap3A_130 = arith.index_cast %swap3A_129 : i32 to index
      %swap3A_131 = arith.index_cast %scan3A_100 : i32 to index
      %swap3A_132 = arith.constant 64 : index
      %swap3A_133 = tpu.vector_load %arg8[%swap3A_130, %swap3A_131, %swap3A_132] {strides = array<i32>} : memref<2x128x128xf32, #tpu.memory_space<vmem>>, vector<1x1x16xf32>,
      %swap3A_134 = vector.shape_cast %swap3A_133 : vector<1x1x16xf32> to vector<16xf32>
      %swap3A_135 = vector.shape_cast %broadcast_in_dim3A_1 : vector<16xf32> to vector<1x1x16xf32>
      tpu.vector_store %arg8[%swap3A_130, %swap3A_131, %swap3A_132], %swap3A_135 {strides = array<i32>} : memref<2x128x128xf32, #tpu.memory_space<vmem>>, vector<1x1x16xf32>,
      %swap3A_136 = arith.constant 0 : i32
      %swap3A_137 = arith.index_cast %swap3A_136 : i32 to index
      %swap3A_138 = arith.index_cast %scan3A_100 : i32 to index
      %swap3A_139 = arith.constant 80 : index
      %swap3A_140 = tpu.vector_load %arg8[%swap3A_137, %swap3A_138, %swap3A_139] {strides = array<i32>} : memref<2x128x128xf32, #tpu.memory_space<vmem>>, vector<1x1x16xf32>,
      %swap3A_141 = vector.shape_cast %swap3A_140 : vector<1x1x16xf32> to vector<16xf32>
      %swap3A_142 = vector.shape_cast %broadcast_in_dim3A_1 : vector<16xf32> to vector<1x1x16xf32>
      tpu.vector_store %arg8[%swap3A_137, %swap3A_138, %swap3A_139], %swap3A_142 {strides = array<i32>} : memref<2x128x128xf32, #tpu.memory_space<vmem>>, vector<1x1x16xf32>,
      %swap3A_143 = arith.constant 0 : i32
      %swap3A_144 = arith.index_cast %swap3A_143 : i32 to index
      %swap3A_145 = arith.index_cast %scan3A_100 : i32 to index
      %swap3A_146 = arith.constant 96 : index
      %swap3A_147 = tpu.vector_load %arg8[%swap3A_144, %swap3A_145, %swap3A_146] {strides = array<i32>} : memref<2x128x128xf32, #tpu.memory_space<vmem>>, vector<1x1x16xf32>,
      %swap3A_148 = vector.shape_cast %swap3A_147 : vector<1x1x16xf32> to vector<16xf32>
      %swap3A_149 = vector.shape_cast %broadcast_in_dim3A_1 : vector<16xf32> to vector<1x1x16xf32>
      tpu.vector_store %arg8[%swap3A_144, %swap3A_145, %swap3A_146], %swap3A_149 {strides = array<i32>} : memref<2x128x128xf32, #tpu.memory_space<vmem>>, vector<1x1x16xf32>,
      %swap3A_150 = arith.constant 0 : i32
      %swap3A_151 = arith.index_cast %swap3A_150 : i32 to index
      %swap3A_152 = arith.index_cast %scan3A_100 : i32 to index
      %swap3A_153 = arith.constant 112 : index
      %swap3A_154 = tpu.vector_load %arg8[%swap3A_151, %swap3A_152, %swap3A_153] {strides = array<i32>} : memref<2x128x128xf32, #tpu.memory_space<vmem>>, vector<1x1x16xf32>,
      %swap3A_155 = vector.shape_cast %swap3A_154 : vector<1x1x16xf32> to vector<16xf32>
      %swap3A_156 = vector.shape_cast %broadcast_in_dim3A_1 : vector<16xf32> to vector<1x1x16xf32>
      tpu.vector_store %arg8[%swap3A_151, %swap3A_152, %swap3A_153], %swap3A_156 {strides = array<i32>} : memref<2x128x128xf32, #tpu.memory_space<vmem>>, vector<1x1x16xf32>,
      %scan3A_157 = arith.constant 0 : i32
      scf.yield %scan3A_157 : i32
    }
    %scan3A_7 = arith.constant 128 : i32
    %mul3A_8 = arith.constant 640 : i32
    %mul3A_9 = arith.muli %arg1, %mul3A_8 : i32
    %add3A_10 = arith.constant 0 : i32
    %add3A_11 = arith.addi %mul3A_9, %add3A_10 : i32
    %run_scoped3A = arith.constant 0 : i32
    "tpu.region"() ({
      %run_scoped3A_100 = tpu.sem_alloc : memref<!tpu.dma_semaphore, #tpu.memory_space<semaphore_mem>>
      %dma_start3A_101 = arith.constant 0 : i32
      %dma_start3A_102 = arith.constant 0 : i32
      %dma_start3A_103 = tpu.memref_slice %arg8[%run_scoped3A, %dma_start3A_101, %dma_start3A_102] : memref<2x128x128xf32, #tpu.memory_space<vmem>> -> memref<1x128x128xf32, #tpu.memory_space<vmem>>
      %dma_start3A_104 = tpu.memref_squeeze %dma_start3A_103 : memref<1x128x128xf32, #tpu.memory_space<vmem>> -> memref<128x128xf32, #tpu.memory_space<vmem>>
      %dma_start3A_105 = arith.constant 0 : i32
      %dma_start3A_106 = tpu.memref_slice %arg9[%add3A_11, %dma_start3A_105] : memref<10240x128xf32, #tpu.memory_space<vmem_shared>> -> memref<128x128xf32, #tpu.memory_space<vmem_shared>>
      %dma_start3A_107 = arith.constant 0 : i32
      %dma_start3A_108 = tpu.memref_slice %arg9[%add3A_11, %dma_start3A_107] : memref<10240x128xf32, #tpu.memory_space<vmem_shared>> -> memref<128x128xf32, #tpu.memory_space<vmem_shared>>
      %dma_start3A_109 = arith.constant 0 : i32
      %dma_start3A_110 = arith.constant 0 : i32
      %dma_start3A_111 = tpu.memref_slice %arg8[%run_scoped3A, %dma_start3A_109, %dma_start3A_110] : memref<2x128x128xf32, #tpu.memory_space<vmem>> -> memref<1x128x128xf32, #tpu.memory_space<vmem>>
      %dma_start3A_112 = tpu.memref_squeeze %dma_start3A_111 : memref<1x128x128xf32, #tpu.memory_space<vmem>> -> memref<128x128xf32, #tpu.memory_space<vmem>>
      tpu.enqueue_dma source(%dma_start3A_112 : memref<128x128xf32, #tpu.memory_space<vmem>>) target(%dma_start3A_108 : memref<128x128xf32, #tpu.memory_space<vmem_shared>>) target_semaphore(%run_scoped3A_100 : memref<!tpu.dma_semaphore, #tpu.memory_space<semaphore_mem>>)
      %dma_wait3A_113 = arith.constant 0 : i32
      %dma_wait3A_114 = arith.constant 0 : i32
      %dma_wait3A_115 = tpu.memref_slice %arg8[%run_scoped3A, %dma_wait3A_113, %dma_wait3A_114] : memref<2x128x128xf32, #tpu.memory_space<vmem>> -> memref<1x128x128xf32, #tpu.memory_space<vmem>>
      %dma_wait3A_116 = tpu.memref_squeeze %dma_wait3A_115 : memref<1x128x128xf32, #tpu.memory_space<vmem>> -> memref<128x128xf32, #tpu.memory_space<vmem>>
      %dma_wait3A_117 = arith.constant 0 : i32
      %dma_wait3A_118 = tpu.memref_slice %arg9[%add3A_11, %dma_wait3A_117] : memref<10240x128xf32, #tpu.memory_space<vmem_shared>> -> memref<128x128xf32, #tpu.memory_space<vmem_shared>>
      %dma_wait3A_119 = arith.constant 0 : i32
      %dma_wait3A_120 = tpu.memref_slice %arg9[%add3A_11, %dma_wait3A_119] : memref<10240x128xf32, #tpu.memory_space<vmem_shared>> -> memref<128x128xf32, #tpu.memory_space<vmem_shared>>
      %dma_wait3A_121 = arith.constant 0 : i32
      %dma_wait3A_122 = arith.constant 0 : i32
      %dma_wait3A_123 = tpu.memref_slice %arg8[%run_scoped3A, %dma_wait3A_121, %dma_wait3A_122] : memref<2x128x128xf32, #tpu.memory_space<vmem>> -> memref<1x128x128xf32, #tpu.memory_space<vmem>>
      %dma_wait3A_124 = tpu.memref_squeeze %dma_wait3A_123 : memref<1x128x128xf32, #tpu.memory_space<vmem>> -> memref<128x128xf32, #tpu.memory_space<vmem>>
      tpu.wait_dma2 semaphore(%run_scoped3A_100 : memref<!tpu.dma_semaphore, #tpu.memory_space<semaphore_mem>>) src(%dma_wait3A_124 : memref<128x128xf32, #tpu.memory_space<vmem>>) dst(%dma_wait3A_120 : memref<128x128xf32, #tpu.memory_space<vmem_shared>>)
      tpu.yield
    }) : () -> ()
    %mul3A_12 = arith.constant 640 : i32
    %mul3A_13 = arith.muli %arg1, %mul3A_12 : i32
    %add3A_14 = arith.constant 128 : i32
    %add3A_15 = arith.addi %mul3A_13, %add3A_14 : i32
    %run_scoped3A_16 = arith.constant 0 : i32
    "tpu.region"() ({
      %run_scoped3A_100 = tpu.sem_alloc : memref<!tpu.dma_semaphore, #tpu.memory_space<semaphore_mem>>
      %dma_start3A_101 = arith.constant 0 : i32
      %dma_start3A_102 = arith.constant 0 : i32
      %dma_start3A_103 = tpu.memref_slice %arg8[%run_scoped3A_16, %dma_start3A_101, %dma_start3A_102] : memref<2x128x128xf32, #tpu.memory_space<vmem>> -> memref<1x128x128xf32, #tpu.memory_space<vmem>>
      %dma_start3A_104 = tpu.memref_squeeze %dma_start3A_103 : memref<1x128x128xf32, #tpu.memory_space<vmem>> -> memref<128x128xf32, #tpu.memory_space<vmem>>
      %dma_start3A_105 = arith.constant 0 : i32
      %dma_start3A_106 = tpu.memref_slice %arg9[%add3A_15, %dma_start3A_105] : memref<10240x128xf32, #tpu.memory_space<vmem_shared>> -> memref<128x128xf32, #tpu.memory_space<vmem_shared>>
      %dma_start3A_107 = arith.constant 0 : i32
      %dma_start3A_108 = tpu.memref_slice %arg9[%add3A_15, %dma_start3A_107] : memref<10240x128xf32, #tpu.memory_space<vmem_shared>> -> memref<128x128xf32, #tpu.memory_space<vmem_shared>>
      %dma_start3A_109 = arith.constant 0 : i32
      %dma_start3A_110 = arith.constant 0 : i32
      %dma_start3A_111 = tpu.memref_slice %arg8[%run_scoped3A_16, %dma_start3A_109, %dma_start3A_110] : memref<2x128x128xf32, #tpu.memory_space<vmem>> -> memref<1x128x128xf32, #tpu.memory_space<vmem>>
      %dma_start3A_112 = tpu.memref_squeeze %dma_start3A_111 : memref<1x128x128xf32, #tpu.memory_space<vmem>> -> memref<128x128xf32, #tpu.memory_space<vmem>>
      tpu.enqueue_dma source(%dma_start3A_112 : memref<128x128xf32, #tpu.memory_space<vmem>>) target(%dma_start3A_108 : memref<128x128xf32, #tpu.memory_space<vmem_shared>>) target_semaphore(%run_scoped3A_100 : memref<!tpu.dma_semaphore, #tpu.memory_space<semaphore_mem>>)
      %dma_wait3A_113 = arith.constant 0 : i32
      %dma_wait3A_114 = arith.constant 0 : i32
      %dma_wait3A_115 = tpu.memref_slice %arg8[%run_scoped3A_16, %dma_wait3A_113, %dma_wait3A_114] : memref<2x128x128xf32, #tpu.memory_space<vmem>> -> memref<1x128x128xf32, #tpu.memory_space<vmem>>
      %dma_wait3A_116 = tpu.memref_squeeze %dma_wait3A_115 : memref<1x128x128xf32, #tpu.memory_space<vmem>> -> memref<128x128xf32, #tpu.memory_space<vmem>>
      %dma_wait3A_117 = arith.constant 0 : i32
      %dma_wait3A_118 = tpu.memref_slice %arg9[%add3A_15, %dma_wait3A_117] : memref<10240x128xf32, #tpu.memory_space<vmem_shared>> -> memref<128x128xf32, #tpu.memory_space<vmem_shared>>
      %dma_wait3A_119 = arith.constant 0 : i32
      %dma_wait3A_120 = tpu.memref_slice %arg9[%add3A_15, %dma_wait3A_119] : memref<10240x128xf32, #tpu.memory_space<vmem_shared>> -> memref<128x128xf32, #tpu.memory_space<vmem_shared>>
      %dma_wait3A_121 = arith.constant 0 : i32
      %dma_wait3A_122 = arith.constant 0 : i32
      %dma_wait3A_123 = tpu.memref_slice %arg8[%run_scoped3A_16, %dma_wait3A_121, %dma_wait3A_122] : memref<2x128x128xf32, #tpu.memory_space<vmem>> -> memref<1x128x128xf32, #tpu.memory_space<vmem>>
      %dma_wait3A_124 = tpu.memref_squeeze %dma_wait3A_123 : memref<1x128x128xf32, #tpu.memory_space<vmem>> -> memref<128x128xf32, #tpu.memory_space<vmem>>
      tpu.wait_dma2 semaphore(%run_scoped3A_100 : memref<!tpu.dma_semaphore, #tpu.memory_space<semaphore_mem>>) src(%dma_wait3A_124 : memref<128x128xf32, #tpu.memory_space<vmem>>) dst(%dma_wait3A_120 : memref<128x128xf32, #tpu.memory_space<vmem_shared>>)
      tpu.yield
    }) : () -> ()
    %mul3A_17 = arith.constant 640 : i32
    %mul3A_18 = arith.muli %arg1, %mul3A_17 : i32
    %add3A_19 = arith.constant 256 : i32
    %add3A_20 = arith.addi %mul3A_18, %add3A_19 : i32
    %run_scoped3A_21 = arith.constant 0 : i32
    "tpu.region"() ({
      %run_scoped3A_100 = tpu.sem_alloc : memref<!tpu.dma_semaphore, #tpu.memory_space<semaphore_mem>>
      %dma_start3A_101 = arith.constant 0 : i32
      %dma_start3A_102 = arith.constant 0 : i32
      %dma_start3A_103 = tpu.memref_slice %arg8[%run_scoped3A_21, %dma_start3A_101, %dma_start3A_102] : memref<2x128x128xf32, #tpu.memory_space<vmem>> -> memref<1x128x128xf32, #tpu.memory_space<vmem>>
      %dma_start3A_104 = tpu.memref_squeeze %dma_start3A_103 : memref<1x128x128xf32, #tpu.memory_space<vmem>> -> memref<128x128xf32, #tpu.memory_space<vmem>>
      %dma_start3A_105 = arith.constant 0 : i32
      %dma_start3A_106 = tpu.memref_slice %arg9[%add3A_20, %dma_start3A_105] : memref<10240x128xf32, #tpu.memory_space<vmem_shared>> -> memref<128x128xf32, #tpu.memory_space<vmem_shared>>
      %dma_start3A_107 = arith.constant 0 : i32
      %dma_start3A_108 = tpu.memref_slice %arg9[%add3A_20, %dma_start3A_107] : memref<10240x128xf32, #tpu.memory_space<vmem_shared>> -> memref<128x128xf32, #tpu.memory_space<vmem_shared>>
      %dma_start3A_109 = arith.constant 0 : i32
      %dma_start3A_110 = arith.constant 0 : i32
      %dma_start3A_111 = tpu.memref_slice %arg8[%run_scoped3A_21, %dma_start3A_109, %dma_start3A_110] : memref<2x128x128xf32, #tpu.memory_space<vmem>> -> memref<1x128x128xf32, #tpu.memory_space<vmem>>
      %dma_start3A_112 = tpu.memref_squeeze %dma_start3A_111 : memref<1x128x128xf32, #tpu.memory_space<vmem>> -> memref<128x128xf32, #tpu.memory_space<vmem>>
      tpu.enqueue_dma source(%dma_start3A_112 : memref<128x128xf32, #tpu.memory_space<vmem>>) target(%dma_start3A_108 : memref<128x128xf32, #tpu.memory_space<vmem_shared>>) target_semaphore(%run_scoped3A_100 : memref<!tpu.dma_semaphore, #tpu.memory_space<semaphore_mem>>)
      %dma_wait3A_113 = arith.constant 0 : i32
      %dma_wait3A_114 = arith.constant 0 : i32
      %dma_wait3A_115 = tpu.memref_slice %arg8[%run_scoped3A_21, %dma_wait3A_113, %dma_wait3A_114] : memref<2x128x128xf32, #tpu.memory_space<vmem>> -> memref<1x128x128xf32, #tpu.memory_space<vmem>>
      %dma_wait3A_116 = tpu.memref_squeeze %dma_wait3A_115 : memref<1x128x128xf32, #tpu.memory_space<vmem>> -> memref<128x128xf32, #tpu.memory_space<vmem>>
      %dma_wait3A_117 = arith.constant 0 : i32
      %dma_wait3A_118 = tpu.memref_slice %arg9[%add3A_20, %dma_wait3A_117] : memref<10240x128xf32, #tpu.memory_space<vmem_shared>> -> memref<128x128xf32, #tpu.memory_space<vmem_shared>>
      %dma_wait3A_119 = arith.constant 0 : i32
      %dma_wait3A_120 = tpu.memref_slice %arg9[%add3A_20, %dma_wait3A_119] : memref<10240x128xf32, #tpu.memory_space<vmem_shared>> -> memref<128x128xf32, #tpu.memory_space<vmem_shared>>
      %dma_wait3A_121 = arith.constant 0 : i32
      %dma_wait3A_122 = arith.constant 0 : i32
      %dma_wait3A_123 = tpu.memref_slice %arg8[%run_scoped3A_21, %dma_wait3A_121, %dma_wait3A_122] : memref<2x128x128xf32, #tpu.memory_space<vmem>> -> memref<1x128x128xf32, #tpu.memory_space<vmem>>
      %dma_wait3A_124 = tpu.memref_squeeze %dma_wait3A_123 : memref<1x128x128xf32, #tpu.memory_space<vmem>> -> memref<128x128xf32, #tpu.memory_space<vmem>>
      tpu.wait_dma2 semaphore(%run_scoped3A_100 : memref<!tpu.dma_semaphore, #tpu.memory_space<semaphore_mem>>) src(%dma_wait3A_124 : memref<128x128xf32, #tpu.memory_space<vmem>>) dst(%dma_wait3A_120 : memref<128x128xf32, #tpu.memory_space<vmem_shared>>)
      tpu.yield
    }) : () -> ()
    %mul3A_22 = arith.constant 640 : i32
    %mul3A_23 = arith.muli %arg1, %mul3A_22 : i32
    %add3A_24 = arith.constant 384 : i32
    %add3A_25 = arith.addi %mul3A_23, %add3A_24 : i32
    %run_scoped3A_26 = arith.constant 0 : i32
    "tpu.region"() ({
      %run_scoped3A_100 = tpu.sem_alloc : memref<!tpu.dma_semaphore, #tpu.memory_space<semaphore_mem>>
      %dma_start3A_101 = arith.constant 0 : i32
      %dma_start3A_102 = arith.constant 0 : i32
      %dma_start3A_103 = tpu.memref_slice %arg8[%run_scoped3A_26, %dma_start3A_101, %dma_start3A_102] : memref<2x128x128xf32, #tpu.memory_space<vmem>> -> memref<1x128x128xf32, #tpu.memory_space<vmem>>
      %dma_start3A_104 = tpu.memref_squeeze %dma_start3A_103 : memref<1x128x128xf32, #tpu.memory_space<vmem>> -> memref<128x128xf32, #tpu.memory_space<vmem>>
      %dma_start3A_105 = arith.constant 0 : i32
      %dma_start3A_106 = tpu.memref_slice %arg9[%add3A_25, %dma_start3A_105] : memref<10240x128xf32, #tpu.memory_space<vmem_shared>> -> memref<128x128xf32, #tpu.memory_space<vmem_shared>>
      %dma_start3A_107 = arith.constant 0 : i32
      %dma_start3A_108 = tpu.memref_slice %arg9[%add3A_25, %dma_start3A_107] : memref<10240x128xf32, #tpu.memory_space<vmem_shared>> -> memref<128x128xf32, #tpu.memory_space<vmem_shared>>
      %dma_start3A_109 = arith.constant 0 : i32
      %dma_start3A_110 = arith.constant 0 : i32
      %dma_start3A_111 = tpu.memref_slice %arg8[%run_scoped3A_26, %dma_start3A_109, %dma_start3A_110] : memref<2x128x128xf32, #tpu.memory_space<vmem>> -> memref<1x128x128xf32, #tpu.memory_space<vmem>>
      %dma_start3A_112 = tpu.memref_squeeze %dma_start3A_111 : memref<1x128x128xf32, #tpu.memory_space<vmem>> -> memref<128x128xf32, #tpu.memory_space<vmem>>
      tpu.enqueue_dma source(%dma_start3A_112 : memref<128x128xf32, #tpu.memory_space<vmem>>) target(%dma_start3A_108 : memref<128x128xf32, #tpu.memory_space<vmem_shared>>) target_semaphore(%run_scoped3A_100 : memref<!tpu.dma_semaphore, #tpu.memory_space<semaphore_mem>>)
      %dma_wait3A_113 = arith.constant 0 : i32
      %dma_wait3A_114 = arith.constant 0 : i32
      %dma_wait3A_115 = tpu.memref_slice %arg8[%run_scoped3A_26, %dma_wait3A_113, %dma_wait3A_114] : memref<2x128x128xf32, #tpu.memory_space<vmem>> -> memref<1x128x128xf32, #tpu.memory_space<vmem>>
      %dma_wait3A_116 = tpu.memref_squeeze %dma_wait3A_115 : memref<1x128x128xf32, #tpu.memory_space<vmem>> -> memref<128x128xf32, #tpu.memory_space<vmem>>
      %dma_wait3A_117 = arith.constant 0 : i32
      %dma_wait3A_118 = tpu.memref_slice %arg9[%add3A_25, %dma_wait3A_117] : memref<10240x128xf32, #tpu.memory_space<vmem_shared>> -> memref<128x128xf32, #tpu.memory_space<vmem_shared>>
      %dma_wait3A_119 = arith.constant 0 : i32
      %dma_wait3A_120 = tpu.memref_slice %arg9[%add3A_25, %dma_wait3A_119] : memref<10240x128xf32, #tpu.memory_space<vmem_shared>> -> memref<128x128xf32, #tpu.memory_space<vmem_shared>>
      %dma_wait3A_121 = arith.constant 0 : i32
      %dma_wait3A_122 = arith.constant 0 : i32
      %dma_wait3A_123 = tpu.memref_slice %arg8[%run_scoped3A_26, %dma_wait3A_121, %dma_wait3A_122] : memref<2x128x128xf32, #tpu.memory_space<vmem>> -> memref<1x128x128xf32, #tpu.memory_space<vmem>>
      %dma_wait3A_124 = tpu.memref_squeeze %dma_wait3A_123 : memref<1x128x128xf32, #tpu.memory_space<vmem>> -> memref<128x128xf32, #tpu.memory_space<vmem>>
      tpu.wait_dma2 semaphore(%run_scoped3A_100 : memref<!tpu.dma_semaphore, #tpu.memory_space<semaphore_mem>>) src(%dma_wait3A_124 : memref<128x128xf32, #tpu.memory_space<vmem>>) dst(%dma_wait3A_120 : memref<128x128xf32, #tpu.memory_space<vmem_shared>>)
      tpu.yield
    }) : () -> ()
    %mul3A_27 = arith.constant 640 : i32
    %mul3A_28 = arith.muli %arg1, %mul3A_27 : i32
    %add3A_29 = arith.constant 512 : i32
    %add3A_30 = arith.addi %mul3A_28, %add3A_29 : i32
    %run_scoped3A_31 = arith.constant 0 : i32
    "tpu.region"() ({
      %run_scoped3A_100 = tpu.sem_alloc : memref<!tpu.dma_semaphore, #tpu.memory_space<semaphore_mem>>
      %dma_start3A_101 = arith.constant 0 : i32
      %dma_start3A_102 = arith.constant 0 : i32
      %dma_start3A_103 = tpu.memref_slice %arg8[%run_scoped3A_31, %dma_start3A_101, %dma_start3A_102] : memref<2x128x128xf32, #tpu.memory_space<vmem>> -> memref<1x128x128xf32, #tpu.memory_space<vmem>>
      %dma_start3A_104 = tpu.memref_squeeze %dma_start3A_103 : memref<1x128x128xf32, #tpu.memory_space<vmem>> -> memref<128x128xf32, #tpu.memory_space<vmem>>
      %dma_start3A_105 = arith.constant 0 : i32
      %dma_start3A_106 = tpu.memref_slice %arg9[%add3A_30, %dma_start3A_105] : memref<10240x128xf32, #tpu.memory_space<vmem_shared>> -> memref<128x128xf32, #tpu.memory_space<vmem_shared>>
      %dma_start3A_107 = arith.constant 0 : i32
      %dma_start3A_108 = tpu.memref_slice %arg9[%add3A_30, %dma_start3A_107] : memref<10240x128xf32, #tpu.memory_space<vmem_shared>> -> memref<128x128xf32, #tpu.memory_space<vmem_shared>>
      %dma_start3A_109 = arith.constant 0 : i32
      %dma_start3A_110 = arith.constant 0 : i32
      %dma_start3A_111 = tpu.memref_slice %arg8[%run_scoped3A_31, %dma_start3A_109, %dma_start3A_110] : memref<2x128x128xf32, #tpu.memory_space<vmem>> -> memref<1x128x128xf32, #tpu.memory_space<vmem>>
      %dma_start3A_112 = tpu.memref_squeeze %dma_start3A_111 : memref<1x128x128xf32, #tpu.memory_space<vmem>> -> memref<128x128xf32, #tpu.memory_space<vmem>>
      tpu.enqueue_dma source(%dma_start3A_112 : memref<128x128xf32, #tpu.memory_space<vmem>>) target(%dma_start3A_108 : memref<128x128xf32, #tpu.memory_space<vmem_shared>>) target_semaphore(%run_scoped3A_100 : memref<!tpu.dma_semaphore, #tpu.memory_space<semaphore_mem>>)
      %dma_wait3A_113 = arith.constant 0 : i32
      %dma_wait3A_114 = arith.constant 0 : i32
      %dma_wait3A_115 = tpu.memref_slice %arg8[%run_scoped3A_31, %dma_wait3A_113, %dma_wait3A_114] : memref<2x128x128xf32, #tpu.memory_space<vmem>> -> memref<1x128x128xf32, #tpu.memory_space<vmem>>
      %dma_wait3A_116 = tpu.memref_squeeze %dma_wait3A_115 : memref<1x128x128xf32, #tpu.memory_space<vmem>> -> memref<128x128xf32, #tpu.memory_space<vmem>>
      %dma_wait3A_117 = arith.constant 0 : i32
      %dma_wait3A_118 = tpu.memref_slice %arg9[%add3A_30, %dma_wait3A_117] : memref<10240x128xf32, #tpu.memory_space<vmem_shared>> -> memref<128x128xf32, #tpu.memory_space<vmem_shared>>
      %dma_wait3A_119 = arith.constant 0 : i32
      %dma_wait3A_120 = tpu.memref_slice %arg9[%add3A_30, %dma_wait3A_119] : memref<10240x128xf32, #tpu.memory_space<vmem_shared>> -> memref<128x128xf32, #tpu.memory_space<vmem_shared>>
      %dma_wait3A_121 = arith.constant 0 : i32
      %dma_wait3A_122 = arith.constant 0 : i32
      %dma_wait3A_123 = tpu.memref_slice %arg8[%run_scoped3A_31, %dma_wait3A_121, %dma_wait3A_122] : memref<2x128x128xf32, #tpu.memory_space<vmem>> -> memref<1x128x128xf32, #tpu.memory_space<vmem>>
      %dma_wait3A_124 = tpu.memref_squeeze %dma_wait3A_123 : memref<1x128x128xf32, #tpu.memory_space<vmem>> -> memref<128x128xf32, #tpu.memory_space<vmem>>
      tpu.wait_dma2 semaphore(%run_scoped3A_100 : memref<!tpu.dma_semaphore, #tpu.memory_space<semaphore_mem>>) src(%dma_wait3A_124 : memref<128x128xf32, #tpu.memory_space<vmem>>) dst(%dma_wait3A_120 : memref<128x128xf32, #tpu.memory_space<vmem_shared>>)
      tpu.yield
    }) : () -> ()
    "tpu.region"() ({
      %run_scoped3A_100 = tpu.sem_alloc : memref<!tpu.dma_semaphore, #tpu.memory_space<semaphore_mem>>
      %dma_start3A_101 = arith.constant 0 : i32
      %dma_start3A_102 = arith.constant 0 : i32
      %dma_start3A_103 = tpu.memref_slice %arg3[%add3A, %dma_start3A_101, %dma_start3A_102] : memref<32x80x128xi32, #tpu.memory_space<hbm>> -> memref<1x80x128xi32, #tpu.memory_space<hbm>>
      %dma_start3A_104 = tpu.memref_squeeze %dma_start3A_103 : memref<1x80x128xi32, #tpu.memory_space<hbm>> -> memref<80x128xi32, #tpu.memory_space<hbm>>
      %dma_start3A_105 = arith.constant 0 : i32
      %dma_start3A_106 = arith.constant 0 : i32
      %dma_start3A_107 = tpu.memref_slice %arg3[%add3A, %dma_start3A_105, %dma_start3A_106] : memref<32x80x128xi32, #tpu.memory_space<hbm>> -> memref<1x80x128xi32, #tpu.memory_space<hbm>>
      %dma_start3A_108 = tpu.memref_squeeze %dma_start3A_107 : memref<1x80x128xi32, #tpu.memory_space<hbm>> -> memref<80x128xi32, #tpu.memory_space<hbm>>
      tpu.enqueue_dma source(%dma_start3A_108 : memref<80x128xi32, #tpu.memory_space<hbm>>) target(%arg6 : memref<80x128xi32, #tpu.memory_space<vmem>>) target_semaphore(%run_scoped3A_100 : memref<!tpu.dma_semaphore, #tpu.memory_space<semaphore_mem>>)
      %dma_wait3A_109 = arith.constant 0 : i32
      %dma_wait3A_110 = arith.constant 0 : i32
      %dma_wait3A_111 = tpu.memref_slice %arg3[%add3A, %dma_wait3A_109, %dma_wait3A_110] : memref<32x80x128xi32, #tpu.memory_space<hbm>> -> memref<1x80x128xi32, #tpu.memory_space<hbm>>
      %dma_wait3A_112 = tpu.memref_squeeze %dma_wait3A_111 : memref<1x80x128xi32, #tpu.memory_space<hbm>> -> memref<80x128xi32, #tpu.memory_space<hbm>>
      %dma_wait3A_113 = arith.constant 0 : i32
      %dma_wait3A_114 = arith.constant 0 : i32
      %dma_wait3A_115 = tpu.memref_slice %arg3[%add3A, %dma_wait3A_113, %dma_wait3A_114] : memref<32x80x128xi32, #tpu.memory_space<hbm>> -> memref<1x80x128xi32, #tpu.memory_space<hbm>>
      %dma_wait3A_116 = tpu.memref_squeeze %dma_wait3A_115 : memref<1x80x128xi32, #tpu.memory_space<hbm>> -> memref<80x128xi32, #tpu.memory_space<hbm>>
      tpu.wait_dma2 semaphore(%run_scoped3A_100 : memref<!tpu.dma_semaphore, #tpu.memory_space<semaphore_mem>>) src(%dma_wait3A_116 : memref<80x128xi32, #tpu.memory_space<hbm>>) dst(%arg6 : memref<80x128xi32, #tpu.memory_space<vmem>>)
      tpu.yield
    }) : () -> ()
    %barrier3A = arith.constant 0 : index
    tpu.barrier barrier_id(%barrier3A)
    %dma_start3A = arith.constant 0 : i32
    %dma_start3A_32 = arith.constant 0 : i32
    %dma_start3A_33 = arith.constant 0 : i32
    %dma_start3A_34 = arith.constant 0 : i32
    %dma_start3A_35 = tpu.memref_slice %arg8[%dma_start3A_32, %dma_start3A_33, %dma_start3A_34] : memref<2x128x128xf32, #tpu.memory_space<vmem>> -> memref<1x128x128xf32, #tpu.memory_space<vmem>>
    %dma_start3A_36 = tpu.memref_squeeze %dma_start3A_35 : memref<1x128x128xf32, #tpu.memory_space<vmem>> -> memref<128x128xf32, #tpu.memory_space<vmem>>
    %dma_start3A_37 = arith.constant 0 : i32
    %dma_start3A_38 = tpu.memref_slice %arg6[%dma_start3A, %dma_start3A_37] : memref<80x128xi32, #tpu.memory_space<vmem>> -> memref<1x128xi32, #tpu.memory_space<vmem>>
    %dma_start3A_39 = tpu.memref_squeeze %dma_start3A_38 : memref<1x128xi32, #tpu.memory_space<vmem>> -> memref<128xi32, #tpu.memory_space<vmem>>
    %dma_start3A_40 = arith.constant 0 : i32
    %dma_start3A_41 = arith.constant 0 : i32
    %dma_start3A_42 = tpu.memref_slice %arg2[%dma_start3A_40, %dma_start3A_41] : memref<10240x128xf32, #tpu.memory_space<hbm>> -> memref<10240x128xf32, #tpu.memory_space<hbm>>
    tpu.enqueue_indirect_dma source(%dma_start3A_42 : memref<10240x128xf32, #tpu.memory_space<hbm>>) target(%dma_start3A_36 : memref<128x128xf32, #tpu.memory_space<vmem>>) offsets(%dma_start3A_39 : memref<128xi32, #tpu.memory_space<vmem>>) semaphore(%arg10 : memref<!tpu.dma_semaphore, #tpu.memory_space<semaphore_mem>>)
    %dma_start3A_43 = arith.constant 0 : i32
    %dma_start3A_44 = arith.constant 0 : i32
    %dma_start3A_45 = arith.constant 0 : i32
    %dma_start3A_46 = tpu.memref_slice %arg7[%dma_start3A_43, %dma_start3A_44, %dma_start3A_45] : memref<2x8x128xi32, #tpu.memory_space<vmem>> -> memref<1x8x128xi32, #tpu.memory_space<vmem>>
    %dma_start3A_47 = tpu.memref_squeeze %dma_start3A_46 : memref<1x8x128xi32, #tpu.memory_space<vmem>> -> memref<8x128xi32, #tpu.memory_space<vmem>>
    %dma_start3A_48 = arith.constant 0 : i32
    %dma_start3A_49 = arith.constant 0 : i32
    %dma_start3A_50 = tpu.memref_slice %arg4[%add3A, %dma_start3A_48, %dma_start3A_49] : memref<32x80x128xi32, #tpu.memory_space<hbm>> -> memref<1x8x128xi32, #tpu.memory_space<hbm>>
    %dma_start3A_51 = tpu.memref_squeeze %dma_start3A_50 : memref<1x8x128xi32, #tpu.memory_space<hbm>> -> memref<8x128xi32, #tpu.memory_space<hbm>>
    %dma_start3A_52 = arith.constant 0 : i32
    %dma_start3A_53 = arith.constant 0 : i32
    %dma_start3A_54 = tpu.memref_slice %arg7[%dma_start3A_43, %dma_start3A_52, %dma_start3A_53] : memref<2x8x128xi32, #tpu.memory_space<vmem>> -> memref<1x8x128xi32, #tpu.memory_space<vmem>>
    %dma_start3A_55 = tpu.memref_squeeze %dma_start3A_54 : memref<1x8x128xi32, #tpu.memory_space<vmem>> -> memref<8x128xi32, #tpu.memory_space<vmem>>
    %dma_start3A_56 = arith.constant 0 : i32
    %dma_start3A_57 = arith.constant 0 : i32
    %dma_start3A_58 = tpu.memref_slice %arg4[%add3A, %dma_start3A_56, %dma_start3A_57] : memref<32x80x128xi32, #tpu.memory_space<hbm>> -> memref<1x8x128xi32, #tpu.memory_space<hbm>>
    %dma_start3A_59 = tpu.memref_squeeze %dma_start3A_58 : memref<1x8x128xi32, #tpu.memory_space<hbm>> -> memref<8x128xi32, #tpu.memory_space<hbm>>
    tpu.enqueue_dma source(%dma_start3A_59 : memref<8x128xi32, #tpu.memory_space<hbm>>) target(%dma_start3A_55 : memref<8x128xi32, #tpu.memory_space<vmem>>) target_semaphore(%arg12 : memref<!tpu.dma_semaphore, #tpu.memory_space<semaphore_mem>>)
    %scan3A_60 = arith.constant 0 : i32
    %scan3A_61 = arith.constant 0 : i32
    %scan3A_62 = arith.constant 10 : i32
    %scan3A_63 = arith.addi %scan3A_61, %scan3A_62 : i32
    %scan3A_64 = arith.constant 1 : i32
    %scan3A_65 = scf.for %scan3A_100 = %scan3A_61 to %scan3A_63 step %scan3A_64 iter_args(%scan3A_101 = %scan3A_60) -> (i32)  : i32 {
      %mul3A_102 = arith.constant 8 : i32
      %mul3A_103 = arith.muli %scan3A_100, %mul3A_102 : i32
      %and3A = arith.constant 1 : i32
      %and3A_104 = arith.andi %scan3A_100, %and3A : i32
      %eq3A = arith.constant 0 : i32
      %eq3A_105 = arith.cmpi eq, %and3A_104, %eq3A : i32
      %and3A_106 = arith.constant 1 : i32
      %and3A_107 = arith.andi %scan3A_100, %and3A_106 : i32
      %add3A_108 = arith.constant 1 : i32
      %add3A_109 = arith.addi %scan3A_100, %add3A_108 : i32
      %min3A = arith.constant 9 : i32
      %min3A_110 = arith.minsi %add3A_109, %min3A : i32
      %convert_element_type3A = arith.extui %eq3A_105 : i1 to i32
      %cond3A = arith.constant 0 : i32
      %cond3A_111 = arith.cmpi ne, %convert_element_type3A, %cond3A : i32
      scf.if %cond3A_111 {
        %dma_wait3A_365 = arith.constant 0 : i32
        %dma_wait3A_366 = arith.constant 0 : i32
        %dma_wait3A_367 = arith.constant 0 : i32
        %dma_wait3A_368 = tpu.memref_slice %arg7[%dma_wait3A_365, %dma_wait3A_366, %dma_wait3A_367] : memref<2x8x128xi32, #tpu.memory_space<vmem>> -> memref<1x8x128xi32, #tpu.memory_space<vmem>>
        %dma_wait3A_369 = tpu.memref_squeeze %dma_wait3A_368 : memref<1x8x128xi32, #tpu.memory_space<vmem>> -> memref<8x128xi32, #tpu.memory_space<vmem>>
        %dma_wait3A_370 = arith.constant 0 : i32
        %dma_wait3A_371 = arith.constant 0 : i32
        %dma_wait3A_372 = tpu.memref_slice %arg4[%add3A, %dma_wait3A_370, %dma_wait3A_371] : memref<32x80x128xi32, #tpu.memory_space<hbm>> -> memref<1x8x128xi32, #tpu.memory_space<hbm>>
        %dma_wait3A_373 = tpu.memref_squeeze %dma_wait3A_372 : memref<1x8x128xi32, #tpu.memory_space<hbm>> -> memref<8x128xi32, #tpu.memory_space<hbm>>
        %dma_wait3A_374 = arith.constant 0 : i32
        %dma_wait3A_375 = arith.constant 0 : i32
        %dma_wait3A_376 = tpu.memref_slice %arg7[%dma_wait3A_365, %dma_wait3A_374, %dma_wait3A_375] : memref<2x8x128xi32, #tpu.memory_space<vmem>> -> memref<1x8x128xi32, #tpu.memory_space<vmem>>
        %dma_wait3A_377 = tpu.memref_squeeze %dma_wait3A_376 : memref<1x8x128xi32, #tpu.memory_space<vmem>> -> memref<8x128xi32, #tpu.memory_space<vmem>>
        %dma_wait3A_378 = arith.constant 0 : i32
        %dma_wait3A_379 = arith.constant 0 : i32
        %dma_wait3A_380 = tpu.memref_slice %arg4[%add3A, %dma_wait3A_378, %dma_wait3A_379] : memref<32x80x128xi32, #tpu.memory_space<hbm>> -> memref<1x8x128xi32, #tpu.memory_space<hbm>>
        %dma_wait3A_381 = tpu.memref_squeeze %dma_wait3A_380 : memref<1x8x128xi32, #tpu.memory_space<hbm>> -> memref<8x128xi32, #tpu.memory_space<hbm>>
        tpu.wait_dma2 semaphore(%arg12 : memref<!tpu.dma_semaphore, #tpu.memory_space<semaphore_mem>>) src(%dma_wait3A_381 : memref<8x128xi32, #tpu.memory_space<hbm>>) dst(%dma_wait3A_377 : memref<8x128xi32, #tpu.memory_space<vmem>>)
        %mul3A_382 = arith.constant 8 : i32
        %mul3A_383 = arith.muli %min3A_110, %mul3A_382 : i32
        %dma_start3A_384 = arith.constant 1 : i32
        %dma_start3A_385 = arith.constant 0 : i32
        %dma_start3A_386 = arith.constant 0 : i32
        %dma_start3A_387 = tpu.memref_slice %arg7[%dma_start3A_384, %dma_start3A_385, %dma_start3A_386] : memref<2x8x128xi32, #tpu.memory_space<vmem>> -> memref<1x8x128xi32, #tpu.memory_space<vmem>>
        %dma_start3A_388 = tpu.memref_squeeze %dma_start3A_387 : memref<1x8x128xi32, #tpu.memory_space<vmem>> -> memref<8x128xi32, #tpu.memory_space<vmem>>
        %dma_start3A_389 = arith.constant 0 : i32
        %dma_start3A_390 = tpu.memref_slice %arg4[%add3A, %mul3A_383, %dma_start3A_389] : memref<32x80x128xi32, #tpu.memory_space<hbm>> -> memref<1x8x128xi32, #tpu.memory_space<hbm>>
        %dma_start3A_391 = tpu.memref_squeeze %dma_start3A_390 : memref<1x8x128xi32, #tpu.memory_space<hbm>> -> memref<8x128xi32, #tpu.memory_space<hbm>>
        %dma_start3A_392 = arith.constant 0 : i32
        %dma_start3A_393 = arith.constant 0 : i32
        %dma_start3A_394 = tpu.memref_slice %arg7[%dma_start3A_384, %dma_start3A_392, %dma_start3A_393] : memref<2x8x128xi32, #tpu.memory_space<vmem>> -> memref<1x8x128xi32, #tpu.memory_space<vmem>>
        %dma_start3A_395 = tpu.memref_squeeze %dma_start3A_394 : memref<1x8x128xi32, #tpu.memory_space<vmem>> -> memref<8x128xi32, #tpu.memory_space<vmem>>
        %dma_start3A_396 = arith.constant 0 : i32
        %dma_start3A_397 = tpu.memref_slice %arg4[%add3A, %mul3A_383, %dma_start3A_396] : memref<32x80x128xi32, #tpu.memory_space<hbm>> -> memref<1x8x128xi32, #tpu.memory_space<hbm>>
        %dma_start3A_398 = tpu.memref_squeeze %dma_start3A_397 : memref<1x8x128xi32, #tpu.memory_space<hbm>> -> memref<8x128xi32, #tpu.memory_space<hbm>>
        tpu.enqueue_dma source(%dma_start3A_398 : memref<8x128xi32, #tpu.memory_space<hbm>>) target(%dma_start3A_395 : memref<8x128xi32, #tpu.memory_space<vmem>>) target_semaphore(%arg13 : memref<!tpu.dma_semaphore, #tpu.memory_space<semaphore_mem>>)
      } else {
      }
      %not3A = arith.constant true
      %not3A_112 = arith.xori %eq3A_105, %not3A : i1
      %convert_element_type3A_113 = arith.extui %not3A_112 : i1 to i32
      %cond3A_114 = arith.constant 0 : i32
      %cond3A_115 = arith.cmpi ne, %convert_element_type3A_113, %cond3A_114 : i32
      scf.if %cond3A_115 {
        %dma_wait3A_365 = arith.constant 1 : i32
        %dma_wait3A_366 = arith.constant 0 : i32
        %dma_wait3A_367 = arith.constant 0 : i32
        %dma_wait3A_368 = tpu.memref_slice %arg7[%dma_wait3A_365, %dma_wait3A_366, %dma_wait3A_367] : memref<2x8x128xi32, #tpu.memory_space<vmem>> -> memref<1x8x128xi32, #tpu.memory_space<vmem>>
        %dma_wait3A_369 = tpu.memref_squeeze %dma_wait3A_368 : memref<1x8x128xi32, #tpu.memory_space<vmem>> -> memref<8x128xi32, #tpu.memory_space<vmem>>
        %dma_wait3A_370 = arith.constant 0 : i32
        %dma_wait3A_371 = arith.constant 0 : i32
        %dma_wait3A_372 = tpu.memref_slice %arg4[%add3A, %dma_wait3A_370, %dma_wait3A_371] : memref<32x80x128xi32, #tpu.memory_space<hbm>> -> memref<1x8x128xi32, #tpu.memory_space<hbm>>
        %dma_wait3A_373 = tpu.memref_squeeze %dma_wait3A_372 : memref<1x8x128xi32, #tpu.memory_space<hbm>> -> memref<8x128xi32, #tpu.memory_space<hbm>>
        %dma_wait3A_374 = arith.constant 0 : i32
        %dma_wait3A_375 = arith.constant 0 : i32
        %dma_wait3A_376 = tpu.memref_slice %arg7[%dma_wait3A_365, %dma_wait3A_374, %dma_wait3A_375] : memref<2x8x128xi32, #tpu.memory_space<vmem>> -> memref<1x8x128xi32, #tpu.memory_space<vmem>>
        %dma_wait3A_377 = tpu.memref_squeeze %dma_wait3A_376 : memref<1x8x128xi32, #tpu.memory_space<vmem>> -> memref<8x128xi32, #tpu.memory_space<vmem>>
        %dma_wait3A_378 = arith.constant 0 : i32
        %dma_wait3A_379 = arith.constant 0 : i32
        %dma_wait3A_380 = tpu.memref_slice %arg4[%add3A, %dma_wait3A_378, %dma_wait3A_379] : memref<32x80x128xi32, #tpu.memory_space<hbm>> -> memref<1x8x128xi32, #tpu.memory_space<hbm>>
        %dma_wait3A_381 = tpu.memref_squeeze %dma_wait3A_380 : memref<1x8x128xi32, #tpu.memory_space<hbm>> -> memref<8x128xi32, #tpu.memory_space<hbm>>
        tpu.wait_dma2 semaphore(%arg13 : memref<!tpu.dma_semaphore, #tpu.memory_space<semaphore_mem>>) src(%dma_wait3A_381 : memref<8x128xi32, #tpu.memory_space<hbm>>) dst(%dma_wait3A_377 : memref<8x128xi32, #tpu.memory_space<vmem>>)
        %mul3A_382 = arith.constant 8 : i32
        %mul3A_383 = arith.muli %min3A_110, %mul3A_382 : i32
        %dma_start3A_384 = arith.constant 0 : i32
        %dma_start3A_385 = arith.constant 0 : i32
        %dma_start3A_386 = arith.constant 0 : i32
        %dma_start3A_387 = tpu.memref_slice %arg7[%dma_start3A_384, %dma_start3A_385, %dma_start3A_386] : memref<2x8x128xi32, #tpu.memory_space<vmem>> -> memref<1x8x128xi32, #tpu.memory_space<vmem>>
        %dma_start3A_388 = tpu.memref_squeeze %dma_start3A_387 : memref<1x8x128xi32, #tpu.memory_space<vmem>> -> memref<8x128xi32, #tpu.memory_space<vmem>>
        %dma_start3A_389 = arith.constant 0 : i32
        %dma_start3A_390 = tpu.memref_slice %arg4[%add3A, %mul3A_383, %dma_start3A_389] : memref<32x80x128xi32, #tpu.memory_space<hbm>> -> memref<1x8x128xi32, #tpu.memory_space<hbm>>
        %dma_start3A_391 = tpu.memref_squeeze %dma_start3A_390 : memref<1x8x128xi32, #tpu.memory_space<hbm>> -> memref<8x128xi32, #tpu.memory_space<hbm>>
        %dma_start3A_392 = arith.constant 0 : i32
        %dma_start3A_393 = arith.constant 0 : i32
        %dma_start3A_394 = tpu.memref_slice %arg7[%dma_start3A_384, %dma_start3A_392, %dma_start3A_393] : memref<2x8x128xi32, #tpu.memory_space<vmem>> -> memref<1x8x128xi32, #tpu.memory_space<vmem>>
        %dma_start3A_395 = tpu.memref_squeeze %dma_start3A_394 : memref<1x8x128xi32, #tpu.memory_space<vmem>> -> memref<8x128xi32, #tpu.memory_space<vmem>>
        %dma_start3A_396 = arith.constant 0 : i32
        %dma_start3A_397 = tpu.memref_slice %arg4[%add3A, %mul3A_383, %dma_start3A_396] : memref<32x80x128xi32, #tpu.memory_space<hbm>> -> memref<1x8x128xi32, #tpu.memory_space<hbm>>
        %dma_start3A_398 = tpu.memref_squeeze %dma_start3A_397 : memref<1x8x128xi32, #tpu.memory_space<hbm>> -> memref<8x128xi32, #tpu.memory_space<hbm>>
        tpu.enqueue_dma source(%dma_start3A_398 : memref<8x128xi32, #tpu.memory_space<hbm>>) target(%dma_start3A_395 : memref<8x128xi32, #tpu.memory_space<vmem>>) target_semaphore(%arg12 : memref<!tpu.dma_semaphore, #tpu.memory_space<semaphore_mem>>)
      } else {
      }
      %add3A_116 = arith.constant 0 : i32
      %add3A_117 = arith.addi %mul3A_103, %add3A_116 : i32
      %add3A_118 = arith.constant 1 : i32
      %add3A_119 = arith.addi %add3A_117, %add3A_118 : i32
      %min3A_120 = arith.constant 79 : i32
      %min3A_121 = arith.minsi %add3A_119, %min3A_120 : i32
      %dma_start3A_122 = arith.constant 1 : i32
      %dma_start3A_123 = arith.constant 0 : i32
      %dma_start3A_124 = arith.constant 0 : i32
      %dma_start3A_125 = tpu.memref_slice %arg8[%dma_start3A_122, %dma_start3A_123, %dma_start3A_124] : memref<2x128x128xf32, #tpu.memory_space<vmem>> -> memref<1x128x128xf32, #tpu.memory_space<vmem>>
      %dma_start3A_126 = tpu.memref_squeeze %dma_start3A_125 : memref<1x128x128xf32, #tpu.memory_space<vmem>> -> memref<128x128xf32, #tpu.memory_space<vmem>>
      %dma_start3A_127 = arith.constant 0 : i32
      %dma_start3A_128 = tpu.memref_slice %arg6[%min3A_121, %dma_start3A_127] : memref<80x128xi32, #tpu.memory_space<vmem>> -> memref<1x128xi32, #tpu.memory_space<vmem>>
      %dma_start3A_129 = tpu.memref_squeeze %dma_start3A_128 : memref<1x128xi32, #tpu.memory_space<vmem>> -> memref<128xi32, #tpu.memory_space<vmem>>
      %dma_start3A_130 = arith.constant 0 : i32
      %dma_start3A_131 = arith.constant 0 : i32
      %dma_start3A_132 = tpu.memref_slice %arg2[%dma_start3A_130, %dma_start3A_131] : memref<10240x128xf32, #tpu.memory_space<hbm>> -> memref<10240x128xf32, #tpu.memory_space<hbm>>
      tpu.enqueue_indirect_dma source(%dma_start3A_132 : memref<10240x128xf32, #tpu.memory_space<hbm>>) target(%dma_start3A_126 : memref<128x128xf32, #tpu.memory_space<vmem>>) offsets(%dma_start3A_129 : memref<128xi32, #tpu.memory_space<vmem>>) semaphore(%arg11 : memref<!tpu.dma_semaphore, #tpu.memory_space<semaphore_mem>>)
      %dma_wait3A_133 = arith.constant 0 : i32
      %dma_wait3A_134 = arith.constant 0 : i32
      %dma_wait3A_135 = arith.constant 0 : i32
      %dma_wait3A_136 = arith.constant 0 : i32
      %dma_wait3A_137 = tpu.memref_slice %arg8[%dma_wait3A_134, %dma_wait3A_135, %dma_wait3A_136] : memref<2x128x128xf32, #tpu.memory_space<vmem>> -> memref<1x128x128xf32, #tpu.memory_space<vmem>>
      %dma_wait3A_138 = tpu.memref_squeeze %dma_wait3A_137 : memref<1x128x128xf32, #tpu.memory_space<vmem>> -> memref<128x128xf32, #tpu.memory_space<vmem>>
      %dma_wait3A_139 = arith.constant 0 : i32
      %dma_wait3A_140 = tpu.memref_slice %arg6[%dma_wait3A_133, %dma_wait3A_139] : memref<80x128xi32, #tpu.memory_space<vmem>> -> memref<1x128xi32, #tpu.memory_space<vmem>>
      %dma_wait3A_141 = tpu.memref_squeeze %dma_wait3A_140 : memref<1x128xi32, #tpu.memory_space<vmem>> -> memref<128xi32, #tpu.memory_space<vmem>>
      %dma_wait3A_142 = arith.constant 0 : i32
      %dma_wait3A_143 = arith.constant 0 : i32
      %dma_wait3A_144 = tpu.memref_slice %arg2[%dma_wait3A_142, %dma_wait3A_143] : memref<10240x128xf32, #tpu.memory_space<hbm>> -> memref<10240x128xf32, #tpu.memory_space<hbm>>
      tpu.wait_indirect_dma semaphore(%arg10 : memref<!tpu.dma_semaphore, #tpu.memory_space<semaphore_mem>>) src(%dma_wait3A_144 : memref<10240x128xf32, #tpu.memory_space<hbm>>) dst(%dma_wait3A_138 : memref<128x128xf32, #tpu.memory_space<vmem>>)
      %run_scoped3A_145 = arith.constant 0 : i32
      %run_scoped3A_146 = arith.constant 0 : i32
      "tpu.region"() ({
        %run_scoped3A_365 = tpu.sem_alloc : memref<!tpu.dma_semaphore, #tpu.memory_space<semaphore_mem>>
        %dma_start3A_366 = arith.constant 0 : i32
        %dma_start3A_367 = arith.constant 0 : i32
        %dma_start3A_368 = tpu.memref_slice %arg8[%run_scoped3A_145, %dma_start3A_366, %dma_start3A_367] : memref<2x128x128xf32, #tpu.memory_space<vmem>> -> memref<1x128x128xf32, #tpu.memory_space<vmem>>
        %dma_start3A_369 = tpu.memref_squeeze %dma_start3A_368 : memref<1x128x128xf32, #tpu.memory_space<vmem>> -> memref<128x128xf32, #tpu.memory_space<vmem>>
        %dma_start3A_370 = arith.constant 0 : i32
        %dma_start3A_371 = tpu.memref_slice %arg7[%and3A_107, %run_scoped3A_146, %dma_start3A_370] : memref<2x8x128xi32, #tpu.memory_space<vmem>> -> memref<1x1x128xi32, #tpu.memory_space<vmem>>
        %dma_start3A_372 = tpu.memref_squeeze %dma_start3A_371 : memref<1x1x128xi32, #tpu.memory_space<vmem>> -> memref<128xi32, #tpu.memory_space<vmem>>
        %dma_start3A_373 = arith.constant 0 : i32
        %dma_start3A_374 = arith.constant 0 : i32
        %dma_start3A_375 = tpu.memref_slice %arg9[%dma_start3A_373, %dma_start3A_374] : memref<10240x128xf32, #tpu.memory_space<vmem_shared>> -> memref<10240x128xf32, #tpu.memory_space<vmem_shared>>
        tpu.enqueue_indirect_dma source(%dma_start3A_369 : memref<128x128xf32, #tpu.memory_space<vmem>>) target(%dma_start3A_375 : memref<10240x128xf32, #tpu.memory_space<vmem_shared>>) offsets(%dma_start3A_372 : memref<128xi32, #tpu.memory_space<vmem>>) semaphore(%run_scoped3A_365 : memref<!tpu.dma_semaphore, #tpu.memory_space<semaphore_mem>>) {add = true}
        %dma_wait3A_376 = arith.constant 0 : i32
        %dma_wait3A_377 = arith.constant 0 : i32
        %dma_wait3A_378 = tpu.memref_slice %arg8[%run_scoped3A_145, %dma_wait3A_376, %dma_wait3A_377] : memref<2x128x128xf32, #tpu.memory_space<vmem>> -> memref<1x128x128xf32, #tpu.memory_space<vmem>>
        %dma_wait3A_379 = tpu.memref_squeeze %dma_wait3A_378 : memref<1x128x128xf32, #tpu.memory_space<vmem>> -> memref<128x128xf32, #tpu.memory_space<vmem>>
        %dma_wait3A_380 = arith.constant 0 : i32
        %dma_wait3A_381 = tpu.memref_slice %arg7[%and3A_107, %run_scoped3A_146, %dma_wait3A_380] : memref<2x8x128xi32, #tpu.memory_space<vmem>> -> memref<1x1x128xi32, #tpu.memory_space<vmem>>
        %dma_wait3A_382 = tpu.memref_squeeze %dma_wait3A_381 : memref<1x1x128xi32, #tpu.memory_space<vmem>> -> memref<128xi32, #tpu.memory_space<vmem>>
        %dma_wait3A_383 = arith.constant 0 : i32
        %dma_wait3A_384 = arith.constant 0 : i32
        %dma_wait3A_385 = tpu.memref_slice %arg9[%dma_wait3A_383, %dma_wait3A_384] : memref<10240x128xf32, #tpu.memory_space<vmem_shared>> -> memref<10240x128xf32, #tpu.memory_space<vmem_shared>>
        tpu.wait_indirect_dma semaphore(%run_scoped3A_365 : memref<!tpu.dma_semaphore, #tpu.memory_space<semaphore_mem>>) src(%dma_wait3A_379 : memref<128x128xf32, #tpu.memory_space<vmem>>) dst(%dma_wait3A_385 : memref<10240x128xf32, #tpu.memory_space<vmem_shared>>)
        tpu.yield
      }) : () -> ()
      %add3A_147 = arith.constant 1 : i32
      %add3A_148 = arith.addi %mul3A_103, %add3A_147 : i32
      %add3A_149 = arith.constant 1 : i32
      %add3A_150 = arith.addi %add3A_148, %add3A_149 : i32
      %min3A_151 = arith.constant 79 : i32
      %min3A_152 = arith.minsi %add3A_150, %min3A_151 : i32
      %dma_start3A_153 = arith.constant 0 : i32
      %dma_start3A_154 = arith.constant 0 : i32
      %dma_start3A_155 = arith.constant 0 : i32
      %dma_start3A_156 = tpu.memref_slice %arg8[%dma_start3A_153, %dma_start3A_154, %dma_start3A_155] : memref<2x128x128xf32, #tpu.memory_space<vmem>> -> memref<1x128x128xf32, #tpu.memory_space<vmem>>
      %dma_start3A_157 = tpu.memref_squeeze %dma_start3A_156 : memref<1x128x128xf32, #tpu.memory_space<vmem>> -> memref<128x128xf32, #tpu.memory_space<vmem>>
      %dma_start3A_158 = arith.constant 0 : i32
      %dma_start3A_159 = tpu.memref_slice %arg6[%min3A_152, %dma_start3A_158] : memref<80x128xi32, #tpu.memory_space<vmem>> -> memref<1x128xi32, #tpu.memory_space<vmem>>
      %dma_start3A_160 = tpu.memref_squeeze %dma_start3A_159 : memref<1x128xi32, #tpu.memory_space<vmem>> -> memref<128xi32, #tpu.memory_space<vmem>>
      %dma_start3A_161 = arith.constant 0 : i32
      %dma_start3A_162 = arith.constant 0 : i32
      %dma_start3A_163 = tpu.memref_slice %arg2[%dma_start3A_161, %dma_start3A_162] : memref<10240x128xf32, #tpu.memory_space<hbm>> -> memref<10240x128xf32, #tpu.memory_space<hbm>>
      tpu.enqueue_indirect_dma source(%dma_start3A_163 : memref<10240x128xf32, #tpu.memory_space<hbm>>) target(%dma_start3A_157 : memref<128x128xf32, #tpu.memory_space<vmem>>) offsets(%dma_start3A_160 : memref<128xi32, #tpu.memory_space<vmem>>) semaphore(%arg10 : memref<!tpu.dma_semaphore, #tpu.memory_space<semaphore_mem>>)
      %dma_wait3A_164 = arith.constant 0 : i32
      %dma_wait3A_165 = arith.constant 1 : i32
      %dma_wait3A_166 = arith.constant 0 : i32
      %dma_wait3A_167 = arith.constant 0 : i32
      %dma_wait3A_168 = tpu.memref_slice %arg8[%dma_wait3A_165, %dma_wait3A_166, %dma_wait3A_167] : memref<2x128x128xf32, #tpu.memory_space<vmem>> -> memref<1x128x128xf32, #tpu.memory_space<vmem>>
      %dma_wait3A_169 = tpu.memref_squeeze %dma_wait3A_168 : memref<1x128x128xf32, #tpu.memory_space<vmem>> -> memref<128x128xf32, #tpu.memory_space<vmem>>
      %dma_wait3A_170 = arith.constant 0 : i32
      %dma_wait3A_171 = tpu.memref_slice %arg6[%dma_wait3A_164, %dma_wait3A_170] : memref<80x128xi32, #tpu.memory_space<vmem>> -> memref<1x128xi32, #tpu.memory_space<vmem>>
      %dma_wait3A_172 = tpu.memref_squeeze %dma_wait3A_171 : memref<1x128xi32, #tpu.memory_space<vmem>> -> memref<128xi32, #tpu.memory_space<vmem>>
      %dma_wait3A_173 = arith.constant 0 : i32
      %dma_wait3A_174 = arith.constant 0 : i32
      %dma_wait3A_175 = tpu.memref_slice %arg2[%dma_wait3A_173, %dma_wait3A_174] : memref<10240x128xf32, #tpu.memory_space<hbm>> -> memref<10240x128xf32, #tpu.memory_space<hbm>>
      tpu.wait_indirect_dma semaphore(%arg11 : memref<!tpu.dma_semaphore, #tpu.memory_space<semaphore_mem>>) src(%dma_wait3A_175 : memref<10240x128xf32, #tpu.memory_space<hbm>>) dst(%dma_wait3A_169 : memref<128x128xf32, #tpu.memory_space<vmem>>)
      %run_scoped3A_176 = arith.constant 1 : i32
      %run_scoped3A_177 = arith.constant 1 : i32
      "tpu.region"() ({
        %run_scoped3A_365 = tpu.sem_alloc : memref<!tpu.dma_semaphore, #tpu.memory_space<semaphore_mem>>
        %dma_start3A_366 = arith.constant 0 : i32
        %dma_start3A_367 = arith.constant 0 : i32
        %dma_start3A_368 = tpu.memref_slice %arg8[%run_scoped3A_176, %dma_start3A_366, %dma_start3A_367] : memref<2x128x128xf32, #tpu.memory_space<vmem>> -> memref<1x128x128xf32, #tpu.memory_space<vmem>>
        %dma_start3A_369 = tpu.memref_squeeze %dma_start3A_368 : memref<1x128x128xf32, #tpu.memory_space<vmem>> -> memref<128x128xf32, #tpu.memory_space<vmem>>
        %dma_start3A_370 = arith.constant 0 : i32
        %dma_start3A_371 = tpu.memref_slice %arg7[%and3A_107, %run_scoped3A_177, %dma_start3A_370] : memref<2x8x128xi32, #tpu.memory_space<vmem>> -> memref<1x1x128xi32, #tpu.memory_space<vmem>>
        %dma_start3A_372 = tpu.memref_squeeze %dma_start3A_371 : memref<1x1x128xi32, #tpu.memory_space<vmem>> -> memref<128xi32, #tpu.memory_space<vmem>>
        %dma_start3A_373 = arith.constant 0 : i32
        %dma_start3A_374 = arith.constant 0 : i32
        %dma_start3A_375 = tpu.memref_slice %arg9[%dma_start3A_373, %dma_start3A_374] : memref<10240x128xf32, #tpu.memory_space<vmem_shared>> -> memref<10240x128xf32, #tpu.memory_space<vmem_shared>>
        tpu.enqueue_indirect_dma source(%dma_start3A_369 : memref<128x128xf32, #tpu.memory_space<vmem>>) target(%dma_start3A_375 : memref<10240x128xf32, #tpu.memory_space<vmem_shared>>) offsets(%dma_start3A_372 : memref<128xi32, #tpu.memory_space<vmem>>) semaphore(%run_scoped3A_365 : memref<!tpu.dma_semaphore, #tpu.memory_space<semaphore_mem>>) {add = true}
        %dma_wait3A_376 = arith.constant 0 : i32
        %dma_wait3A_377 = arith.constant 0 : i32
        %dma_wait3A_378 = tpu.memref_slice %arg8[%run_scoped3A_176, %dma_wait3A_376, %dma_wait3A_377] : memref<2x128x128xf32, #tpu.memory_space<vmem>> -> memref<1x128x128xf32, #tpu.memory_space<vmem>>
        %dma_wait3A_379 = tpu.memref_squeeze %dma_wait3A_378 : memref<1x128x128xf32, #tpu.memory_space<vmem>> -> memref<128x128xf32, #tpu.memory_space<vmem>>
        %dma_wait3A_380 = arith.constant 0 : i32
        %dma_wait3A_381 = tpu.memref_slice %arg7[%and3A_107, %run_scoped3A_177, %dma_wait3A_380] : memref<2x8x128xi32, #tpu.memory_space<vmem>> -> memref<1x1x128xi32, #tpu.memory_space<vmem>>
        %dma_wait3A_382 = tpu.memref_squeeze %dma_wait3A_381 : memref<1x1x128xi32, #tpu.memory_space<vmem>> -> memref<128xi32, #tpu.memory_space<vmem>>
        %dma_wait3A_383 = arith.constant 0 : i32
        %dma_wait3A_384 = arith.constant 0 : i32
        %dma_wait3A_385 = tpu.memref_slice %arg9[%dma_wait3A_383, %dma_wait3A_384] : memref<10240x128xf32, #tpu.memory_space<vmem_shared>> -> memref<10240x128xf32, #tpu.memory_space<vmem_shared>>
        tpu.wait_indirect_dma semaphore(%run_scoped3A_365 : memref<!tpu.dma_semaphore, #tpu.memory_space<semaphore_mem>>) src(%dma_wait3A_379 : memref<128x128xf32, #tpu.memory_space<vmem>>) dst(%dma_wait3A_385 : memref<10240x128xf32, #tpu.memory_space<vmem_shared>>)
        tpu.yield
      }) : () -> ()
      %add3A_178 = arith.constant 2 : i32
      %add3A_179 = arith.addi %mul3A_103, %add3A_178 : i32
      %add3A_180 = arith.constant 1 : i32
      %add3A_181 = arith.addi %add3A_179, %add3A_180 : i32
      %min3A_182 = arith.constant 79 : i32
      %min3A_183 = arith.minsi %add3A_181, %min3A_182 : i32
      %dma_start3A_184 = arith.constant 1 : i32
      %dma_start3A_185 = arith.constant 0 : i32
      %dma_start3A_186 = arith.constant 0 : i32
      %dma_start3A_187 = tpu.memref_slice %arg8[%dma_start3A_184, %dma_start3A_185, %dma_start3A_186] : memref<2x128x128xf32, #tpu.memory_space<vmem>> -> memref<1x128x128xf32, #tpu.memory_space<vmem>>
      %dma_start3A_188 = tpu.memref_squeeze %dma_start3A_187 : memref<1x128x128xf32, #tpu.memory_space<vmem>> -> memref<128x128xf32, #tpu.memory_space<vmem>>
      %dma_start3A_189 = arith.constant 0 : i32
      %dma_start3A_190 = tpu.memref_slice %arg6[%min3A_183, %dma_start3A_189] : memref<80x128xi32, #tpu.memory_space<vmem>> -> memref<1x128xi32, #tpu.memory_space<vmem>>
      %dma_start3A_191 = tpu.memref_squeeze %dma_start3A_190 : memref<1x128xi32, #tpu.memory_space<vmem>> -> memref<128xi32, #tpu.memory_space<vmem>>
      %dma_start3A_192 = arith.constant 0 : i32
      %dma_start3A_193 = arith.constant 0 : i32
      %dma_start3A_194 = tpu.memref_slice %arg2[%dma_start3A_192, %dma_start3A_193] : memref<10240x128xf32, #tpu.memory_space<hbm>> -> memref<10240x128xf32, #tpu.memory_space<hbm>>
      tpu.enqueue_indirect_dma source(%dma_start3A_194 : memref<10240x128xf32, #tpu.memory_space<hbm>>) target(%dma_start3A_188 : memref<128x128xf32, #tpu.memory_space<vmem>>) offsets(%dma_start3A_191 : memref<128xi32, #tpu.memory_space<vmem>>) semaphore(%arg11 : memref<!tpu.dma_semaphore, #tpu.memory_space<semaphore_mem>>)
      %dma_wait3A_195 = arith.constant 0 : i32
      %dma_wait3A_196 = arith.constant 0 : i32
      %dma_wait3A_197 = arith.constant 0 : i32
      %dma_wait3A_198 = arith.constant 0 : i32
      %dma_wait3A_199 = tpu.memref_slice %arg8[%dma_wait3A_196, %dma_wait3A_197, %dma_wait3A_198] : memref<2x128x128xf32, #tpu.memory_space<vmem>> -> memref<1x128x128xf32, #tpu.memory_space<vmem>>
      %dma_wait3A_200 = tpu.memref_squeeze %dma_wait3A_199 : memref<1x128x128xf32, #tpu.memory_space<vmem>> -> memref<128x128xf32, #tpu.memory_space<vmem>>
      %dma_wait3A_201 = arith.constant 0 : i32
      %dma_wait3A_202 = tpu.memref_slice %arg6[%dma_wait3A_195, %dma_wait3A_201] : memref<80x128xi32, #tpu.memory_space<vmem>> -> memref<1x128xi32, #tpu.memory_space<vmem>>
      %dma_wait3A_203 = tpu.memref_squeeze %dma_wait3A_202 : memref<1x128xi32, #tpu.memory_space<vmem>> -> memref<128xi32, #tpu.memory_space<vmem>>
      %dma_wait3A_204 = arith.constant 0 : i32
      %dma_wait3A_205 = arith.constant 0 : i32
      %dma_wait3A_206 = tpu.memref_slice %arg2[%dma_wait3A_204, %dma_wait3A_205] : memref<10240x128xf32, #tpu.memory_space<hbm>> -> memref<10240x128xf32, #tpu.memory_space<hbm>>
      tpu.wait_indirect_dma semaphore(%arg10 : memref<!tpu.dma_semaphore, #tpu.memory_space<semaphore_mem>>) src(%dma_wait3A_206 : memref<10240x128xf32, #tpu.memory_space<hbm>>) dst(%dma_wait3A_200 : memref<128x128xf32, #tpu.memory_space<vmem>>)
      %run_scoped3A_207 = arith.constant 0 : i32
      %run_scoped3A_208 = arith.constant 2 : i32
      "tpu.region"() ({
        %run_scoped3A_365 = tpu.sem_alloc : memref<!tpu.dma_semaphore, #tpu.memory_space<semaphore_mem>>
        %dma_start3A_366 = arith.constant 0 : i32
        %dma_start3A_367 = arith.constant 0 : i32
        %dma_start3A_368 = tpu.memref_slice %arg8[%run_scoped3A_207, %dma_start3A_366, %dma_start3A_367] : memref<2x128x128xf32, #tpu.memory_space<vmem>> -> memref<1x128x128xf32, #tpu.memory_space<vmem>>
        %dma_start3A_369 = tpu.memref_squeeze %dma_start3A_368 : memref<1x128x128xf32, #tpu.memory_space<vmem>> -> memref<128x128xf32, #tpu.memory_space<vmem>>
        %dma_start3A_370 = arith.constant 0 : i32
        %dma_start3A_371 = tpu.memref_slice %arg7[%and3A_107, %run_scoped3A_208, %dma_start3A_370] : memref<2x8x128xi32, #tpu.memory_space<vmem>> -> memref<1x1x128xi32, #tpu.memory_space<vmem>>
        %dma_start3A_372 = tpu.memref_squeeze %dma_start3A_371 : memref<1x1x128xi32, #tpu.memory_space<vmem>> -> memref<128xi32, #tpu.memory_space<vmem>>
        %dma_start3A_373 = arith.constant 0 : i32
        %dma_start3A_374 = arith.constant 0 : i32
        %dma_start3A_375 = tpu.memref_slice %arg9[%dma_start3A_373, %dma_start3A_374] : memref<10240x128xf32, #tpu.memory_space<vmem_shared>> -> memref<10240x128xf32, #tpu.memory_space<vmem_shared>>
        tpu.enqueue_indirect_dma source(%dma_start3A_369 : memref<128x128xf32, #tpu.memory_space<vmem>>) target(%dma_start3A_375 : memref<10240x128xf32, #tpu.memory_space<vmem_shared>>) offsets(%dma_start3A_372 : memref<128xi32, #tpu.memory_space<vmem>>) semaphore(%run_scoped3A_365 : memref<!tpu.dma_semaphore, #tpu.memory_space<semaphore_mem>>) {add = true}
        %dma_wait3A_376 = arith.constant 0 : i32
        %dma_wait3A_377 = arith.constant 0 : i32
        %dma_wait3A_378 = tpu.memref_slice %arg8[%run_scoped3A_207, %dma_wait3A_376, %dma_wait3A_377] : memref<2x128x128xf32, #tpu.memory_space<vmem>> -> memref<1x128x128xf32, #tpu.memory_space<vmem>>
        %dma_wait3A_379 = tpu.memref_squeeze %dma_wait3A_378 : memref<1x128x128xf32, #tpu.memory_space<vmem>> -> memref<128x128xf32, #tpu.memory_space<vmem>>
        %dma_wait3A_380 = arith.constant 0 : i32
        %dma_wait3A_381 = tpu.memref_slice %arg7[%and3A_107, %run_scoped3A_208, %dma_wait3A_380] : memref<2x8x128xi32, #tpu.memory_space<vmem>> -> memref<1x1x128xi32, #tpu.memory_space<vmem>>
        %dma_wait3A_382 = tpu.memref_squeeze %dma_wait3A_381 : memref<1x1x128xi32, #tpu.memory_space<vmem>> -> memref<128xi32, #tpu.memory_space<vmem>>
        %dma_wait3A_383 = arith.constant 0 : i32
        %dma_wait3A_384 = arith.constant 0 : i32
        %dma_wait3A_385 = tpu.memref_slice %arg9[%dma_wait3A_383, %dma_wait3A_384] : memref<10240x128xf32, #tpu.memory_space<vmem_shared>> -> memref<10240x128xf32, #tpu.memory_space<vmem_shared>>
        tpu.wait_indirect_dma semaphore(%run_scoped3A_365 : memref<!tpu.dma_semaphore, #tpu.memory_space<semaphore_mem>>) src(%dma_wait3A_379 : memref<128x128xf32, #tpu.memory_space<vmem>>) dst(%dma_wait3A_385 : memref<10240x128xf32, #tpu.memory_space<vmem_shared>>)
        tpu.yield
      }) : () -> ()
      %add3A_209 = arith.constant 3 : i32
      %add3A_210 = arith.addi %mul3A_103, %add3A_209 : i32
      %add3A_211 = arith.constant 1 : i32
      %add3A_212 = arith.addi %add3A_210, %add3A_211 : i32
      %min3A_213 = arith.constant 79 : i32
      %min3A_214 = arith.minsi %add3A_212, %min3A_213 : i32
      %dma_start3A_215 = arith.constant 0 : i32
      %dma_start3A_216 = arith.constant 0 : i32
      %dma_start3A_217 = arith.constant 0 : i32
      %dma_start3A_218 = tpu.memref_slice %arg8[%dma_start3A_215, %dma_start3A_216, %dma_start3A_217] : memref<2x128x128xf32, #tpu.memory_space<vmem>> -> memref<1x128x128xf32, #tpu.memory_space<vmem>>
      %dma_start3A_219 = tpu.memref_squeeze %dma_start3A_218 : memref<1x128x128xf32, #tpu.memory_space<vmem>> -> memref<128x128xf32, #tpu.memory_space<vmem>>
      %dma_start3A_220 = arith.constant 0 : i32
      %dma_start3A_221 = tpu.memref_slice %arg6[%min3A_214, %dma_start3A_220] : memref<80x128xi32, #tpu.memory_space<vmem>> -> memref<1x128xi32, #tpu.memory_space<vmem>>
      %dma_start3A_222 = tpu.memref_squeeze %dma_start3A_221 : memref<1x128xi32, #tpu.memory_space<vmem>> -> memref<128xi32, #tpu.memory_space<vmem>>
      %dma_start3A_223 = arith.constant 0 : i32
      %dma_start3A_224 = arith.constant 0 : i32
      %dma_start3A_225 = tpu.memref_slice %arg2[%dma_start3A_223, %dma_start3A_224] : memref<10240x128xf32, #tpu.memory_space<hbm>> -> memref<10240x128xf32, #tpu.memory_space<hbm>>
      tpu.enqueue_indirect_dma source(%dma_start3A_225 : memref<10240x128xf32, #tpu.memory_space<hbm>>) target(%dma_start3A_219 : memref<128x128xf32, #tpu.memory_space<vmem>>) offsets(%dma_start3A_222 : memref<128xi32, #tpu.memory_space<vmem>>) semaphore(%arg10 : memref<!tpu.dma_semaphore, #tpu.memory_space<semaphore_mem>>)
      %dma_wait3A_226 = arith.constant 0 : i32
      %dma_wait3A_227 = arith.constant 1 : i32
      %dma_wait3A_228 = arith.constant 0 : i32
      %dma_wait3A_229 = arith.constant 0 : i32
      %dma_wait3A_230 = tpu.memref_slice %arg8[%dma_wait3A_227, %dma_wait3A_228, %dma_wait3A_229] : memref<2x128x128xf32, #tpu.memory_space<vmem>> -> memref<1x128x128xf32, #tpu.memory_space<vmem>>
      %dma_wait3A_231 = tpu.memref_squeeze %dma_wait3A_230 : memref<1x128x128xf32, #tpu.memory_space<vmem>> -> memref<128x128xf32, #tpu.memory_space<vmem>>
      %dma_wait3A_232 = arith.constant 0 : i32
      %dma_wait3A_233 = tpu.memref_slice %arg6[%dma_wait3A_226, %dma_wait3A_232] : memref<80x128xi32, #tpu.memory_space<vmem>> -> memref<1x128xi32, #tpu.memory_space<vmem>>
      %dma_wait3A_234 = tpu.memref_squeeze %dma_wait3A_233 : memref<1x128xi32, #tpu.memory_space<vmem>> -> memref<128xi32, #tpu.memory_space<vmem>>
      %dma_wait3A_235 = arith.constant 0 : i32
      %dma_wait3A_236 = arith.constant 0 : i32
      %dma_wait3A_237 = tpu.memref_slice %arg2[%dma_wait3A_235, %dma_wait3A_236] : memref<10240x128xf32, #tpu.memory_space<hbm>> -> memref<10240x128xf32, #tpu.memory_space<hbm>>
      tpu.wait_indirect_dma semaphore(%arg11 : memref<!tpu.dma_semaphore, #tpu.memory_space<semaphore_mem>>) src(%dma_wait3A_237 : memref<10240x128xf32, #tpu.memory_space<hbm>>) dst(%dma_wait3A_231 : memref<128x128xf32, #tpu.memory_space<vmem>>)
      %run_scoped3A_238 = arith.constant 1 : i32
      %run_scoped3A_239 = arith.constant 3 : i32
      "tpu.region"() ({
        %run_scoped3A_365 = tpu.sem_alloc : memref<!tpu.dma_semaphore, #tpu.memory_space<semaphore_mem>>
        %dma_start3A_366 = arith.constant 0 : i32
        %dma_start3A_367 = arith.constant 0 : i32
        %dma_start3A_368 = tpu.memref_slice %arg8[%run_scoped3A_238, %dma_start3A_366, %dma_start3A_367] : memref<2x128x128xf32, #tpu.memory_space<vmem>> -> memref<1x128x128xf32, #tpu.memory_space<vmem>>
        %dma_start3A_369 = tpu.memref_squeeze %dma_start3A_368 : memref<1x128x128xf32, #tpu.memory_space<vmem>> -> memref<128x128xf32, #tpu.memory_space<vmem>>
        %dma_start3A_370 = arith.constant 0 : i32
        %dma_start3A_371 = tpu.memref_slice %arg7[%and3A_107, %run_scoped3A_239, %dma_start3A_370] : memref<2x8x128xi32, #tpu.memory_space<vmem>> -> memref<1x1x128xi32, #tpu.memory_space<vmem>>
        %dma_start3A_372 = tpu.memref_squeeze %dma_start3A_371 : memref<1x1x128xi32, #tpu.memory_space<vmem>> -> memref<128xi32, #tpu.memory_space<vmem>>
        %dma_start3A_373 = arith.constant 0 : i32
        %dma_start3A_374 = arith.constant 0 : i32
        %dma_start3A_375 = tpu.memref_slice %arg9[%dma_start3A_373, %dma_start3A_374] : memref<10240x128xf32, #tpu.memory_space<vmem_shared>> -> memref<10240x128xf32, #tpu.memory_space<vmem_shared>>
        tpu.enqueue_indirect_dma source(%dma_start3A_369 : memref<128x128xf32, #tpu.memory_space<vmem>>) target(%dma_start3A_375 : memref<10240x128xf32, #tpu.memory_space<vmem_shared>>) offsets(%dma_start3A_372 : memref<128xi32, #tpu.memory_space<vmem>>) semaphore(%run_scoped3A_365 : memref<!tpu.dma_semaphore, #tpu.memory_space<semaphore_mem>>) {add = true}
        %dma_wait3A_376 = arith.constant 0 : i32
        %dma_wait3A_377 = arith.constant 0 : i32
        %dma_wait3A_378 = tpu.memref_slice %arg8[%run_scoped3A_238, %dma_wait3A_376, %dma_wait3A_377] : memref<2x128x128xf32, #tpu.memory_space<vmem>> -> memref<1x128x128xf32, #tpu.memory_space<vmem>>
        %dma_wait3A_379 = tpu.memref_squeeze %dma_wait3A_378 : memref<1x128x128xf32, #tpu.memory_space<vmem>> -> memref<128x128xf32, #tpu.memory_space<vmem>>
        %dma_wait3A_380 = arith.constant 0 : i32
        %dma_wait3A_381 = tpu.memref_slice %arg7[%and3A_107, %run_scoped3A_239, %dma_wait3A_380] : memref<2x8x128xi32, #tpu.memory_space<vmem>> -> memref<1x1x128xi32, #tpu.memory_space<vmem>>
        %dma_wait3A_382 = tpu.memref_squeeze %dma_wait3A_381 : memref<1x1x128xi32, #tpu.memory_space<vmem>> -> memref<128xi32, #tpu.memory_space<vmem>>
        %dma_wait3A_383 = arith.constant 0 : i32
        %dma_wait3A_384 = arith.constant 0 : i32
        %dma_wait3A_385 = tpu.memref_slice %arg9[%dma_wait3A_383, %dma_wait3A_384] : memref<10240x128xf32, #tpu.memory_space<vmem_shared>> -> memref<10240x128xf32, #tpu.memory_space<vmem_shared>>
        tpu.wait_indirect_dma semaphore(%run_scoped3A_365 : memref<!tpu.dma_semaphore, #tpu.memory_space<semaphore_mem>>) src(%dma_wait3A_379 : memref<128x128xf32, #tpu.memory_space<vmem>>) dst(%dma_wait3A_385 : memref<10240x128xf32, #tpu.memory_space<vmem_shared>>)
        tpu.yield
      }) : () -> ()
      %add3A_240 = arith.constant 4 : i32
      %add3A_241 = arith.addi %mul3A_103, %add3A_240 : i32
      %add3A_242 = arith.constant 1 : i32
      %add3A_243 = arith.addi %add3A_241, %add3A_242 : i32
      %min3A_244 = arith.constant 79 : i32
      %min3A_245 = arith.minsi %add3A_243, %min3A_244 : i32
      %dma_start3A_246 = arith.constant 1 : i32
      %dma_start3A_247 = arith.constant 0 : i32
      %dma_start3A_248 = arith.constant 0 : i32
      %dma_start3A_249 = tpu.memref_slice %arg8[%dma_start3A_246, %dma_start3A_247, %dma_start3A_248] : memref<2x128x128xf32, #tpu.memory_space<vmem>> -> memref<1x128x128xf32, #tpu.memory_space<vmem>>
      %dma_start3A_250 = tpu.memref_squeeze %dma_start3A_249 : memref<1x128x128xf32, #tpu.memory_space<vmem>> -> memref<128x128xf32, #tpu.memory_space<vmem>>
      %dma_start3A_251 = arith.constant 0 : i32
      %dma_start3A_252 = tpu.memref_slice %arg6[%min3A_245, %dma_start3A_251] : memref<80x128xi32, #tpu.memory_space<vmem>> -> memref<1x128xi32, #tpu.memory_space<vmem>>
      %dma_start3A_253 = tpu.memref_squeeze %dma_start3A_252 : memref<1x128xi32, #tpu.memory_space<vmem>> -> memref<128xi32, #tpu.memory_space<vmem>>
      %dma_start3A_254 = arith.constant 0 : i32
      %dma_start3A_255 = arith.constant 0 : i32
      %dma_start3A_256 = tpu.memref_slice %arg2[%dma_start3A_254, %dma_start3A_255] : memref<10240x128xf32, #tpu.memory_space<hbm>> -> memref<10240x128xf32, #tpu.memory_space<hbm>>
      tpu.enqueue_indirect_dma source(%dma_start3A_256 : memref<10240x128xf32, #tpu.memory_space<hbm>>) target(%dma_start3A_250 : memref<128x128xf32, #tpu.memory_space<vmem>>) offsets(%dma_start3A_253 : memref<128xi32, #tpu.memory_space<vmem>>) semaphore(%arg11 : memref<!tpu.dma_semaphore, #tpu.memory_space<semaphore_mem>>)
      %dma_wait3A_257 = arith.constant 0 : i32
      %dma_wait3A_258 = arith.constant 0 : i32
      %dma_wait3A_259 = arith.constant 0 : i32
      %dma_wait3A_260 = arith.constant 0 : i32
      %dma_wait3A_261 = tpu.memref_slice %arg8[%dma_wait3A_258, %dma_wait3A_259, %dma_wait3A_260] : memref<2x128x128xf32, #tpu.memory_space<vmem>> -> memref<1x128x128xf32, #tpu.memory_space<vmem>>
      %dma_wait3A_262 = tpu.memref_squeeze %dma_wait3A_261 : memref<1x128x128xf32, #tpu.memory_space<vmem>> -> memref<128x128xf32, #tpu.memory_space<vmem>>
      %dma_wait3A_263 = arith.constant 0 : i32
      %dma_wait3A_264 = tpu.memref_slice %arg6[%dma_wait3A_257, %dma_wait3A_263] : memref<80x128xi32, #tpu.memory_space<vmem>> -> memref<1x128xi32, #tpu.memory_space<vmem>>
      %dma_wait3A_265 = tpu.memref_squeeze %dma_wait3A_264 : memref<1x128xi32, #tpu.memory_space<vmem>> -> memref<128xi32, #tpu.memory_space<vmem>>
      %dma_wait3A_266 = arith.constant 0 : i32
      %dma_wait3A_267 = arith.constant 0 : i32
      %dma_wait3A_268 = tpu.memref_slice %arg2[%dma_wait3A_266, %dma_wait3A_267] : memref<10240x128xf32, #tpu.memory_space<hbm>> -> memref<10240x128xf32, #tpu.memory_space<hbm>>
      tpu.wait_indirect_dma semaphore(%arg10 : memref<!tpu.dma_semaphore, #tpu.memory_space<semaphore_mem>>) src(%dma_wait3A_268 : memref<10240x128xf32, #tpu.memory_space<hbm>>) dst(%dma_wait3A_262 : memref<128x128xf32, #tpu.memory_space<vmem>>)
      %run_scoped3A_269 = arith.constant 0 : i32
      %run_scoped3A_270 = arith.constant 4 : i32
      "tpu.region"() ({
        %run_scoped3A_365 = tpu.sem_alloc : memref<!tpu.dma_semaphore, #tpu.memory_space<semaphore_mem>>
        %dma_start3A_366 = arith.constant 0 : i32
        %dma_start3A_367 = arith.constant 0 : i32
        %dma_start3A_368 = tpu.memref_slice %arg8[%run_scoped3A_269, %dma_start3A_366, %dma_start3A_367] : memref<2x128x128xf32, #tpu.memory_space<vmem>> -> memref<1x128x128xf32, #tpu.memory_space<vmem>>
        %dma_start3A_369 = tpu.memref_squeeze %dma_start3A_368 : memref<1x128x128xf32, #tpu.memory_space<vmem>> -> memref<128x128xf32, #tpu.memory_space<vmem>>
        %dma_start3A_370 = arith.constant 0 : i32
        %dma_start3A_371 = tpu.memref_slice %arg7[%and3A_107, %run_scoped3A_270, %dma_start3A_370] : memref<2x8x128xi32, #tpu.memory_space<vmem>> -> memref<1x1x128xi32, #tpu.memory_space<vmem>>
        %dma_start3A_372 = tpu.memref_squeeze %dma_start3A_371 : memref<1x1x128xi32, #tpu.memory_space<vmem>> -> memref<128xi32, #tpu.memory_space<vmem>>
        %dma_start3A_373 = arith.constant 0 : i32
        %dma_start3A_374 = arith.constant 0 : i32
        %dma_start3A_375 = tpu.memref_slice %arg9[%dma_start3A_373, %dma_start3A_374] : memref<10240x128xf32, #tpu.memory_space<vmem_shared>> -> memref<10240x128xf32, #tpu.memory_space<vmem_shared>>
        tpu.enqueue_indirect_dma source(%dma_start3A_369 : memref<128x128xf32, #tpu.memory_space<vmem>>) target(%dma_start3A_375 : memref<10240x128xf32, #tpu.memory_space<vmem_shared>>) offsets(%dma_start3A_372 : memref<128xi32, #tpu.memory_space<vmem>>) semaphore(%run_scoped3A_365 : memref<!tpu.dma_semaphore, #tpu.memory_space<semaphore_mem>>) {add = true}
        %dma_wait3A_376 = arith.constant 0 : i32
        %dma_wait3A_377 = arith.constant 0 : i32
        %dma_wait3A_378 = tpu.memref_slice %arg8[%run_scoped3A_269, %dma_wait3A_376, %dma_wait3A_377] : memref<2x128x128xf32, #tpu.memory_space<vmem>> -> memref<1x128x128xf32, #tpu.memory_space<vmem>>
        %dma_wait3A_379 = tpu.memref_squeeze %dma_wait3A_378 : memref<1x128x128xf32, #tpu.memory_space<vmem>> -> memref<128x128xf32, #tpu.memory_space<vmem>>
        %dma_wait3A_380 = arith.constant 0 : i32
        %dma_wait3A_381 = tpu.memref_slice %arg7[%and3A_107, %run_scoped3A_270, %dma_wait3A_380] : memref<2x8x128xi32, #tpu.memory_space<vmem>> -> memref<1x1x128xi32, #tpu.memory_space<vmem>>
        %dma_wait3A_382 = tpu.memref_squeeze %dma_wait3A_381 : memref<1x1x128xi32, #tpu.memory_space<vmem>> -> memref<128xi32, #tpu.memory_space<vmem>>
        %dma_wait3A_383 = arith.constant 0 : i32
        %dma_wait3A_384 = arith.constant 0 : i32
        %dma_wait3A_385 = tpu.memref_slice %arg9[%dma_wait3A_383, %dma_wait3A_384] : memref<10240x128xf32, #tpu.memory_space<vmem_shared>> -> memref<10240x128xf32, #tpu.memory_space<vmem_shared>>
        tpu.wait_indirect_dma semaphore(%run_scoped3A_365 : memref<!tpu.dma_semaphore, #tpu.memory_space<semaphore_mem>>) src(%dma_wait3A_379 : memref<128x128xf32, #tpu.memory_space<vmem>>) dst(%dma_wait3A_385 : memref<10240x128xf32, #tpu.memory_space<vmem_shared>>)
        tpu.yield
      }) : () -> ()
      %add3A_271 = arith.constant 5 : i32
      %add3A_272 = arith.addi %mul3A_103, %add3A_271 : i32
      %add3A_273 = arith.constant 1 : i32
      %add3A_274 = arith.addi %add3A_272, %add3A_273 : i32
      %min3A_275 = arith.constant 79 : i32
      %min3A_276 = arith.minsi %add3A_274, %min3A_275 : i32
      %dma_start3A_277 = arith.constant 0 : i32
      %dma_start3A_278 = arith.constant 0 : i32
      %dma_start3A_279 = arith.constant 0 : i32
      %dma_start3A_280 = tpu.memref_slice %arg8[%dma_start3A_277, %dma_start3A_278, %dma_start3A_279] : memref<2x128x128xf32, #tpu.memory_space<vmem>> -> memref<1x128x128xf32, #tpu.memory_space<vmem>>
      %dma_start3A_281 = tpu.memref_squeeze %dma_start3A_280 : memref<1x128x128xf32, #tpu.memory_space<vmem>> -> memref<128x128xf32, #tpu.memory_space<vmem>>
      %dma_start3A_282 = arith.constant 0 : i32
      %dma_start3A_283 = tpu.memref_slice %arg6[%min3A_276, %dma_start3A_282] : memref<80x128xi32, #tpu.memory_space<vmem>> -> memref<1x128xi32, #tpu.memory_space<vmem>>
      %dma_start3A_284 = tpu.memref_squeeze %dma_start3A_283 : memref<1x128xi32, #tpu.memory_space<vmem>> -> memref<128xi32, #tpu.memory_space<vmem>>
      %dma_start3A_285 = arith.constant 0 : i32
      %dma_start3A_286 = arith.constant 0 : i32
      %dma_start3A_287 = tpu.memref_slice %arg2[%dma_start3A_285, %dma_start3A_286] : memref<10240x128xf32, #tpu.memory_space<hbm>> -> memref<10240x128xf32, #tpu.memory_space<hbm>>
      tpu.enqueue_indirect_dma source(%dma_start3A_287 : memref<10240x128xf32, #tpu.memory_space<hbm>>) target(%dma_start3A_281 : memref<128x128xf32, #tpu.memory_space<vmem>>) offsets(%dma_start3A_284 : memref<128xi32, #tpu.memory_space<vmem>>) semaphore(%arg10 : memref<!tpu.dma_semaphore, #tpu.memory_space<semaphore_mem>>)
      %dma_wait3A_288 = arith.constant 0 : i32
      %dma_wait3A_289 = arith.constant 1 : i32
      %dma_wait3A_290 = arith.constant 0 : i32
      %dma_wait3A_291 = arith.constant 0 : i32
      %dma_wait3A_292 = tpu.memref_slice %arg8[%dma_wait3A_289, %dma_wait3A_290, %dma_wait3A_291] : memref<2x128x128xf32, #tpu.memory_space<vmem>> -> memref<1x128x128xf32, #tpu.memory_space<vmem>>
      %dma_wait3A_293 = tpu.memref_squeeze %dma_wait3A_292 : memref<1x128x128xf32, #tpu.memory_space<vmem>> -> memref<128x128xf32, #tpu.memory_space<vmem>>
      %dma_wait3A_294 = arith.constant 0 : i32
      %dma_wait3A_295 = tpu.memref_slice %arg6[%dma_wait3A_288, %dma_wait3A_294] : memref<80x128xi32, #tpu.memory_space<vmem>> -> memref<1x128xi32, #tpu.memory_space<vmem>>
      %dma_wait3A_296 = tpu.memref_squeeze %dma_wait3A_295 : memref<1x128xi32, #tpu.memory_space<vmem>> -> memref<128xi32, #tpu.memory_space<vmem>>
      %dma_wait3A_297 = arith.constant 0 : i32
      %dma_wait3A_298 = arith.constant 0 : i32
      %dma_wait3A_299 = tpu.memref_slice %arg2[%dma_wait3A_297, %dma_wait3A_298] : memref<10240x128xf32, #tpu.memory_space<hbm>> -> memref<10240x128xf32, #tpu.memory_space<hbm>>
      tpu.wait_indirect_dma semaphore(%arg11 : memref<!tpu.dma_semaphore, #tpu.memory_space<semaphore_mem>>) src(%dma_wait3A_299 : memref<10240x128xf32, #tpu.memory_space<hbm>>) dst(%dma_wait3A_293 : memref<128x128xf32, #tpu.memory_space<vmem>>)
      %run_scoped3A_300 = arith.constant 1 : i32
      %run_scoped3A_301 = arith.constant 5 : i32
      "tpu.region"() ({
        %run_scoped3A_365 = tpu.sem_alloc : memref<!tpu.dma_semaphore, #tpu.memory_space<semaphore_mem>>
        %dma_start3A_366 = arith.constant 0 : i32
        %dma_start3A_367 = arith.constant 0 : i32
        %dma_start3A_368 = tpu.memref_slice %arg8[%run_scoped3A_300, %dma_start3A_366, %dma_start3A_367] : memref<2x128x128xf32, #tpu.memory_space<vmem>> -> memref<1x128x128xf32, #tpu.memory_space<vmem>>
        %dma_start3A_369 = tpu.memref_squeeze %dma_start3A_368 : memref<1x128x128xf32, #tpu.memory_space<vmem>> -> memref<128x128xf32, #tpu.memory_space<vmem>>
        %dma_start3A_370 = arith.constant 0 : i32
        %dma_start3A_371 = tpu.memref_slice %arg7[%and3A_107, %run_scoped3A_301, %dma_start3A_370] : memref<2x8x128xi32, #tpu.memory_space<vmem>> -> memref<1x1x128xi32, #tpu.memory_space<vmem>>
        %dma_start3A_372 = tpu.memref_squeeze %dma_start3A_371 : memref<1x1x128xi32, #tpu.memory_space<vmem>> -> memref<128xi32, #tpu.memory_space<vmem>>
        %dma_start3A_373 = arith.constant 0 : i32
        %dma_start3A_374 = arith.constant 0 : i32
        %dma_start3A_375 = tpu.memref_slice %arg9[%dma_start3A_373, %dma_start3A_374] : memref<10240x128xf32, #tpu.memory_space<vmem_shared>> -> memref<10240x128xf32, #tpu.memory_space<vmem_shared>>
        tpu.enqueue_indirect_dma source(%dma_start3A_369 : memref<128x128xf32, #tpu.memory_space<vmem>>) target(%dma_start3A_375 : memref<10240x128xf32, #tpu.memory_space<vmem_shared>>) offsets(%dma_start3A_372 : memref<128xi32, #tpu.memory_space<vmem>>) semaphore(%run_scoped3A_365 : memref<!tpu.dma_semaphore, #tpu.memory_space<semaphore_mem>>) {add = true}
        %dma_wait3A_376 = arith.constant 0 : i32
        %dma_wait3A_377 = arith.constant 0 : i32
        %dma_wait3A_378 = tpu.memref_slice %arg8[%run_scoped3A_300, %dma_wait3A_376, %dma_wait3A_377] : memref<2x128x128xf32, #tpu.memory_space<vmem>> -> memref<1x128x128xf32, #tpu.memory_space<vmem>>
        %dma_wait3A_379 = tpu.memref_squeeze %dma_wait3A_378 : memref<1x128x128xf32, #tpu.memory_space<vmem>> -> memref<128x128xf32, #tpu.memory_space<vmem>>
        %dma_wait3A_380 = arith.constant 0 : i32
        %dma_wait3A_381 = tpu.memref_slice %arg7[%and3A_107, %run_scoped3A_301, %dma_wait3A_380] : memref<2x8x128xi32, #tpu.memory_space<vmem>> -> memref<1x1x128xi32, #tpu.memory_space<vmem>>
        %dma_wait3A_382 = tpu.memref_squeeze %dma_wait3A_381 : memref<1x1x128xi32, #tpu.memory_space<vmem>> -> memref<128xi32, #tpu.memory_space<vmem>>
        %dma_wait3A_383 = arith.constant 0 : i32
        %dma_wait3A_384 = arith.constant 0 : i32
        %dma_wait3A_385 = tpu.memref_slice %arg9[%dma_wait3A_383, %dma_wait3A_384] : memref<10240x128xf32, #tpu.memory_space<vmem_shared>> -> memref<10240x128xf32, #tpu.memory_space<vmem_shared>>
        tpu.wait_indirect_dma semaphore(%run_scoped3A_365 : memref<!tpu.dma_semaphore, #tpu.memory_space<semaphore_mem>>) src(%dma_wait3A_379 : memref<128x128xf32, #tpu.memory_space<vmem>>) dst(%dma_wait3A_385 : memref<10240x128xf32, #tpu.memory_space<vmem_shared>>)
        tpu.yield
      }) : () -> ()
      %add3A_302 = arith.constant 6 : i32
      %add3A_303 = arith.addi %mul3A_103, %add3A_302 : i32
      %add3A_304 = arith.constant 1 : i32
      %add3A_305 = arith.addi %add3A_303, %add3A_304 : i32
      %min3A_306 = arith.constant 79 : i32
      %min3A_307 = arith.minsi %add3A_305, %min3A_306 : i32
      %dma_start3A_308 = arith.constant 1 : i32
      %dma_start3A_309 = arith.constant 0 : i32
      %dma_start3A_310 = arith.constant 0 : i32
      %dma_start3A_311 = tpu.memref_slice %arg8[%dma_start3A_308, %dma_start3A_309, %dma_start3A_310] : memref<2x128x128xf32, #tpu.memory_space<vmem>> -> memref<1x128x128xf32, #tpu.memory_space<vmem>>
      %dma_start3A_312 = tpu.memref_squeeze %dma_start3A_311 : memref<1x128x128xf32, #tpu.memory_space<vmem>> -> memref<128x128xf32, #tpu.memory_space<vmem>>
      %dma_start3A_313 = arith.constant 0 : i32
      %dma_start3A_314 = tpu.memref_slice %arg6[%min3A_307, %dma_start3A_313] : memref<80x128xi32, #tpu.memory_space<vmem>> -> memref<1x128xi32, #tpu.memory_space<vmem>>
      %dma_start3A_315 = tpu.memref_squeeze %dma_start3A_314 : memref<1x128xi32, #tpu.memory_space<vmem>> -> memref<128xi32, #tpu.memory_space<vmem>>
      %dma_start3A_316 = arith.constant 0 : i32
      %dma_start3A_317 = arith.constant 0 : i32
      %dma_start3A_318 = tpu.memref_slice %arg2[%dma_start3A_316, %dma_start3A_317] : memref<10240x128xf32, #tpu.memory_space<hbm>> -> memref<10240x128xf32, #tpu.memory_space<hbm>>
      tpu.enqueue_indirect_dma source(%dma_start3A_318 : memref<10240x128xf32, #tpu.memory_space<hbm>>) target(%dma_start3A_312 : memref<128x128xf32, #tpu.memory_space<vmem>>) offsets(%dma_start3A_315 : memref<128xi32, #tpu.memory_space<vmem>>) semaphore(%arg11 : memref<!tpu.dma_semaphore, #tpu.memory_space<semaphore_mem>>)
      %dma_wait3A_319 = arith.constant 0 : i32
      %dma_wait3A_320 = arith.constant 0 : i32
      %dma_wait3A_321 = arith.constant 0 : i32
      %dma_wait3A_322 = arith.constant 0 : i32
      %dma_wait3A_323 = tpu.memref_slice %arg8[%dma_wait3A_320, %dma_wait3A_321, %dma_wait3A_322] : memref<2x128x128xf32, #tpu.memory_space<vmem>> -> memref<1x128x128xf32, #tpu.memory_space<vmem>>
      %dma_wait3A_324 = tpu.memref_squeeze %dma_wait3A_323 : memref<1x128x128xf32, #tpu.memory_space<vmem>> -> memref<128x128xf32, #tpu.memory_space<vmem>>
      %dma_wait3A_325 = arith.constant 0 : i32
      %dma_wait3A_326 = tpu.memref_slice %arg6[%dma_wait3A_319, %dma_wait3A_325] : memref<80x128xi32, #tpu.memory_space<vmem>> -> memref<1x128xi32, #tpu.memory_space<vmem>>
      %dma_wait3A_327 = tpu.memref_squeeze %dma_wait3A_326 : memref<1x128xi32, #tpu.memory_space<vmem>> -> memref<128xi32, #tpu.memory_space<vmem>>
      %dma_wait3A_328 = arith.constant 0 : i32
      %dma_wait3A_329 = arith.constant 0 : i32
      %dma_wait3A_330 = tpu.memref_slice %arg2[%dma_wait3A_328, %dma_wait3A_329] : memref<10240x128xf32, #tpu.memory_space<hbm>> -> memref<10240x128xf32, #tpu.memory_space<hbm>>
      tpu.wait_indirect_dma semaphore(%arg10 : memref<!tpu.dma_semaphore, #tpu.memory_space<semaphore_mem>>) src(%dma_wait3A_330 : memref<10240x128xf32, #tpu.memory_space<hbm>>) dst(%dma_wait3A_324 : memref<128x128xf32, #tpu.memory_space<vmem>>)
      %run_scoped3A_331 = arith.constant 0 : i32
      %run_scoped3A_332 = arith.constant 6 : i32
      "tpu.region"() ({
        %run_scoped3A_365 = tpu.sem_alloc : memref<!tpu.dma_semaphore, #tpu.memory_space<semaphore_mem>>
        %dma_start3A_366 = arith.constant 0 : i32
        %dma_start3A_367 = arith.constant 0 : i32
        %dma_start3A_368 = tpu.memref_slice %arg8[%run_scoped3A_331, %dma_start3A_366, %dma_start3A_367] : memref<2x128x128xf32, #tpu.memory_space<vmem>> -> memref<1x128x128xf32, #tpu.memory_space<vmem>>
        %dma_start3A_369 = tpu.memref_squeeze %dma_start3A_368 : memref<1x128x128xf32, #tpu.memory_space<vmem>> -> memref<128x128xf32, #tpu.memory_space<vmem>>
        %dma_start3A_370 = arith.constant 0 : i32
        %dma_start3A_371 = tpu.memref_slice %arg7[%and3A_107, %run_scoped3A_332, %dma_start3A_370] : memref<2x8x128xi32, #tpu.memory_space<vmem>> -> memref<1x1x128xi32, #tpu.memory_space<vmem>>
        %dma_start3A_372 = tpu.memref_squeeze %dma_start3A_371 : memref<1x1x128xi32, #tpu.memory_space<vmem>> -> memref<128xi32, #tpu.memory_space<vmem>>
        %dma_start3A_373 = arith.constant 0 : i32
        %dma_start3A_374 = arith.constant 0 : i32
        %dma_start3A_375 = tpu.memref_slice %arg9[%dma_start3A_373, %dma_start3A_374] : memref<10240x128xf32, #tpu.memory_space<vmem_shared>> -> memref<10240x128xf32, #tpu.memory_space<vmem_shared>>
        tpu.enqueue_indirect_dma source(%dma_start3A_369 : memref<128x128xf32, #tpu.memory_space<vmem>>) target(%dma_start3A_375 : memref<10240x128xf32, #tpu.memory_space<vmem_shared>>) offsets(%dma_start3A_372 : memref<128xi32, #tpu.memory_space<vmem>>) semaphore(%run_scoped3A_365 : memref<!tpu.dma_semaphore, #tpu.memory_space<semaphore_mem>>) {add = true}
        %dma_wait3A_376 = arith.constant 0 : i32
        %dma_wait3A_377 = arith.constant 0 : i32
        %dma_wait3A_378 = tpu.memref_slice %arg8[%run_scoped3A_331, %dma_wait3A_376, %dma_wait3A_377] : memref<2x128x128xf32, #tpu.memory_space<vmem>> -> memref<1x128x128xf32, #tpu.memory_space<vmem>>
        %dma_wait3A_379 = tpu.memref_squeeze %dma_wait3A_378 : memref<1x128x128xf32, #tpu.memory_space<vmem>> -> memref<128x128xf32, #tpu.memory_space<vmem>>
        %dma_wait3A_380 = arith.constant 0 : i32
        %dma_wait3A_381 = tpu.memref_slice %arg7[%and3A_107, %run_scoped3A_332, %dma_wait3A_380] : memref<2x8x128xi32, #tpu.memory_space<vmem>> -> memref<1x1x128xi32, #tpu.memory_space<vmem>>
        %dma_wait3A_382 = tpu.memref_squeeze %dma_wait3A_381 : memref<1x1x128xi32, #tpu.memory_space<vmem>> -> memref<128xi32, #tpu.memory_space<vmem>>
        %dma_wait3A_383 = arith.constant 0 : i32
        %dma_wait3A_384 = arith.constant 0 : i32
        %dma_wait3A_385 = tpu.memref_slice %arg9[%dma_wait3A_383, %dma_wait3A_384] : memref<10240x128xf32, #tpu.memory_space<vmem_shared>> -> memref<10240x128xf32, #tpu.memory_space<vmem_shared>>
        tpu.wait_indirect_dma semaphore(%run_scoped3A_365 : memref<!tpu.dma_semaphore, #tpu.memory_space<semaphore_mem>>) src(%dma_wait3A_379 : memref<128x128xf32, #tpu.memory_space<vmem>>) dst(%dma_wait3A_385 : memref<10240x128xf32, #tpu.memory_space<vmem_shared>>)
        tpu.yield
      }) : () -> ()
      %add3A_333 = arith.constant 7 : i32
      %add3A_334 = arith.addi %mul3A_103, %add3A_333 : i32
      %add3A_335 = arith.constant 1 : i32
      %add3A_336 = arith.addi %add3A_334, %add3A_335 : i32
      %min3A_337 = arith.constant 79 : i32
      %min3A_338 = arith.minsi %add3A_336, %min3A_337 : i32
      %dma_start3A_339 = arith.constant 0 : i32
      %dma_start3A_340 = arith.constant 0 : i32
      %dma_start3A_341 = arith.constant 0 : i32
      %dma_start3A_342 = tpu.memref_slice %arg8[%dma_start3A_339, %dma_start3A_340, %dma_start3A_341] : memref<2x128x128xf32, #tpu.memory_space<vmem>> -> memref<1x128x128xf32, #tpu.memory_space<vmem>>
      %dma_start3A_343 = tpu.memref_squeeze %dma_start3A_342 : memref<1x128x128xf32, #tpu.memory_space<vmem>> -> memref<128x128xf32, #tpu.memory_space<vmem>>
      %dma_start3A_344 = arith.constant 0 : i32
      %dma_start3A_345 = tpu.memref_slice %arg6[%min3A_338, %dma_start3A_344] : memref<80x128xi32, #tpu.memory_space<vmem>> -> memref<1x128xi32, #tpu.memory_space<vmem>>
      %dma_start3A_346 = tpu.memref_squeeze %dma_start3A_345 : memref<1x128xi32, #tpu.memory_space<vmem>> -> memref<128xi32, #tpu.memory_space<vmem>>
      %dma_start3A_347 = arith.constant 0 : i32
      %dma_start3A_348 = arith.constant 0 : i32
      %dma_start3A_349 = tpu.memref_slice %arg2[%dma_start3A_347, %dma_start3A_348] : memref<10240x128xf32, #tpu.memory_space<hbm>> -> memref<10240x128xf32, #tpu.memory_space<hbm>>
      tpu.enqueue_indirect_dma source(%dma_start3A_349 : memref<10240x128xf32, #tpu.memory_space<hbm>>) target(%dma_start3A_343 : memref<128x128xf32, #tpu.memory_space<vmem>>) offsets(%dma_start3A_346 : memref<128xi32, #tpu.memory_space<vmem>>) semaphore(%arg10 : memref<!tpu.dma_semaphore, #tpu.memory_space<semaphore_mem>>)
      %dma_wait3A_350 = arith.constant 0 : i32
      %dma_wait3A_351 = arith.constant 1 : i32
      %dma_wait3A_352 = arith.constant 0 : i32
      %dma_wait3A_353 = arith.constant 0 : i32
      %dma_wait3A_354 = tpu.memref_slice %arg8[%dma_wait3A_351, %dma_wait3A_352, %dma_wait3A_353] : memref<2x128x128xf32, #tpu.memory_space<vmem>> -> memref<1x128x128xf32, #tpu.memory_space<vmem>>
      %dma_wait3A_355 = tpu.memref_squeeze %dma_wait3A_354 : memref<1x128x128xf32, #tpu.memory_space<vmem>> -> memref<128x128xf32, #tpu.memory_space<vmem>>
      %dma_wait3A_356 = arith.constant 0 : i32
      %dma_wait3A_357 = tpu.memref_slice %arg6[%dma_wait3A_350, %dma_wait3A_356] : memref<80x128xi32, #tpu.memory_space<vmem>> -> memref<1x128xi32, #tpu.memory_space<vmem>>
      %dma_wait3A_358 = tpu.memref_squeeze %dma_wait3A_357 : memref<1x128xi32, #tpu.memory_space<vmem>> -> memref<128xi32, #tpu.memory_space<vmem>>
      %dma_wait3A_359 = arith.constant 0 : i32
      %dma_wait3A_360 = arith.constant 0 : i32
      %dma_wait3A_361 = tpu.memref_slice %arg2[%dma_wait3A_359, %dma_wait3A_360] : memref<10240x128xf32, #tpu.memory_space<hbm>> -> memref<10240x128xf32, #tpu.memory_space<hbm>>
      tpu.wait_indirect_dma semaphore(%arg11 : memref<!tpu.dma_semaphore, #tpu.memory_space<semaphore_mem>>) src(%dma_wait3A_361 : memref<10240x128xf32, #tpu.memory_space<hbm>>) dst(%dma_wait3A_355 : memref<128x128xf32, #tpu.memory_space<vmem>>)
      %run_scoped3A_362 = arith.constant 1 : i32
      %run_scoped3A_363 = arith.constant 7 : i32
      "tpu.region"() ({
        %run_scoped3A_365 = tpu.sem_alloc : memref<!tpu.dma_semaphore, #tpu.memory_space<semaphore_mem>>
        %dma_start3A_366 = arith.constant 0 : i32
        %dma_start3A_367 = arith.constant 0 : i32
        %dma_start3A_368 = tpu.memref_slice %arg8[%run_scoped3A_362, %dma_start3A_366, %dma_start3A_367] : memref<2x128x128xf32, #tpu.memory_space<vmem>> -> memref<1x128x128xf32, #tpu.memory_space<vmem>>
        %dma_start3A_369 = tpu.memref_squeeze %dma_start3A_368 : memref<1x128x128xf32, #tpu.memory_space<vmem>> -> memref<128x128xf32, #tpu.memory_space<vmem>>
        %dma_start3A_370 = arith.constant 0 : i32
        %dma_start3A_371 = tpu.memref_slice %arg7[%and3A_107, %run_scoped3A_363, %dma_start3A_370] : memref<2x8x128xi32, #tpu.memory_space<vmem>> -> memref<1x1x128xi32, #tpu.memory_space<vmem>>
        %dma_start3A_372 = tpu.memref_squeeze %dma_start3A_371 : memref<1x1x128xi32, #tpu.memory_space<vmem>> -> memref<128xi32, #tpu.memory_space<vmem>>
        %dma_start3A_373 = arith.constant 0 : i32
        %dma_start3A_374 = arith.constant 0 : i32
        %dma_start3A_375 = tpu.memref_slice %arg9[%dma_start3A_373, %dma_start3A_374] : memref<10240x128xf32, #tpu.memory_space<vmem_shared>> -> memref<10240x128xf32, #tpu.memory_space<vmem_shared>>
        tpu.enqueue_indirect_dma source(%dma_start3A_369 : memref<128x128xf32, #tpu.memory_space<vmem>>) target(%dma_start3A_375 : memref<10240x128xf32, #tpu.memory_space<vmem_shared>>) offsets(%dma_start3A_372 : memref<128xi32, #tpu.memory_space<vmem>>) semaphore(%run_scoped3A_365 : memref<!tpu.dma_semaphore, #tpu.memory_space<semaphore_mem>>) {add = true}
        %dma_wait3A_376 = arith.constant 0 : i32
        %dma_wait3A_377 = arith.constant 0 : i32
        %dma_wait3A_378 = tpu.memref_slice %arg8[%run_scoped3A_362, %dma_wait3A_376, %dma_wait3A_377] : memref<2x128x128xf32, #tpu.memory_space<vmem>> -> memref<1x128x128xf32, #tpu.memory_space<vmem>>
        %dma_wait3A_379 = tpu.memref_squeeze %dma_wait3A_378 : memref<1x128x128xf32, #tpu.memory_space<vmem>> -> memref<128x128xf32, #tpu.memory_space<vmem>>
        %dma_wait3A_380 = arith.constant 0 : i32
        %dma_wait3A_381 = tpu.memref_slice %arg7[%and3A_107, %run_scoped3A_363, %dma_wait3A_380] : memref<2x8x128xi32, #tpu.memory_space<vmem>> -> memref<1x1x128xi32, #tpu.memory_space<vmem>>
        %dma_wait3A_382 = tpu.memref_squeeze %dma_wait3A_381 : memref<1x1x128xi32, #tpu.memory_space<vmem>> -> memref<128xi32, #tpu.memory_space<vmem>>
        %dma_wait3A_383 = arith.constant 0 : i32
        %dma_wait3A_384 = arith.constant 0 : i32
        %dma_wait3A_385 = tpu.memref_slice %arg9[%dma_wait3A_383, %dma_wait3A_384] : memref<10240x128xf32, #tpu.memory_space<vmem_shared>> -> memref<10240x128xf32, #tpu.memory_space<vmem_shared>>
        tpu.wait_indirect_dma semaphore(%run_scoped3A_365 : memref<!tpu.dma_semaphore, #tpu.memory_space<semaphore_mem>>) src(%dma_wait3A_379 : memref<128x128xf32, #tpu.memory_space<vmem>>) dst(%dma_wait3A_385 : memref<10240x128xf32, #tpu.memory_space<vmem_shared>>)
        tpu.yield
      }) : () -> ()
      %scan3A_364 = arith.constant 0 : i32
      scf.yield %scan3A_364 : i32
    }
    %scan3A_66 = arith.constant 10 : i32
    %dma_wait3A = arith.constant 0 : i32
    %dma_wait3A_67 = arith.constant 0 : i32
    %dma_wait3A_68 = arith.constant 0 : i32
    %dma_wait3A_69 = arith.constant 0 : i32
    %dma_wait3A_70 = tpu.memref_slice %arg8[%dma_wait3A_67, %dma_wait3A_68, %dma_wait3A_69] : memref<2x128x128xf32, #tpu.memory_space<vmem>> -> memref<1x128x128xf32, #tpu.memory_space<vmem>>
    %dma_wait3A_71 = tpu.memref_squeeze %dma_wait3A_70 : memref<1x128x128xf32, #tpu.memory_space<vmem>> -> memref<128x128xf32, #tpu.memory_space<vmem>>
    %dma_wait3A_72 = arith.constant 0 : i32
    %dma_wait3A_73 = tpu.memref_slice %arg6[%dma_wait3A, %dma_wait3A_72] : memref<80x128xi32, #tpu.memory_space<vmem>> -> memref<1x128xi32, #tpu.memory_space<vmem>>
    %dma_wait3A_74 = tpu.memref_squeeze %dma_wait3A_73 : memref<1x128xi32, #tpu.memory_space<vmem>> -> memref<128xi32, #tpu.memory_space<vmem>>
    %dma_wait3A_75 = arith.constant 0 : i32
    %dma_wait3A_76 = arith.constant 0 : i32
    %dma_wait3A_77 = tpu.memref_slice %arg2[%dma_wait3A_75, %dma_wait3A_76] : memref<10240x128xf32, #tpu.memory_space<hbm>> -> memref<10240x128xf32, #tpu.memory_space<hbm>>
    tpu.wait_indirect_dma semaphore(%arg10 : memref<!tpu.dma_semaphore, #tpu.memory_space<semaphore_mem>>) src(%dma_wait3A_77 : memref<10240x128xf32, #tpu.memory_space<hbm>>) dst(%dma_wait3A_71 : memref<128x128xf32, #tpu.memory_space<vmem>>)
    %dma_wait3A_78 = arith.constant 0 : i32
    %dma_wait3A_79 = arith.constant 0 : i32
    %dma_wait3A_80 = arith.constant 0 : i32
    %dma_wait3A_81 = tpu.memref_slice %arg7[%dma_wait3A_78, %dma_wait3A_79, %dma_wait3A_80] : memref<2x8x128xi32, #tpu.memory_space<vmem>> -> memref<1x8x128xi32, #tpu.memory_space<vmem>>
    %dma_wait3A_82 = tpu.memref_squeeze %dma_wait3A_81 : memref<1x8x128xi32, #tpu.memory_space<vmem>> -> memref<8x128xi32, #tpu.memory_space<vmem>>
    %dma_wait3A_83 = arith.constant 0 : i32
    %dma_wait3A_84 = arith.constant 0 : i32
    %dma_wait3A_85 = tpu.memref_slice %arg4[%add3A, %dma_wait3A_83, %dma_wait3A_84] : memref<32x80x128xi32, #tpu.memory_space<hbm>> -> memref<1x8x128xi32, #tpu.memory_space<hbm>>
    %dma_wait3A_86 = tpu.memref_squeeze %dma_wait3A_85 : memref<1x8x128xi32, #tpu.memory_space<hbm>> -> memref<8x128xi32, #tpu.memory_space<hbm>>
    %dma_wait3A_87 = arith.constant 0 : i32
    %dma_wait3A_88 = arith.constant 0 : i32
    %dma_wait3A_89 = tpu.memref_slice %arg7[%dma_wait3A_78, %dma_wait3A_87, %dma_wait3A_88] : memref<2x8x128xi32, #tpu.memory_space<vmem>> -> memref<1x8x128xi32, #tpu.memory_space<vmem>>
    %dma_wait3A_90 = tpu.memref_squeeze %dma_wait3A_89 : memref<1x8x128xi32, #tpu.memory_space<vmem>> -> memref<8x128xi32, #tpu.memory_space<vmem>>
    %dma_wait3A_91 = arith.constant 0 : i32
    %dma_wait3A_92 = arith.constant 0 : i32
    %dma_wait3A_93 = tpu.memref_slice %arg4[%add3A, %dma_wait3A_91, %dma_wait3A_92] : memref<32x80x128xi32, #tpu.memory_space<hbm>> -> memref<1x8x128xi32, #tpu.memory_space<hbm>>
    %dma_wait3A_94 = tpu.memref_squeeze %dma_wait3A_93 : memref<1x8x128xi32, #tpu.memory_space<hbm>> -> memref<8x128xi32, #tpu.memory_space<hbm>>
    tpu.wait_dma2 semaphore(%arg12 : memref<!tpu.dma_semaphore, #tpu.memory_space<semaphore_mem>>) src(%dma_wait3A_94 : memref<8x128xi32, #tpu.memory_space<hbm>>) dst(%dma_wait3A_90 : memref<8x128xi32, #tpu.memory_space<vmem>>)
    %barrier3A_95 = arith.constant 0 : index
    tpu.barrier barrier_id(%barrier3A_95)
    %mul3A_96 = arith.constant 640 : i32
    %mul3A_97 = arith.muli %arg1, %mul3A_96 : i32
    %mul3A_98 = arith.constant 640 : i32
    %mul3A_99 = arith.muli %arg1, %mul3A_98 : i32
    "tpu.region"() ({
      %run_scoped3A_100 = tpu.sem_alloc : memref<!tpu.dma_semaphore, #tpu.memory_space<semaphore_mem>>
      %dma_start3A_101 = arith.constant 0 : i32
      %dma_start3A_102 = tpu.memref_slice %arg5[%arg0, %mul3A_99, %dma_start3A_101] : memref<2x10240x128xf32, #tpu.memory_space<hbm>> -> memref<1x640x128xf32, #tpu.memory_space<hbm>>
      %dma_start3A_103 = tpu.memref_squeeze %dma_start3A_102 : memref<1x640x128xf32, #tpu.memory_space<hbm>> -> memref<640x128xf32, #tpu.memory_space<hbm>>
      %dma_start3A_104 = arith.constant 0 : i32
      %dma_start3A_105 = tpu.memref_slice %arg9[%mul3A_97, %dma_start3A_104] : memref<10240x128xf32, #tpu.memory_space<vmem_shared>> -> memref<640x128xf32, #tpu.memory_space<vmem_shared>>
      tpu.enqueue_dma source(%dma_start3A_105 : memref<640x128xf32, #tpu.memory_space<vmem_shared>>) target(%dma_start3A_103 : memref<640x128xf32, #tpu.memory_space<hbm>>) target_semaphore(%run_scoped3A_100 : memref<!tpu.dma_semaphore, #tpu.memory_space<semaphore_mem>>)
      %dma_wait3A_106 = arith.constant 0 : i32
      %dma_wait3A_107 = tpu.memref_slice %arg5[%arg0, %mul3A_99, %dma_wait3A_106] : memref<2x10240x128xf32, #tpu.memory_space<hbm>> -> memref<1x640x128xf32, #tpu.memory_space<hbm>>
      %dma_wait3A_108 = tpu.memref_squeeze %dma_wait3A_107 : memref<1x640x128xf32, #tpu.memory_space<hbm>> -> memref<640x128xf32, #tpu.memory_space<hbm>>
      %dma_wait3A_109 = arith.constant 0 : i32
      %dma_wait3A_110 = tpu.memref_slice %arg9[%mul3A_97, %dma_wait3A_109] : memref<10240x128xf32, #tpu.memory_space<vmem_shared>> -> memref<640x128xf32, #tpu.memory_space<vmem_shared>>
      tpu.wait_dma2 semaphore(%run_scoped3A_100 : memref<!tpu.dma_semaphore, #tpu.memory_space<semaphore_mem>>) src(%dma_wait3A_110 : memref<640x128xf32, #tpu.memory_space<vmem_shared>>) dst(%dma_wait3A_108 : memref<640x128xf32, #tpu.memory_space<hbm>>)
      tpu.yield
    }) : () -> ()
    return
  }
}

#map = affine_map<(d0, d1) -> (0, 0)>
#map1 = affine_map<(d0, d1) -> (0, 0, 0)>
module attributes {stable_mosaic.version = 14 : i64} {
  func.func @k(%arg0: i32, %arg1: i32, %arg2: memref<10240x128xf32, #tpu.memory_space<hbm>>, %arg3: memref<32x80x128xi32, #tpu.memory_space<hbm>>, %arg4: memref<32x80x128xi32, #tpu.memory_space<hbm>>, %arg5: memref<2x10240x128xf32, #tpu.memory_space<hbm>>, %arg6: memref<80x128xi32, #tpu.memory_space<vmem>>, %arg7: memref<2x8x128xi32, #tpu.memory_space<vmem>>, %arg8: memref<2x128x128xf32, #tpu.memory_space<vmem>>, %arg9: memref<10240x128xf32, #tpu.memory_space<vmem_shared>>, %arg10: memref<!tpu.dma_semaphore, #tpu.memory_space<semaphore_mem>>, %arg11: memref<!tpu.dma_semaphore, #tpu.memory_space<semaphore_mem>>, %arg12: memref<!tpu.dma_semaphore, #tpu.memory_space<semaphore_mem>>, %arg13: memref<!tpu.dma_semaphore, #tpu.memory_space<semaphore_mem>>) attributes {dimension_semantics = [#tpu.dimension_semantics<core_parallel>, #tpu.dimension_semantics<subcore_parallel>], iteration_bounds = array<i64: 2, 16>, scalar_prefetch = 0 : i64, scratch_operands = 8 : i64, tpu.core_type = #tpu.core_type<sc_vector_subcore>, window_params = [{transform_indices = #map}, {transform_indices = #map1}, {transform_indices = #map1}, {transform_indices = #map1}]} {
    %mul3A = arith.constant 2 : i32
    %mul3A_0 = arith.muli %arg1, %mul3A : i32
    %add3A = arith.addi %mul3A_0, %arg0 : i32
    %broadcast_in_dim3A = arith.constant 0.000000e+00 : f32
    %broadcast_in_dim3A_1 = vector.broadcast %broadcast_in_dim3A : f32 to vector<16xf32>
    %scan3A = arith.constant 0 : i32
    %scan3A_2 = arith.constant 0 : i32
    %scan3A_3 = arith.constant 128 : i32
    %scan3A_4 = arith.addi %scan3A_2, %scan3A_3 : i32
    %scan3A_5 = arith.constant 1 : i32
    %scan3A_6 = scf.for %scan3A_100 = %scan3A_2 to %scan3A_4 step %scan3A_5 iter_args(%scan3A_101 = %scan3A) -> (i32)  : i32 {
      %swap3A = arith.constant 0 : i32
      %swap3A_102 = arith.index_cast %swap3A : i32 to index
      %swap3A_103 = arith.index_cast %scan3A_100 : i32 to index
      %swap3A_104 = arith.constant 0 : index
      %swap3A_105 = tpu.vector_load %arg8[%swap3A_102, %swap3A_103, %swap3A_104] {strides = array<i32>} : memref<2x128x128xf32, #tpu.memory_space<vmem>>, vector<1x1x16xf32>,
      %swap3A_106 = vector.shape_cast %swap3A_105 : vector<1x1x16xf32> to vector<16xf32>
      %swap3A_107 = vector.shape_cast %broadcast_in_dim3A_1 : vector<16xf32> to vector<1x1x16xf32>
      tpu.vector_store %arg8[%swap3A_102, %swap3A_103, %swap3A_104], %swap3A_107 {strides = array<i32>} : memref<2x128x128xf32, #tpu.memory_space<vmem>>, vector<1x1x16xf32>,
      %swap3A_108 = arith.constant 0 : i32
      %swap3A_109 = arith.index_cast %swap3A_108 : i32 to index
      %swap3A_110 = arith.index_cast %scan3A_100 : i32 to index
      %swap3A_111 = arith.constant 16 : index
      %swap3A_112 = tpu.vector_load %arg8[%swap3A_109, %swap3A_110, %swap3A_111] {strides = array<i32>} : memref<2x128x128xf32, #tpu.memory_space<vmem>>, vector<1x1x16xf32>,
      %swap3A_113 = vector.shape_cast %swap3A_112 : vector<1x1x16xf32> to vector<16xf32>
      %swap3A_114 = vector.shape_cast %broadcast_in_dim3A_1 : vector<16xf32> to vector<1x1x16xf32>
      tpu.vector_store %arg8[%swap3A_109, %swap3A_110, %swap3A_111], %swap3A_114 {strides = array<i32>} : memref<2x128x128xf32, #tpu.memory_space<vmem>>, vector<1x1x16xf32>,
      %swap3A_115 = arith.constant 0 : i32
      %swap3A_116 = arith.index_cast %swap3A_115 : i32 to index
      %swap3A_117 = arith.index_cast %scan3A_100 : i32 to index
      %swap3A_118 = arith.constant 32 : index
      %swap3A_119 = tpu.vector_load %arg8[%swap3A_116, %swap3A_117, %swap3A_118] {strides = array<i32>} : memref<2x128x128xf32, #tpu.memory_space<vmem>>, vector<1x1x16xf32>,
      %swap3A_120 = vector.shape_cast %swap3A_119 : vector<1x1x16xf32> to vector<16xf32>
      %swap3A_121 = vector.shape_cast %broadcast_in_dim3A_1 : vector<16xf32> to vector<1x1x16xf32>
      tpu.vector_store %arg8[%swap3A_116, %swap3A_117, %swap3A_118], %swap3A_121 {strides = array<i32>} : memref<2x128x128xf32, #tpu.memory_space<vmem>>, vector<1x1x16xf32>,
      %swap3A_122 = arith.constant 0 : i32
      %swap3A_123 = arith.index_cast %swap3A_122 : i32 to index
      %swap3A_124 = arith.index_cast %scan3A_100 : i32 to index
      %swap3A_125 = arith.constant 48 : index
      %swap3A_126 = tpu.vector_load %arg8[%swap3A_123, %swap3A_124, %swap3A_125] {strides = array<i32>} : memref<2x128x128xf32, #tpu.memory_space<vmem>>, vector<1x1x16xf32>,
      %swap3A_127 = vector.shape_cast %swap3A_126 : vector<1x1x16xf32> to vector<16xf32>
      %swap3A_128 = vector.shape_cast %broadcast_in_dim3A_1 : vector<16xf32> to vector<1x1x16xf32>
      tpu.vector_store %arg8[%swap3A_123, %swap3A_124, %swap3A_125], %swap3A_128 {strides = array<i32>} : memref<2x128x128xf32, #tpu.memory_space<vmem>>, vector<1x1x16xf32>,
      %swap3A_129 = arith.constant 0 : i32
      %swap3A_130 = arith.index_cast %swap3A_129 : i32 to index
      %swap3A_131 = arith.index_cast %scan3A_100 : i32 to index
      %swap3A_132 = arith.constant 64 : index
      %swap3A_133 = tpu.vector_load %arg8[%swap3A_130, %swap3A_131, %swap3A_132] {strides = array<i32>} : memref<2x128x128xf32, #tpu.memory_space<vmem>>, vector<1x1x16xf32>,
      %swap3A_134 = vector.shape_cast %swap3A_133 : vector<1x1x16xf32> to vector<16xf32>
      %swap3A_135 = vector.shape_cast %broadcast_in_dim3A_1 : vector<16xf32> to vector<1x1x16xf32>
      tpu.vector_store %arg8[%swap3A_130, %swap3A_131, %swap3A_132], %swap3A_135 {strides = array<i32>} : memref<2x128x128xf32, #tpu.memory_space<vmem>>, vector<1x1x16xf32>,
      %swap3A_136 = arith.constant 0 : i32
      %swap3A_137 = arith.index_cast %swap3A_136 : i32 to index
      %swap3A_138 = arith.index_cast %scan3A_100 : i32 to index
      %swap3A_139 = arith.constant 80 : index
      %swap3A_140 = tpu.vector_load %arg8[%swap3A_137, %swap3A_138, %swap3A_139] {strides = array<i32>} : memref<2x128x128xf32, #tpu.memory_space<vmem>>, vector<1x1x16xf32>,
      %swap3A_141 = vector.shape_cast %swap3A_140 : vector<1x1x16xf32> to vector<16xf32>
      %swap3A_142 = vector.shape_cast %broadcast_in_dim3A_1 : vector<16xf32> to vector<1x1x16xf32>
      tpu.vector_store %arg8[%swap3A_137, %swap3A_138, %swap3A_139], %swap3A_142 {strides = array<i32>} : memref<2x128x128xf32, #tpu.memory_space<vmem>>, vector<1x1x16xf32>,
      %swap3A_143 = arith.constant 0 : i32
      %swap3A_144 = arith.index_cast %swap3A_143 : i32 to index
      %swap3A_145 = arith.index_cast %scan3A_100 : i32 to index
      %swap3A_146 = arith.constant 96 : index
      %swap3A_147 = tpu.vector_load %arg8[%swap3A_144, %swap3A_145, %swap3A_146] {strides = array<i32>} : memref<2x128x128xf32, #tpu.memory_space<vmem>>, vector<1x1x16xf32>,
      %swap3A_148 = vector.shape_cast %swap3A_147 : vector<1x1x16xf32> to vector<16xf32>
      %swap3A_149 = vector.shape_cast %broadcast_in_dim3A_1 : vector<16xf32> to vector<1x1x16xf32>
      tpu.vector_store %arg8[%swap3A_144, %swap3A_145, %swap3A_146], %swap3A_149 {strides = array<i32>} : memref<2x128x128xf32, #tpu.memory_space<vmem>>, vector<1x1x16xf32>,
      %swap3A_150 = arith.constant 0 : i32
      %swap3A_151 = arith.index_cast %swap3A_150 : i32 to index
      %swap3A_152 = arith.index_cast %scan3A_100 : i32 to index
      %swap3A_153 = arith.constant 112 : index
      %swap3A_154 = tpu.vector_load %arg8[%swap3A_151, %swap3A_152, %swap3A_153] {strides = array<i32>} : memref<2x128x128xf32, #tpu.memory_space<vmem>>, vector<1x1x16xf32>,
      %swap3A_155 = vector.shape_cast %swap3A_154 : vector<1x1x16xf32> to vector<16xf32>
      %swap3A_156 = vector.shape_cast %broadcast_in_dim3A_1 : vector<16xf32> to vector<1x1x16xf32>
      tpu.vector_store %arg8[%swap3A_151, %swap3A_152, %swap3A_153], %swap3A_156 {strides = array<i32>} : memref<2x128x128xf32, #tpu.memory_space<vmem>>, vector<1x1x16xf32>,
      %scan3A_157 = arith.constant 0 : i32
      scf.yield %scan3A_157 : i32
    }
    %scan3A_7 = arith.constant 128 : i32
    %mul3A_8 = arith.constant 640 : i32
    %mul3A_9 = arith.muli %arg1, %mul3A_8 : i32
    %add3A_10 = arith.constant 0 : i32
    %add3A_11 = arith.addi %mul3A_9, %add3A_10 : i32
    %run_scoped3A = arith.constant 0 : i32
    "tpu.region"() ({
      %run_scoped3A_100 = tpu.sem_alloc : memref<!tpu.dma_semaphore, #tpu.memory_space<semaphore_mem>>
      %dma_start3A_101 = arith.constant 0 : i32
      %dma_start3A_102 = arith.constant 0 : i32
      %dma_start3A_103 = tpu.memref_slice %arg8[%run_scoped3A, %dma_start3A_101, %dma_start3A_102] : memref<2x128x128xf32, #tpu.memory_space<vmem>> -> memref<1x128x128xf32, #tpu.memory_space<vmem>>
      %dma_start3A_104 = tpu.memref_squeeze %dma_start3A_103 : memref<1x128x128xf32, #tpu.memory_space<vmem>> -> memref<128x128xf32, #tpu.memory_space<vmem>>
      %dma_start3A_105 = arith.constant 0 : i32
      %dma_start3A_106 = tpu.memref_slice %arg9[%add3A_11, %dma_start3A_105] : memref<10240x128xf32, #tpu.memory_space<vmem_shared>> -> memref<128x128xf32, #tpu.memory_space<vmem_shared>>
      %dma_start3A_107 = arith.constant 0 : i32
      %dma_start3A_108 = tpu.memref_slice %arg9[%add3A_11, %dma_start3A_107] : memref<10240x128xf32, #tpu.memory_space<vmem_shared>> -> memref<128x128xf32, #tpu.memory_space<vmem_shared>>
      %dma_start3A_109 = arith.constant 0 : i32
      %dma_start3A_110 = arith.constant 0 : i32
      %dma_start3A_111 = tpu.memref_slice %arg8[%run_scoped3A, %dma_start3A_109, %dma_start3A_110] : memref<2x128x128xf32, #tpu.memory_space<vmem>> -> memref<1x128x128xf32, #tpu.memory_space<vmem>>
      %dma_start3A_112 = tpu.memref_squeeze %dma_start3A_111 : memref<1x128x128xf32, #tpu.memory_space<vmem>> -> memref<128x128xf32, #tpu.memory_space<vmem>>
      tpu.enqueue_dma source(%dma_start3A_112 : memref<128x128xf32, #tpu.memory_space<vmem>>) target(%dma_start3A_108 : memref<128x128xf32, #tpu.memory_space<vmem_shared>>) target_semaphore(%run_scoped3A_100 : memref<!tpu.dma_semaphore, #tpu.memory_space<semaphore_mem>>)
      %dma_wait3A_113 = arith.constant 0 : i32
      %dma_wait3A_114 = arith.constant 0 : i32
      %dma_wait3A_115 = tpu.memref_slice %arg8[%run_scoped3A, %dma_wait3A_113, %dma_wait3A_114] : memref<2x128x128xf32, #tpu.memory_space<vmem>> -> memref<1x128x128xf32, #tpu.memory_space<vmem>>
      %dma_wait3A_116 = tpu.memref_squeeze %dma_wait3A_115 : memref<1x128x128xf32, #tpu.memory_space<vmem>> -> memref<128x128xf32, #tpu.memory_space<vmem>>
      %dma_wait3A_117 = arith.constant 0 : i32
      %dma_wait3A_118 = tpu.memref_slice %arg9[%add3A_11, %dma_wait3A_117] : memref<10240x128xf32, #tpu.memory_space<vmem_shared>> -> memref<128x128xf32, #tpu.memory_space<vmem_shared>>
      %dma_wait3A_119 = arith.constant 0 : i32
      %dma_wait3A_120 = tpu.memref_slice %arg9[%add3A_11, %dma_wait3A_119] : memref<10240x128xf32, #tpu.memory_space<vmem_shared>> -> memref<128x128xf32, #tpu.memory_space<vmem_shared>>
      %dma_wait3A_121 = arith.constant 0 : i32
      %dma_wait3A_122 = arith.constant 0 : i32
      %dma_wait3A_123 = tpu.memref_slice %arg8[%run_scoped3A, %dma_wait3A_121, %dma_wait3A_122] : memref<2x128x128xf32, #tpu.memory_space<vmem>> -> memref<1x128x128xf32, #tpu.memory_space<vmem>>
      %dma_wait3A_124 = tpu.memref_squeeze %dma_wait3A_123 : memref<1x128x128xf32, #tpu.memory_space<vmem>> -> memref<128x128xf32, #tpu.memory_space<vmem>>
      tpu.wait_dma2 semaphore(%run_scoped3A_100 : memref<!tpu.dma_semaphore, #tpu.memory_space<semaphore_mem>>) src(%dma_wait3A_124 : memref<128x128xf32, #tpu.memory_space<vmem>>) dst(%dma_wait3A_120 : memref<128x128xf32, #tpu.memory_space<vmem_shared>>)
      tpu.yield
    }) : () -> ()
    %mul3A_12 = arith.constant 640 : i32
    %mul3A_13 = arith.muli %arg1, %mul3A_12 : i32
    %add3A_14 = arith.constant 128 : i32
    %add3A_15 = arith.addi %mul3A_13, %add3A_14 : i32
    %run_scoped3A_16 = arith.constant 0 : i32
    "tpu.region"() ({
      %run_scoped3A_100 = tpu.sem_alloc : memref<!tpu.dma_semaphore, #tpu.memory_space<semaphore_mem>>
      %dma_start3A_101 = arith.constant 0 : i32
      %dma_start3A_102 = arith.constant 0 : i32
      %dma_start3A_103 = tpu.memref_slice %arg8[%run_scoped3A_16, %dma_start3A_101, %dma_start3A_102] : memref<2x128x128xf32, #tpu.memory_space<vmem>> -> memref<1x128x128xf32, #tpu.memory_space<vmem>>
      %dma_start3A_104 = tpu.memref_squeeze %dma_start3A_103 : memref<1x128x128xf32, #tpu.memory_space<vmem>> -> memref<128x128xf32, #tpu.memory_space<vmem>>
      %dma_start3A_105 = arith.constant 0 : i32
      %dma_start3A_106 = tpu.memref_slice %arg9[%add3A_15, %dma_start3A_105] : memref<10240x128xf32, #tpu.memory_space<vmem_shared>> -> memref<128x128xf32, #tpu.memory_space<vmem_shared>>
      %dma_start3A_107 = arith.constant 0 : i32
      %dma_start3A_108 = tpu.memref_slice %arg9[%add3A_15, %dma_start3A_107] : memref<10240x128xf32, #tpu.memory_space<vmem_shared>> -> memref<128x128xf32, #tpu.memory_space<vmem_shared>>
      %dma_start3A_109 = arith.constant 0 : i32
      %dma_start3A_110 = arith.constant 0 : i32
      %dma_start3A_111 = tpu.memref_slice %arg8[%run_scoped3A_16, %dma_start3A_109, %dma_start3A_110] : memref<2x128x128xf32, #tpu.memory_space<vmem>> -> memref<1x128x128xf32, #tpu.memory_space<vmem>>
      %dma_start3A_112 = tpu.memref_squeeze %dma_start3A_111 : memref<1x128x128xf32, #tpu.memory_space<vmem>> -> memref<128x128xf32, #tpu.memory_space<vmem>>
      tpu.enqueue_dma source(%dma_start3A_112 : memref<128x128xf32, #tpu.memory_space<vmem>>) target(%dma_start3A_108 : memref<128x128xf32, #tpu.memory_space<vmem_shared>>) target_semaphore(%run_scoped3A_100 : memref<!tpu.dma_semaphore, #tpu.memory_space<semaphore_mem>>)
      %dma_wait3A_113 = arith.constant 0 : i32
      %dma_wait3A_114 = arith.constant 0 : i32
      %dma_wait3A_115 = tpu.memref_slice %arg8[%run_scoped3A_16, %dma_wait3A_113, %dma_wait3A_114] : memref<2x128x128xf32, #tpu.memory_space<vmem>> -> memref<1x128x128xf32, #tpu.memory_space<vmem>>
      %dma_wait3A_116 = tpu.memref_squeeze %dma_wait3A_115 : memref<1x128x128xf32, #tpu.memory_space<vmem>> -> memref<128x128xf32, #tpu.memory_space<vmem>>
      %dma_wait3A_117 = arith.constant 0 : i32
      %dma_wait3A_118 = tpu.memref_slice %arg9[%add3A_15, %dma_wait3A_117] : memref<10240x128xf32, #tpu.memory_space<vmem_shared>> -> memref<128x128xf32, #tpu.memory_space<vmem_shared>>
      %dma_wait3A_119 = arith.constant 0 : i32
      %dma_wait3A_120 = tpu.memref_slice %arg9[%add3A_15, %dma_wait3A_119] : memref<10240x128xf32, #tpu.memory_space<vmem_shared>> -> memref<128x128xf32, #tpu.memory_space<vmem_shared>>
      %dma_wait3A_121 = arith.constant 0 : i32
      %dma_wait3A_122 = arith.constant 0 : i32
      %dma_wait3A_123 = tpu.memref_slice %arg8[%run_scoped3A_16, %dma_wait3A_121, %dma_wait3A_122] : memref<2x128x128xf32, #tpu.memory_space<vmem>> -> memref<1x128x128xf32, #tpu.memory_space<vmem>>
      %dma_wait3A_124 = tpu.memref_squeeze %dma_wait3A_123 : memref<1x128x128xf32, #tpu.memory_space<vmem>> -> memref<128x128xf32, #tpu.memory_space<vmem>>
      tpu.wait_dma2 semaphore(%run_scoped3A_100 : memref<!tpu.dma_semaphore, #tpu.memory_space<semaphore_mem>>) src(%dma_wait3A_124 : memref<128x128xf32, #tpu.memory_space<vmem>>) dst(%dma_wait3A_120 : memref<128x128xf32, #tpu.memory_space<vmem_shared>>)
      tpu.yield
    }) : () -> ()
    %mul3A_17 = arith.constant 640 : i32
    %mul3A_18 = arith.muli %arg1, %mul3A_17 : i32
    %add3A_19 = arith.constant 256 : i32
    %add3A_20 = arith.addi %mul3A_18, %add3A_19 : i32
    %run_scoped3A_21 = arith.constant 0 : i32
    "tpu.region"() ({
      %run_scoped3A_100 = tpu.sem_alloc : memref<!tpu.dma_semaphore, #tpu.memory_space<semaphore_mem>>
      %dma_start3A_101 = arith.constant 0 : i32
      %dma_start3A_102 = arith.constant 0 : i32
      %dma_start3A_103 = tpu.memref_slice %arg8[%run_scoped3A_21, %dma_start3A_101, %dma_start3A_102] : memref<2x128x128xf32, #tpu.memory_space<vmem>> -> memref<1x128x128xf32, #tpu.memory_space<vmem>>
      %dma_start3A_104 = tpu.memref_squeeze %dma_start3A_103 : memref<1x128x128xf32, #tpu.memory_space<vmem>> -> memref<128x128xf32, #tpu.memory_space<vmem>>
      %dma_start3A_105 = arith.constant 0 : i32
      %dma_start3A_106 = tpu.memref_slice %arg9[%add3A_20, %dma_start3A_105] : memref<10240x128xf32, #tpu.memory_space<vmem_shared>> -> memref<128x128xf32, #tpu.memory_space<vmem_shared>>
      %dma_start3A_107 = arith.constant 0 : i32
      %dma_start3A_108 = tpu.memref_slice %arg9[%add3A_20, %dma_start3A_107] : memref<10240x128xf32, #tpu.memory_space<vmem_shared>> -> memref<128x128xf32, #tpu.memory_space<vmem_shared>>
      %dma_start3A_109 = arith.constant 0 : i32
      %dma_start3A_110 = arith.constant 0 : i32
      %dma_start3A_111 = tpu.memref_slice %arg8[%run_scoped3A_21, %dma_start3A_109, %dma_start3A_110] : memref<2x128x128xf32, #tpu.memory_space<vmem>> -> memref<1x128x128xf32, #tpu.memory_space<vmem>>
      %dma_start3A_112 = tpu.memref_squeeze %dma_start3A_111 : memref<1x128x128xf32, #tpu.memory_space<vmem>> -> memref<128x128xf32, #tpu.memory_space<vmem>>
      tpu.enqueue_dma source(%dma_start3A_112 : memref<128x128xf32, #tpu.memory_space<vmem>>) target(%dma_start3A_108 : memref<128x128xf32, #tpu.memory_space<vmem_shared>>) target_semaphore(%run_scoped3A_100 : memref<!tpu.dma_semaphore, #tpu.memory_space<semaphore_mem>>)
      %dma_wait3A_113 = arith.constant 0 : i32
      %dma_wait3A_114 = arith.constant 0 : i32
      %dma_wait3A_115 = tpu.memref_slice %arg8[%run_scoped3A_21, %dma_wait3A_113, %dma_wait3A_114] : memref<2x128x128xf32, #tpu.memory_space<vmem>> -> memref<1x128x128xf32, #tpu.memory_space<vmem>>
      %dma_wait3A_116 = tpu.memref_squeeze %dma_wait3A_115 : memref<1x128x128xf32, #tpu.memory_space<vmem>> -> memref<128x128xf32, #tpu.memory_space<vmem>>
      %dma_wait3A_117 = arith.constant 0 : i32
      %dma_wait3A_118 = tpu.memref_slice %arg9[%add3A_20, %dma_wait3A_117] : memref<10240x128xf32, #tpu.memory_space<vmem_shared>> -> memref<128x128xf32, #tpu.memory_space<vmem_shared>>
      %dma_wait3A_119 = arith.constant 0 : i32
      %dma_wait3A_120 = tpu.memref_slice %arg9[%add3A_20, %dma_wait3A_119] : memref<10240x128xf32, #tpu.memory_space<vmem_shared>> -> memref<128x128xf32, #tpu.memory_space<vmem_shared>>
      %dma_wait3A_121 = arith.constant 0 : i32
      %dma_wait3A_122 = arith.constant 0 : i32
      %dma_wait3A_123 = tpu.memref_slice %arg8[%run_scoped3A_21, %dma_wait3A_121, %dma_wait3A_122] : memref<2x128x128xf32, #tpu.memory_space<vmem>> -> memref<1x128x128xf32, #tpu.memory_space<vmem>>
      %dma_wait3A_124 = tpu.memref_squeeze %dma_wait3A_123 : memref<1x128x128xf32, #tpu.memory_space<vmem>> -> memref<128x128xf32, #tpu.memory_space<vmem>>
      tpu.wait_dma2 semaphore(%run_scoped3A_100 : memref<!tpu.dma_semaphore, #tpu.memory_space<semaphore_mem>>) src(%dma_wait3A_124 : memref<128x128xf32, #tpu.memory_space<vmem>>) dst(%dma_wait3A_120 : memref<128x128xf32, #tpu.memory_space<vmem_shared>>)
      tpu.yield
    }) : () -> ()
    %mul3A_22 = arith.constant 640 : i32
    %mul3A_23 = arith.muli %arg1, %mul3A_22 : i32
    %add3A_24 = arith.constant 384 : i32
    %add3A_25 = arith.addi %mul3A_23, %add3A_24 : i32
    %run_scoped3A_26 = arith.constant 0 : i32
    "tpu.region"() ({
      %run_scoped3A_100 = tpu.sem_alloc : memref<!tpu.dma_semaphore, #tpu.memory_space<semaphore_mem>>
      %dma_start3A_101 = arith.constant 0 : i32
      %dma_start3A_102 = arith.constant 0 : i32
      %dma_start3A_103 = tpu.memref_slice %arg8[%run_scoped3A_26, %dma_start3A_101, %dma_start3A_102] : memref<2x128x128xf32, #tpu.memory_space<vmem>> -> memref<1x128x128xf32, #tpu.memory_space<vmem>>
      %dma_start3A_104 = tpu.memref_squeeze %dma_start3A_103 : memref<1x128x128xf32, #tpu.memory_space<vmem>> -> memref<128x128xf32, #tpu.memory_space<vmem>>
      %dma_start3A_105 = arith.constant 0 : i32
      %dma_start3A_106 = tpu.memref_slice %arg9[%add3A_25, %dma_start3A_105] : memref<10240x128xf32, #tpu.memory_space<vmem_shared>> -> memref<128x128xf32, #tpu.memory_space<vmem_shared>>
      %dma_start3A_107 = arith.constant 0 : i32
      %dma_start3A_108 = tpu.memref_slice %arg9[%add3A_25, %dma_start3A_107] : memref<10240x128xf32, #tpu.memory_space<vmem_shared>> -> memref<128x128xf32, #tpu.memory_space<vmem_shared>>
      %dma_start3A_109 = arith.constant 0 : i32
      %dma_start3A_110 = arith.constant 0 : i32
      %dma_start3A_111 = tpu.memref_slice %arg8[%run_scoped3A_26, %dma_start3A_109, %dma_start3A_110] : memref<2x128x128xf32, #tpu.memory_space<vmem>> -> memref<1x128x128xf32, #tpu.memory_space<vmem>>
      %dma_start3A_112 = tpu.memref_squeeze %dma_start3A_111 : memref<1x128x128xf32, #tpu.memory_space<vmem>> -> memref<128x128xf32, #tpu.memory_space<vmem>>
      tpu.enqueue_dma source(%dma_start3A_112 : memref<128x128xf32, #tpu.memory_space<vmem>>) target(%dma_start3A_108 : memref<128x128xf32, #tpu.memory_space<vmem_shared>>) target_semaphore(%run_scoped3A_100 : memref<!tpu.dma_semaphore, #tpu.memory_space<semaphore_mem>>)
      %dma_wait3A_113 = arith.constant 0 : i32
      %dma_wait3A_114 = arith.constant 0 : i32
      %dma_wait3A_115 = tpu.memref_slice %arg8[%run_scoped3A_26, %dma_wait3A_113, %dma_wait3A_114] : memref<2x128x128xf32, #tpu.memory_space<vmem>> -> memref<1x128x128xf32, #tpu.memory_space<vmem>>
      %dma_wait3A_116 = tpu.memref_squeeze %dma_wait3A_115 : memref<1x128x128xf32, #tpu.memory_space<vmem>> -> memref<128x128xf32, #tpu.memory_space<vmem>>
      %dma_wait3A_117 = arith.constant 0 : i32
      %dma_wait3A_118 = tpu.memref_slice %arg9[%add3A_25, %dma_wait3A_117] : memref<10240x128xf32, #tpu.memory_space<vmem_shared>> -> memref<128x128xf32, #tpu.memory_space<vmem_shared>>
      %dma_wait3A_119 = arith.constant 0 : i32
      %dma_wait3A_120 = tpu.memref_slice %arg9[%add3A_25, %dma_wait3A_119] : memref<10240x128xf32, #tpu.memory_space<vmem_shared>> -> memref<128x128xf32, #tpu.memory_space<vmem_shared>>
      %dma_wait3A_121 = arith.constant 0 : i32
      %dma_wait3A_122 = arith.constant 0 : i32
      %dma_wait3A_123 = tpu.memref_slice %arg8[%run_scoped3A_26, %dma_wait3A_121, %dma_wait3A_122] : memref<2x128x128xf32, #tpu.memory_space<vmem>> -> memref<1x128x128xf32, #tpu.memory_space<vmem>>
      %dma_wait3A_124 = tpu.memref_squeeze %dma_wait3A_123 : memref<1x128x128xf32, #tpu.memory_space<vmem>> -> memref<128x128xf32, #tpu.memory_space<vmem>>
      tpu.wait_dma2 semaphore(%run_scoped3A_100 : memref<!tpu.dma_semaphore, #tpu.memory_space<semaphore_mem>>) src(%dma_wait3A_124 : memref<128x128xf32, #tpu.memory_space<vmem>>) dst(%dma_wait3A_120 : memref<128x128xf32, #tpu.memory_space<vmem_shared>>)
      tpu.yield
    }) : () -> ()
    %mul3A_27 = arith.constant 640 : i32
    %mul3A_28 = arith.muli %arg1, %mul3A_27 : i32
    %add3A_29 = arith.constant 512 : i32
    %add3A_30 = arith.addi %mul3A_28, %add3A_29 : i32
    %run_scoped3A_31 = arith.constant 0 : i32
    "tpu.region"() ({
      %run_scoped3A_100 = tpu.sem_alloc : memref<!tpu.dma_semaphore, #tpu.memory_space<semaphore_mem>>
      %dma_start3A_101 = arith.constant 0 : i32
      %dma_start3A_102 = arith.constant 0 : i32
      %dma_start3A_103 = tpu.memref_slice %arg8[%run_scoped3A_31, %dma_start3A_101, %dma_start3A_102] : memref<2x128x128xf32, #tpu.memory_space<vmem>> -> memref<1x128x128xf32, #tpu.memory_space<vmem>>
      %dma_start3A_104 = tpu.memref_squeeze %dma_start3A_103 : memref<1x128x128xf32, #tpu.memory_space<vmem>> -> memref<128x128xf32, #tpu.memory_space<vmem>>
      %dma_start3A_105 = arith.constant 0 : i32
      %dma_start3A_106 = tpu.memref_slice %arg9[%add3A_30, %dma_start3A_105] : memref<10240x128xf32, #tpu.memory_space<vmem_shared>> -> memref<128x128xf32, #tpu.memory_space<vmem_shared>>
      %dma_start3A_107 = arith.constant 0 : i32
      %dma_start3A_108 = tpu.memref_slice %arg9[%add3A_30, %dma_start3A_107] : memref<10240x128xf32, #tpu.memory_space<vmem_shared>> -> memref<128x128xf32, #tpu.memory_space<vmem_shared>>
      %dma_start3A_109 = arith.constant 0 : i32
      %dma_start3A_110 = arith.constant 0 : i32
      %dma_start3A_111 = tpu.memref_slice %arg8[%run_scoped3A_31, %dma_start3A_109, %dma_start3A_110] : memref<2x128x128xf32, #tpu.memory_space<vmem>> -> memref<1x128x128xf32, #tpu.memory_space<vmem>>
      %dma_start3A_112 = tpu.memref_squeeze %dma_start3A_111 : memref<1x128x128xf32, #tpu.memory_space<vmem>> -> memref<128x128xf32, #tpu.memory_space<vmem>>
      tpu.enqueue_dma source(%dma_start3A_112 : memref<128x128xf32, #tpu.memory_space<vmem>>) target(%dma_start3A_108 : memref<128x128xf32, #tpu.memory_space<vmem_shared>>) target_semaphore(%run_scoped3A_100 : memref<!tpu.dma_semaphore, #tpu.memory_space<semaphore_mem>>)
      %dma_wait3A_113 = arith.constant 0 : i32
      %dma_wait3A_114 = arith.constant 0 : i32
      %dma_wait3A_115 = tpu.memref_slice %arg8[%run_scoped3A_31, %dma_wait3A_113, %dma_wait3A_114] : memref<2x128x128xf32, #tpu.memory_space<vmem>> -> memref<1x128x128xf32, #tpu.memory_space<vmem>>
      %dma_wait3A_116 = tpu.memref_squeeze %dma_wait3A_115 : memref<1x128x128xf32, #tpu.memory_space<vmem>> -> memref<128x128xf32, #tpu.memory_space<vmem>>
      %dma_wait3A_117 = arith.constant 0 : i32
      %dma_wait3A_118 = tpu.memref_slice %arg9[%add3A_30, %dma_wait3A_117] : memref<10240x128xf32, #tpu.memory_space<vmem_shared>> -> memref<128x128xf32, #tpu.memory_space<vmem_shared>>
      %dma_wait3A_119 = arith.constant 0 : i32
      %dma_wait3A_120 = tpu.memref_slice %arg9[%add3A_30, %dma_wait3A_119] : memref<10240x128xf32, #tpu.memory_space<vmem_shared>> -> memref<128x128xf32, #tpu.memory_space<vmem_shared>>
      %dma_wait3A_121 = arith.constant 0 : i32
      %dma_wait3A_122 = arith.constant 0 : i32
      %dma_wait3A_123 = tpu.memref_slice %arg8[%run_scoped3A_31, %dma_wait3A_121, %dma_wait3A_122] : memref<2x128x128xf32, #tpu.memory_space<vmem>> -> memref<1x128x128xf32, #tpu.memory_space<vmem>>
      %dma_wait3A_124 = tpu.memref_squeeze %dma_wait3A_123 : memref<1x128x128xf32, #tpu.memory_space<vmem>> -> memref<128x128xf32, #tpu.memory_space<vmem>>
      tpu.wait_dma2 semaphore(%run_scoped3A_100 : memref<!tpu.dma_semaphore, #tpu.memory_space<semaphore_mem>>) src(%dma_wait3A_124 : memref<128x128xf32, #tpu.memory_space<vmem>>) dst(%dma_wait3A_120 : memref<128x128xf32, #tpu.memory_space<vmem_shared>>)
      tpu.yield
    }) : () -> ()
    "tpu.region"() ({
      %run_scoped3A_100 = tpu.sem_alloc : memref<!tpu.dma_semaphore, #tpu.memory_space<semaphore_mem>>
      %dma_start3A_101 = arith.constant 0 : i32
      %dma_start3A_102 = arith.constant 0 : i32
      %dma_start3A_103 = tpu.memref_slice %arg3[%add3A, %dma_start3A_101, %dma_start3A_102] : memref<32x80x128xi32, #tpu.memory_space<hbm>> -> memref<1x80x128xi32, #tpu.memory_space<hbm>>
      %dma_start3A_104 = tpu.memref_squeeze %dma_start3A_103 : memref<1x80x128xi32, #tpu.memory_space<hbm>> -> memref<80x128xi32, #tpu.memory_space<hbm>>
      %dma_start3A_105 = arith.constant 0 : i32
      %dma_start3A_106 = arith.constant 0 : i32
      %dma_start3A_107 = tpu.memref_slice %arg3[%add3A, %dma_start3A_105, %dma_start3A_106] : memref<32x80x128xi32, #tpu.memory_space<hbm>> -> memref<1x80x128xi32, #tpu.memory_space<hbm>>
      %dma_start3A_108 = tpu.memref_squeeze %dma_start3A_107 : memref<1x80x128xi32, #tpu.memory_space<hbm>> -> memref<80x128xi32, #tpu.memory_space<hbm>>
      tpu.enqueue_dma source(%dma_start3A_108 : memref<80x128xi32, #tpu.memory_space<hbm>>) target(%arg6 : memref<80x128xi32, #tpu.memory_space<vmem>>) target_semaphore(%run_scoped3A_100 : memref<!tpu.dma_semaphore, #tpu.memory_space<semaphore_mem>>)
      %dma_wait3A_109 = arith.constant 0 : i32
      %dma_wait3A_110 = arith.constant 0 : i32
      %dma_wait3A_111 = tpu.memref_slice %arg3[%add3A, %dma_wait3A_109, %dma_wait3A_110] : memref<32x80x128xi32, #tpu.memory_space<hbm>> -> memref<1x80x128xi32, #tpu.memory_space<hbm>>
      %dma_wait3A_112 = tpu.memref_squeeze %dma_wait3A_111 : memref<1x80x128xi32, #tpu.memory_space<hbm>> -> memref<80x128xi32, #tpu.memory_space<hbm>>
      %dma_wait3A_113 = arith.constant 0 : i32
      %dma_wait3A_114 = arith.constant 0 : i32
      %dma_wait3A_115 = tpu.memref_slice %arg3[%add3A, %dma_wait3A_113, %dma_wait3A_114] : memref<32x80x128xi32, #tpu.memory_space<hbm>> -> memref<1x80x128xi32, #tpu.memory_space<hbm>>
      %dma_wait3A_116 = tpu.memref_squeeze %dma_wait3A_115 : memref<1x80x128xi32, #tpu.memory_space<hbm>> -> memref<80x128xi32, #tpu.memory_space<hbm>>
      tpu.wait_dma2 semaphore(%run_scoped3A_100 : memref<!tpu.dma_semaphore, #tpu.memory_space<semaphore_mem>>) src(%dma_wait3A_116 : memref<80x128xi32, #tpu.memory_space<hbm>>) dst(%arg6 : memref<80x128xi32, #tpu.memory_space<vmem>>)
      tpu.yield
    }) : () -> ()
    %barrier3A = arith.constant 0 : index
    tpu.barrier barrier_id(%barrier3A)
    %dma_start3A = arith.constant 0 : i32
    %dma_start3A_32 = arith.constant 0 : i32
    %dma_start3A_33 = arith.constant 0 : i32
    %dma_start3A_34 = arith.constant 0 : i32
    %dma_start3A_35 = tpu.memref_slice %arg8[%dma_start3A_32, %dma_start3A_33, %dma_start3A_34] : memref<2x128x128xf32, #tpu.memory_space<vmem>> -> memref<1x128x128xf32, #tpu.memory_space<vmem>>
    %dma_start3A_36 = tpu.memref_squeeze %dma_start3A_35 : memref<1x128x128xf32, #tpu.memory_space<vmem>> -> memref<128x128xf32, #tpu.memory_space<vmem>>
    %dma_start3A_37 = arith.constant 0 : i32
    %dma_start3A_38 = tpu.memref_slice %arg6[%dma_start3A, %dma_start3A_37] : memref<80x128xi32, #tpu.memory_space<vmem>> -> memref<1x128xi32, #tpu.memory_space<vmem>>
    %dma_start3A_39 = tpu.memref_squeeze %dma_start3A_38 : memref<1x128xi32, #tpu.memory_space<vmem>> -> memref<128xi32, #tpu.memory_space<vmem>>
    %dma_start3A_40 = arith.constant 0 : i32
    %dma_start3A_41 = arith.constant 0 : i32
    %dma_start3A_42 = tpu.memref_slice %arg2[%dma_start3A_40, %dma_start3A_41] : memref<10240x128xf32, #tpu.memory_space<hbm>> -> memref<10240x128xf32, #tpu.memory_space<hbm>>
    tpu.enqueue_indirect_dma source(%dma_start3A_42 : memref<10240x128xf32, #tpu.memory_space<hbm>>) target(%dma_start3A_36 : memref<128x128xf32, #tpu.memory_space<vmem>>) offsets(%dma_start3A_39 : memref<128xi32, #tpu.memory_space<vmem>>) semaphore(%arg10 : memref<!tpu.dma_semaphore, #tpu.memory_space<semaphore_mem>>)
    %dma_start3A_43 = arith.constant 0 : i32
    %dma_start3A_44 = arith.constant 0 : i32
    %dma_start3A_45 = arith.constant 0 : i32
    %dma_start3A_46 = tpu.memref_slice %arg7[%dma_start3A_43, %dma_start3A_44, %dma_start3A_45] : memref<2x8x128xi32, #tpu.memory_space<vmem>> -> memref<1x8x128xi32, #tpu.memory_space<vmem>>
    %dma_start3A_47 = tpu.memref_squeeze %dma_start3A_46 : memref<1x8x128xi32, #tpu.memory_space<vmem>> -> memref<8x128xi32, #tpu.memory_space<vmem>>
    %dma_start3A_48 = arith.constant 0 : i32
    %dma_start3A_49 = arith.constant 0 : i32
    %dma_start3A_50 = tpu.memref_slice %arg4[%add3A, %dma_start3A_48, %dma_start3A_49] : memref<32x80x128xi32, #tpu.memory_space<hbm>> -> memref<1x8x128xi32, #tpu.memory_space<hbm>>
    %dma_start3A_51 = tpu.memref_squeeze %dma_start3A_50 : memref<1x8x128xi32, #tpu.memory_space<hbm>> -> memref<8x128xi32, #tpu.memory_space<hbm>>
    %dma_start3A_52 = arith.constant 0 : i32
    %dma_start3A_53 = arith.constant 0 : i32
    %dma_start3A_54 = tpu.memref_slice %arg7[%dma_start3A_43, %dma_start3A_52, %dma_start3A_53] : memref<2x8x128xi32, #tpu.memory_space<vmem>> -> memref<1x8x128xi32, #tpu.memory_space<vmem>>
    %dma_start3A_55 = tpu.memref_squeeze %dma_start3A_54 : memref<1x8x128xi32, #tpu.memory_space<vmem>> -> memref<8x128xi32, #tpu.memory_space<vmem>>
    %dma_start3A_56 = arith.constant 0 : i32
    %dma_start3A_57 = arith.constant 0 : i32
    %dma_start3A_58 = tpu.memref_slice %arg4[%add3A, %dma_start3A_56, %dma_start3A_57] : memref<32x80x128xi32, #tpu.memory_space<hbm>> -> memref<1x8x128xi32, #tpu.memory_space<hbm>>
    %dma_start3A_59 = tpu.memref_squeeze %dma_start3A_58 : memref<1x8x128xi32, #tpu.memory_space<hbm>> -> memref<8x128xi32, #tpu.memory_space<hbm>>
    tpu.enqueue_dma source(%dma_start3A_59 : memref<8x128xi32, #tpu.memory_space<hbm>>) target(%dma_start3A_55 : memref<8x128xi32, #tpu.memory_space<vmem>>) target_semaphore(%arg12 : memref<!tpu.dma_semaphore, #tpu.memory_space<semaphore_mem>>)
    %scan3A_60 = arith.constant 0 : i32
    %scan3A_61 = arith.constant 0 : i32
    %scan3A_62 = arith.constant 10 : i32
    %scan3A_63 = arith.addi %scan3A_61, %scan3A_62 : i32
    %scan3A_64 = arith.constant 1 : i32
    %scan3A_65 = scf.for %scan3A_100 = %scan3A_61 to %scan3A_63 step %scan3A_64 iter_args(%scan3A_101 = %scan3A_60) -> (i32)  : i32 {
      %mul3A_102 = arith.constant 8 : i32
      %mul3A_103 = arith.muli %scan3A_100, %mul3A_102 : i32
      %and3A = arith.constant 1 : i32
      %and3A_104 = arith.andi %scan3A_100, %and3A : i32
      %eq3A = arith.constant 0 : i32
      %eq3A_105 = arith.cmpi eq, %and3A_104, %eq3A : i32
      %and3A_106 = arith.constant 1 : i32
      %and3A_107 = arith.andi %scan3A_100, %and3A_106 : i32
      %add3A_108 = arith.constant 1 : i32
      %add3A_109 = arith.addi %scan3A_100, %add3A_108 : i32
      %min3A = arith.constant 9 : i32
      %min3A_110 = arith.minsi %add3A_109, %min3A : i32
      %convert_element_type3A = arith.extui %eq3A_105 : i1 to i32
      %cond3A = arith.constant 0 : i32
      %cond3A_111 = arith.cmpi ne, %convert_element_type3A, %cond3A : i32
      scf.if %cond3A_111 {
        %dma_wait3A_365 = arith.constant 0 : i32
        %dma_wait3A_366 = arith.constant 0 : i32
        %dma_wait3A_367 = arith.constant 0 : i32
        %dma_wait3A_368 = tpu.memref_slice %arg7[%dma_wait3A_365, %dma_wait3A_366, %dma_wait3A_367] : memref<2x8x128xi32, #tpu.memory_space<vmem>> -> memref<1x8x128xi32, #tpu.memory_space<vmem>>
        %dma_wait3A_369 = tpu.memref_squeeze %dma_wait3A_368 : memref<1x8x128xi32, #tpu.memory_space<vmem>> -> memref<8x128xi32, #tpu.memory_space<vmem>>
        %dma_wait3A_370 = arith.constant 0 : i32
        %dma_wait3A_371 = arith.constant 0 : i32
        %dma_wait3A_372 = tpu.memref_slice %arg4[%add3A, %dma_wait3A_370, %dma_wait3A_371] : memref<32x80x128xi32, #tpu.memory_space<hbm>> -> memref<1x8x128xi32, #tpu.memory_space<hbm>>
        %dma_wait3A_373 = tpu.memref_squeeze %dma_wait3A_372 : memref<1x8x128xi32, #tpu.memory_space<hbm>> -> memref<8x128xi32, #tpu.memory_space<hbm>>
        %dma_wait3A_374 = arith.constant 0 : i32
        %dma_wait3A_375 = arith.constant 0 : i32
        %dma_wait3A_376 = tpu.memref_slice %arg7[%dma_wait3A_365, %dma_wait3A_374, %dma_wait3A_375] : memref<2x8x128xi32, #tpu.memory_space<vmem>> -> memref<1x8x128xi32, #tpu.memory_space<vmem>>
        %dma_wait3A_377 = tpu.memref_squeeze %dma_wait3A_376 : memref<1x8x128xi32, #tpu.memory_space<vmem>> -> memref<8x128xi32, #tpu.memory_space<vmem>>
        %dma_wait3A_378 = arith.constant 0 : i32
        %dma_wait3A_379 = arith.constant 0 : i32
        %dma_wait3A_380 = tpu.memref_slice %arg4[%add3A, %dma_wait3A_378, %dma_wait3A_379] : memref<32x80x128xi32, #tpu.memory_space<hbm>> -> memref<1x8x128xi32, #tpu.memory_space<hbm>>
        %dma_wait3A_381 = tpu.memref_squeeze %dma_wait3A_380 : memref<1x8x128xi32, #tpu.memory_space<hbm>> -> memref<8x128xi32, #tpu.memory_space<hbm>>
        tpu.wait_dma2 semaphore(%arg12 : memref<!tpu.dma_semaphore, #tpu.memory_space<semaphore_mem>>) src(%dma_wait3A_381 : memref<8x128xi32, #tpu.memory_space<hbm>>) dst(%dma_wait3A_377 : memref<8x128xi32, #tpu.memory_space<vmem>>)
        %mul3A_382 = arith.constant 8 : i32
        %mul3A_383 = arith.muli %min3A_110, %mul3A_382 : i32
        %dma_start3A_384 = arith.constant 1 : i32
        %dma_start3A_385 = arith.constant 0 : i32
        %dma_start3A_386 = arith.constant 0 : i32
        %dma_start3A_387 = tpu.memref_slice %arg7[%dma_start3A_384, %dma_start3A_385, %dma_start3A_386] : memref<2x8x128xi32, #tpu.memory_space<vmem>> -> memref<1x8x128xi32, #tpu.memory_space<vmem>>
        %dma_start3A_388 = tpu.memref_squeeze %dma_start3A_387 : memref<1x8x128xi32, #tpu.memory_space<vmem>> -> memref<8x128xi32, #tpu.memory_space<vmem>>
        %dma_start3A_389 = arith.constant 0 : i32
        %dma_start3A_390 = tpu.memref_slice %arg4[%add3A, %mul3A_383, %dma_start3A_389] : memref<32x80x128xi32, #tpu.memory_space<hbm>> -> memref<1x8x128xi32, #tpu.memory_space<hbm>>
        %dma_start3A_391 = tpu.memref_squeeze %dma_start3A_390 : memref<1x8x128xi32, #tpu.memory_space<hbm>> -> memref<8x128xi32, #tpu.memory_space<hbm>>
        %dma_start3A_392 = arith.constant 0 : i32
        %dma_start3A_393 = arith.constant 0 : i32
        %dma_start3A_394 = tpu.memref_slice %arg7[%dma_start3A_384, %dma_start3A_392, %dma_start3A_393] : memref<2x8x128xi32, #tpu.memory_space<vmem>> -> memref<1x8x128xi32, #tpu.memory_space<vmem>>
        %dma_start3A_395 = tpu.memref_squeeze %dma_start3A_394 : memref<1x8x128xi32, #tpu.memory_space<vmem>> -> memref<8x128xi32, #tpu.memory_space<vmem>>
        %dma_start3A_396 = arith.constant 0 : i32
        %dma_start3A_397 = tpu.memref_slice %arg4[%add3A, %mul3A_383, %dma_start3A_396] : memref<32x80x128xi32, #tpu.memory_space<hbm>> -> memref<1x8x128xi32, #tpu.memory_space<hbm>>
        %dma_start3A_398 = tpu.memref_squeeze %dma_start3A_397 : memref<1x8x128xi32, #tpu.memory_space<hbm>> -> memref<8x128xi32, #tpu.memory_space<hbm>>
        tpu.enqueue_dma source(%dma_start3A_398 : memref<8x128xi32, #tpu.memory_space<hbm>>) target(%dma_start3A_395 : memref<8x128xi32, #tpu.memory_space<vmem>>) target_semaphore(%arg13 : memref<!tpu.dma_semaphore, #tpu.memory_space<semaphore_mem>>)
      } else {
      }
      %not3A = arith.constant true
      %not3A_112 = arith.xori %eq3A_105, %not3A : i1
      %convert_element_type3A_113 = arith.extui %not3A_112 : i1 to i32
      %cond3A_114 = arith.constant 0 : i32
      %cond3A_115 = arith.cmpi ne, %convert_element_type3A_113, %cond3A_114 : i32
      scf.if %cond3A_115 {
        %dma_wait3A_365 = arith.constant 1 : i32
        %dma_wait3A_366 = arith.constant 0 : i32
        %dma_wait3A_367 = arith.constant 0 : i32
        %dma_wait3A_368 = tpu.memref_slice %arg7[%dma_wait3A_365, %dma_wait3A_366, %dma_wait3A_367] : memref<2x8x128xi32, #tpu.memory_space<vmem>> -> memref<1x8x128xi32, #tpu.memory_space<vmem>>
        %dma_wait3A_369 = tpu.memref_squeeze %dma_wait3A_368 : memref<1x8x128xi32, #tpu.memory_space<vmem>> -> memref<8x128xi32, #tpu.memory_space<vmem>>
        %dma_wait3A_370 = arith.constant 0 : i32
        %dma_wait3A_371 = arith.constant 0 : i32
        %dma_wait3A_372 = tpu.memref_slice %arg4[%add3A, %dma_wait3A_370, %dma_wait3A_371] : memref<32x80x128xi32, #tpu.memory_space<hbm>> -> memref<1x8x128xi32, #tpu.memory_space<hbm>>
        %dma_wait3A_373 = tpu.memref_squeeze %dma_wait3A_372 : memref<1x8x128xi32, #tpu.memory_space<hbm>> -> memref<8x128xi32, #tpu.memory_space<hbm>>
        %dma_wait3A_374 = arith.constant 0 : i32
        %dma_wait3A_375 = arith.constant 0 : i32
        %dma_wait3A_376 = tpu.memref_slice %arg7[%dma_wait3A_365, %dma_wait3A_374, %dma_wait3A_375] : memref<2x8x128xi32, #tpu.memory_space<vmem>> -> memref<1x8x128xi32, #tpu.memory_space<vmem>>
        %dma_wait3A_377 = tpu.memref_squeeze %dma_wait3A_376 : memref<1x8x128xi32, #tpu.memory_space<vmem>> -> memref<8x128xi32, #tpu.memory_space<vmem>>
        %dma_wait3A_378 = arith.constant 0 : i32
        %dma_wait3A_379 = arith.constant 0 : i32
        %dma_wait3A_380 = tpu.memref_slice %arg4[%add3A, %dma_wait3A_378, %dma_wait3A_379] : memref<32x80x128xi32, #tpu.memory_space<hbm>> -> memref<1x8x128xi32, #tpu.memory_space<hbm>>
        %dma_wait3A_381 = tpu.memref_squeeze %dma_wait3A_380 : memref<1x8x128xi32, #tpu.memory_space<hbm>> -> memref<8x128xi32, #tpu.memory_space<hbm>>
        tpu.wait_dma2 semaphore(%arg13 : memref<!tpu.dma_semaphore, #tpu.memory_space<semaphore_mem>>) src(%dma_wait3A_381 : memref<8x128xi32, #tpu.memory_space<hbm>>) dst(%dma_wait3A_377 : memref<8x128xi32, #tpu.memory_space<vmem>>)
        %mul3A_382 = arith.constant 8 : i32
        %mul3A_383 = arith.muli %min3A_110, %mul3A_382 : i32
        %dma_start3A_384 = arith.constant 0 : i32
        %dma_start3A_385 = arith.constant 0 : i32
        %dma_start3A_386 = arith.constant 0 : i32
        %dma_start3A_387 = tpu.memref_slice %arg7[%dma_start3A_384, %dma_start3A_385, %dma_start3A_386] : memref<2x8x128xi32, #tpu.memory_space<vmem>> -> memref<1x8x128xi32, #tpu.memory_space<vmem>>
        %dma_start3A_388 = tpu.memref_squeeze %dma_start3A_387 : memref<1x8x128xi32, #tpu.memory_space<vmem>> -> memref<8x128xi32, #tpu.memory_space<vmem>>
        %dma_start3A_389 = arith.constant 0 : i32
        %dma_start3A_390 = tpu.memref_slice %arg4[%add3A, %mul3A_383, %dma_start3A_389] : memref<32x80x128xi32, #tpu.memory_space<hbm>> -> memref<1x8x128xi32, #tpu.memory_space<hbm>>
        %dma_start3A_391 = tpu.memref_squeeze %dma_start3A_390 : memref<1x8x128xi32, #tpu.memory_space<hbm>> -> memref<8x128xi32, #tpu.memory_space<hbm>>
        %dma_start3A_392 = arith.constant 0 : i32
        %dma_start3A_393 = arith.constant 0 : i32
        %dma_start3A_394 = tpu.memref_slice %arg7[%dma_start3A_384, %dma_start3A_392, %dma_start3A_393] : memref<2x8x128xi32, #tpu.memory_space<vmem>> -> memref<1x8x128xi32, #tpu.memory_space<vmem>>
        %dma_start3A_395 = tpu.memref_squeeze %dma_start3A_394 : memref<1x8x128xi32, #tpu.memory_space<vmem>> -> memref<8x128xi32, #tpu.memory_space<vmem>>
        %dma_start3A_396 = arith.constant 0 : i32
        %dma_start3A_397 = tpu.memref_slice %arg4[%add3A, %mul3A_383, %dma_start3A_396] : memref<32x80x128xi32, #tpu.memory_space<hbm>> -> memref<1x8x128xi32, #tpu.memory_space<hbm>>
        %dma_start3A_398 = tpu.memref_squeeze %dma_start3A_397 : memref<1x8x128xi32, #tpu.memory_space<hbm>> -> memref<8x128xi32, #tpu.memory_space<hbm>>
        tpu.enqueue_dma source(%dma_start3A_398 : memref<8x128xi32, #tpu.memory_space<hbm>>) target(%dma_start3A_395 : memref<8x128xi32, #tpu.memory_space<vmem>>) target_semaphore(%arg12 : memref<!tpu.dma_semaphore, #tpu.memory_space<semaphore_mem>>)
      } else {
      }
      %add3A_116 = arith.constant 0 : i32
      %add3A_117 = arith.addi %mul3A_103, %add3A_116 : i32
      %add3A_118 = arith.constant 1 : i32
      %add3A_119 = arith.addi %add3A_117, %add3A_118 : i32
      %min3A_120 = arith.constant 79 : i32
      %min3A_121 = arith.minsi %add3A_119, %min3A_120 : i32
      %dma_start3A_122 = arith.constant 1 : i32
      %dma_start3A_123 = arith.constant 0 : i32
      %dma_start3A_124 = arith.constant 0 : i32
      %dma_start3A_125 = tpu.memref_slice %arg8[%dma_start3A_122, %dma_start3A_123, %dma_start3A_124] : memref<2x128x128xf32, #tpu.memory_space<vmem>> -> memref<1x128x128xf32, #tpu.memory_space<vmem>>
      %dma_start3A_126 = tpu.memref_squeeze %dma_start3A_125 : memref<1x128x128xf32, #tpu.memory_space<vmem>> -> memref<128x128xf32, #tpu.memory_space<vmem>>
      %dma_start3A_127 = arith.constant 0 : i32
      %dma_start3A_128 = tpu.memref_slice %arg6[%min3A_121, %dma_start3A_127] : memref<80x128xi32, #tpu.memory_space<vmem>> -> memref<1x128xi32, #tpu.memory_space<vmem>>
      %dma_start3A_129 = tpu.memref_squeeze %dma_start3A_128 : memref<1x128xi32, #tpu.memory_space<vmem>> -> memref<128xi32, #tpu.memory_space<vmem>>
      %dma_start3A_130 = arith.constant 0 : i32
      %dma_start3A_131 = arith.constant 0 : i32
      %dma_start3A_132 = tpu.memref_slice %arg2[%dma_start3A_130, %dma_start3A_131] : memref<10240x128xf32, #tpu.memory_space<hbm>> -> memref<10240x128xf32, #tpu.memory_space<hbm>>
      tpu.enqueue_indirect_dma source(%dma_start3A_132 : memref<10240x128xf32, #tpu.memory_space<hbm>>) target(%dma_start3A_126 : memref<128x128xf32, #tpu.memory_space<vmem>>) offsets(%dma_start3A_129 : memref<128xi32, #tpu.memory_space<vmem>>) semaphore(%arg11 : memref<!tpu.dma_semaphore, #tpu.memory_space<semaphore_mem>>)
      %dma_wait3A_133 = arith.constant 0 : i32
      %dma_wait3A_134 = arith.constant 0 : i32
      %dma_wait3A_135 = arith.constant 0 : i32
      %dma_wait3A_136 = arith.constant 0 : i32
      %dma_wait3A_137 = tpu.memref_slice %arg8[%dma_wait3A_134, %dma_wait3A_135, %dma_wait3A_136] : memref<2x128x128xf32, #tpu.memory_space<vmem>> -> memref<1x128x128xf32, #tpu.memory_space<vmem>>
      %dma_wait3A_138 = tpu.memref_squeeze %dma_wait3A_137 : memref<1x128x128xf32, #tpu.memory_space<vmem>> -> memref<128x128xf32, #tpu.memory_space<vmem>>
      %dma_wait3A_139 = arith.constant 0 : i32
      %dma_wait3A_140 = tpu.memref_slice %arg6[%dma_wait3A_133, %dma_wait3A_139] : memref<80x128xi32, #tpu.memory_space<vmem>> -> memref<1x128xi32, #tpu.memory_space<vmem>>
      %dma_wait3A_141 = tpu.memref_squeeze %dma_wait3A_140 : memref<1x128xi32, #tpu.memory_space<vmem>> -> memref<128xi32, #tpu.memory_space<vmem>>
      %dma_wait3A_142 = arith.constant 0 : i32
      %dma_wait3A_143 = arith.constant 0 : i32
      %dma_wait3A_144 = tpu.memref_slice %arg2[%dma_wait3A_142, %dma_wait3A_143] : memref<10240x128xf32, #tpu.memory_space<hbm>> -> memref<10240x128xf32, #tpu.memory_space<hbm>>
      tpu.wait_indirect_dma semaphore(%arg10 : memref<!tpu.dma_semaphore, #tpu.memory_space<semaphore_mem>>) src(%dma_wait3A_144 : memref<10240x128xf32, #tpu.memory_space<hbm>>) dst(%dma_wait3A_138 : memref<128x128xf32, #tpu.memory_space<vmem>>)
      %run_scoped3A_145 = arith.constant 0 : i32
      %run_scoped3A_146 = arith.constant 0 : i32
      "tpu.region"() ({
        %run_scoped3A_365 = tpu.sem_alloc : memref<!tpu.dma_semaphore, #tpu.memory_space<semaphore_mem>>
        %dma_start3A_366 = arith.constant 0 : i32
        %dma_start3A_367 = arith.constant 0 : i32
        %dma_start3A_368 = tpu.memref_slice %arg8[%run_scoped3A_145, %dma_start3A_366, %dma_start3A_367] : memref<2x128x128xf32, #tpu.memory_space<vmem>> -> memref<1x128x128xf32, #tpu.memory_space<vmem>>
        %dma_start3A_369 = tpu.memref_squeeze %dma_start3A_368 : memref<1x128x128xf32, #tpu.memory_space<vmem>> -> memref<128x128xf32, #tpu.memory_space<vmem>>
        %dma_start3A_370 = arith.constant 0 : i32
        %dma_start3A_371 = tpu.memref_slice %arg7[%and3A_107, %run_scoped3A_146, %dma_start3A_370] : memref<2x8x128xi32, #tpu.memory_space<vmem>> -> memref<1x1x128xi32, #tpu.memory_space<vmem>>
        %dma_start3A_372 = tpu.memref_squeeze %dma_start3A_371 : memref<1x1x128xi32, #tpu.memory_space<vmem>> -> memref<128xi32, #tpu.memory_space<vmem>>
        %dma_start3A_373 = arith.constant 0 : i32
        %dma_start3A_374 = arith.constant 0 : i32
        %dma_start3A_375 = tpu.memref_slice %arg9[%dma_start3A_373, %dma_start3A_374] : memref<10240x128xf32, #tpu.memory_space<vmem_shared>> -> memref<10240x128xf32, #tpu.memory_space<vmem_shared>>
        tpu.enqueue_indirect_dma source(%dma_start3A_369 : memref<128x128xf32, #tpu.memory_space<vmem>>) target(%dma_start3A_375 : memref<10240x128xf32, #tpu.memory_space<vmem_shared>>) offsets(%dma_start3A_372 : memref<128xi32, #tpu.memory_space<vmem>>) semaphore(%run_scoped3A_365 : memref<!tpu.dma_semaphore, #tpu.memory_space<semaphore_mem>>) {add = true}
        %dma_wait3A_376 = arith.constant 0 : i32
        %dma_wait3A_377 = arith.constant 0 : i32
        %dma_wait3A_378 = tpu.memref_slice %arg8[%run_scoped3A_145, %dma_wait3A_376, %dma_wait3A_377] : memref<2x128x128xf32, #tpu.memory_space<vmem>> -> memref<1x128x128xf32, #tpu.memory_space<vmem>>
        %dma_wait3A_379 = tpu.memref_squeeze %dma_wait3A_378 : memref<1x128x128xf32, #tpu.memory_space<vmem>> -> memref<128x128xf32, #tpu.memory_space<vmem>>
        %dma_wait3A_380 = arith.constant 0 : i32
        %dma_wait3A_381 = tpu.memref_slice %arg7[%and3A_107, %run_scoped3A_146, %dma_wait3A_380] : memref<2x8x128xi32, #tpu.memory_space<vmem>> -> memref<1x1x128xi32, #tpu.memory_space<vmem>>
        %dma_wait3A_382 = tpu.memref_squeeze %dma_wait3A_381 : memref<1x1x128xi32, #tpu.memory_space<vmem>> -> memref<128xi32, #tpu.memory_space<vmem>>
        %dma_wait3A_383 = arith.constant 0 : i32
        %dma_wait3A_384 = arith.constant 0 : i32
        %dma_wait3A_385 = tpu.memref_slice %arg9[%dma_wait3A_383, %dma_wait3A_384] : memref<10240x128xf32, #tpu.memory_space<vmem_shared>> -> memref<10240x128xf32, #tpu.memory_space<vmem_shared>>
        tpu.wait_indirect_dma semaphore(%run_scoped3A_365 : memref<!tpu.dma_semaphore, #tpu.memory_space<semaphore_mem>>) src(%dma_wait3A_379 : memref<128x128xf32, #tpu.memory_space<vmem>>) dst(%dma_wait3A_385 : memref<10240x128xf32, #tpu.memory_space<vmem_shared>>)
        tpu.yield
      }) : () -> ()
      %add3A_147 = arith.constant 1 : i32
      %add3A_148 = arith.addi %mul3A_103, %add3A_147 : i32
      %add3A_149 = arith.constant 1 : i32
      %add3A_150 = arith.addi %add3A_148, %add3A_149 : i32
      %min3A_151 = arith.constant 79 : i32
      %min3A_152 = arith.minsi %add3A_150, %min3A_151 : i32
      %dma_start3A_153 = arith.constant 0 : i32
      %dma_start3A_154 = arith.constant 0 : i32
      %dma_start3A_155 = arith.constant 0 : i32
      %dma_start3A_156 = tpu.memref_slice %arg8[%dma_start3A_153, %dma_start3A_154, %dma_start3A_155] : memref<2x128x128xf32, #tpu.memory_space<vmem>> -> memref<1x128x128xf32, #tpu.memory_space<vmem>>
      %dma_start3A_157 = tpu.memref_squeeze %dma_start3A_156 : memref<1x128x128xf32, #tpu.memory_space<vmem>> -> memref<128x128xf32, #tpu.memory_space<vmem>>
      %dma_start3A_158 = arith.constant 0 : i32
      %dma_start3A_159 = tpu.memref_slice %arg6[%min3A_152, %dma_start3A_158] : memref<80x128xi32, #tpu.memory_space<vmem>> -> memref<1x128xi32, #tpu.memory_space<vmem>>
      %dma_start3A_160 = tpu.memref_squeeze %dma_start3A_159 : memref<1x128xi32, #tpu.memory_space<vmem>> -> memref<128xi32, #tpu.memory_space<vmem>>
      %dma_start3A_161 = arith.constant 0 : i32
      %dma_start3A_162 = arith.constant 0 : i32
      %dma_start3A_163 = tpu.memref_slice %arg2[%dma_start3A_161, %dma_start3A_162] : memref<10240x128xf32, #tpu.memory_space<hbm>> -> memref<10240x128xf32, #tpu.memory_space<hbm>>
      tpu.enqueue_indirect_dma source(%dma_start3A_163 : memref<10240x128xf32, #tpu.memory_space<hbm>>) target(%dma_start3A_157 : memref<128x128xf32, #tpu.memory_space<vmem>>) offsets(%dma_start3A_160 : memref<128xi32, #tpu.memory_space<vmem>>) semaphore(%arg10 : memref<!tpu.dma_semaphore, #tpu.memory_space<semaphore_mem>>)
      %dma_wait3A_164 = arith.constant 0 : i32
      %dma_wait3A_165 = arith.constant 1 : i32
      %dma_wait3A_166 = arith.constant 0 : i32
      %dma_wait3A_167 = arith.constant 0 : i32
      %dma_wait3A_168 = tpu.memref_slice %arg8[%dma_wait3A_165, %dma_wait3A_166, %dma_wait3A_167] : memref<2x128x128xf32, #tpu.memory_space<vmem>> -> memref<1x128x128xf32, #tpu.memory_space<vmem>>
      %dma_wait3A_169 = tpu.memref_squeeze %dma_wait3A_168 : memref<1x128x128xf32, #tpu.memory_space<vmem>> -> memref<128x128xf32, #tpu.memory_space<vmem>>
      %dma_wait3A_170 = arith.constant 0 : i32
      %dma_wait3A_171 = tpu.memref_slice %arg6[%dma_wait3A_164, %dma_wait3A_170] : memref<80x128xi32, #tpu.memory_space<vmem>> -> memref<1x128xi32, #tpu.memory_space<vmem>>
      %dma_wait3A_172 = tpu.memref_squeeze %dma_wait3A_171 : memref<1x128xi32, #tpu.memory_space<vmem>> -> memref<128xi32, #tpu.memory_space<vmem>>
      %dma_wait3A_173 = arith.constant 0 : i32
      %dma_wait3A_174 = arith.constant 0 : i32
      %dma_wait3A_175 = tpu.memref_slice %arg2[%dma_wait3A_173, %dma_wait3A_174] : memref<10240x128xf32, #tpu.memory_space<hbm>> -> memref<10240x128xf32, #tpu.memory_space<hbm>>
      tpu.wait_indirect_dma semaphore(%arg11 : memref<!tpu.dma_semaphore, #tpu.memory_space<semaphore_mem>>) src(%dma_wait3A_175 : memref<10240x128xf32, #tpu.memory_space<hbm>>) dst(%dma_wait3A_169 : memref<128x128xf32, #tpu.memory_space<vmem>>)
      %run_scoped3A_176 = arith.constant 1 : i32
      %run_scoped3A_177 = arith.constant 1 : i32
      "tpu.region"() ({
        %run_scoped3A_365 = tpu.sem_alloc : memref<!tpu.dma_semaphore, #tpu.memory_space<semaphore_mem>>
        %dma_start3A_366 = arith.constant 0 : i32
        %dma_start3A_367 = arith.constant 0 : i32
        %dma_start3A_368 = tpu.memref_slice %arg8[%run_scoped3A_176, %dma_start3A_366, %dma_start3A_367] : memref<2x128x128xf32, #tpu.memory_space<vmem>> -> memref<1x128x128xf32, #tpu.memory_space<vmem>>
        %dma_start3A_369 = tpu.memref_squeeze %dma_start3A_368 : memref<1x128x128xf32, #tpu.memory_space<vmem>> -> memref<128x128xf32, #tpu.memory_space<vmem>>
        %dma_start3A_370 = arith.constant 0 : i32
        %dma_start3A_371 = tpu.memref_slice %arg7[%and3A_107, %run_scoped3A_177, %dma_start3A_370] : memref<2x8x128xi32, #tpu.memory_space<vmem>> -> memref<1x1x128xi32, #tpu.memory_space<vmem>>
        %dma_start3A_372 = tpu.memref_squeeze %dma_start3A_371 : memref<1x1x128xi32, #tpu.memory_space<vmem>> -> memref<128xi32, #tpu.memory_space<vmem>>
        %dma_start3A_373 = arith.constant 0 : i32
        %dma_start3A_374 = arith.constant 0 : i32
        %dma_start3A_375 = tpu.memref_slice %arg9[%dma_start3A_373, %dma_start3A_374] : memref<10240x128xf32, #tpu.memory_space<vmem_shared>> -> memref<10240x128xf32, #tpu.memory_space<vmem_shared>>
        tpu.enqueue_indirect_dma source(%dma_start3A_369 : memref<128x128xf32, #tpu.memory_space<vmem>>) target(%dma_start3A_375 : memref<10240x128xf32, #tpu.memory_space<vmem_shared>>) offsets(%dma_start3A_372 : memref<128xi32, #tpu.memory_space<vmem>>) semaphore(%run_scoped3A_365 : memref<!tpu.dma_semaphore, #tpu.memory_space<semaphore_mem>>) {add = true}
        %dma_wait3A_376 = arith.constant 0 : i32
        %dma_wait3A_377 = arith.constant 0 : i32
        %dma_wait3A_378 = tpu.memref_slice %arg8[%run_scoped3A_176, %dma_wait3A_376, %dma_wait3A_377] : memref<2x128x128xf32, #tpu.memory_space<vmem>> -> memref<1x128x128xf32, #tpu.memory_space<vmem>>
        %dma_wait3A_379 = tpu.memref_squeeze %dma_wait3A_378 : memref<1x128x128xf32, #tpu.memory_space<vmem>> -> memref<128x128xf32, #tpu.memory_space<vmem>>
        %dma_wait3A_380 = arith.constant 0 : i32
        %dma_wait3A_381 = tpu.memref_slice %arg7[%and3A_107, %run_scoped3A_177, %dma_wait3A_380] : memref<2x8x128xi32, #tpu.memory_space<vmem>> -> memref<1x1x128xi32, #tpu.memory_space<vmem>>
        %dma_wait3A_382 = tpu.memref_squeeze %dma_wait3A_381 : memref<1x1x128xi32, #tpu.memory_space<vmem>> -> memref<128xi32, #tpu.memory_space<vmem>>
        %dma_wait3A_383 = arith.constant 0 : i32
        %dma_wait3A_384 = arith.constant 0 : i32
        %dma_wait3A_385 = tpu.memref_slice %arg9[%dma_wait3A_383, %dma_wait3A_384] : memref<10240x128xf32, #tpu.memory_space<vmem_shared>> -> memref<10240x128xf32, #tpu.memory_space<vmem_shared>>
        tpu.wait_indirect_dma semaphore(%run_scoped3A_365 : memref<!tpu.dma_semaphore, #tpu.memory_space<semaphore_mem>>) src(%dma_wait3A_379 : memref<128x128xf32, #tpu.memory_space<vmem>>) dst(%dma_wait3A_385 : memref<10240x128xf32, #tpu.memory_space<vmem_shared>>)
        tpu.yield
      }) : () -> ()
      %add3A_178 = arith.constant 2 : i32
      %add3A_179 = arith.addi %mul3A_103, %add3A_178 : i32
      %add3A_180 = arith.constant 1 : i32
      %add3A_181 = arith.addi %add3A_179, %add3A_180 : i32
      %min3A_182 = arith.constant 79 : i32
      %min3A_183 = arith.minsi %add3A_181, %min3A_182 : i32
      %dma_start3A_184 = arith.constant 1 : i32
      %dma_start3A_185 = arith.constant 0 : i32
      %dma_start3A_186 = arith.constant 0 : i32
      %dma_start3A_187 = tpu.memref_slice %arg8[%dma_start3A_184, %dma_start3A_185, %dma_start3A_186] : memref<2x128x128xf32, #tpu.memory_space<vmem>> -> memref<1x128x128xf32, #tpu.memory_space<vmem>>
      %dma_start3A_188 = tpu.memref_squeeze %dma_start3A_187 : memref<1x128x128xf32, #tpu.memory_space<vmem>> -> memref<128x128xf32, #tpu.memory_space<vmem>>
      %dma_start3A_189 = arith.constant 0 : i32
      %dma_start3A_190 = tpu.memref_slice %arg6[%min3A_183, %dma_start3A_189] : memref<80x128xi32, #tpu.memory_space<vmem>> -> memref<1x128xi32, #tpu.memory_space<vmem>>
      %dma_start3A_191 = tpu.memref_squeeze %dma_start3A_190 : memref<1x128xi32, #tpu.memory_space<vmem>> -> memref<128xi32, #tpu.memory_space<vmem>>
      %dma_start3A_192 = arith.constant 0 : i32
      %dma_start3A_193 = arith.constant 0 : i32
      %dma_start3A_194 = tpu.memref_slice %arg2[%dma_start3A_192, %dma_start3A_193] : memref<10240x128xf32, #tpu.memory_space<hbm>> -> memref<10240x128xf32, #tpu.memory_space<hbm>>
      tpu.enqueue_indirect_dma source(%dma_start3A_194 : memref<10240x128xf32, #tpu.memory_space<hbm>>) target(%dma_start3A_188 : memref<128x128xf32, #tpu.memory_space<vmem>>) offsets(%dma_start3A_191 : memref<128xi32, #tpu.memory_space<vmem>>) semaphore(%arg11 : memref<!tpu.dma_semaphore, #tpu.memory_space<semaphore_mem>>)
      %dma_wait3A_195 = arith.constant 0 : i32
      %dma_wait3A_196 = arith.constant 0 : i32
      %dma_wait3A_197 = arith.constant 0 : i32
      %dma_wait3A_198 = arith.constant 0 : i32
      %dma_wait3A_199 = tpu.memref_slice %arg8[%dma_wait3A_196, %dma_wait3A_197, %dma_wait3A_198] : memref<2x128x128xf32, #tpu.memory_space<vmem>> -> memref<1x128x128xf32, #tpu.memory_space<vmem>>
      %dma_wait3A_200 = tpu.memref_squeeze %dma_wait3A_199 : memref<1x128x128xf32, #tpu.memory_space<vmem>> -> memref<128x128xf32, #tpu.memory_space<vmem>>
      %dma_wait3A_201 = arith.constant 0 : i32
      %dma_wait3A_202 = tpu.memref_slice %arg6[%dma_wait3A_195, %dma_wait3A_201] : memref<80x128xi32, #tpu.memory_space<vmem>> -> memref<1x128xi32, #tpu.memory_space<vmem>>
      %dma_wait3A_203 = tpu.memref_squeeze %dma_wait3A_202 : memref<1x128xi32, #tpu.memory_space<vmem>> -> memref<128xi32, #tpu.memory_space<vmem>>
      %dma_wait3A_204 = arith.constant 0 : i32
      %dma_wait3A_205 = arith.constant 0 : i32
      %dma_wait3A_206 = tpu.memref_slice %arg2[%dma_wait3A_204, %dma_wait3A_205] : memref<10240x128xf32, #tpu.memory_space<hbm>> -> memref<10240x128xf32, #tpu.memory_space<hbm>>
      tpu.wait_indirect_dma semaphore(%arg10 : memref<!tpu.dma_semaphore, #tpu.memory_space<semaphore_mem>>) src(%dma_wait3A_206 : memref<10240x128xf32, #tpu.memory_space<hbm>>) dst(%dma_wait3A_200 : memref<128x128xf32, #tpu.memory_space<vmem>>)
      %run_scoped3A_207 = arith.constant 0 : i32
      %run_scoped3A_208 = arith.constant 2 : i32
      "tpu.region"() ({
        %run_scoped3A_365 = tpu.sem_alloc : memref<!tpu.dma_semaphore, #tpu.memory_space<semaphore_mem>>
        %dma_start3A_366 = arith.constant 0 : i32
        %dma_start3A_367 = arith.constant 0 : i32
        %dma_start3A_368 = tpu.memref_slice %arg8[%run_scoped3A_207, %dma_start3A_366, %dma_start3A_367] : memref<2x128x128xf32, #tpu.memory_space<vmem>> -> memref<1x128x128xf32, #tpu.memory_space<vmem>>
        %dma_start3A_369 = tpu.memref_squeeze %dma_start3A_368 : memref<1x128x128xf32, #tpu.memory_space<vmem>> -> memref<128x128xf32, #tpu.memory_space<vmem>>
        %dma_start3A_370 = arith.constant 0 : i32
        %dma_start3A_371 = tpu.memref_slice %arg7[%and3A_107, %run_scoped3A_208, %dma_start3A_370] : memref<2x8x128xi32, #tpu.memory_space<vmem>> -> memref<1x1x128xi32, #tpu.memory_space<vmem>>
        %dma_start3A_372 = tpu.memref_squeeze %dma_start3A_371 : memref<1x1x128xi32, #tpu.memory_space<vmem>> -> memref<128xi32, #tpu.memory_space<vmem>>
        %dma_start3A_373 = arith.constant 0 : i32
        %dma_start3A_374 = arith.constant 0 : i32
        %dma_start3A_375 = tpu.memref_slice %arg9[%dma_start3A_373, %dma_start3A_374] : memref<10240x128xf32, #tpu.memory_space<vmem_shared>> -> memref<10240x128xf32, #tpu.memory_space<vmem_shared>>
        tpu.enqueue_indirect_dma source(%dma_start3A_369 : memref<128x128xf32, #tpu.memory_space<vmem>>) target(%dma_start3A_375 : memref<10240x128xf32, #tpu.memory_space<vmem_shared>>) offsets(%dma_start3A_372 : memref<128xi32, #tpu.memory_space<vmem>>) semaphore(%run_scoped3A_365 : memref<!tpu.dma_semaphore, #tpu.memory_space<semaphore_mem>>) {add = true}
        %dma_wait3A_376 = arith.constant 0 : i32
        %dma_wait3A_377 = arith.constant 0 : i32
        %dma_wait3A_378 = tpu.memref_slice %arg8[%run_scoped3A_207, %dma_wait3A_376, %dma_wait3A_377] : memref<2x128x128xf32, #tpu.memory_space<vmem>> -> memref<1x128x128xf32, #tpu.memory_space<vmem>>
        %dma_wait3A_379 = tpu.memref_squeeze %dma_wait3A_378 : memref<1x128x128xf32, #tpu.memory_space<vmem>> -> memref<128x128xf32, #tpu.memory_space<vmem>>
        %dma_wait3A_380 = arith.constant 0 : i32
        %dma_wait3A_381 = tpu.memref_slice %arg7[%and3A_107, %run_scoped3A_208, %dma_wait3A_380] : memref<2x8x128xi32, #tpu.memory_space<vmem>> -> memref<1x1x128xi32, #tpu.memory_space<vmem>>
        %dma_wait3A_382 = tpu.memref_squeeze %dma_wait3A_381 : memref<1x1x128xi32, #tpu.memory_space<vmem>> -> memref<128xi32, #tpu.memory_space<vmem>>
        %dma_wait3A_383 = arith.constant 0 : i32
        %dma_wait3A_384 = arith.constant 0 : i32
        %dma_wait3A_385 = tpu.memref_slice %arg9[%dma_wait3A_383, %dma_wait3A_384] : memref<10240x128xf32, #tpu.memory_space<vmem_shared>> -> memref<10240x128xf32, #tpu.memory_space<vmem_shared>>
        tpu.wait_indirect_dma semaphore(%run_scoped3A_365 : memref<!tpu.dma_semaphore, #tpu.memory_space<semaphore_mem>>) src(%dma_wait3A_379 : memref<128x128xf32, #tpu.memory_space<vmem>>) dst(%dma_wait3A_385 : memref<10240x128xf32, #tpu.memory_space<vmem_shared>>)
        tpu.yield
      }) : () -> ()
      %add3A_209 = arith.constant 3 : i32
      %add3A_210 = arith.addi %mul3A_103, %add3A_209 : i32
      %add3A_211 = arith.constant 1 : i32
      %add3A_212 = arith.addi %add3A_210, %add3A_211 : i32
      %min3A_213 = arith.constant 79 : i32
      %min3A_214 = arith.minsi %add3A_212, %min3A_213 : i32
      %dma_start3A_215 = arith.constant 0 : i32
      %dma_start3A_216 = arith.constant 0 : i32
      %dma_start3A_217 = arith.constant 0 : i32
      %dma_start3A_218 = tpu.memref_slice %arg8[%dma_start3A_215, %dma_start3A_216, %dma_start3A_217] : memref<2x128x128xf32, #tpu.memory_space<vmem>> -> memref<1x128x128xf32, #tpu.memory_space<vmem>>
      %dma_start3A_219 = tpu.memref_squeeze %dma_start3A_218 : memref<1x128x128xf32, #tpu.memory_space<vmem>> -> memref<128x128xf32, #tpu.memory_space<vmem>>
      %dma_start3A_220 = arith.constant 0 : i32
      %dma_start3A_221 = tpu.memref_slice %arg6[%min3A_214, %dma_start3A_220] : memref<80x128xi32, #tpu.memory_space<vmem>> -> memref<1x128xi32, #tpu.memory_space<vmem>>
      %dma_start3A_222 = tpu.memref_squeeze %dma_start3A_221 : memref<1x128xi32, #tpu.memory_space<vmem>> -> memref<128xi32, #tpu.memory_space<vmem>>
      %dma_start3A_223 = arith.constant 0 : i32
      %dma_start3A_224 = arith.constant 0 : i32
      %dma_start3A_225 = tpu.memref_slice %arg2[%dma_start3A_223, %dma_start3A_224] : memref<10240x128xf32, #tpu.memory_space<hbm>> -> memref<10240x128xf32, #tpu.memory_space<hbm>>
      tpu.enqueue_indirect_dma source(%dma_start3A_225 : memref<10240x128xf32, #tpu.memory_space<hbm>>) target(%dma_start3A_219 : memref<128x128xf32, #tpu.memory_space<vmem>>) offsets(%dma_start3A_222 : memref<128xi32, #tpu.memory_space<vmem>>) semaphore(%arg10 : memref<!tpu.dma_semaphore, #tpu.memory_space<semaphore_mem>>)
      %dma_wait3A_226 = arith.constant 0 : i32
      %dma_wait3A_227 = arith.constant 1 : i32
      %dma_wait3A_228 = arith.constant 0 : i32
      %dma_wait3A_229 = arith.constant 0 : i32
      %dma_wait3A_230 = tpu.memref_slice %arg8[%dma_wait3A_227, %dma_wait3A_228, %dma_wait3A_229] : memref<2x128x128xf32, #tpu.memory_space<vmem>> -> memref<1x128x128xf32, #tpu.memory_space<vmem>>
      %dma_wait3A_231 = tpu.memref_squeeze %dma_wait3A_230 : memref<1x128x128xf32, #tpu.memory_space<vmem>> -> memref<128x128xf32, #tpu.memory_space<vmem>>
      %dma_wait3A_232 = arith.constant 0 : i32
      %dma_wait3A_233 = tpu.memref_slice %arg6[%dma_wait3A_226, %dma_wait3A_232] : memref<80x128xi32, #tpu.memory_space<vmem>> -> memref<1x128xi32, #tpu.memory_space<vmem>>
      %dma_wait3A_234 = tpu.memref_squeeze %dma_wait3A_233 : memref<1x128xi32, #tpu.memory_space<vmem>> -> memref<128xi32, #tpu.memory_space<vmem>>
      %dma_wait3A_235 = arith.constant 0 : i32
      %dma_wait3A_236 = arith.constant 0 : i32
      %dma_wait3A_237 = tpu.memref_slice %arg2[%dma_wait3A_235, %dma_wait3A_236] : memref<10240x128xf32, #tpu.memory_space<hbm>> -> memref<10240x128xf32, #tpu.memory_space<hbm>>
      tpu.wait_indirect_dma semaphore(%arg11 : memref<!tpu.dma_semaphore, #tpu.memory_space<semaphore_mem>>) src(%dma_wait3A_237 : memref<10240x128xf32, #tpu.memory_space<hbm>>) dst(%dma_wait3A_231 : memref<128x128xf32, #tpu.memory_space<vmem>>)
      %run_scoped3A_238 = arith.constant 1 : i32
      %run_scoped3A_239 = arith.constant 3 : i32
      "tpu.region"() ({
        %run_scoped3A_365 = tpu.sem_alloc : memref<!tpu.dma_semaphore, #tpu.memory_space<semaphore_mem>>
        %dma_start3A_366 = arith.constant 0 : i32
        %dma_start3A_367 = arith.constant 0 : i32
        %dma_start3A_368 = tpu.memref_slice %arg8[%run_scoped3A_238, %dma_start3A_366, %dma_start3A_367] : memref<2x128x128xf32, #tpu.memory_space<vmem>> -> memref<1x128x128xf32, #tpu.memory_space<vmem>>
        %dma_start3A_369 = tpu.memref_squeeze %dma_start3A_368 : memref<1x128x128xf32, #tpu.memory_space<vmem>> -> memref<128x128xf32, #tpu.memory_space<vmem>>
        %dma_start3A_370 = arith.constant 0 : i32
        %dma_start3A_371 = tpu.memref_slice %arg7[%and3A_107, %run_scoped3A_239, %dma_start3A_370] : memref<2x8x128xi32, #tpu.memory_space<vmem>> -> memref<1x1x128xi32, #tpu.memory_space<vmem>>
        %dma_start3A_372 = tpu.memref_squeeze %dma_start3A_371 : memref<1x1x128xi32, #tpu.memory_space<vmem>> -> memref<128xi32, #tpu.memory_space<vmem>>
        %dma_start3A_373 = arith.constant 0 : i32
        %dma_start3A_374 = arith.constant 0 : i32
        %dma_start3A_375 = tpu.memref_slice %arg9[%dma_start3A_373, %dma_start3A_374] : memref<10240x128xf32, #tpu.memory_space<vmem_shared>> -> memref<10240x128xf32, #tpu.memory_space<vmem_shared>>
        tpu.enqueue_indirect_dma source(%dma_start3A_369 : memref<128x128xf32, #tpu.memory_space<vmem>>) target(%dma_start3A_375 : memref<10240x128xf32, #tpu.memory_space<vmem_shared>>) offsets(%dma_start3A_372 : memref<128xi32, #tpu.memory_space<vmem>>) semaphore(%run_scoped3A_365 : memref<!tpu.dma_semaphore, #tpu.memory_space<semaphore_mem>>) {add = true}
        %dma_wait3A_376 = arith.constant 0 : i32
        %dma_wait3A_377 = arith.constant 0 : i32
        %dma_wait3A_378 = tpu.memref_slice %arg8[%run_scoped3A_238, %dma_wait3A_376, %dma_wait3A_377] : memref<2x128x128xf32, #tpu.memory_space<vmem>> -> memref<1x128x128xf32, #tpu.memory_space<vmem>>
        %dma_wait3A_379 = tpu.memref_squeeze %dma_wait3A_378 : memref<1x128x128xf32, #tpu.memory_space<vmem>> -> memref<128x128xf32, #tpu.memory_space<vmem>>
        %dma_wait3A_380 = arith.constant 0 : i32
        %dma_wait3A_381 = tpu.memref_slice %arg7[%and3A_107, %run_scoped3A_239, %dma_wait3A_380] : memref<2x8x128xi32, #tpu.memory_space<vmem>> -> memref<1x1x128xi32, #tpu.memory_space<vmem>>
        %dma_wait3A_382 = tpu.memref_squeeze %dma_wait3A_381 : memref<1x1x128xi32, #tpu.memory_space<vmem>> -> memref<128xi32, #tpu.memory_space<vmem>>
        %dma_wait3A_383 = arith.constant 0 : i32
        %dma_wait3A_384 = arith.constant 0 : i32
        %dma_wait3A_385 = tpu.memref_slice %arg9[%dma_wait3A_383, %dma_wait3A_384] : memref<10240x128xf32, #tpu.memory_space<vmem_shared>> -> memref<10240x128xf32, #tpu.memory_space<vmem_shared>>
        tpu.wait_indirect_dma semaphore(%run_scoped3A_365 : memref<!tpu.dma_semaphore, #tpu.memory_space<semaphore_mem>>) src(%dma_wait3A_379 : memref<128x128xf32, #tpu.memory_space<vmem>>) dst(%dma_wait3A_385 : memref<10240x128xf32, #tpu.memory_space<vmem_shared>>)
        tpu.yield
      }) : () -> ()
      %add3A_240 = arith.constant 4 : i32
      %add3A_241 = arith.addi %mul3A_103, %add3A_240 : i32
      %add3A_242 = arith.constant 1 : i32
      %add3A_243 = arith.addi %add3A_241, %add3A_242 : i32
      %min3A_244 = arith.constant 79 : i32
      %min3A_245 = arith.minsi %add3A_243, %min3A_244 : i32
      %dma_start3A_246 = arith.constant 1 : i32
      %dma_start3A_247 = arith.constant 0 : i32
      %dma_start3A_248 = arith.constant 0 : i32
      %dma_start3A_249 = tpu.memref_slice %arg8[%dma_start3A_246, %dma_start3A_247, %dma_start3A_248] : memref<2x128x128xf32, #tpu.memory_space<vmem>> -> memref<1x128x128xf32, #tpu.memory_space<vmem>>
      %dma_start3A_250 = tpu.memref_squeeze %dma_start3A_249 : memref<1x128x128xf32, #tpu.memory_space<vmem>> -> memref<128x128xf32, #tpu.memory_space<vmem>>
      %dma_start3A_251 = arith.constant 0 : i32
      %dma_start3A_252 = tpu.memref_slice %arg6[%min3A_245, %dma_start3A_251] : memref<80x128xi32, #tpu.memory_space<vmem>> -> memref<1x128xi32, #tpu.memory_space<vmem>>
      %dma_start3A_253 = tpu.memref_squeeze %dma_start3A_252 : memref<1x128xi32, #tpu.memory_space<vmem>> -> memref<128xi32, #tpu.memory_space<vmem>>
      %dma_start3A_254 = arith.constant 0 : i32
      %dma_start3A_255 = arith.constant 0 : i32
      %dma_start3A_256 = tpu.memref_slice %arg2[%dma_start3A_254, %dma_start3A_255] : memref<10240x128xf32, #tpu.memory_space<hbm>> -> memref<10240x128xf32, #tpu.memory_space<hbm>>
      tpu.enqueue_indirect_dma source(%dma_start3A_256 : memref<10240x128xf32, #tpu.memory_space<hbm>>) target(%dma_start3A_250 : memref<128x128xf32, #tpu.memory_space<vmem>>) offsets(%dma_start3A_253 : memref<128xi32, #tpu.memory_space<vmem>>) semaphore(%arg11 : memref<!tpu.dma_semaphore, #tpu.memory_space<semaphore_mem>>)
      %dma_wait3A_257 = arith.constant 0 : i32
      %dma_wait3A_258 = arith.constant 0 : i32
      %dma_wait3A_259 = arith.constant 0 : i32
      %dma_wait3A_260 = arith.constant 0 : i32
      %dma_wait3A_261 = tpu.memref_slice %arg8[%dma_wait3A_258, %dma_wait3A_259, %dma_wait3A_260] : memref<2x128x128xf32, #tpu.memory_space<vmem>> -> memref<1x128x128xf32, #tpu.memory_space<vmem>>
      %dma_wait3A_262 = tpu.memref_squeeze %dma_wait3A_261 : memref<1x128x128xf32, #tpu.memory_space<vmem>> -> memref<128x128xf32, #tpu.memory_space<vmem>>
      %dma_wait3A_263 = arith.constant 0 : i32
      %dma_wait3A_264 = tpu.memref_slice %arg6[%dma_wait3A_257, %dma_wait3A_263] : memref<80x128xi32, #tpu.memory_space<vmem>> -> memref<1x128xi32, #tpu.memory_space<vmem>>
      %dma_wait3A_265 = tpu.memref_squeeze %dma_wait3A_264 : memref<1x128xi32, #tpu.memory_space<vmem>> -> memref<128xi32, #tpu.memory_space<vmem>>
      %dma_wait3A_266 = arith.constant 0 : i32
      %dma_wait3A_267 = arith.constant 0 : i32
      %dma_wait3A_268 = tpu.memref_slice %arg2[%dma_wait3A_266, %dma_wait3A_267] : memref<10240x128xf32, #tpu.memory_space<hbm>> -> memref<10240x128xf32, #tpu.memory_space<hbm>>
      tpu.wait_indirect_dma semaphore(%arg10 : memref<!tpu.dma_semaphore, #tpu.memory_space<semaphore_mem>>) src(%dma_wait3A_268 : memref<10240x128xf32, #tpu.memory_space<hbm>>) dst(%dma_wait3A_262 : memref<128x128xf32, #tpu.memory_space<vmem>>)
      %run_scoped3A_269 = arith.constant 0 : i32
      %run_scoped3A_270 = arith.constant 4 : i32
      "tpu.region"() ({
        %run_scoped3A_365 = tpu.sem_alloc : memref<!tpu.dma_semaphore, #tpu.memory_space<semaphore_mem>>
        %dma_start3A_366 = arith.constant 0 : i32
        %dma_start3A_367 = arith.constant 0 : i32
        %dma_start3A_368 = tpu.memref_slice %arg8[%run_scoped3A_269, %dma_start3A_366, %dma_start3A_367] : memref<2x128x128xf32, #tpu.memory_space<vmem>> -> memref<1x128x128xf32, #tpu.memory_space<vmem>>
        %dma_start3A_369 = tpu.memref_squeeze %dma_start3A_368 : memref<1x128x128xf32, #tpu.memory_space<vmem>> -> memref<128x128xf32, #tpu.memory_space<vmem>>
        %dma_start3A_370 = arith.constant 0 : i32
        %dma_start3A_371 = tpu.memref_slice %arg7[%and3A_107, %run_scoped3A_270, %dma_start3A_370] : memref<2x8x128xi32, #tpu.memory_space<vmem>> -> memref<1x1x128xi32, #tpu.memory_space<vmem>>
        %dma_start3A_372 = tpu.memref_squeeze %dma_start3A_371 : memref<1x1x128xi32, #tpu.memory_space<vmem>> -> memref<128xi32, #tpu.memory_space<vmem>>
        %dma_start3A_373 = arith.constant 0 : i32
        %dma_start3A_374 = arith.constant 0 : i32
        %dma_start3A_375 = tpu.memref_slice %arg9[%dma_start3A_373, %dma_start3A_374] : memref<10240x128xf32, #tpu.memory_space<vmem_shared>> -> memref<10240x128xf32, #tpu.memory_space<vmem_shared>>
        tpu.enqueue_indirect_dma source(%dma_start3A_369 : memref<128x128xf32, #tpu.memory_space<vmem>>) target(%dma_start3A_375 : memref<10240x128xf32, #tpu.memory_space<vmem_shared>>) offsets(%dma_start3A_372 : memref<128xi32, #tpu.memory_space<vmem>>) semaphore(%run_scoped3A_365 : memref<!tpu.dma_semaphore, #tpu.memory_space<semaphore_mem>>) {add = true}
        %dma_wait3A_376 = arith.constant 0 : i32
        %dma_wait3A_377 = arith.constant 0 : i32
        %dma_wait3A_378 = tpu.memref_slice %arg8[%run_scoped3A_269, %dma_wait3A_376, %dma_wait3A_377] : memref<2x128x128xf32, #tpu.memory_space<vmem>> -> memref<1x128x128xf32, #tpu.memory_space<vmem>>
        %dma_wait3A_379 = tpu.memref_squeeze %dma_wait3A_378 : memref<1x128x128xf32, #tpu.memory_space<vmem>> -> memref<128x128xf32, #tpu.memory_space<vmem>>
        %dma_wait3A_380 = arith.constant 0 : i32
        %dma_wait3A_381 = tpu.memref_slice %arg7[%and3A_107, %run_scoped3A_270, %dma_wait3A_380] : memref<2x8x128xi32, #tpu.memory_space<vmem>> -> memref<1x1x128xi32, #tpu.memory_space<vmem>>
        %dma_wait3A_382 = tpu.memref_squeeze %dma_wait3A_381 : memref<1x1x128xi32, #tpu.memory_space<vmem>> -> memref<128xi32, #tpu.memory_space<vmem>>
        %dma_wait3A_383 = arith.constant 0 : i32
        %dma_wait3A_384 = arith.constant 0 : i32
        %dma_wait3A_385 = tpu.memref_slice %arg9[%dma_wait3A_383, %dma_wait3A_384] : memref<10240x128xf32, #tpu.memory_space<vmem_shared>> -> memref<10240x128xf32, #tpu.memory_space<vmem_shared>>
        tpu.wait_indirect_dma semaphore(%run_scoped3A_365 : memref<!tpu.dma_semaphore, #tpu.memory_space<semaphore_mem>>) src(%dma_wait3A_379 : memref<128x128xf32, #tpu.memory_space<vmem>>) dst(%dma_wait3A_385 : memref<10240x128xf32, #tpu.memory_space<vmem_shared>>)
        tpu.yield
      }) : () -> ()
      %add3A_271 = arith.constant 5 : i32
      %add3A_272 = arith.addi %mul3A_103, %add3A_271 : i32
      %add3A_273 = arith.constant 1 : i32
      %add3A_274 = arith.addi %add3A_272, %add3A_273 : i32
      %min3A_275 = arith.constant 79 : i32
      %min3A_276 = arith.minsi %add3A_274, %min3A_275 : i32
      %dma_start3A_277 = arith.constant 0 : i32
      %dma_start3A_278 = arith.constant 0 : i32
      %dma_start3A_279 = arith.constant 0 : i32
      %dma_start3A_280 = tpu.memref_slice %arg8[%dma_start3A_277, %dma_start3A_278, %dma_start3A_279] : memref<2x128x128xf32, #tpu.memory_space<vmem>> -> memref<1x128x128xf32, #tpu.memory_space<vmem>>
      %dma_start3A_281 = tpu.memref_squeeze %dma_start3A_280 : memref<1x128x128xf32, #tpu.memory_space<vmem>> -> memref<128x128xf32, #tpu.memory_space<vmem>>
      %dma_start3A_282 = arith.constant 0 : i32
      %dma_start3A_283 = tpu.memref_slice %arg6[%min3A_276, %dma_start3A_282] : memref<80x128xi32, #tpu.memory_space<vmem>> -> memref<1x128xi32, #tpu.memory_space<vmem>>
      %dma_start3A_284 = tpu.memref_squeeze %dma_start3A_283 : memref<1x128xi32, #tpu.memory_space<vmem>> -> memref<128xi32, #tpu.memory_space<vmem>>
      %dma_start3A_285 = arith.constant 0 : i32
      %dma_start3A_286 = arith.constant 0 : i32
      %dma_start3A_287 = tpu.memref_slice %arg2[%dma_start3A_285, %dma_start3A_286] : memref<10240x128xf32, #tpu.memory_space<hbm>> -> memref<10240x128xf32, #tpu.memory_space<hbm>>
      tpu.enqueue_indirect_dma source(%dma_start3A_287 : memref<10240x128xf32, #tpu.memory_space<hbm>>) target(%dma_start3A_281 : memref<128x128xf32, #tpu.memory_space<vmem>>) offsets(%dma_start3A_284 : memref<128xi32, #tpu.memory_space<vmem>>) semaphore(%arg10 : memref<!tpu.dma_semaphore, #tpu.memory_space<semaphore_mem>>)
      %dma_wait3A_288 = arith.constant 0 : i32
      %dma_wait3A_289 = arith.constant 1 : i32
      %dma_wait3A_290 = arith.constant 0 : i32
      %dma_wait3A_291 = arith.constant 0 : i32
      %dma_wait3A_292 = tpu.memref_slice %arg8[%dma_wait3A_289, %dma_wait3A_290, %dma_wait3A_291] : memref<2x128x128xf32, #tpu.memory_space<vmem>> -> memref<1x128x128xf32, #tpu.memory_space<vmem>>
      %dma_wait3A_293 = tpu.memref_squeeze %dma_wait3A_292 : memref<1x128x128xf32, #tpu.memory_space<vmem>> -> memref<128x128xf32, #tpu.memory_space<vmem>>
      %dma_wait3A_294 = arith.constant 0 : i32
      %dma_wait3A_295 = tpu.memref_slice %arg6[%dma_wait3A_288, %dma_wait3A_294] : memref<80x128xi32, #tpu.memory_space<vmem>> -> memref<1x128xi32, #tpu.memory_space<vmem>>
      %dma_wait3A_296 = tpu.memref_squeeze %dma_wait3A_295 : memref<1x128xi32, #tpu.memory_space<vmem>> -> memref<128xi32, #tpu.memory_space<vmem>>
      %dma_wait3A_297 = arith.constant 0 : i32
      %dma_wait3A_298 = arith.constant 0 : i32
      %dma_wait3A_299 = tpu.memref_slice %arg2[%dma_wait3A_297, %dma_wait3A_298] : memref<10240x128xf32, #tpu.memory_space<hbm>> -> memref<10240x128xf32, #tpu.memory_space<hbm>>
      tpu.wait_indirect_dma semaphore(%arg11 : memref<!tpu.dma_semaphore, #tpu.memory_space<semaphore_mem>>) src(%dma_wait3A_299 : memref<10240x128xf32, #tpu.memory_space<hbm>>) dst(%dma_wait3A_293 : memref<128x128xf32, #tpu.memory_space<vmem>>)
      %run_scoped3A_300 = arith.constant 1 : i32
      %run_scoped3A_301 = arith.constant 5 : i32
      "tpu.region"() ({
        %run_scoped3A_365 = tpu.sem_alloc : memref<!tpu.dma_semaphore, #tpu.memory_space<semaphore_mem>>
        %dma_start3A_366 = arith.constant 0 : i32
        %dma_start3A_367 = arith.constant 0 : i32
        %dma_start3A_368 = tpu.memref_slice %arg8[%run_scoped3A_300, %dma_start3A_366, %dma_start3A_367] : memref<2x128x128xf32, #tpu.memory_space<vmem>> -> memref<1x128x128xf32, #tpu.memory_space<vmem>>
        %dma_start3A_369 = tpu.memref_squeeze %dma_start3A_368 : memref<1x128x128xf32, #tpu.memory_space<vmem>> -> memref<128x128xf32, #tpu.memory_space<vmem>>
        %dma_start3A_370 = arith.constant 0 : i32
        %dma_start3A_371 = tpu.memref_slice %arg7[%and3A_107, %run_scoped3A_301, %dma_start3A_370] : memref<2x8x128xi32, #tpu.memory_space<vmem>> -> memref<1x1x128xi32, #tpu.memory_space<vmem>>
        %dma_start3A_372 = tpu.memref_squeeze %dma_start3A_371 : memref<1x1x128xi32, #tpu.memory_space<vmem>> -> memref<128xi32, #tpu.memory_space<vmem>>
        %dma_start3A_373 = arith.constant 0 : i32
        %dma_start3A_374 = arith.constant 0 : i32
        %dma_start3A_375 = tpu.memref_slice %arg9[%dma_start3A_373, %dma_start3A_374] : memref<10240x128xf32, #tpu.memory_space<vmem_shared>> -> memref<10240x128xf32, #tpu.memory_space<vmem_shared>>
        tpu.enqueue_indirect_dma source(%dma_start3A_369 : memref<128x128xf32, #tpu.memory_space<vmem>>) target(%dma_start3A_375 : memref<10240x128xf32, #tpu.memory_space<vmem_shared>>) offsets(%dma_start3A_372 : memref<128xi32, #tpu.memory_space<vmem>>) semaphore(%run_scoped3A_365 : memref<!tpu.dma_semaphore, #tpu.memory_space<semaphore_mem>>) {add = true}
        %dma_wait3A_376 = arith.constant 0 : i32
        %dma_wait3A_377 = arith.constant 0 : i32
        %dma_wait3A_378 = tpu.memref_slice %arg8[%run_scoped3A_300, %dma_wait3A_376, %dma_wait3A_377] : memref<2x128x128xf32, #tpu.memory_space<vmem>> -> memref<1x128x128xf32, #tpu.memory_space<vmem>>
        %dma_wait3A_379 = tpu.memref_squeeze %dma_wait3A_378 : memref<1x128x128xf32, #tpu.memory_space<vmem>> -> memref<128x128xf32, #tpu.memory_space<vmem>>
        %dma_wait3A_380 = arith.constant 0 : i32
        %dma_wait3A_381 = tpu.memref_slice %arg7[%and3A_107, %run_scoped3A_301, %dma_wait3A_380] : memref<2x8x128xi32, #tpu.memory_space<vmem>> -> memref<1x1x128xi32, #tpu.memory_space<vmem>>
        %dma_wait3A_382 = tpu.memref_squeeze %dma_wait3A_381 : memref<1x1x128xi32, #tpu.memory_space<vmem>> -> memref<128xi32, #tpu.memory_space<vmem>>
        %dma_wait3A_383 = arith.constant 0 : i32
        %dma_wait3A_384 = arith.constant 0 : i32
        %dma_wait3A_385 = tpu.memref_slice %arg9[%dma_wait3A_383, %dma_wait3A_384] : memref<10240x128xf32, #tpu.memory_space<vmem_shared>> -> memref<10240x128xf32, #tpu.memory_space<vmem_shared>>
        tpu.wait_indirect_dma semaphore(%run_scoped3A_365 : memref<!tpu.dma_semaphore, #tpu.memory_space<semaphore_mem>>) src(%dma_wait3A_379 : memref<128x128xf32, #tpu.memory_space<vmem>>) dst(%dma_wait3A_385 : memref<10240x128xf32, #tpu.memory_space<vmem_shared>>)
        tpu.yield
      }) : () -> ()
      %add3A_302 = arith.constant 6 : i32
      %add3A_303 = arith.addi %mul3A_103, %add3A_302 : i32
      %add3A_304 = arith.constant 1 : i32
      %add3A_305 = arith.addi %add3A_303, %add3A_304 : i32
      %min3A_306 = arith.constant 79 : i32
      %min3A_307 = arith.minsi %add3A_305, %min3A_306 : i32
      %dma_start3A_308 = arith.constant 1 : i32
      %dma_start3A_309 = arith.constant 0 : i32
      %dma_start3A_310 = arith.constant 0 : i32
      %dma_start3A_311 = tpu.memref_slice %arg8[%dma_start3A_308, %dma_start3A_309, %dma_start3A_310] : memref<2x128x128xf32, #tpu.memory_space<vmem>> -> memref<1x128x128xf32, #tpu.memory_space<vmem>>
      %dma_start3A_312 = tpu.memref_squeeze %dma_start3A_311 : memref<1x128x128xf32, #tpu.memory_space<vmem>> -> memref<128x128xf32, #tpu.memory_space<vmem>>
      %dma_start3A_313 = arith.constant 0 : i32
      %dma_start3A_314 = tpu.memref_slice %arg6[%min3A_307, %dma_start3A_313] : memref<80x128xi32, #tpu.memory_space<vmem>> -> memref<1x128xi32, #tpu.memory_space<vmem>>
      %dma_start3A_315 = tpu.memref_squeeze %dma_start3A_314 : memref<1x128xi32, #tpu.memory_space<vmem>> -> memref<128xi32, #tpu.memory_space<vmem>>
      %dma_start3A_316 = arith.constant 0 : i32
      %dma_start3A_317 = arith.constant 0 : i32
      %dma_start3A_318 = tpu.memref_slice %arg2[%dma_start3A_316, %dma_start3A_317] : memref<10240x128xf32, #tpu.memory_space<hbm>> -> memref<10240x128xf32, #tpu.memory_space<hbm>>
      tpu.enqueue_indirect_dma source(%dma_start3A_318 : memref<10240x128xf32, #tpu.memory_space<hbm>>) target(%dma_start3A_312 : memref<128x128xf32, #tpu.memory_space<vmem>>) offsets(%dma_start3A_315 : memref<128xi32, #tpu.memory_space<vmem>>) semaphore(%arg11 : memref<!tpu.dma_semaphore, #tpu.memory_space<semaphore_mem>>)
      %dma_wait3A_319 = arith.constant 0 : i32
      %dma_wait3A_320 = arith.constant 0 : i32
      %dma_wait3A_321 = arith.constant 0 : i32
      %dma_wait3A_322 = arith.constant 0 : i32
      %dma_wait3A_323 = tpu.memref_slice %arg8[%dma_wait3A_320, %dma_wait3A_321, %dma_wait3A_322] : memref<2x128x128xf32, #tpu.memory_space<vmem>> -> memref<1x128x128xf32, #tpu.memory_space<vmem>>
      %dma_wait3A_324 = tpu.memref_squeeze %dma_wait3A_323 : memref<1x128x128xf32, #tpu.memory_space<vmem>> -> memref<128x128xf32, #tpu.memory_space<vmem>>
      %dma_wait3A_325 = arith.constant 0 : i32
      %dma_wait3A_326 = tpu.memref_slice %arg6[%dma_wait3A_319, %dma_wait3A_325] : memref<80x128xi32, #tpu.memory_space<vmem>> -> memref<1x128xi32, #tpu.memory_space<vmem>>
      %dma_wait3A_327 = tpu.memref_squeeze %dma_wait3A_326 : memref<1x128xi32, #tpu.memory_space<vmem>> -> memref<128xi32, #tpu.memory_space<vmem>>
      %dma_wait3A_328 = arith.constant 0 : i32
      %dma_wait3A_329 = arith.constant 0 : i32
      %dma_wait3A_330 = tpu.memref_slice %arg2[%dma_wait3A_328, %dma_wait3A_329] : memref<10240x128xf32, #tpu.memory_space<hbm>> -> memref<10240x128xf32, #tpu.memory_space<hbm>>
      tpu.wait_indirect_dma semaphore(%arg10 : memref<!tpu.dma_semaphore, #tpu.memory_space<semaphore_mem>>) src(%dma_wait3A_330 : memref<10240x128xf32, #tpu.memory_space<hbm>>) dst(%dma_wait3A_324 : memref<128x128xf32, #tpu.memory_space<vmem>>)
      %run_scoped3A_331 = arith.constant 0 : i32
      %run_scoped3A_332 = arith.constant 6 : i32
      "tpu.region"() ({
        %run_scoped3A_365 = tpu.sem_alloc : memref<!tpu.dma_semaphore, #tpu.memory_space<semaphore_mem>>
        %dma_start3A_366 = arith.constant 0 : i32
        %dma_start3A_367 = arith.constant 0 : i32
        %dma_start3A_368 = tpu.memref_slice %arg8[%run_scoped3A_331, %dma_start3A_366, %dma_start3A_367] : memref<2x128x128xf32, #tpu.memory_space<vmem>> -> memref<1x128x128xf32, #tpu.memory_space<vmem>>
        %dma_start3A_369 = tpu.memref_squeeze %dma_start3A_368 : memref<1x128x128xf32, #tpu.memory_space<vmem>> -> memref<128x128xf32, #tpu.memory_space<vmem>>
        %dma_start3A_370 = arith.constant 0 : i32
        %dma_start3A_371 = tpu.memref_slice %arg7[%and3A_107, %run_scoped3A_332, %dma_start3A_370] : memref<2x8x128xi32, #tpu.memory_space<vmem>> -> memref<1x1x128xi32, #tpu.memory_space<vmem>>
        %dma_start3A_372 = tpu.memref_squeeze %dma_start3A_371 : memref<1x1x128xi32, #tpu.memory_space<vmem>> -> memref<128xi32, #tpu.memory_space<vmem>>
        %dma_start3A_373 = arith.constant 0 : i32
        %dma_start3A_374 = arith.constant 0 : i32
        %dma_start3A_375 = tpu.memref_slice %arg9[%dma_start3A_373, %dma_start3A_374] : memref<10240x128xf32, #tpu.memory_space<vmem_shared>> -> memref<10240x128xf32, #tpu.memory_space<vmem_shared>>
        tpu.enqueue_indirect_dma source(%dma_start3A_369 : memref<128x128xf32, #tpu.memory_space<vmem>>) target(%dma_start3A_375 : memref<10240x128xf32, #tpu.memory_space<vmem_shared>>) offsets(%dma_start3A_372 : memref<128xi32, #tpu.memory_space<vmem>>) semaphore(%run_scoped3A_365 : memref<!tpu.dma_semaphore, #tpu.memory_space<semaphore_mem>>) {add = true}
        %dma_wait3A_376 = arith.constant 0 : i32
        %dma_wait3A_377 = arith.constant 0 : i32
        %dma_wait3A_378 = tpu.memref_slice %arg8[%run_scoped3A_331, %dma_wait3A_376, %dma_wait3A_377] : memref<2x128x128xf32, #tpu.memory_space<vmem>> -> memref<1x128x128xf32, #tpu.memory_space<vmem>>
        %dma_wait3A_379 = tpu.memref_squeeze %dma_wait3A_378 : memref<1x128x128xf32, #tpu.memory_space<vmem>> -> memref<128x128xf32, #tpu.memory_space<vmem>>
        %dma_wait3A_380 = arith.constant 0 : i32
        %dma_wait3A_381 = tpu.memref_slice %arg7[%and3A_107, %run_scoped3A_332, %dma_wait3A_380] : memref<2x8x128xi32, #tpu.memory_space<vmem>> -> memref<1x1x128xi32, #tpu.memory_space<vmem>>
        %dma_wait3A_382 = tpu.memref_squeeze %dma_wait3A_381 : memref<1x1x128xi32, #tpu.memory_space<vmem>> -> memref<128xi32, #tpu.memory_space<vmem>>
        %dma_wait3A_383 = arith.constant 0 : i32
        %dma_wait3A_384 = arith.constant 0 : i32
        %dma_wait3A_385 = tpu.memref_slice %arg9[%dma_wait3A_383, %dma_wait3A_384] : memref<10240x128xf32, #tpu.memory_space<vmem_shared>> -> memref<10240x128xf32, #tpu.memory_space<vmem_shared>>
        tpu.wait_indirect_dma semaphore(%run_scoped3A_365 : memref<!tpu.dma_semaphore, #tpu.memory_space<semaphore_mem>>) src(%dma_wait3A_379 : memref<128x128xf32, #tpu.memory_space<vmem>>) dst(%dma_wait3A_385 : memref<10240x128xf32, #tpu.memory_space<vmem_shared>>)
        tpu.yield
      }) : () -> ()
      %add3A_333 = arith.constant 7 : i32
      %add3A_334 = arith.addi %mul3A_103, %add3A_333 : i32
      %add3A_335 = arith.constant 1 : i32
      %add3A_336 = arith.addi %add3A_334, %add3A_335 : i32
      %min3A_337 = arith.constant 79 : i32
      %min3A_338 = arith.minsi %add3A_336, %min3A_337 : i32
      %dma_start3A_339 = arith.constant 0 : i32
      %dma_start3A_340 = arith.constant 0 : i32
      %dma_start3A_341 = arith.constant 0 : i32
      %dma_start3A_342 = tpu.memref_slice %arg8[%dma_start3A_339, %dma_start3A_340, %dma_start3A_341] : memref<2x128x128xf32, #tpu.memory_space<vmem>> -> memref<1x128x128xf32, #tpu.memory_space<vmem>>
      %dma_start3A_343 = tpu.memref_squeeze %dma_start3A_342 : memref<1x128x128xf32, #tpu.memory_space<vmem>> -> memref<128x128xf32, #tpu.memory_space<vmem>>
      %dma_start3A_344 = arith.constant 0 : i32
      %dma_start3A_345 = tpu.memref_slice %arg6[%min3A_338, %dma_start3A_344] : memref<80x128xi32, #tpu.memory_space<vmem>> -> memref<1x128xi32, #tpu.memory_space<vmem>>
      %dma_start3A_346 = tpu.memref_squeeze %dma_start3A_345 : memref<1x128xi32, #tpu.memory_space<vmem>> -> memref<128xi32, #tpu.memory_space<vmem>>
      %dma_start3A_347 = arith.constant 0 : i32
      %dma_start3A_348 = arith.constant 0 : i32
      %dma_start3A_349 = tpu.memref_slice %arg2[%dma_start3A_347, %dma_start3A_348] : memref<10240x128xf32, #tpu.memory_space<hbm>> -> memref<10240x128xf32, #tpu.memory_space<hbm>>
      tpu.enqueue_indirect_dma source(%dma_start3A_349 : memref<10240x128xf32, #tpu.memory_space<hbm>>) target(%dma_start3A_343 : memref<128x128xf32, #tpu.memory_space<vmem>>) offsets(%dma_start3A_346 : memref<128xi32, #tpu.memory_space<vmem>>) semaphore(%arg10 : memref<!tpu.dma_semaphore, #tpu.memory_space<semaphore_mem>>)
      %dma_wait3A_350 = arith.constant 0 : i32
      %dma_wait3A_351 = arith.constant 1 : i32
      %dma_wait3A_352 = arith.constant 0 : i32
      %dma_wait3A_353 = arith.constant 0 : i32
      %dma_wait3A_354 = tpu.memref_slice %arg8[%dma_wait3A_351, %dma_wait3A_352, %dma_wait3A_353] : memref<2x128x128xf32, #tpu.memory_space<vmem>> -> memref<1x128x128xf32, #tpu.memory_space<vmem>>
      %dma_wait3A_355 = tpu.memref_squeeze %dma_wait3A_354 : memref<1x128x128xf32, #tpu.memory_space<vmem>> -> memref<128x128xf32, #tpu.memory_space<vmem>>
      %dma_wait3A_356 = arith.constant 0 : i32
      %dma_wait3A_357 = tpu.memref_slice %arg6[%dma_wait3A_350, %dma_wait3A_356] : memref<80x128xi32, #tpu.memory_space<vmem>> -> memref<1x128xi32, #tpu.memory_space<vmem>>
      %dma_wait3A_358 = tpu.memref_squeeze %dma_wait3A_357 : memref<1x128xi32, #tpu.memory_space<vmem>> -> memref<128xi32, #tpu.memory_space<vmem>>
      %dma_wait3A_359 = arith.constant 0 : i32
      %dma_wait3A_360 = arith.constant 0 : i32
      %dma_wait3A_361 = tpu.memref_slice %arg2[%dma_wait3A_359, %dma_wait3A_360] : memref<10240x128xf32, #tpu.memory_space<hbm>> -> memref<10240x128xf32, #tpu.memory_space<hbm>>
      tpu.wait_indirect_dma semaphore(%arg11 : memref<!tpu.dma_semaphore, #tpu.memory_space<semaphore_mem>>) src(%dma_wait3A_361 : memref<10240x128xf32, #tpu.memory_space<hbm>>) dst(%dma_wait3A_355 : memref<128x128xf32, #tpu.memory_space<vmem>>)
      %run_scoped3A_362 = arith.constant 1 : i32
      %run_scoped3A_363 = arith.constant 7 : i32
      "tpu.region"() ({
        %run_scoped3A_365 = tpu.sem_alloc : memref<!tpu.dma_semaphore, #tpu.memory_space<semaphore_mem>>
        %dma_start3A_366 = arith.constant 0 : i32
        %dma_start3A_367 = arith.constant 0 : i32
        %dma_start3A_368 = tpu.memref_slice %arg8[%run_scoped3A_362, %dma_start3A_366, %dma_start3A_367] : memref<2x128x128xf32, #tpu.memory_space<vmem>> -> memref<1x128x128xf32, #tpu.memory_space<vmem>>
        %dma_start3A_369 = tpu.memref_squeeze %dma_start3A_368 : memref<1x128x128xf32, #tpu.memory_space<vmem>> -> memref<128x128xf32, #tpu.memory_space<vmem>>
        %dma_start3A_370 = arith.constant 0 : i32
        %dma_start3A_371 = tpu.memref_slice %arg7[%and3A_107, %run_scoped3A_363, %dma_start3A_370] : memref<2x8x128xi32, #tpu.memory_space<vmem>> -> memref<1x1x128xi32, #tpu.memory_space<vmem>>
        %dma_start3A_372 = tpu.memref_squeeze %dma_start3A_371 : memref<1x1x128xi32, #tpu.memory_space<vmem>> -> memref<128xi32, #tpu.memory_space<vmem>>
        %dma_start3A_373 = arith.constant 0 : i32
        %dma_start3A_374 = arith.constant 0 : i32
        %dma_start3A_375 = tpu.memref_slice %arg9[%dma_start3A_373, %dma_start3A_374] : memref<10240x128xf32, #tpu.memory_space<vmem_shared>> -> memref<10240x128xf32, #tpu.memory_space<vmem_shared>>
        tpu.enqueue_indirect_dma source(%dma_start3A_369 : memref<128x128xf32, #tpu.memory_space<vmem>>) target(%dma_start3A_375 : memref<10240x128xf32, #tpu.memory_space<vmem_shared>>) offsets(%dma_start3A_372 : memref<128xi32, #tpu.memory_space<vmem>>) semaphore(%run_scoped3A_365 : memref<!tpu.dma_semaphore, #tpu.memory_space<semaphore_mem>>) {add = true}
        %dma_wait3A_376 = arith.constant 0 : i32
        %dma_wait3A_377 = arith.constant 0 : i32
        %dma_wait3A_378 = tpu.memref_slice %arg8[%run_scoped3A_362, %dma_wait3A_376, %dma_wait3A_377] : memref<2x128x128xf32, #tpu.memory_space<vmem>> -> memref<1x128x128xf32, #tpu.memory_space<vmem>>
        %dma_wait3A_379 = tpu.memref_squeeze %dma_wait3A_378 : memref<1x128x128xf32, #tpu.memory_space<vmem>> -> memref<128x128xf32, #tpu.memory_space<vmem>>
        %dma_wait3A_380 = arith.constant 0 : i32
        %dma_wait3A_381 = tpu.memref_slice %arg7[%and3A_107, %run_scoped3A_363, %dma_wait3A_380] : memref<2x8x128xi32, #tpu.memory_space<vmem>> -> memref<1x1x128xi32, #tpu.memory_space<vmem>>
        %dma_wait3A_382 = tpu.memref_squeeze %dma_wait3A_381 : memref<1x1x128xi32, #tpu.memory_space<vmem>> -> memref<128xi32, #tpu.memory_space<vmem>>
        %dma_wait3A_383 = arith.constant 0 : i32
        %dma_wait3A_384 = arith.constant 0 : i32
        %dma_wait3A_385 = tpu.memref_slice %arg9[%dma_wait3A_383, %dma_wait3A_384] : memref<10240x128xf32, #tpu.memory_space<vmem_shared>> -> memref<10240x128xf32, #tpu.memory_space<vmem_shared>>
        tpu.wait_indirect_dma semaphore(%run_scoped3A_365 : memref<!tpu.dma_semaphore, #tpu.memory_space<semaphore_mem>>) src(%dma_wait3A_379 : memref<128x128xf32, #tpu.memory_space<vmem>>) dst(%dma_wait3A_385 : memref<10240x128xf32, #tpu.memory_space<vmem_shared>>)
        tpu.yield
      }) : () -> ()
      %scan3A_364 = arith.constant 0 : i32
      scf.yield %scan3A_364 : i32
    }
    %scan3A_66 = arith.constant 10 : i32
    %dma_wait3A = arith.constant 0 : i32
    %dma_wait3A_67 = arith.constant 0 : i32
    %dma_wait3A_68 = arith.constant 0 : i32
    %dma_wait3A_69 = arith.constant 0 : i32
    %dma_wait3A_70 = tpu.memref_slice %arg8[%dma_wait3A_67, %dma_wait3A_68, %dma_wait3A_69] : memref<2x128x128xf32, #tpu.memory_space<vmem>> -> memref<1x128x128xf32, #tpu.memory_space<vmem>>
    %dma_wait3A_71 = tpu.memref_squeeze %dma_wait3A_70 : memref<1x128x128xf32, #tpu.memory_space<vmem>> -> memref<128x128xf32, #tpu.memory_space<vmem>>
    %dma_wait3A_72 = arith.constant 0 : i32
    %dma_wait3A_73 = tpu.memref_slice %arg6[%dma_wait3A, %dma_wait3A_72] : memref<80x128xi32, #tpu.memory_space<vmem>> -> memref<1x128xi32, #tpu.memory_space<vmem>>
    %dma_wait3A_74 = tpu.memref_squeeze %dma_wait3A_73 : memref<1x128xi32, #tpu.memory_space<vmem>> -> memref<128xi32, #tpu.memory_space<vmem>>
    %dma_wait3A_75 = arith.constant 0 : i32
    %dma_wait3A_76 = arith.constant 0 : i32
    %dma_wait3A_77 = tpu.memref_slice %arg2[%dma_wait3A_75, %dma_wait3A_76] : memref<10240x128xf32, #tpu.memory_space<hbm>> -> memref<10240x128xf32, #tpu.memory_space<hbm>>
    tpu.wait_indirect_dma semaphore(%arg10 : memref<!tpu.dma_semaphore, #tpu.memory_space<semaphore_mem>>) src(%dma_wait3A_77 : memref<10240x128xf32, #tpu.memory_space<hbm>>) dst(%dma_wait3A_71 : memref<128x128xf32, #tpu.memory_space<vmem>>)
    %dma_wait3A_78 = arith.constant 0 : i32
    %dma_wait3A_79 = arith.constant 0 : i32
    %dma_wait3A_80 = arith.constant 0 : i32
    %dma_wait3A_81 = tpu.memref_slice %arg7[%dma_wait3A_78, %dma_wait3A_79, %dma_wait3A_80] : memref<2x8x128xi32, #tpu.memory_space<vmem>> -> memref<1x8x128xi32, #tpu.memory_space<vmem>>
    %dma_wait3A_82 = tpu.memref_squeeze %dma_wait3A_81 : memref<1x8x128xi32, #tpu.memory_space<vmem>> -> memref<8x128xi32, #tpu.memory_space<vmem>>
    %dma_wait3A_83 = arith.constant 0 : i32
    %dma_wait3A_84 = arith.constant 0 : i32
    %dma_wait3A_85 = tpu.memref_slice %arg4[%add3A, %dma_wait3A_83, %dma_wait3A_84] : memref<32x80x128xi32, #tpu.memory_space<hbm>> -> memref<1x8x128xi32, #tpu.memory_space<hbm>>
    %dma_wait3A_86 = tpu.memref_squeeze %dma_wait3A_85 : memref<1x8x128xi32, #tpu.memory_space<hbm>> -> memref<8x128xi32, #tpu.memory_space<hbm>>
    %dma_wait3A_87 = arith.constant 0 : i32
    %dma_wait3A_88 = arith.constant 0 : i32
    %dma_wait3A_89 = tpu.memref_slice %arg7[%dma_wait3A_78, %dma_wait3A_87, %dma_wait3A_88] : memref<2x8x128xi32, #tpu.memory_space<vmem>> -> memref<1x8x128xi32, #tpu.memory_space<vmem>>
    %dma_wait3A_90 = tpu.memref_squeeze %dma_wait3A_89 : memref<1x8x128xi32, #tpu.memory_space<vmem>> -> memref<8x128xi32, #tpu.memory_space<vmem>>
    %dma_wait3A_91 = arith.constant 0 : i32
    %dma_wait3A_92 = arith.constant 0 : i32
    %dma_wait3A_93 = tpu.memref_slice %arg4[%add3A, %dma_wait3A_91, %dma_wait3A_92] : memref<32x80x128xi32, #tpu.memory_space<hbm>> -> memref<1x8x128xi32, #tpu.memory_space<hbm>>
    %dma_wait3A_94 = tpu.memref_squeeze %dma_wait3A_93 : memref<1x8x128xi32, #tpu.memory_space<hbm>> -> memref<8x128xi32, #tpu.memory_space<hbm>>
    tpu.wait_dma2 semaphore(%arg12 : memref<!tpu.dma_semaphore, #tpu.memory_space<semaphore_mem>>) src(%dma_wait3A_94 : memref<8x128xi32, #tpu.memory_space<hbm>>) dst(%dma_wait3A_90 : memref<8x128xi32, #tpu.memory_space<vmem>>)
    %barrier3A_95 = arith.constant 0 : index
    tpu.barrier barrier_id(%barrier3A_95)
    %mul3A_96 = arith.constant 640 : i32
    %mul3A_97 = arith.muli %arg1, %mul3A_96 : i32
    %mul3A_98 = arith.constant 640 : i32
    %mul3A_99 = arith.muli %arg1, %mul3A_98 : i32
    "tpu.region"() ({
      %run_scoped3A_100 = tpu.sem_alloc : memref<!tpu.dma_semaphore, #tpu.memory_space<semaphore_mem>>
      %dma_start3A_101 = arith.constant 0 : i32
      %dma_start3A_102 = tpu.memref_slice %arg5[%arg0, %mul3A_99, %dma_start3A_101] : memref<2x10240x128xf32, #tpu.memory_space<hbm>> -> memref<1x640x128xf32, #tpu.memory_space<hbm>>
      %dma_start3A_103 = tpu.memref_squeeze %dma_start3A_102 : memref<1x640x128xf32, #tpu.memory_space<hbm>> -> memref<640x128xf32, #tpu.memory_space<hbm>>
      %dma_start3A_104 = arith.constant 0 : i32
      %dma_start3A_105 = tpu.memref_slice %arg9[%mul3A_97, %dma_start3A_104] : memref<10240x128xf32, #tpu.memory_space<vmem_shared>> -> memref<640x128xf32, #tpu.memory_space<vmem_shared>>
      tpu.enqueue_dma source(%dma_start3A_105 : memref<640x128xf32, #tpu.memory_space<vmem_shared>>) target(%dma_start3A_103 : memref<640x128xf32, #tpu.memory_space<hbm>>) target_semaphore(%run_scoped3A_100 : memref<!tpu.dma_semaphore, #tpu.memory_space<semaphore_mem>>)
      %dma_wait3A_106 = arith.constant 0 : i32
      %dma_wait3A_107 = tpu.memref_slice %arg5[%arg0, %mul3A_99, %dma_wait3A_106] : memref<2x10240x128xf32, #tpu.memory_space<hbm>> -> memref<1x640x128xf32, #tpu.memory_space<hbm>>
      %dma_wait3A_108 = tpu.memref_squeeze %dma_wait3A_107 : memref<1x640x128xf32, #tpu.memory_space<hbm>> -> memref<640x128xf32, #tpu.memory_space<hbm>>
      %dma_wait3A_109 = arith.constant 0 : i32
      %dma_wait3A_110 = tpu.memref_slice %arg9[%mul3A_97, %dma_wait3A_109] : memref<10240x128xf32, #tpu.memory_space<vmem_shared>> -> memref<640x128xf32, #tpu.memory_space<vmem_shared>>
      tpu.wait_dma2 semaphore(%run_scoped3A_100 : memref<!tpu.dma_semaphore, #tpu.memory_space<semaphore_mem>>) src(%dma_wait3A_110 : memref<640x128xf32, #tpu.memory_space<vmem_shared>>) dst(%dma_wait3A_108 : memref<640x128xf32, #tpu.memory_space<hbm>>)
      tpu.yield
    }) : () -> ()
    return
  }
}

#map = affine_map<(d0, d1) -> (0, 0)>
#map1 = affine_map<(d0, d1) -> (0, 0, 0)>
module attributes {stable_mosaic.version = 14 : i64} {
  func.func @k(%arg0: i32, %arg1: i32, %arg2: memref<10240x128xf32, #tpu.memory_space<hbm>>, %arg3: memref<32x80x128xi32, #tpu.memory_space<hbm>>, %arg4: memref<32x80x128xi32, #tpu.memory_space<hbm>>, %arg5: memref<2x10240x128xf32, #tpu.memory_space<hbm>>, %arg6: memref<80x128xi32, #tpu.memory_space<vmem>>, %arg7: memref<2x8x128xi32, #tpu.memory_space<vmem>>, %arg8: memref<2x128x128xf32, #tpu.memory_space<vmem>>, %arg9: memref<10240x128xf32, #tpu.memory_space<vmem_shared>>, %arg10: memref<!tpu.dma_semaphore, #tpu.memory_space<semaphore_mem>>, %arg11: memref<!tpu.dma_semaphore, #tpu.memory_space<semaphore_mem>>, %arg12: memref<!tpu.dma_semaphore, #tpu.memory_space<semaphore_mem>>, %arg13: memref<!tpu.dma_semaphore, #tpu.memory_space<semaphore_mem>>) attributes {dimension_semantics = [#tpu.dimension_semantics<core_parallel>, #tpu.dimension_semantics<subcore_parallel>], iteration_bounds = array<i64: 2, 16>, scalar_prefetch = 0 : i64, scratch_operands = 8 : i64, tpu.core_type = #tpu.core_type<sc_vector_subcore>, window_params = [{transform_indices = #map}, {transform_indices = #map1}, {transform_indices = #map1}, {transform_indices = #map1}]} {
    %mul3A = arith.constant 2 : i32
    %mul3A_0 = arith.muli %arg1, %mul3A : i32
    %add3A = arith.addi %mul3A_0, %arg0 : i32
    %broadcast_in_dim3A = arith.constant 0.000000e+00 : f32
    %broadcast_in_dim3A_1 = vector.broadcast %broadcast_in_dim3A : f32 to vector<16xf32>
    %scan3A = arith.constant 0 : i32
    %scan3A_2 = arith.constant 0 : i32
    %scan3A_3 = arith.constant 128 : i32
    %scan3A_4 = arith.addi %scan3A_2, %scan3A_3 : i32
    %scan3A_5 = arith.constant 1 : i32
    %scan3A_6 = scf.for %scan3A_100 = %scan3A_2 to %scan3A_4 step %scan3A_5 iter_args(%scan3A_101 = %scan3A) -> (i32)  : i32 {
      %swap3A = arith.constant 0 : i32
      %swap3A_102 = arith.index_cast %swap3A : i32 to index
      %swap3A_103 = arith.index_cast %scan3A_100 : i32 to index
      %swap3A_104 = arith.constant 0 : index
      %swap3A_105 = tpu.vector_load %arg8[%swap3A_102, %swap3A_103, %swap3A_104] {strides = array<i32>} : memref<2x128x128xf32, #tpu.memory_space<vmem>>, vector<1x1x16xf32>,
      %swap3A_106 = vector.shape_cast %swap3A_105 : vector<1x1x16xf32> to vector<16xf32>
      %swap3A_107 = vector.shape_cast %broadcast_in_dim3A_1 : vector<16xf32> to vector<1x1x16xf32>
      tpu.vector_store %arg8[%swap3A_102, %swap3A_103, %swap3A_104], %swap3A_107 {strides = array<i32>} : memref<2x128x128xf32, #tpu.memory_space<vmem>>, vector<1x1x16xf32>,
      %swap3A_108 = arith.constant 0 : i32
      %swap3A_109 = arith.index_cast %swap3A_108 : i32 to index
      %swap3A_110 = arith.index_cast %scan3A_100 : i32 to index
      %swap3A_111 = arith.constant 16 : index
      %swap3A_112 = tpu.vector_load %arg8[%swap3A_109, %swap3A_110, %swap3A_111] {strides = array<i32>} : memref<2x128x128xf32, #tpu.memory_space<vmem>>, vector<1x1x16xf32>,
      %swap3A_113 = vector.shape_cast %swap3A_112 : vector<1x1x16xf32> to vector<16xf32>
      %swap3A_114 = vector.shape_cast %broadcast_in_dim3A_1 : vector<16xf32> to vector<1x1x16xf32>
      tpu.vector_store %arg8[%swap3A_109, %swap3A_110, %swap3A_111], %swap3A_114 {strides = array<i32>} : memref<2x128x128xf32, #tpu.memory_space<vmem>>, vector<1x1x16xf32>,
      %swap3A_115 = arith.constant 0 : i32
      %swap3A_116 = arith.index_cast %swap3A_115 : i32 to index
      %swap3A_117 = arith.index_cast %scan3A_100 : i32 to index
      %swap3A_118 = arith.constant 32 : index
      %swap3A_119 = tpu.vector_load %arg8[%swap3A_116, %swap3A_117, %swap3A_118] {strides = array<i32>} : memref<2x128x128xf32, #tpu.memory_space<vmem>>, vector<1x1x16xf32>,
      %swap3A_120 = vector.shape_cast %swap3A_119 : vector<1x1x16xf32> to vector<16xf32>
      %swap3A_121 = vector.shape_cast %broadcast_in_dim3A_1 : vector<16xf32> to vector<1x1x16xf32>
      tpu.vector_store %arg8[%swap3A_116, %swap3A_117, %swap3A_118], %swap3A_121 {strides = array<i32>} : memref<2x128x128xf32, #tpu.memory_space<vmem>>, vector<1x1x16xf32>,
      %swap3A_122 = arith.constant 0 : i32
      %swap3A_123 = arith.index_cast %swap3A_122 : i32 to index
      %swap3A_124 = arith.index_cast %scan3A_100 : i32 to index
      %swap3A_125 = arith.constant 48 : index
      %swap3A_126 = tpu.vector_load %arg8[%swap3A_123, %swap3A_124, %swap3A_125] {strides = array<i32>} : memref<2x128x128xf32, #tpu.memory_space<vmem>>, vector<1x1x16xf32>,
      %swap3A_127 = vector.shape_cast %swap3A_126 : vector<1x1x16xf32> to vector<16xf32>
      %swap3A_128 = vector.shape_cast %broadcast_in_dim3A_1 : vector<16xf32> to vector<1x1x16xf32>
      tpu.vector_store %arg8[%swap3A_123, %swap3A_124, %swap3A_125], %swap3A_128 {strides = array<i32>} : memref<2x128x128xf32, #tpu.memory_space<vmem>>, vector<1x1x16xf32>,
      %swap3A_129 = arith.constant 0 : i32
      %swap3A_130 = arith.index_cast %swap3A_129 : i32 to index
      %swap3A_131 = arith.index_cast %scan3A_100 : i32 to index
      %swap3A_132 = arith.constant 64 : index
      %swap3A_133 = tpu.vector_load %arg8[%swap3A_130, %swap3A_131, %swap3A_132] {strides = array<i32>} : memref<2x128x128xf32, #tpu.memory_space<vmem>>, vector<1x1x16xf32>,
      %swap3A_134 = vector.shape_cast %swap3A_133 : vector<1x1x16xf32> to vector<16xf32>
      %swap3A_135 = vector.shape_cast %broadcast_in_dim3A_1 : vector<16xf32> to vector<1x1x16xf32>
      tpu.vector_store %arg8[%swap3A_130, %swap3A_131, %swap3A_132], %swap3A_135 {strides = array<i32>} : memref<2x128x128xf32, #tpu.memory_space<vmem>>, vector<1x1x16xf32>,
      %swap3A_136 = arith.constant 0 : i32
      %swap3A_137 = arith.index_cast %swap3A_136 : i32 to index
      %swap3A_138 = arith.index_cast %scan3A_100 : i32 to index
      %swap3A_139 = arith.constant 80 : index
      %swap3A_140 = tpu.vector_load %arg8[%swap3A_137, %swap3A_138, %swap3A_139] {strides = array<i32>} : memref<2x128x128xf32, #tpu.memory_space<vmem>>, vector<1x1x16xf32>,
      %swap3A_141 = vector.shape_cast %swap3A_140 : vector<1x1x16xf32> to vector<16xf32>
      %swap3A_142 = vector.shape_cast %broadcast_in_dim3A_1 : vector<16xf32> to vector<1x1x16xf32>
      tpu.vector_store %arg8[%swap3A_137, %swap3A_138, %swap3A_139], %swap3A_142 {strides = array<i32>} : memref<2x128x128xf32, #tpu.memory_space<vmem>>, vector<1x1x16xf32>,
      %swap3A_143 = arith.constant 0 : i32
      %swap3A_144 = arith.index_cast %swap3A_143 : i32 to index
      %swap3A_145 = arith.index_cast %scan3A_100 : i32 to index
      %swap3A_146 = arith.constant 96 : index
      %swap3A_147 = tpu.vector_load %arg8[%swap3A_144, %swap3A_145, %swap3A_146] {strides = array<i32>} : memref<2x128x128xf32, #tpu.memory_space<vmem>>, vector<1x1x16xf32>,
      %swap3A_148 = vector.shape_cast %swap3A_147 : vector<1x1x16xf32> to vector<16xf32>
      %swap3A_149 = vector.shape_cast %broadcast_in_dim3A_1 : vector<16xf32> to vector<1x1x16xf32>
      tpu.vector_store %arg8[%swap3A_144, %swap3A_145, %swap3A_146], %swap3A_149 {strides = array<i32>} : memref<2x128x128xf32, #tpu.memory_space<vmem>>, vector<1x1x16xf32>,
      %swap3A_150 = arith.constant 0 : i32
      %swap3A_151 = arith.index_cast %swap3A_150 : i32 to index
      %swap3A_152 = arith.index_cast %scan3A_100 : i32 to index
      %swap3A_153 = arith.constant 112 : index
      %swap3A_154 = tpu.vector_load %arg8[%swap3A_151, %swap3A_152, %swap3A_153] {strides = array<i32>} : memref<2x128x128xf32, #tpu.memory_space<vmem>>, vector<1x1x16xf32>,
      %swap3A_155 = vector.shape_cast %swap3A_154 : vector<1x1x16xf32> to vector<16xf32>
      %swap3A_156 = vector.shape_cast %broadcast_in_dim3A_1 : vector<16xf32> to vector<1x1x16xf32>
      tpu.vector_store %arg8[%swap3A_151, %swap3A_152, %swap3A_153], %swap3A_156 {strides = array<i32>} : memref<2x128x128xf32, #tpu.memory_space<vmem>>, vector<1x1x16xf32>,
      %scan3A_157 = arith.constant 0 : i32
      scf.yield %scan3A_157 : i32
    }
    %scan3A_7 = arith.constant 128 : i32
    %mul3A_8 = arith.constant 640 : i32
    %mul3A_9 = arith.muli %arg1, %mul3A_8 : i32
    %add3A_10 = arith.constant 0 : i32
    %add3A_11 = arith.addi %mul3A_9, %add3A_10 : i32
    %run_scoped3A = arith.constant 0 : i32
    "tpu.region"() ({
      %run_scoped3A_100 = tpu.sem_alloc : memref<!tpu.dma_semaphore, #tpu.memory_space<semaphore_mem>>
      %dma_start3A_101 = arith.constant 0 : i32
      %dma_start3A_102 = arith.constant 0 : i32
      %dma_start3A_103 = tpu.memref_slice %arg8[%run_scoped3A, %dma_start3A_101, %dma_start3A_102] : memref<2x128x128xf32, #tpu.memory_space<vmem>> -> memref<1x128x128xf32, #tpu.memory_space<vmem>>
      %dma_start3A_104 = tpu.memref_squeeze %dma_start3A_103 : memref<1x128x128xf32, #tpu.memory_space<vmem>> -> memref<128x128xf32, #tpu.memory_space<vmem>>
      %dma_start3A_105 = arith.constant 0 : i32
      %dma_start3A_106 = tpu.memref_slice %arg9[%add3A_11, %dma_start3A_105] : memref<10240x128xf32, #tpu.memory_space<vmem_shared>> -> memref<128x128xf32, #tpu.memory_space<vmem_shared>>
      %dma_start3A_107 = arith.constant 0 : i32
      %dma_start3A_108 = tpu.memref_slice %arg9[%add3A_11, %dma_start3A_107] : memref<10240x128xf32, #tpu.memory_space<vmem_shared>> -> memref<128x128xf32, #tpu.memory_space<vmem_shared>>
      %dma_start3A_109 = arith.constant 0 : i32
      %dma_start3A_110 = arith.constant 0 : i32
      %dma_start3A_111 = tpu.memref_slice %arg8[%run_scoped3A, %dma_start3A_109, %dma_start3A_110] : memref<2x128x128xf32, #tpu.memory_space<vmem>> -> memref<1x128x128xf32, #tpu.memory_space<vmem>>
      %dma_start3A_112 = tpu.memref_squeeze %dma_start3A_111 : memref<1x128x128xf32, #tpu.memory_space<vmem>> -> memref<128x128xf32, #tpu.memory_space<vmem>>
      tpu.enqueue_dma source(%dma_start3A_112 : memref<128x128xf32, #tpu.memory_space<vmem>>) target(%dma_start3A_108 : memref<128x128xf32, #tpu.memory_space<vmem_shared>>) target_semaphore(%run_scoped3A_100 : memref<!tpu.dma_semaphore, #tpu.memory_space<semaphore_mem>>)
      %dma_wait3A_113 = arith.constant 0 : i32
      %dma_wait3A_114 = arith.constant 0 : i32
      %dma_wait3A_115 = tpu.memref_slice %arg8[%run_scoped3A, %dma_wait3A_113, %dma_wait3A_114] : memref<2x128x128xf32, #tpu.memory_space<vmem>> -> memref<1x128x128xf32, #tpu.memory_space<vmem>>
      %dma_wait3A_116 = tpu.memref_squeeze %dma_wait3A_115 : memref<1x128x128xf32, #tpu.memory_space<vmem>> -> memref<128x128xf32, #tpu.memory_space<vmem>>
      %dma_wait3A_117 = arith.constant 0 : i32
      %dma_wait3A_118 = tpu.memref_slice %arg9[%add3A_11, %dma_wait3A_117] : memref<10240x128xf32, #tpu.memory_space<vmem_shared>> -> memref<128x128xf32, #tpu.memory_space<vmem_shared>>
      %dma_wait3A_119 = arith.constant 0 : i32
      %dma_wait3A_120 = tpu.memref_slice %arg9[%add3A_11, %dma_wait3A_119] : memref<10240x128xf32, #tpu.memory_space<vmem_shared>> -> memref<128x128xf32, #tpu.memory_space<vmem_shared>>
      %dma_wait3A_121 = arith.constant 0 : i32
      %dma_wait3A_122 = arith.constant 0 : i32
      %dma_wait3A_123 = tpu.memref_slice %arg8[%run_scoped3A, %dma_wait3A_121, %dma_wait3A_122] : memref<2x128x128xf32, #tpu.memory_space<vmem>> -> memref<1x128x128xf32, #tpu.memory_space<vmem>>
      %dma_wait3A_124 = tpu.memref_squeeze %dma_wait3A_123 : memref<1x128x128xf32, #tpu.memory_space<vmem>> -> memref<128x128xf32, #tpu.memory_space<vmem>>
      tpu.wait_dma2 semaphore(%run_scoped3A_100 : memref<!tpu.dma_semaphore, #tpu.memory_space<semaphore_mem>>) src(%dma_wait3A_124 : memref<128x128xf32, #tpu.memory_space<vmem>>) dst(%dma_wait3A_120 : memref<128x128xf32, #tpu.memory_space<vmem_shared>>)
      tpu.yield
    }) : () -> ()
    %mul3A_12 = arith.constant 640 : i32
    %mul3A_13 = arith.muli %arg1, %mul3A_12 : i32
    %add3A_14 = arith.constant 128 : i32
    %add3A_15 = arith.addi %mul3A_13, %add3A_14 : i32
    %run_scoped3A_16 = arith.constant 0 : i32
    "tpu.region"() ({
      %run_scoped3A_100 = tpu.sem_alloc : memref<!tpu.dma_semaphore, #tpu.memory_space<semaphore_mem>>
      %dma_start3A_101 = arith.constant 0 : i32
      %dma_start3A_102 = arith.constant 0 : i32
      %dma_start3A_103 = tpu.memref_slice %arg8[%run_scoped3A_16, %dma_start3A_101, %dma_start3A_102] : memref<2x128x128xf32, #tpu.memory_space<vmem>> -> memref<1x128x128xf32, #tpu.memory_space<vmem>>
      %dma_start3A_104 = tpu.memref_squeeze %dma_start3A_103 : memref<1x128x128xf32, #tpu.memory_space<vmem>> -> memref<128x128xf32, #tpu.memory_space<vmem>>
      %dma_start3A_105 = arith.constant 0 : i32
      %dma_start3A_106 = tpu.memref_slice %arg9[%add3A_15, %dma_start3A_105] : memref<10240x128xf32, #tpu.memory_space<vmem_shared>> -> memref<128x128xf32, #tpu.memory_space<vmem_shared>>
      %dma_start3A_107 = arith.constant 0 : i32
      %dma_start3A_108 = tpu.memref_slice %arg9[%add3A_15, %dma_start3A_107] : memref<10240x128xf32, #tpu.memory_space<vmem_shared>> -> memref<128x128xf32, #tpu.memory_space<vmem_shared>>
      %dma_start3A_109 = arith.constant 0 : i32
      %dma_start3A_110 = arith.constant 0 : i32
      %dma_start3A_111 = tpu.memref_slice %arg8[%run_scoped3A_16, %dma_start3A_109, %dma_start3A_110] : memref<2x128x128xf32, #tpu.memory_space<vmem>> -> memref<1x128x128xf32, #tpu.memory_space<vmem>>
      %dma_start3A_112 = tpu.memref_squeeze %dma_start3A_111 : memref<1x128x128xf32, #tpu.memory_space<vmem>> -> memref<128x128xf32, #tpu.memory_space<vmem>>
      tpu.enqueue_dma source(%dma_start3A_112 : memref<128x128xf32, #tpu.memory_space<vmem>>) target(%dma_start3A_108 : memref<128x128xf32, #tpu.memory_space<vmem_shared>>) target_semaphore(%run_scoped3A_100 : memref<!tpu.dma_semaphore, #tpu.memory_space<semaphore_mem>>)
      %dma_wait3A_113 = arith.constant 0 : i32
      %dma_wait3A_114 = arith.constant 0 : i32
      %dma_wait3A_115 = tpu.memref_slice %arg8[%run_scoped3A_16, %dma_wait3A_113, %dma_wait3A_114] : memref<2x128x128xf32, #tpu.memory_space<vmem>> -> memref<1x128x128xf32, #tpu.memory_space<vmem>>
      %dma_wait3A_116 = tpu.memref_squeeze %dma_wait3A_115 : memref<1x128x128xf32, #tpu.memory_space<vmem>> -> memref<128x128xf32, #tpu.memory_space<vmem>>
      %dma_wait3A_117 = arith.constant 0 : i32
      %dma_wait3A_118 = tpu.memref_slice %arg9[%add3A_15, %dma_wait3A_117] : memref<10240x128xf32, #tpu.memory_space<vmem_shared>> -> memref<128x128xf32, #tpu.memory_space<vmem_shared>>
      %dma_wait3A_119 = arith.constant 0 : i32
      %dma_wait3A_120 = tpu.memref_slice %arg9[%add3A_15, %dma_wait3A_119] : memref<10240x128xf32, #tpu.memory_space<vmem_shared>> -> memref<128x128xf32, #tpu.memory_space<vmem_shared>>
      %dma_wait3A_121 = arith.constant 0 : i32
      %dma_wait3A_122 = arith.constant 0 : i32
      %dma_wait3A_123 = tpu.memref_slice %arg8[%run_scoped3A_16, %dma_wait3A_121, %dma_wait3A_122] : memref<2x128x128xf32, #tpu.memory_space<vmem>> -> memref<1x128x128xf32, #tpu.memory_space<vmem>>
      %dma_wait3A_124 = tpu.memref_squeeze %dma_wait3A_123 : memref<1x128x128xf32, #tpu.memory_space<vmem>> -> memref<128x128xf32, #tpu.memory_space<vmem>>
      tpu.wait_dma2 semaphore(%run_scoped3A_100 : memref<!tpu.dma_semaphore, #tpu.memory_space<semaphore_mem>>) src(%dma_wait3A_124 : memref<128x128xf32, #tpu.memory_space<vmem>>) dst(%dma_wait3A_120 : memref<128x128xf32, #tpu.memory_space<vmem_shared>>)
      tpu.yield
    }) : () -> ()
    %mul3A_17 = arith.constant 640 : i32
    %mul3A_18 = arith.muli %arg1, %mul3A_17 : i32
    %add3A_19 = arith.constant 256 : i32
    %add3A_20 = arith.addi %mul3A_18, %add3A_19 : i32
    %run_scoped3A_21 = arith.constant 0 : i32
    "tpu.region"() ({
      %run_scoped3A_100 = tpu.sem_alloc : memref<!tpu.dma_semaphore, #tpu.memory_space<semaphore_mem>>
      %dma_start3A_101 = arith.constant 0 : i32
      %dma_start3A_102 = arith.constant 0 : i32
      %dma_start3A_103 = tpu.memref_slice %arg8[%run_scoped3A_21, %dma_start3A_101, %dma_start3A_102] : memref<2x128x128xf32, #tpu.memory_space<vmem>> -> memref<1x128x128xf32, #tpu.memory_space<vmem>>
      %dma_start3A_104 = tpu.memref_squeeze %dma_start3A_103 : memref<1x128x128xf32, #tpu.memory_space<vmem>> -> memref<128x128xf32, #tpu.memory_space<vmem>>
      %dma_start3A_105 = arith.constant 0 : i32
      %dma_start3A_106 = tpu.memref_slice %arg9[%add3A_20, %dma_start3A_105] : memref<10240x128xf32, #tpu.memory_space<vmem_shared>> -> memref<128x128xf32, #tpu.memory_space<vmem_shared>>
      %dma_start3A_107 = arith.constant 0 : i32
      %dma_start3A_108 = tpu.memref_slice %arg9[%add3A_20, %dma_start3A_107] : memref<10240x128xf32, #tpu.memory_space<vmem_shared>> -> memref<128x128xf32, #tpu.memory_space<vmem_shared>>
      %dma_start3A_109 = arith.constant 0 : i32
      %dma_start3A_110 = arith.constant 0 : i32
      %dma_start3A_111 = tpu.memref_slice %arg8[%run_scoped3A_21, %dma_start3A_109, %dma_start3A_110] : memref<2x128x128xf32, #tpu.memory_space<vmem>> -> memref<1x128x128xf32, #tpu.memory_space<vmem>>
      %dma_start3A_112 = tpu.memref_squeeze %dma_start3A_111 : memref<1x128x128xf32, #tpu.memory_space<vmem>> -> memref<128x128xf32, #tpu.memory_space<vmem>>
      tpu.enqueue_dma source(%dma_start3A_112 : memref<128x128xf32, #tpu.memory_space<vmem>>) target(%dma_start3A_108 : memref<128x128xf32, #tpu.memory_space<vmem_shared>>) target_semaphore(%run_scoped3A_100 : memref<!tpu.dma_semaphore, #tpu.memory_space<semaphore_mem>>)
      %dma_wait3A_113 = arith.constant 0 : i32
      %dma_wait3A_114 = arith.constant 0 : i32
      %dma_wait3A_115 = tpu.memref_slice %arg8[%run_scoped3A_21, %dma_wait3A_113, %dma_wait3A_114] : memref<2x128x128xf32, #tpu.memory_space<vmem>> -> memref<1x128x128xf32, #tpu.memory_space<vmem>>
      %dma_wait3A_116 = tpu.memref_squeeze %dma_wait3A_115 : memref<1x128x128xf32, #tpu.memory_space<vmem>> -> memref<128x128xf32, #tpu.memory_space<vmem>>
      %dma_wait3A_117 = arith.constant 0 : i32
      %dma_wait3A_118 = tpu.memref_slice %arg9[%add3A_20, %dma_wait3A_117] : memref<10240x128xf32, #tpu.memory_space<vmem_shared>> -> memref<128x128xf32, #tpu.memory_space<vmem_shared>>
      %dma_wait3A_119 = arith.constant 0 : i32
      %dma_wait3A_120 = tpu.memref_slice %arg9[%add3A_20, %dma_wait3A_119] : memref<10240x128xf32, #tpu.memory_space<vmem_shared>> -> memref<128x128xf32, #tpu.memory_space<vmem_shared>>
      %dma_wait3A_121 = arith.constant 0 : i32
      %dma_wait3A_122 = arith.constant 0 : i32
      %dma_wait3A_123 = tpu.memref_slice %arg8[%run_scoped3A_21, %dma_wait3A_121, %dma_wait3A_122] : memref<2x128x128xf32, #tpu.memory_space<vmem>> -> memref<1x128x128xf32, #tpu.memory_space<vmem>>
      %dma_wait3A_124 = tpu.memref_squeeze %dma_wait3A_123 : memref<1x128x128xf32, #tpu.memory_space<vmem>> -> memref<128x128xf32, #tpu.memory_space<vmem>>
      tpu.wait_dma2 semaphore(%run_scoped3A_100 : memref<!tpu.dma_semaphore, #tpu.memory_space<semaphore_mem>>) src(%dma_wait3A_124 : memref<128x128xf32, #tpu.memory_space<vmem>>) dst(%dma_wait3A_120 : memref<128x128xf32, #tpu.memory_space<vmem_shared>>)
      tpu.yield
    }) : () -> ()
    %mul3A_22 = arith.constant 640 : i32
    %mul3A_23 = arith.muli %arg1, %mul3A_22 : i32
    %add3A_24 = arith.constant 384 : i32
    %add3A_25 = arith.addi %mul3A_23, %add3A_24 : i32
    %run_scoped3A_26 = arith.constant 0 : i32
    "tpu.region"() ({
      %run_scoped3A_100 = tpu.sem_alloc : memref<!tpu.dma_semaphore, #tpu.memory_space<semaphore_mem>>
      %dma_start3A_101 = arith.constant 0 : i32
      %dma_start3A_102 = arith.constant 0 : i32
      %dma_start3A_103 = tpu.memref_slice %arg8[%run_scoped3A_26, %dma_start3A_101, %dma_start3A_102] : memref<2x128x128xf32, #tpu.memory_space<vmem>> -> memref<1x128x128xf32, #tpu.memory_space<vmem>>
      %dma_start3A_104 = tpu.memref_squeeze %dma_start3A_103 : memref<1x128x128xf32, #tpu.memory_space<vmem>> -> memref<128x128xf32, #tpu.memory_space<vmem>>
      %dma_start3A_105 = arith.constant 0 : i32
      %dma_start3A_106 = tpu.memref_slice %arg9[%add3A_25, %dma_start3A_105] : memref<10240x128xf32, #tpu.memory_space<vmem_shared>> -> memref<128x128xf32, #tpu.memory_space<vmem_shared>>
      %dma_start3A_107 = arith.constant 0 : i32
      %dma_start3A_108 = tpu.memref_slice %arg9[%add3A_25, %dma_start3A_107] : memref<10240x128xf32, #tpu.memory_space<vmem_shared>> -> memref<128x128xf32, #tpu.memory_space<vmem_shared>>
      %dma_start3A_109 = arith.constant 0 : i32
      %dma_start3A_110 = arith.constant 0 : i32
      %dma_start3A_111 = tpu.memref_slice %arg8[%run_scoped3A_26, %dma_start3A_109, %dma_start3A_110] : memref<2x128x128xf32, #tpu.memory_space<vmem>> -> memref<1x128x128xf32, #tpu.memory_space<vmem>>
      %dma_start3A_112 = tpu.memref_squeeze %dma_start3A_111 : memref<1x128x128xf32, #tpu.memory_space<vmem>> -> memref<128x128xf32, #tpu.memory_space<vmem>>
      tpu.enqueue_dma source(%dma_start3A_112 : memref<128x128xf32, #tpu.memory_space<vmem>>) target(%dma_start3A_108 : memref<128x128xf32, #tpu.memory_space<vmem_shared>>) target_semaphore(%run_scoped3A_100 : memref<!tpu.dma_semaphore, #tpu.memory_space<semaphore_mem>>)
      %dma_wait3A_113 = arith.constant 0 : i32
      %dma_wait3A_114 = arith.constant 0 : i32
      %dma_wait3A_115 = tpu.memref_slice %arg8[%run_scoped3A_26, %dma_wait3A_113, %dma_wait3A_114] : memref<2x128x128xf32, #tpu.memory_space<vmem>> -> memref<1x128x128xf32, #tpu.memory_space<vmem>>
      %dma_wait3A_116 = tpu.memref_squeeze %dma_wait3A_115 : memref<1x128x128xf32, #tpu.memory_space<vmem>> -> memref<128x128xf32, #tpu.memory_space<vmem>>
      %dma_wait3A_117 = arith.constant 0 : i32
      %dma_wait3A_118 = tpu.memref_slice %arg9[%add3A_25, %dma_wait3A_117] : memref<10240x128xf32, #tpu.memory_space<vmem_shared>> -> memref<128x128xf32, #tpu.memory_space<vmem_shared>>
      %dma_wait3A_119 = arith.constant 0 : i32
      %dma_wait3A_120 = tpu.memref_slice %arg9[%add3A_25, %dma_wait3A_119] : memref<10240x128xf32, #tpu.memory_space<vmem_shared>> -> memref<128x128xf32, #tpu.memory_space<vmem_shared>>
      %dma_wait3A_121 = arith.constant 0 : i32
      %dma_wait3A_122 = arith.constant 0 : i32
      %dma_wait3A_123 = tpu.memref_slice %arg8[%run_scoped3A_26, %dma_wait3A_121, %dma_wait3A_122] : memref<2x128x128xf32, #tpu.memory_space<vmem>> -> memref<1x128x128xf32, #tpu.memory_space<vmem>>
      %dma_wait3A_124 = tpu.memref_squeeze %dma_wait3A_123 : memref<1x128x128xf32, #tpu.memory_space<vmem>> -> memref<128x128xf32, #tpu.memory_space<vmem>>
      tpu.wait_dma2 semaphore(%run_scoped3A_100 : memref<!tpu.dma_semaphore, #tpu.memory_space<semaphore_mem>>) src(%dma_wait3A_124 : memref<128x128xf32, #tpu.memory_space<vmem>>) dst(%dma_wait3A_120 : memref<128x128xf32, #tpu.memory_space<vmem_shared>>)
      tpu.yield
    }) : () -> ()
    %mul3A_27 = arith.constant 640 : i32
    %mul3A_28 = arith.muli %arg1, %mul3A_27 : i32
    %add3A_29 = arith.constant 512 : i32
    %add3A_30 = arith.addi %mul3A_28, %add3A_29 : i32
    %run_scoped3A_31 = arith.constant 0 : i32
    "tpu.region"() ({
      %run_scoped3A_100 = tpu.sem_alloc : memref<!tpu.dma_semaphore, #tpu.memory_space<semaphore_mem>>
      %dma_start3A_101 = arith.constant 0 : i32
      %dma_start3A_102 = arith.constant 0 : i32
      %dma_start3A_103 = tpu.memref_slice %arg8[%run_scoped3A_31, %dma_start3A_101, %dma_start3A_102] : memref<2x128x128xf32, #tpu.memory_space<vmem>> -> memref<1x128x128xf32, #tpu.memory_space<vmem>>
      %dma_start3A_104 = tpu.memref_squeeze %dma_start3A_103 : memref<1x128x128xf32, #tpu.memory_space<vmem>> -> memref<128x128xf32, #tpu.memory_space<vmem>>
      %dma_start3A_105 = arith.constant 0 : i32
      %dma_start3A_106 = tpu.memref_slice %arg9[%add3A_30, %dma_start3A_105] : memref<10240x128xf32, #tpu.memory_space<vmem_shared>> -> memref<128x128xf32, #tpu.memory_space<vmem_shared>>
      %dma_start3A_107 = arith.constant 0 : i32
      %dma_start3A_108 = tpu.memref_slice %arg9[%add3A_30, %dma_start3A_107] : memref<10240x128xf32, #tpu.memory_space<vmem_shared>> -> memref<128x128xf32, #tpu.memory_space<vmem_shared>>
      %dma_start3A_109 = arith.constant 0 : i32
      %dma_start3A_110 = arith.constant 0 : i32
      %dma_start3A_111 = tpu.memref_slice %arg8[%run_scoped3A_31, %dma_start3A_109, %dma_start3A_110] : memref<2x128x128xf32, #tpu.memory_space<vmem>> -> memref<1x128x128xf32, #tpu.memory_space<vmem>>
      %dma_start3A_112 = tpu.memref_squeeze %dma_start3A_111 : memref<1x128x128xf32, #tpu.memory_space<vmem>> -> memref<128x128xf32, #tpu.memory_space<vmem>>
      tpu.enqueue_dma source(%dma_start3A_112 : memref<128x128xf32, #tpu.memory_space<vmem>>) target(%dma_start3A_108 : memref<128x128xf32, #tpu.memory_space<vmem_shared>>) target_semaphore(%run_scoped3A_100 : memref<!tpu.dma_semaphore, #tpu.memory_space<semaphore_mem>>)
      %dma_wait3A_113 = arith.constant 0 : i32
      %dma_wait3A_114 = arith.constant 0 : i32
      %dma_wait3A_115 = tpu.memref_slice %arg8[%run_scoped3A_31, %dma_wait3A_113, %dma_wait3A_114] : memref<2x128x128xf32, #tpu.memory_space<vmem>> -> memref<1x128x128xf32, #tpu.memory_space<vmem>>
      %dma_wait3A_116 = tpu.memref_squeeze %dma_wait3A_115 : memref<1x128x128xf32, #tpu.memory_space<vmem>> -> memref<128x128xf32, #tpu.memory_space<vmem>>
      %dma_wait3A_117 = arith.constant 0 : i32
      %dma_wait3A_118 = tpu.memref_slice %arg9[%add3A_30, %dma_wait3A_117] : memref<10240x128xf32, #tpu.memory_space<vmem_shared>> -> memref<128x128xf32, #tpu.memory_space<vmem_shared>>
      %dma_wait3A_119 = arith.constant 0 : i32
      %dma_wait3A_120 = tpu.memref_slice %arg9[%add3A_30, %dma_wait3A_119] : memref<10240x128xf32, #tpu.memory_space<vmem_shared>> -> memref<128x128xf32, #tpu.memory_space<vmem_shared>>
      %dma_wait3A_121 = arith.constant 0 : i32
      %dma_wait3A_122 = arith.constant 0 : i32
      %dma_wait3A_123 = tpu.memref_slice %arg8[%run_scoped3A_31, %dma_wait3A_121, %dma_wait3A_122] : memref<2x128x128xf32, #tpu.memory_space<vmem>> -> memref<1x128x128xf32, #tpu.memory_space<vmem>>
      %dma_wait3A_124 = tpu.memref_squeeze %dma_wait3A_123 : memref<1x128x128xf32, #tpu.memory_space<vmem>> -> memref<128x128xf32, #tpu.memory_space<vmem>>
      tpu.wait_dma2 semaphore(%run_scoped3A_100 : memref<!tpu.dma_semaphore, #tpu.memory_space<semaphore_mem>>) src(%dma_wait3A_124 : memref<128x128xf32, #tpu.memory_space<vmem>>) dst(%dma_wait3A_120 : memref<128x128xf32, #tpu.memory_space<vmem_shared>>)
      tpu.yield
    }) : () -> ()
    "tpu.region"() ({
      %run_scoped3A_100 = tpu.sem_alloc : memref<!tpu.dma_semaphore, #tpu.memory_space<semaphore_mem>>
      %dma_start3A_101 = arith.constant 0 : i32
      %dma_start3A_102 = arith.constant 0 : i32
      %dma_start3A_103 = tpu.memref_slice %arg3[%add3A, %dma_start3A_101, %dma_start3A_102] : memref<32x80x128xi32, #tpu.memory_space<hbm>> -> memref<1x80x128xi32, #tpu.memory_space<hbm>>
      %dma_start3A_104 = tpu.memref_squeeze %dma_start3A_103 : memref<1x80x128xi32, #tpu.memory_space<hbm>> -> memref<80x128xi32, #tpu.memory_space<hbm>>
      %dma_start3A_105 = arith.constant 0 : i32
      %dma_start3A_106 = arith.constant 0 : i32
      %dma_start3A_107 = tpu.memref_slice %arg3[%add3A, %dma_start3A_105, %dma_start3A_106] : memref<32x80x128xi32, #tpu.memory_space<hbm>> -> memref<1x80x128xi32, #tpu.memory_space<hbm>>
      %dma_start3A_108 = tpu.memref_squeeze %dma_start3A_107 : memref<1x80x128xi32, #tpu.memory_space<hbm>> -> memref<80x128xi32, #tpu.memory_space<hbm>>
      tpu.enqueue_dma source(%dma_start3A_108 : memref<80x128xi32, #tpu.memory_space<hbm>>) target(%arg6 : memref<80x128xi32, #tpu.memory_space<vmem>>) target_semaphore(%run_scoped3A_100 : memref<!tpu.dma_semaphore, #tpu.memory_space<semaphore_mem>>)
      %dma_wait3A_109 = arith.constant 0 : i32
      %dma_wait3A_110 = arith.constant 0 : i32
      %dma_wait3A_111 = tpu.memref_slice %arg3[%add3A, %dma_wait3A_109, %dma_wait3A_110] : memref<32x80x128xi32, #tpu.memory_space<hbm>> -> memref<1x80x128xi32, #tpu.memory_space<hbm>>
      %dma_wait3A_112 = tpu.memref_squeeze %dma_wait3A_111 : memref<1x80x128xi32, #tpu.memory_space<hbm>> -> memref<80x128xi32, #tpu.memory_space<hbm>>
      %dma_wait3A_113 = arith.constant 0 : i32
      %dma_wait3A_114 = arith.constant 0 : i32
      %dma_wait3A_115 = tpu.memref_slice %arg3[%add3A, %dma_wait3A_113, %dma_wait3A_114] : memref<32x80x128xi32, #tpu.memory_space<hbm>> -> memref<1x80x128xi32, #tpu.memory_space<hbm>>
      %dma_wait3A_116 = tpu.memref_squeeze %dma_wait3A_115 : memref<1x80x128xi32, #tpu.memory_space<hbm>> -> memref<80x128xi32, #tpu.memory_space<hbm>>
      tpu.wait_dma2 semaphore(%run_scoped3A_100 : memref<!tpu.dma_semaphore, #tpu.memory_space<semaphore_mem>>) src(%dma_wait3A_116 : memref<80x128xi32, #tpu.memory_space<hbm>>) dst(%arg6 : memref<80x128xi32, #tpu.memory_space<vmem>>)
      tpu.yield
    }) : () -> ()
    %barrier3A = arith.constant 0 : index
    tpu.barrier barrier_id(%barrier3A)
    %dma_start3A = arith.constant 0 : i32
    %dma_start3A_32 = arith.constant 0 : i32
    %dma_start3A_33 = arith.constant 0 : i32
    %dma_start3A_34 = arith.constant 0 : i32
    %dma_start3A_35 = tpu.memref_slice %arg8[%dma_start3A_32, %dma_start3A_33, %dma_start3A_34] : memref<2x128x128xf32, #tpu.memory_space<vmem>> -> memref<1x128x128xf32, #tpu.memory_space<vmem>>
    %dma_start3A_36 = tpu.memref_squeeze %dma_start3A_35 : memref<1x128x128xf32, #tpu.memory_space<vmem>> -> memref<128x128xf32, #tpu.memory_space<vmem>>
    %dma_start3A_37 = arith.constant 0 : i32
    %dma_start3A_38 = tpu.memref_slice %arg6[%dma_start3A, %dma_start3A_37] : memref<80x128xi32, #tpu.memory_space<vmem>> -> memref<1x128xi32, #tpu.memory_space<vmem>>
    %dma_start3A_39 = tpu.memref_squeeze %dma_start3A_38 : memref<1x128xi32, #tpu.memory_space<vmem>> -> memref<128xi32, #tpu.memory_space<vmem>>
    %dma_start3A_40 = arith.constant 0 : i32
    %dma_start3A_41 = arith.constant 0 : i32
    %dma_start3A_42 = tpu.memref_slice %arg2[%dma_start3A_40, %dma_start3A_41] : memref<10240x128xf32, #tpu.memory_space<hbm>> -> memref<10240x128xf32, #tpu.memory_space<hbm>>
    tpu.enqueue_indirect_dma source(%dma_start3A_42 : memref<10240x128xf32, #tpu.memory_space<hbm>>) target(%dma_start3A_36 : memref<128x128xf32, #tpu.memory_space<vmem>>) offsets(%dma_start3A_39 : memref<128xi32, #tpu.memory_space<vmem>>) semaphore(%arg10 : memref<!tpu.dma_semaphore, #tpu.memory_space<semaphore_mem>>)
    %dma_start3A_43 = arith.constant 0 : i32
    %dma_start3A_44 = arith.constant 0 : i32
    %dma_start3A_45 = arith.constant 0 : i32
    %dma_start3A_46 = tpu.memref_slice %arg7[%dma_start3A_43, %dma_start3A_44, %dma_start3A_45] : memref<2x8x128xi32, #tpu.memory_space<vmem>> -> memref<1x8x128xi32, #tpu.memory_space<vmem>>
    %dma_start3A_47 = tpu.memref_squeeze %dma_start3A_46 : memref<1x8x128xi32, #tpu.memory_space<vmem>> -> memref<8x128xi32, #tpu.memory_space<vmem>>
    %dma_start3A_48 = arith.constant 0 : i32
    %dma_start3A_49 = arith.constant 0 : i32
    %dma_start3A_50 = tpu.memref_slice %arg4[%add3A, %dma_start3A_48, %dma_start3A_49] : memref<32x80x128xi32, #tpu.memory_space<hbm>> -> memref<1x8x128xi32, #tpu.memory_space<hbm>>
    %dma_start3A_51 = tpu.memref_squeeze %dma_start3A_50 : memref<1x8x128xi32, #tpu.memory_space<hbm>> -> memref<8x128xi32, #tpu.memory_space<hbm>>
    %dma_start3A_52 = arith.constant 0 : i32
    %dma_start3A_53 = arith.constant 0 : i32
    %dma_start3A_54 = tpu.memref_slice %arg7[%dma_start3A_43, %dma_start3A_52, %dma_start3A_53] : memref<2x8x128xi32, #tpu.memory_space<vmem>> -> memref<1x8x128xi32, #tpu.memory_space<vmem>>
    %dma_start3A_55 = tpu.memref_squeeze %dma_start3A_54 : memref<1x8x128xi32, #tpu.memory_space<vmem>> -> memref<8x128xi32, #tpu.memory_space<vmem>>
    %dma_start3A_56 = arith.constant 0 : i32
    %dma_start3A_57 = arith.constant 0 : i32
    %dma_start3A_58 = tpu.memref_slice %arg4[%add3A, %dma_start3A_56, %dma_start3A_57] : memref<32x80x128xi32, #tpu.memory_space<hbm>> -> memref<1x8x128xi32, #tpu.memory_space<hbm>>
    %dma_start3A_59 = tpu.memref_squeeze %dma_start3A_58 : memref<1x8x128xi32, #tpu.memory_space<hbm>> -> memref<8x128xi32, #tpu.memory_space<hbm>>
    tpu.enqueue_dma source(%dma_start3A_59 : memref<8x128xi32, #tpu.memory_space<hbm>>) target(%dma_start3A_55 : memref<8x128xi32, #tpu.memory_space<vmem>>) target_semaphore(%arg12 : memref<!tpu.dma_semaphore, #tpu.memory_space<semaphore_mem>>)
    %scan3A_60 = arith.constant 0 : i32
    %scan3A_61 = arith.constant 0 : i32
    %scan3A_62 = arith.constant 10 : i32
    %scan3A_63 = arith.addi %scan3A_61, %scan3A_62 : i32
    %scan3A_64 = arith.constant 1 : i32
    %scan3A_65 = scf.for %scan3A_100 = %scan3A_61 to %scan3A_63 step %scan3A_64 iter_args(%scan3A_101 = %scan3A_60) -> (i32)  : i32 {
      %mul3A_102 = arith.constant 8 : i32
      %mul3A_103 = arith.muli %scan3A_100, %mul3A_102 : i32
      %and3A = arith.constant 1 : i32
      %and3A_104 = arith.andi %scan3A_100, %and3A : i32
      %eq3A = arith.constant 0 : i32
      %eq3A_105 = arith.cmpi eq, %and3A_104, %eq3A : i32
      %and3A_106 = arith.constant 1 : i32
      %and3A_107 = arith.andi %scan3A_100, %and3A_106 : i32
      %add3A_108 = arith.constant 1 : i32
      %add3A_109 = arith.addi %scan3A_100, %add3A_108 : i32
      %min3A = arith.constant 9 : i32
      %min3A_110 = arith.minsi %add3A_109, %min3A : i32
      %convert_element_type3A = arith.extui %eq3A_105 : i1 to i32
      %cond3A = arith.constant 0 : i32
      %cond3A_111 = arith.cmpi ne, %convert_element_type3A, %cond3A : i32
      scf.if %cond3A_111 {
        %dma_wait3A_365 = arith.constant 0 : i32
        %dma_wait3A_366 = arith.constant 0 : i32
        %dma_wait3A_367 = arith.constant 0 : i32
        %dma_wait3A_368 = tpu.memref_slice %arg7[%dma_wait3A_365, %dma_wait3A_366, %dma_wait3A_367] : memref<2x8x128xi32, #tpu.memory_space<vmem>> -> memref<1x8x128xi32, #tpu.memory_space<vmem>>
        %dma_wait3A_369 = tpu.memref_squeeze %dma_wait3A_368 : memref<1x8x128xi32, #tpu.memory_space<vmem>> -> memref<8x128xi32, #tpu.memory_space<vmem>>
        %dma_wait3A_370 = arith.constant 0 : i32
        %dma_wait3A_371 = arith.constant 0 : i32
        %dma_wait3A_372 = tpu.memref_slice %arg4[%add3A, %dma_wait3A_370, %dma_wait3A_371] : memref<32x80x128xi32, #tpu.memory_space<hbm>> -> memref<1x8x128xi32, #tpu.memory_space<hbm>>
        %dma_wait3A_373 = tpu.memref_squeeze %dma_wait3A_372 : memref<1x8x128xi32, #tpu.memory_space<hbm>> -> memref<8x128xi32, #tpu.memory_space<hbm>>
        %dma_wait3A_374 = arith.constant 0 : i32
        %dma_wait3A_375 = arith.constant 0 : i32
        %dma_wait3A_376 = tpu.memref_slice %arg7[%dma_wait3A_365, %dma_wait3A_374, %dma_wait3A_375] : memref<2x8x128xi32, #tpu.memory_space<vmem>> -> memref<1x8x128xi32, #tpu.memory_space<vmem>>
        %dma_wait3A_377 = tpu.memref_squeeze %dma_wait3A_376 : memref<1x8x128xi32, #tpu.memory_space<vmem>> -> memref<8x128xi32, #tpu.memory_space<vmem>>
        %dma_wait3A_378 = arith.constant 0 : i32
        %dma_wait3A_379 = arith.constant 0 : i32
        %dma_wait3A_380 = tpu.memref_slice %arg4[%add3A, %dma_wait3A_378, %dma_wait3A_379] : memref<32x80x128xi32, #tpu.memory_space<hbm>> -> memref<1x8x128xi32, #tpu.memory_space<hbm>>
        %dma_wait3A_381 = tpu.memref_squeeze %dma_wait3A_380 : memref<1x8x128xi32, #tpu.memory_space<hbm>> -> memref<8x128xi32, #tpu.memory_space<hbm>>
        tpu.wait_dma2 semaphore(%arg12 : memref<!tpu.dma_semaphore, #tpu.memory_space<semaphore_mem>>) src(%dma_wait3A_381 : memref<8x128xi32, #tpu.memory_space<hbm>>) dst(%dma_wait3A_377 : memref<8x128xi32, #tpu.memory_space<vmem>>)
        %mul3A_382 = arith.constant 8 : i32
        %mul3A_383 = arith.muli %min3A_110, %mul3A_382 : i32
        %dma_start3A_384 = arith.constant 1 : i32
        %dma_start3A_385 = arith.constant 0 : i32
        %dma_start3A_386 = arith.constant 0 : i32
        %dma_start3A_387 = tpu.memref_slice %arg7[%dma_start3A_384, %dma_start3A_385, %dma_start3A_386] : memref<2x8x128xi32, #tpu.memory_space<vmem>> -> memref<1x8x128xi32, #tpu.memory_space<vmem>>
        %dma_start3A_388 = tpu.memref_squeeze %dma_start3A_387 : memref<1x8x128xi32, #tpu.memory_space<vmem>> -> memref<8x128xi32, #tpu.memory_space<vmem>>
        %dma_start3A_389 = arith.constant 0 : i32
        %dma_start3A_390 = tpu.memref_slice %arg4[%add3A, %mul3A_383, %dma_start3A_389] : memref<32x80x128xi32, #tpu.memory_space<hbm>> -> memref<1x8x128xi32, #tpu.memory_space<hbm>>
        %dma_start3A_391 = tpu.memref_squeeze %dma_start3A_390 : memref<1x8x128xi32, #tpu.memory_space<hbm>> -> memref<8x128xi32, #tpu.memory_space<hbm>>
        %dma_start3A_392 = arith.constant 0 : i32
        %dma_start3A_393 = arith.constant 0 : i32
        %dma_start3A_394 = tpu.memref_slice %arg7[%dma_start3A_384, %dma_start3A_392, %dma_start3A_393] : memref<2x8x128xi32, #tpu.memory_space<vmem>> -> memref<1x8x128xi32, #tpu.memory_space<vmem>>
        %dma_start3A_395 = tpu.memref_squeeze %dma_start3A_394 : memref<1x8x128xi32, #tpu.memory_space<vmem>> -> memref<8x128xi32, #tpu.memory_space<vmem>>
        %dma_start3A_396 = arith.constant 0 : i32
        %dma_start3A_397 = tpu.memref_slice %arg4[%add3A, %mul3A_383, %dma_start3A_396] : memref<32x80x128xi32, #tpu.memory_space<hbm>> -> memref<1x8x128xi32, #tpu.memory_space<hbm>>
        %dma_start3A_398 = tpu.memref_squeeze %dma_start3A_397 : memref<1x8x128xi32, #tpu.memory_space<hbm>> -> memref<8x128xi32, #tpu.memory_space<hbm>>
        tpu.enqueue_dma source(%dma_start3A_398 : memref<8x128xi32, #tpu.memory_space<hbm>>) target(%dma_start3A_395 : memref<8x128xi32, #tpu.memory_space<vmem>>) target_semaphore(%arg13 : memref<!tpu.dma_semaphore, #tpu.memory_space<semaphore_mem>>)
      } else {
      }
      %not3A = arith.constant true
      %not3A_112 = arith.xori %eq3A_105, %not3A : i1
      %convert_element_type3A_113 = arith.extui %not3A_112 : i1 to i32
      %cond3A_114 = arith.constant 0 : i32
      %cond3A_115 = arith.cmpi ne, %convert_element_type3A_113, %cond3A_114 : i32
      scf.if %cond3A_115 {
        %dma_wait3A_365 = arith.constant 1 : i32
        %dma_wait3A_366 = arith.constant 0 : i32
        %dma_wait3A_367 = arith.constant 0 : i32
        %dma_wait3A_368 = tpu.memref_slice %arg7[%dma_wait3A_365, %dma_wait3A_366, %dma_wait3A_367] : memref<2x8x128xi32, #tpu.memory_space<vmem>> -> memref<1x8x128xi32, #tpu.memory_space<vmem>>
        %dma_wait3A_369 = tpu.memref_squeeze %dma_wait3A_368 : memref<1x8x128xi32, #tpu.memory_space<vmem>> -> memref<8x128xi32, #tpu.memory_space<vmem>>
        %dma_wait3A_370 = arith.constant 0 : i32
        %dma_wait3A_371 = arith.constant 0 : i32
        %dma_wait3A_372 = tpu.memref_slice %arg4[%add3A, %dma_wait3A_370, %dma_wait3A_371] : memref<32x80x128xi32, #tpu.memory_space<hbm>> -> memref<1x8x128xi32, #tpu.memory_space<hbm>>
        %dma_wait3A_373 = tpu.memref_squeeze %dma_wait3A_372 : memref<1x8x128xi32, #tpu.memory_space<hbm>> -> memref<8x128xi32, #tpu.memory_space<hbm>>
        %dma_wait3A_374 = arith.constant 0 : i32
        %dma_wait3A_375 = arith.constant 0 : i32
        %dma_wait3A_376 = tpu.memref_slice %arg7[%dma_wait3A_365, %dma_wait3A_374, %dma_wait3A_375] : memref<2x8x128xi32, #tpu.memory_space<vmem>> -> memref<1x8x128xi32, #tpu.memory_space<vmem>>
        %dma_wait3A_377 = tpu.memref_squeeze %dma_wait3A_376 : memref<1x8x128xi32, #tpu.memory_space<vmem>> -> memref<8x128xi32, #tpu.memory_space<vmem>>
        %dma_wait3A_378 = arith.constant 0 : i32
        %dma_wait3A_379 = arith.constant 0 : i32
        %dma_wait3A_380 = tpu.memref_slice %arg4[%add3A, %dma_wait3A_378, %dma_wait3A_379] : memref<32x80x128xi32, #tpu.memory_space<hbm>> -> memref<1x8x128xi32, #tpu.memory_space<hbm>>
        %dma_wait3A_381 = tpu.memref_squeeze %dma_wait3A_380 : memref<1x8x128xi32, #tpu.memory_space<hbm>> -> memref<8x128xi32, #tpu.memory_space<hbm>>
        tpu.wait_dma2 semaphore(%arg13 : memref<!tpu.dma_semaphore, #tpu.memory_space<semaphore_mem>>) src(%dma_wait3A_381 : memref<8x128xi32, #tpu.memory_space<hbm>>) dst(%dma_wait3A_377 : memref<8x128xi32, #tpu.memory_space<vmem>>)
        %mul3A_382 = arith.constant 8 : i32
        %mul3A_383 = arith.muli %min3A_110, %mul3A_382 : i32
        %dma_start3A_384 = arith.constant 0 : i32
        %dma_start3A_385 = arith.constant 0 : i32
        %dma_start3A_386 = arith.constant 0 : i32
        %dma_start3A_387 = tpu.memref_slice %arg7[%dma_start3A_384, %dma_start3A_385, %dma_start3A_386] : memref<2x8x128xi32, #tpu.memory_space<vmem>> -> memref<1x8x128xi32, #tpu.memory_space<vmem>>
        %dma_start3A_388 = tpu.memref_squeeze %dma_start3A_387 : memref<1x8x128xi32, #tpu.memory_space<vmem>> -> memref<8x128xi32, #tpu.memory_space<vmem>>
        %dma_start3A_389 = arith.constant 0 : i32
        %dma_start3A_390 = tpu.memref_slice %arg4[%add3A, %mul3A_383, %dma_start3A_389] : memref<32x80x128xi32, #tpu.memory_space<hbm>> -> memref<1x8x128xi32, #tpu.memory_space<hbm>>
        %dma_start3A_391 = tpu.memref_squeeze %dma_start3A_390 : memref<1x8x128xi32, #tpu.memory_space<hbm>> -> memref<8x128xi32, #tpu.memory_space<hbm>>
        %dma_start3A_392 = arith.constant 0 : i32
        %dma_start3A_393 = arith.constant 0 : i32
        %dma_start3A_394 = tpu.memref_slice %arg7[%dma_start3A_384, %dma_start3A_392, %dma_start3A_393] : memref<2x8x128xi32, #tpu.memory_space<vmem>> -> memref<1x8x128xi32, #tpu.memory_space<vmem>>
        %dma_start3A_395 = tpu.memref_squeeze %dma_start3A_394 : memref<1x8x128xi32, #tpu.memory_space<vmem>> -> memref<8x128xi32, #tpu.memory_space<vmem>>
        %dma_start3A_396 = arith.constant 0 : i32
        %dma_start3A_397 = tpu.memref_slice %arg4[%add3A, %mul3A_383, %dma_start3A_396] : memref<32x80x128xi32, #tpu.memory_space<hbm>> -> memref<1x8x128xi32, #tpu.memory_space<hbm>>
        %dma_start3A_398 = tpu.memref_squeeze %dma_start3A_397 : memref<1x8x128xi32, #tpu.memory_space<hbm>> -> memref<8x128xi32, #tpu.memory_space<hbm>>
        tpu.enqueue_dma source(%dma_start3A_398 : memref<8x128xi32, #tpu.memory_space<hbm>>) target(%dma_start3A_395 : memref<8x128xi32, #tpu.memory_space<vmem>>) target_semaphore(%arg12 : memref<!tpu.dma_semaphore, #tpu.memory_space<semaphore_mem>>)
      } else {
      }
      %add3A_116 = arith.constant 0 : i32
      %add3A_117 = arith.addi %mul3A_103, %add3A_116 : i32
      %add3A_118 = arith.constant 1 : i32
      %add3A_119 = arith.addi %add3A_117, %add3A_118 : i32
      %min3A_120 = arith.constant 79 : i32
      %min3A_121 = arith.minsi %add3A_119, %min3A_120 : i32
      %dma_start3A_122 = arith.constant 1 : i32
      %dma_start3A_123 = arith.constant 0 : i32
      %dma_start3A_124 = arith.constant 0 : i32
      %dma_start3A_125 = tpu.memref_slice %arg8[%dma_start3A_122, %dma_start3A_123, %dma_start3A_124] : memref<2x128x128xf32, #tpu.memory_space<vmem>> -> memref<1x128x128xf32, #tpu.memory_space<vmem>>
      %dma_start3A_126 = tpu.memref_squeeze %dma_start3A_125 : memref<1x128x128xf32, #tpu.memory_space<vmem>> -> memref<128x128xf32, #tpu.memory_space<vmem>>
      %dma_start3A_127 = arith.constant 0 : i32
      %dma_start3A_128 = tpu.memref_slice %arg6[%min3A_121, %dma_start3A_127] : memref<80x128xi32, #tpu.memory_space<vmem>> -> memref<1x128xi32, #tpu.memory_space<vmem>>
      %dma_start3A_129 = tpu.memref_squeeze %dma_start3A_128 : memref<1x128xi32, #tpu.memory_space<vmem>> -> memref<128xi32, #tpu.memory_space<vmem>>
      %dma_start3A_130 = arith.constant 0 : i32
      %dma_start3A_131 = arith.constant 0 : i32
      %dma_start3A_132 = tpu.memref_slice %arg2[%dma_start3A_130, %dma_start3A_131] : memref<10240x128xf32, #tpu.memory_space<hbm>> -> memref<10240x128xf32, #tpu.memory_space<hbm>>
      tpu.enqueue_indirect_dma source(%dma_start3A_132 : memref<10240x128xf32, #tpu.memory_space<hbm>>) target(%dma_start3A_126 : memref<128x128xf32, #tpu.memory_space<vmem>>) offsets(%dma_start3A_129 : memref<128xi32, #tpu.memory_space<vmem>>) semaphore(%arg11 : memref<!tpu.dma_semaphore, #tpu.memory_space<semaphore_mem>>)
      %dma_wait3A_133 = arith.constant 0 : i32
      %dma_wait3A_134 = arith.constant 0 : i32
      %dma_wait3A_135 = arith.constant 0 : i32
      %dma_wait3A_136 = arith.constant 0 : i32
      %dma_wait3A_137 = tpu.memref_slice %arg8[%dma_wait3A_134, %dma_wait3A_135, %dma_wait3A_136] : memref<2x128x128xf32, #tpu.memory_space<vmem>> -> memref<1x128x128xf32, #tpu.memory_space<vmem>>
      %dma_wait3A_138 = tpu.memref_squeeze %dma_wait3A_137 : memref<1x128x128xf32, #tpu.memory_space<vmem>> -> memref<128x128xf32, #tpu.memory_space<vmem>>
      %dma_wait3A_139 = arith.constant 0 : i32
      %dma_wait3A_140 = tpu.memref_slice %arg6[%dma_wait3A_133, %dma_wait3A_139] : memref<80x128xi32, #tpu.memory_space<vmem>> -> memref<1x128xi32, #tpu.memory_space<vmem>>
      %dma_wait3A_141 = tpu.memref_squeeze %dma_wait3A_140 : memref<1x128xi32, #tpu.memory_space<vmem>> -> memref<128xi32, #tpu.memory_space<vmem>>
      %dma_wait3A_142 = arith.constant 0 : i32
      %dma_wait3A_143 = arith.constant 0 : i32
      %dma_wait3A_144 = tpu.memref_slice %arg2[%dma_wait3A_142, %dma_wait3A_143] : memref<10240x128xf32, #tpu.memory_space<hbm>> -> memref<10240x128xf32, #tpu.memory_space<hbm>>
      tpu.wait_indirect_dma semaphore(%arg10 : memref<!tpu.dma_semaphore, #tpu.memory_space<semaphore_mem>>) src(%dma_wait3A_144 : memref<10240x128xf32, #tpu.memory_space<hbm>>) dst(%dma_wait3A_138 : memref<128x128xf32, #tpu.memory_space<vmem>>)
      %run_scoped3A_145 = arith.constant 0 : i32
      %run_scoped3A_146 = arith.constant 0 : i32
      "tpu.region"() ({
        %run_scoped3A_365 = tpu.sem_alloc : memref<!tpu.dma_semaphore, #tpu.memory_space<semaphore_mem>>
        %dma_start3A_366 = arith.constant 0 : i32
        %dma_start3A_367 = arith.constant 0 : i32
        %dma_start3A_368 = tpu.memref_slice %arg8[%run_scoped3A_145, %dma_start3A_366, %dma_start3A_367] : memref<2x128x128xf32, #tpu.memory_space<vmem>> -> memref<1x128x128xf32, #tpu.memory_space<vmem>>
        %dma_start3A_369 = tpu.memref_squeeze %dma_start3A_368 : memref<1x128x128xf32, #tpu.memory_space<vmem>> -> memref<128x128xf32, #tpu.memory_space<vmem>>
        %dma_start3A_370 = arith.constant 0 : i32
        %dma_start3A_371 = tpu.memref_slice %arg7[%and3A_107, %run_scoped3A_146, %dma_start3A_370] : memref<2x8x128xi32, #tpu.memory_space<vmem>> -> memref<1x1x128xi32, #tpu.memory_space<vmem>>
        %dma_start3A_372 = tpu.memref_squeeze %dma_start3A_371 : memref<1x1x128xi32, #tpu.memory_space<vmem>> -> memref<128xi32, #tpu.memory_space<vmem>>
        %dma_start3A_373 = arith.constant 0 : i32
        %dma_start3A_374 = arith.constant 0 : i32
        %dma_start3A_375 = tpu.memref_slice %arg9[%dma_start3A_373, %dma_start3A_374] : memref<10240x128xf32, #tpu.memory_space<vmem_shared>> -> memref<10240x128xf32, #tpu.memory_space<vmem_shared>>
        tpu.enqueue_indirect_dma source(%dma_start3A_369 : memref<128x128xf32, #tpu.memory_space<vmem>>) target(%dma_start3A_375 : memref<10240x128xf32, #tpu.memory_space<vmem_shared>>) offsets(%dma_start3A_372 : memref<128xi32, #tpu.memory_space<vmem>>) semaphore(%run_scoped3A_365 : memref<!tpu.dma_semaphore, #tpu.memory_space<semaphore_mem>>) {add = true}
        %dma_wait3A_376 = arith.constant 0 : i32
        %dma_wait3A_377 = arith.constant 0 : i32
        %dma_wait3A_378 = tpu.memref_slice %arg8[%run_scoped3A_145, %dma_wait3A_376, %dma_wait3A_377] : memref<2x128x128xf32, #tpu.memory_space<vmem>> -> memref<1x128x128xf32, #tpu.memory_space<vmem>>
        %dma_wait3A_379 = tpu.memref_squeeze %dma_wait3A_378 : memref<1x128x128xf32, #tpu.memory_space<vmem>> -> memref<128x128xf32, #tpu.memory_space<vmem>>
        %dma_wait3A_380 = arith.constant 0 : i32
        %dma_wait3A_381 = tpu.memref_slice %arg7[%and3A_107, %run_scoped3A_146, %dma_wait3A_380] : memref<2x8x128xi32, #tpu.memory_space<vmem>> -> memref<1x1x128xi32, #tpu.memory_space<vmem>>
        %dma_wait3A_382 = tpu.memref_squeeze %dma_wait3A_381 : memref<1x1x128xi32, #tpu.memory_space<vmem>> -> memref<128xi32, #tpu.memory_space<vmem>>
        %dma_wait3A_383 = arith.constant 0 : i32
        %dma_wait3A_384 = arith.constant 0 : i32
        %dma_wait3A_385 = tpu.memref_slice %arg9[%dma_wait3A_383, %dma_wait3A_384] : memref<10240x128xf32, #tpu.memory_space<vmem_shared>> -> memref<10240x128xf32, #tpu.memory_space<vmem_shared>>
        tpu.wait_indirect_dma semaphore(%run_scoped3A_365 : memref<!tpu.dma_semaphore, #tpu.memory_space<semaphore_mem>>) src(%dma_wait3A_379 : memref<128x128xf32, #tpu.memory_space<vmem>>) dst(%dma_wait3A_385 : memref<10240x128xf32, #tpu.memory_space<vmem_shared>>)
        tpu.yield
      }) : () -> ()
      %add3A_147 = arith.constant 1 : i32
      %add3A_148 = arith.addi %mul3A_103, %add3A_147 : i32
      %add3A_149 = arith.constant 1 : i32
      %add3A_150 = arith.addi %add3A_148, %add3A_149 : i32
      %min3A_151 = arith.constant 79 : i32
      %min3A_152 = arith.minsi %add3A_150, %min3A_151 : i32
      %dma_start3A_153 = arith.constant 0 : i32
      %dma_start3A_154 = arith.constant 0 : i32
      %dma_start3A_155 = arith.constant 0 : i32
      %dma_start3A_156 = tpu.memref_slice %arg8[%dma_start3A_153, %dma_start3A_154, %dma_start3A_155] : memref<2x128x128xf32, #tpu.memory_space<vmem>> -> memref<1x128x128xf32, #tpu.memory_space<vmem>>
      %dma_start3A_157 = tpu.memref_squeeze %dma_start3A_156 : memref<1x128x128xf32, #tpu.memory_space<vmem>> -> memref<128x128xf32, #tpu.memory_space<vmem>>
      %dma_start3A_158 = arith.constant 0 : i32
      %dma_start3A_159 = tpu.memref_slice %arg6[%min3A_152, %dma_start3A_158] : memref<80x128xi32, #tpu.memory_space<vmem>> -> memref<1x128xi32, #tpu.memory_space<vmem>>
      %dma_start3A_160 = tpu.memref_squeeze %dma_start3A_159 : memref<1x128xi32, #tpu.memory_space<vmem>> -> memref<128xi32, #tpu.memory_space<vmem>>
      %dma_start3A_161 = arith.constant 0 : i32
      %dma_start3A_162 = arith.constant 0 : i32
      %dma_start3A_163 = tpu.memref_slice %arg2[%dma_start3A_161, %dma_start3A_162] : memref<10240x128xf32, #tpu.memory_space<hbm>> -> memref<10240x128xf32, #tpu.memory_space<hbm>>
      tpu.enqueue_indirect_dma source(%dma_start3A_163 : memref<10240x128xf32, #tpu.memory_space<hbm>>) target(%dma_start3A_157 : memref<128x128xf32, #tpu.memory_space<vmem>>) offsets(%dma_start3A_160 : memref<128xi32, #tpu.memory_space<vmem>>) semaphore(%arg10 : memref<!tpu.dma_semaphore, #tpu.memory_space<semaphore_mem>>)
      %dma_wait3A_164 = arith.constant 0 : i32
      %dma_wait3A_165 = arith.constant 1 : i32
      %dma_wait3A_166 = arith.constant 0 : i32
      %dma_wait3A_167 = arith.constant 0 : i32
      %dma_wait3A_168 = tpu.memref_slice %arg8[%dma_wait3A_165, %dma_wait3A_166, %dma_wait3A_167] : memref<2x128x128xf32, #tpu.memory_space<vmem>> -> memref<1x128x128xf32, #tpu.memory_space<vmem>>
      %dma_wait3A_169 = tpu.memref_squeeze %dma_wait3A_168 : memref<1x128x128xf32, #tpu.memory_space<vmem>> -> memref<128x128xf32, #tpu.memory_space<vmem>>
      %dma_wait3A_170 = arith.constant 0 : i32
      %dma_wait3A_171 = tpu.memref_slice %arg6[%dma_wait3A_164, %dma_wait3A_170] : memref<80x128xi32, #tpu.memory_space<vmem>> -> memref<1x128xi32, #tpu.memory_space<vmem>>
      %dma_wait3A_172 = tpu.memref_squeeze %dma_wait3A_171 : memref<1x128xi32, #tpu.memory_space<vmem>> -> memref<128xi32, #tpu.memory_space<vmem>>
      %dma_wait3A_173 = arith.constant 0 : i32
      %dma_wait3A_174 = arith.constant 0 : i32
      %dma_wait3A_175 = tpu.memref_slice %arg2[%dma_wait3A_173, %dma_wait3A_174] : memref<10240x128xf32, #tpu.memory_space<hbm>> -> memref<10240x128xf32, #tpu.memory_space<hbm>>
      tpu.wait_indirect_dma semaphore(%arg11 : memref<!tpu.dma_semaphore, #tpu.memory_space<semaphore_mem>>) src(%dma_wait3A_175 : memref<10240x128xf32, #tpu.memory_space<hbm>>) dst(%dma_wait3A_169 : memref<128x128xf32, #tpu.memory_space<vmem>>)
      %run_scoped3A_176 = arith.constant 1 : i32
      %run_scoped3A_177 = arith.constant 1 : i32
      "tpu.region"() ({
        %run_scoped3A_365 = tpu.sem_alloc : memref<!tpu.dma_semaphore, #tpu.memory_space<semaphore_mem>>
        %dma_start3A_366 = arith.constant 0 : i32
        %dma_start3A_367 = arith.constant 0 : i32
        %dma_start3A_368 = tpu.memref_slice %arg8[%run_scoped3A_176, %dma_start3A_366, %dma_start3A_367] : memref<2x128x128xf32, #tpu.memory_space<vmem>> -> memref<1x128x128xf32, #tpu.memory_space<vmem>>
        %dma_start3A_369 = tpu.memref_squeeze %dma_start3A_368 : memref<1x128x128xf32, #tpu.memory_space<vmem>> -> memref<128x128xf32, #tpu.memory_space<vmem>>
        %dma_start3A_370 = arith.constant 0 : i32
        %dma_start3A_371 = tpu.memref_slice %arg7[%and3A_107, %run_scoped3A_177, %dma_start3A_370] : memref<2x8x128xi32, #tpu.memory_space<vmem>> -> memref<1x1x128xi32, #tpu.memory_space<vmem>>
        %dma_start3A_372 = tpu.memref_squeeze %dma_start3A_371 : memref<1x1x128xi32, #tpu.memory_space<vmem>> -> memref<128xi32, #tpu.memory_space<vmem>>
        %dma_start3A_373 = arith.constant 0 : i32
        %dma_start3A_374 = arith.constant 0 : i32
        %dma_start3A_375 = tpu.memref_slice %arg9[%dma_start3A_373, %dma_start3A_374] : memref<10240x128xf32, #tpu.memory_space<vmem_shared>> -> memref<10240x128xf32, #tpu.memory_space<vmem_shared>>
        tpu.enqueue_indirect_dma source(%dma_start3A_369 : memref<128x128xf32, #tpu.memory_space<vmem>>) target(%dma_start3A_375 : memref<10240x128xf32, #tpu.memory_space<vmem_shared>>) offsets(%dma_start3A_372 : memref<128xi32, #tpu.memory_space<vmem>>) semaphore(%run_scoped3A_365 : memref<!tpu.dma_semaphore, #tpu.memory_space<semaphore_mem>>) {add = true}
        %dma_wait3A_376 = arith.constant 0 : i32
        %dma_wait3A_377 = arith.constant 0 : i32
        %dma_wait3A_378 = tpu.memref_slice %arg8[%run_scoped3A_176, %dma_wait3A_376, %dma_wait3A_377] : memref<2x128x128xf32, #tpu.memory_space<vmem>> -> memref<1x128x128xf32, #tpu.memory_space<vmem>>
        %dma_wait3A_379 = tpu.memref_squeeze %dma_wait3A_378 : memref<1x128x128xf32, #tpu.memory_space<vmem>> -> memref<128x128xf32, #tpu.memory_space<vmem>>
        %dma_wait3A_380 = arith.constant 0 : i32
        %dma_wait3A_381 = tpu.memref_slice %arg7[%and3A_107, %run_scoped3A_177, %dma_wait3A_380] : memref<2x8x128xi32, #tpu.memory_space<vmem>> -> memref<1x1x128xi32, #tpu.memory_space<vmem>>
        %dma_wait3A_382 = tpu.memref_squeeze %dma_wait3A_381 : memref<1x1x128xi32, #tpu.memory_space<vmem>> -> memref<128xi32, #tpu.memory_space<vmem>>
        %dma_wait3A_383 = arith.constant 0 : i32
        %dma_wait3A_384 = arith.constant 0 : i32
        %dma_wait3A_385 = tpu.memref_slice %arg9[%dma_wait3A_383, %dma_wait3A_384] : memref<10240x128xf32, #tpu.memory_space<vmem_shared>> -> memref<10240x128xf32, #tpu.memory_space<vmem_shared>>
        tpu.wait_indirect_dma semaphore(%run_scoped3A_365 : memref<!tpu.dma_semaphore, #tpu.memory_space<semaphore_mem>>) src(%dma_wait3A_379 : memref<128x128xf32, #tpu.memory_space<vmem>>) dst(%dma_wait3A_385 : memref<10240x128xf32, #tpu.memory_space<vmem_shared>>)
        tpu.yield
      }) : () -> ()
      %add3A_178 = arith.constant 2 : i32
      %add3A_179 = arith.addi %mul3A_103, %add3A_178 : i32
      %add3A_180 = arith.constant 1 : i32
      %add3A_181 = arith.addi %add3A_179, %add3A_180 : i32
      %min3A_182 = arith.constant 79 : i32
      %min3A_183 = arith.minsi %add3A_181, %min3A_182 : i32
      %dma_start3A_184 = arith.constant 1 : i32
      %dma_start3A_185 = arith.constant 0 : i32
      %dma_start3A_186 = arith.constant 0 : i32
      %dma_start3A_187 = tpu.memref_slice %arg8[%dma_start3A_184, %dma_start3A_185, %dma_start3A_186] : memref<2x128x128xf32, #tpu.memory_space<vmem>> -> memref<1x128x128xf32, #tpu.memory_space<vmem>>
      %dma_start3A_188 = tpu.memref_squeeze %dma_start3A_187 : memref<1x128x128xf32, #tpu.memory_space<vmem>> -> memref<128x128xf32, #tpu.memory_space<vmem>>
      %dma_start3A_189 = arith.constant 0 : i32
      %dma_start3A_190 = tpu.memref_slice %arg6[%min3A_183, %dma_start3A_189] : memref<80x128xi32, #tpu.memory_space<vmem>> -> memref<1x128xi32, #tpu.memory_space<vmem>>
      %dma_start3A_191 = tpu.memref_squeeze %dma_start3A_190 : memref<1x128xi32, #tpu.memory_space<vmem>> -> memref<128xi32, #tpu.memory_space<vmem>>
      %dma_start3A_192 = arith.constant 0 : i32
      %dma_start3A_193 = arith.constant 0 : i32
      %dma_start3A_194 = tpu.memref_slice %arg2[%dma_start3A_192, %dma_start3A_193] : memref<10240x128xf32, #tpu.memory_space<hbm>> -> memref<10240x128xf32, #tpu.memory_space<hbm>>
      tpu.enqueue_indirect_dma source(%dma_start3A_194 : memref<10240x128xf32, #tpu.memory_space<hbm>>) target(%dma_start3A_188 : memref<128x128xf32, #tpu.memory_space<vmem>>) offsets(%dma_start3A_191 : memref<128xi32, #tpu.memory_space<vmem>>) semaphore(%arg11 : memref<!tpu.dma_semaphore, #tpu.memory_space<semaphore_mem>>)
      %dma_wait3A_195 = arith.constant 0 : i32
      %dma_wait3A_196 = arith.constant 0 : i32
      %dma_wait3A_197 = arith.constant 0 : i32
      %dma_wait3A_198 = arith.constant 0 : i32
      %dma_wait3A_199 = tpu.memref_slice %arg8[%dma_wait3A_196, %dma_wait3A_197, %dma_wait3A_198] : memref<2x128x128xf32, #tpu.memory_space<vmem>> -> memref<1x128x128xf32, #tpu.memory_space<vmem>>
      %dma_wait3A_200 = tpu.memref_squeeze %dma_wait3A_199 : memref<1x128x128xf32, #tpu.memory_space<vmem>> -> memref<128x128xf32, #tpu.memory_space<vmem>>
      %dma_wait3A_201 = arith.constant 0 : i32
      %dma_wait3A_202 = tpu.memref_slice %arg6[%dma_wait3A_195, %dma_wait3A_201] : memref<80x128xi32, #tpu.memory_space<vmem>> -> memref<1x128xi32, #tpu.memory_space<vmem>>
      %dma_wait3A_203 = tpu.memref_squeeze %dma_wait3A_202 : memref<1x128xi32, #tpu.memory_space<vmem>> -> memref<128xi32, #tpu.memory_space<vmem>>
      %dma_wait3A_204 = arith.constant 0 : i32
      %dma_wait3A_205 = arith.constant 0 : i32
      %dma_wait3A_206 = tpu.memref_slice %arg2[%dma_wait3A_204, %dma_wait3A_205] : memref<10240x128xf32, #tpu.memory_space<hbm>> -> memref<10240x128xf32, #tpu.memory_space<hbm>>
      tpu.wait_indirect_dma semaphore(%arg10 : memref<!tpu.dma_semaphore, #tpu.memory_space<semaphore_mem>>) src(%dma_wait3A_206 : memref<10240x128xf32, #tpu.memory_space<hbm>>) dst(%dma_wait3A_200 : memref<128x128xf32, #tpu.memory_space<vmem>>)
      %run_scoped3A_207 = arith.constant 0 : i32
      %run_scoped3A_208 = arith.constant 2 : i32
      "tpu.region"() ({
        %run_scoped3A_365 = tpu.sem_alloc : memref<!tpu.dma_semaphore, #tpu.memory_space<semaphore_mem>>
        %dma_start3A_366 = arith.constant 0 : i32
        %dma_start3A_367 = arith.constant 0 : i32
        %dma_start3A_368 = tpu.memref_slice %arg8[%run_scoped3A_207, %dma_start3A_366, %dma_start3A_367] : memref<2x128x128xf32, #tpu.memory_space<vmem>> -> memref<1x128x128xf32, #tpu.memory_space<vmem>>
        %dma_start3A_369 = tpu.memref_squeeze %dma_start3A_368 : memref<1x128x128xf32, #tpu.memory_space<vmem>> -> memref<128x128xf32, #tpu.memory_space<vmem>>
        %dma_start3A_370 = arith.constant 0 : i32
        %dma_start3A_371 = tpu.memref_slice %arg7[%and3A_107, %run_scoped3A_208, %dma_start3A_370] : memref<2x8x128xi32, #tpu.memory_space<vmem>> -> memref<1x1x128xi32, #tpu.memory_space<vmem>>
        %dma_start3A_372 = tpu.memref_squeeze %dma_start3A_371 : memref<1x1x128xi32, #tpu.memory_space<vmem>> -> memref<128xi32, #tpu.memory_space<vmem>>
        %dma_start3A_373 = arith.constant 0 : i32
        %dma_start3A_374 = arith.constant 0 : i32
        %dma_start3A_375 = tpu.memref_slice %arg9[%dma_start3A_373, %dma_start3A_374] : memref<10240x128xf32, #tpu.memory_space<vmem_shared>> -> memref<10240x128xf32, #tpu.memory_space<vmem_shared>>
        tpu.enqueue_indirect_dma source(%dma_start3A_369 : memref<128x128xf32, #tpu.memory_space<vmem>>) target(%dma_start3A_375 : memref<10240x128xf32, #tpu.memory_space<vmem_shared>>) offsets(%dma_start3A_372 : memref<128xi32, #tpu.memory_space<vmem>>) semaphore(%run_scoped3A_365 : memref<!tpu.dma_semaphore, #tpu.memory_space<semaphore_mem>>) {add = true}
        %dma_wait3A_376 = arith.constant 0 : i32
        %dma_wait3A_377 = arith.constant 0 : i32
        %dma_wait3A_378 = tpu.memref_slice %arg8[%run_scoped3A_207, %dma_wait3A_376, %dma_wait3A_377] : memref<2x128x128xf32, #tpu.memory_space<vmem>> -> memref<1x128x128xf32, #tpu.memory_space<vmem>>
        %dma_wait3A_379 = tpu.memref_squeeze %dma_wait3A_378 : memref<1x128x128xf32, #tpu.memory_space<vmem>> -> memref<128x128xf32, #tpu.memory_space<vmem>>
        %dma_wait3A_380 = arith.constant 0 : i32
        %dma_wait3A_381 = tpu.memref_slice %arg7[%and3A_107, %run_scoped3A_208, %dma_wait3A_380] : memref<2x8x128xi32, #tpu.memory_space<vmem>> -> memref<1x1x128xi32, #tpu.memory_space<vmem>>
        %dma_wait3A_382 = tpu.memref_squeeze %dma_wait3A_381 : memref<1x1x128xi32, #tpu.memory_space<vmem>> -> memref<128xi32, #tpu.memory_space<vmem>>
        %dma_wait3A_383 = arith.constant 0 : i32
        %dma_wait3A_384 = arith.constant 0 : i32
        %dma_wait3A_385 = tpu.memref_slice %arg9[%dma_wait3A_383, %dma_wait3A_384] : memref<10240x128xf32, #tpu.memory_space<vmem_shared>> -> memref<10240x128xf32, #tpu.memory_space<vmem_shared>>
        tpu.wait_indirect_dma semaphore(%run_scoped3A_365 : memref<!tpu.dma_semaphore, #tpu.memory_space<semaphore_mem>>) src(%dma_wait3A_379 : memref<128x128xf32, #tpu.memory_space<vmem>>) dst(%dma_wait3A_385 : memref<10240x128xf32, #tpu.memory_space<vmem_shared>>)
        tpu.yield
      }) : () -> ()
      %add3A_209 = arith.constant 3 : i32
      %add3A_210 = arith.addi %mul3A_103, %add3A_209 : i32
      %add3A_211 = arith.constant 1 : i32
      %add3A_212 = arith.addi %add3A_210, %add3A_211 : i32
      %min3A_213 = arith.constant 79 : i32
      %min3A_214 = arith.minsi %add3A_212, %min3A_213 : i32
      %dma_start3A_215 = arith.constant 0 : i32
      %dma_start3A_216 = arith.constant 0 : i32
      %dma_start3A_217 = arith.constant 0 : i32
      %dma_start3A_218 = tpu.memref_slice %arg8[%dma_start3A_215, %dma_start3A_216, %dma_start3A_217] : memref<2x128x128xf32, #tpu.memory_space<vmem>> -> memref<1x128x128xf32, #tpu.memory_space<vmem>>
      %dma_start3A_219 = tpu.memref_squeeze %dma_start3A_218 : memref<1x128x128xf32, #tpu.memory_space<vmem>> -> memref<128x128xf32, #tpu.memory_space<vmem>>
      %dma_start3A_220 = arith.constant 0 : i32
      %dma_start3A_221 = tpu.memref_slice %arg6[%min3A_214, %dma_start3A_220] : memref<80x128xi32, #tpu.memory_space<vmem>> -> memref<1x128xi32, #tpu.memory_space<vmem>>
      %dma_start3A_222 = tpu.memref_squeeze %dma_start3A_221 : memref<1x128xi32, #tpu.memory_space<vmem>> -> memref<128xi32, #tpu.memory_space<vmem>>
      %dma_start3A_223 = arith.constant 0 : i32
      %dma_start3A_224 = arith.constant 0 : i32
      %dma_start3A_225 = tpu.memref_slice %arg2[%dma_start3A_223, %dma_start3A_224] : memref<10240x128xf32, #tpu.memory_space<hbm>> -> memref<10240x128xf32, #tpu.memory_space<hbm>>
      tpu.enqueue_indirect_dma source(%dma_start3A_225 : memref<10240x128xf32, #tpu.memory_space<hbm>>) target(%dma_start3A_219 : memref<128x128xf32, #tpu.memory_space<vmem>>) offsets(%dma_start3A_222 : memref<128xi32, #tpu.memory_space<vmem>>) semaphore(%arg10 : memref<!tpu.dma_semaphore, #tpu.memory_space<semaphore_mem>>)
      %dma_wait3A_226 = arith.constant 0 : i32
      %dma_wait3A_227 = arith.constant 1 : i32
      %dma_wait3A_228 = arith.constant 0 : i32
      %dma_wait3A_229 = arith.constant 0 : i32
      %dma_wait3A_230 = tpu.memref_slice %arg8[%dma_wait3A_227, %dma_wait3A_228, %dma_wait3A_229] : memref<2x128x128xf32, #tpu.memory_space<vmem>> -> memref<1x128x128xf32, #tpu.memory_space<vmem>>
      %dma_wait3A_231 = tpu.memref_squeeze %dma_wait3A_230 : memref<1x128x128xf32, #tpu.memory_space<vmem>> -> memref<128x128xf32, #tpu.memory_space<vmem>>
      %dma_wait3A_232 = arith.constant 0 : i32
      %dma_wait3A_233 = tpu.memref_slice %arg6[%dma_wait3A_226, %dma_wait3A_232] : memref<80x128xi32, #tpu.memory_space<vmem>> -> memref<1x128xi32, #tpu.memory_space<vmem>>
      %dma_wait3A_234 = tpu.memref_squeeze %dma_wait3A_233 : memref<1x128xi32, #tpu.memory_space<vmem>> -> memref<128xi32, #tpu.memory_space<vmem>>
      %dma_wait3A_235 = arith.constant 0 : i32
      %dma_wait3A_236 = arith.constant 0 : i32
      %dma_wait3A_237 = tpu.memref_slice %arg2[%dma_wait3A_235, %dma_wait3A_236] : memref<10240x128xf32, #tpu.memory_space<hbm>> -> memref<10240x128xf32, #tpu.memory_space<hbm>>
      tpu.wait_indirect_dma semaphore(%arg11 : memref<!tpu.dma_semaphore, #tpu.memory_space<semaphore_mem>>) src(%dma_wait3A_237 : memref<10240x128xf32, #tpu.memory_space<hbm>>) dst(%dma_wait3A_231 : memref<128x128xf32, #tpu.memory_space<vmem>>)
      %run_scoped3A_238 = arith.constant 1 : i32
      %run_scoped3A_239 = arith.constant 3 : i32
      "tpu.region"() ({
        %run_scoped3A_365 = tpu.sem_alloc : memref<!tpu.dma_semaphore, #tpu.memory_space<semaphore_mem>>
        %dma_start3A_366 = arith.constant 0 : i32
        %dma_start3A_367 = arith.constant 0 : i32
        %dma_start3A_368 = tpu.memref_slice %arg8[%run_scoped3A_238, %dma_start3A_366, %dma_start3A_367] : memref<2x128x128xf32, #tpu.memory_space<vmem>> -> memref<1x128x128xf32, #tpu.memory_space<vmem>>
        %dma_start3A_369 = tpu.memref_squeeze %dma_start3A_368 : memref<1x128x128xf32, #tpu.memory_space<vmem>> -> memref<128x128xf32, #tpu.memory_space<vmem>>
        %dma_start3A_370 = arith.constant 0 : i32
        %dma_start3A_371 = tpu.memref_slice %arg7[%and3A_107, %run_scoped3A_239, %dma_start3A_370] : memref<2x8x128xi32, #tpu.memory_space<vmem>> -> memref<1x1x128xi32, #tpu.memory_space<vmem>>
        %dma_start3A_372 = tpu.memref_squeeze %dma_start3A_371 : memref<1x1x128xi32, #tpu.memory_space<vmem>> -> memref<128xi32, #tpu.memory_space<vmem>>
        %dma_start3A_373 = arith.constant 0 : i32
        %dma_start3A_374 = arith.constant 0 : i32
        %dma_start3A_375 = tpu.memref_slice %arg9[%dma_start3A_373, %dma_start3A_374] : memref<10240x128xf32, #tpu.memory_space<vmem_shared>> -> memref<10240x128xf32, #tpu.memory_space<vmem_shared>>
        tpu.enqueue_indirect_dma source(%dma_start3A_369 : memref<128x128xf32, #tpu.memory_space<vmem>>) target(%dma_start3A_375 : memref<10240x128xf32, #tpu.memory_space<vmem_shared>>) offsets(%dma_start3A_372 : memref<128xi32, #tpu.memory_space<vmem>>) semaphore(%run_scoped3A_365 : memref<!tpu.dma_semaphore, #tpu.memory_space<semaphore_mem>>) {add = true}
        %dma_wait3A_376 = arith.constant 0 : i32
        %dma_wait3A_377 = arith.constant 0 : i32
        %dma_wait3A_378 = tpu.memref_slice %arg8[%run_scoped3A_238, %dma_wait3A_376, %dma_wait3A_377] : memref<2x128x128xf32, #tpu.memory_space<vmem>> -> memref<1x128x128xf32, #tpu.memory_space<vmem>>
        %dma_wait3A_379 = tpu.memref_squeeze %dma_wait3A_378 : memref<1x128x128xf32, #tpu.memory_space<vmem>> -> memref<128x128xf32, #tpu.memory_space<vmem>>
        %dma_wait3A_380 = arith.constant 0 : i32
        %dma_wait3A_381 = tpu.memref_slice %arg7[%and3A_107, %run_scoped3A_239, %dma_wait3A_380] : memref<2x8x128xi32, #tpu.memory_space<vmem>> -> memref<1x1x128xi32, #tpu.memory_space<vmem>>
        %dma_wait3A_382 = tpu.memref_squeeze %dma_wait3A_381 : memref<1x1x128xi32, #tpu.memory_space<vmem>> -> memref<128xi32, #tpu.memory_space<vmem>>
        %dma_wait3A_383 = arith.constant 0 : i32
        %dma_wait3A_384 = arith.constant 0 : i32
        %dma_wait3A_385 = tpu.memref_slice %arg9[%dma_wait3A_383, %dma_wait3A_384] : memref<10240x128xf32, #tpu.memory_space<vmem_shared>> -> memref<10240x128xf32, #tpu.memory_space<vmem_shared>>
        tpu.wait_indirect_dma semaphore(%run_scoped3A_365 : memref<!tpu.dma_semaphore, #tpu.memory_space<semaphore_mem>>) src(%dma_wait3A_379 : memref<128x128xf32, #tpu.memory_space<vmem>>) dst(%dma_wait3A_385 : memref<10240x128xf32, #tpu.memory_space<vmem_shared>>)
        tpu.yield
      }) : () -> ()
      %add3A_240 = arith.constant 4 : i32
      %add3A_241 = arith.addi %mul3A_103, %add3A_240 : i32
      %add3A_242 = arith.constant 1 : i32
      %add3A_243 = arith.addi %add3A_241, %add3A_242 : i32
      %min3A_244 = arith.constant 79 : i32
      %min3A_245 = arith.minsi %add3A_243, %min3A_244 : i32
      %dma_start3A_246 = arith.constant 1 : i32
      %dma_start3A_247 = arith.constant 0 : i32
      %dma_start3A_248 = arith.constant 0 : i32
      %dma_start3A_249 = tpu.memref_slice %arg8[%dma_start3A_246, %dma_start3A_247, %dma_start3A_248] : memref<2x128x128xf32, #tpu.memory_space<vmem>> -> memref<1x128x128xf32, #tpu.memory_space<vmem>>
      %dma_start3A_250 = tpu.memref_squeeze %dma_start3A_249 : memref<1x128x128xf32, #tpu.memory_space<vmem>> -> memref<128x128xf32, #tpu.memory_space<vmem>>
      %dma_start3A_251 = arith.constant 0 : i32
      %dma_start3A_252 = tpu.memref_slice %arg6[%min3A_245, %dma_start3A_251] : memref<80x128xi32, #tpu.memory_space<vmem>> -> memref<1x128xi32, #tpu.memory_space<vmem>>
      %dma_start3A_253 = tpu.memref_squeeze %dma_start3A_252 : memref<1x128xi32, #tpu.memory_space<vmem>> -> memref<128xi32, #tpu.memory_space<vmem>>
      %dma_start3A_254 = arith.constant 0 : i32
      %dma_start3A_255 = arith.constant 0 : i32
      %dma_start3A_256 = tpu.memref_slice %arg2[%dma_start3A_254, %dma_start3A_255] : memref<10240x128xf32, #tpu.memory_space<hbm>> -> memref<10240x128xf32, #tpu.memory_space<hbm>>
      tpu.enqueue_indirect_dma source(%dma_start3A_256 : memref<10240x128xf32, #tpu.memory_space<hbm>>) target(%dma_start3A_250 : memref<128x128xf32, #tpu.memory_space<vmem>>) offsets(%dma_start3A_253 : memref<128xi32, #tpu.memory_space<vmem>>) semaphore(%arg11 : memref<!tpu.dma_semaphore, #tpu.memory_space<semaphore_mem>>)
      %dma_wait3A_257 = arith.constant 0 : i32
      %dma_wait3A_258 = arith.constant 0 : i32
      %dma_wait3A_259 = arith.constant 0 : i32
      %dma_wait3A_260 = arith.constant 0 : i32
      %dma_wait3A_261 = tpu.memref_slice %arg8[%dma_wait3A_258, %dma_wait3A_259, %dma_wait3A_260] : memref<2x128x128xf32, #tpu.memory_space<vmem>> -> memref<1x128x128xf32, #tpu.memory_space<vmem>>
      %dma_wait3A_262 = tpu.memref_squeeze %dma_wait3A_261 : memref<1x128x128xf32, #tpu.memory_space<vmem>> -> memref<128x128xf32, #tpu.memory_space<vmem>>
      %dma_wait3A_263 = arith.constant 0 : i32
      %dma_wait3A_264 = tpu.memref_slice %arg6[%dma_wait3A_257, %dma_wait3A_263] : memref<80x128xi32, #tpu.memory_space<vmem>> -> memref<1x128xi32, #tpu.memory_space<vmem>>
      %dma_wait3A_265 = tpu.memref_squeeze %dma_wait3A_264 : memref<1x128xi32, #tpu.memory_space<vmem>> -> memref<128xi32, #tpu.memory_space<vmem>>
      %dma_wait3A_266 = arith.constant 0 : i32
      %dma_wait3A_267 = arith.constant 0 : i32
      %dma_wait3A_268 = tpu.memref_slice %arg2[%dma_wait3A_266, %dma_wait3A_267] : memref<10240x128xf32, #tpu.memory_space<hbm>> -> memref<10240x128xf32, #tpu.memory_space<hbm>>
      tpu.wait_indirect_dma semaphore(%arg10 : memref<!tpu.dma_semaphore, #tpu.memory_space<semaphore_mem>>) src(%dma_wait3A_268 : memref<10240x128xf32, #tpu.memory_space<hbm>>) dst(%dma_wait3A_262 : memref<128x128xf32, #tpu.memory_space<vmem>>)
      %run_scoped3A_269 = arith.constant 0 : i32
      %run_scoped3A_270 = arith.constant 4 : i32
      "tpu.region"() ({
        %run_scoped3A_365 = tpu.sem_alloc : memref<!tpu.dma_semaphore, #tpu.memory_space<semaphore_mem>>
        %dma_start3A_366 = arith.constant 0 : i32
        %dma_start3A_367 = arith.constant 0 : i32
        %dma_start3A_368 = tpu.memref_slice %arg8[%run_scoped3A_269, %dma_start3A_366, %dma_start3A_367] : memref<2x128x128xf32, #tpu.memory_space<vmem>> -> memref<1x128x128xf32, #tpu.memory_space<vmem>>
        %dma_start3A_369 = tpu.memref_squeeze %dma_start3A_368 : memref<1x128x128xf32, #tpu.memory_space<vmem>> -> memref<128x128xf32, #tpu.memory_space<vmem>>
        %dma_start3A_370 = arith.constant 0 : i32
        %dma_start3A_371 = tpu.memref_slice %arg7[%and3A_107, %run_scoped3A_270, %dma_start3A_370] : memref<2x8x128xi32, #tpu.memory_space<vmem>> -> memref<1x1x128xi32, #tpu.memory_space<vmem>>
        %dma_start3A_372 = tpu.memref_squeeze %dma_start3A_371 : memref<1x1x128xi32, #tpu.memory_space<vmem>> -> memref<128xi32, #tpu.memory_space<vmem>>
        %dma_start3A_373 = arith.constant 0 : i32
        %dma_start3A_374 = arith.constant 0 : i32
        %dma_start3A_375 = tpu.memref_slice %arg9[%dma_start3A_373, %dma_start3A_374] : memref<10240x128xf32, #tpu.memory_space<vmem_shared>> -> memref<10240x128xf32, #tpu.memory_space<vmem_shared>>
        tpu.enqueue_indirect_dma source(%dma_start3A_369 : memref<128x128xf32, #tpu.memory_space<vmem>>) target(%dma_start3A_375 : memref<10240x128xf32, #tpu.memory_space<vmem_shared>>) offsets(%dma_start3A_372 : memref<128xi32, #tpu.memory_space<vmem>>) semaphore(%run_scoped3A_365 : memref<!tpu.dma_semaphore, #tpu.memory_space<semaphore_mem>>) {add = true}
        %dma_wait3A_376 = arith.constant 0 : i32
        %dma_wait3A_377 = arith.constant 0 : i32
        %dma_wait3A_378 = tpu.memref_slice %arg8[%run_scoped3A_269, %dma_wait3A_376, %dma_wait3A_377] : memref<2x128x128xf32, #tpu.memory_space<vmem>> -> memref<1x128x128xf32, #tpu.memory_space<vmem>>
        %dma_wait3A_379 = tpu.memref_squeeze %dma_wait3A_378 : memref<1x128x128xf32, #tpu.memory_space<vmem>> -> memref<128x128xf32, #tpu.memory_space<vmem>>
        %dma_wait3A_380 = arith.constant 0 : i32
        %dma_wait3A_381 = tpu.memref_slice %arg7[%and3A_107, %run_scoped3A_270, %dma_wait3A_380] : memref<2x8x128xi32, #tpu.memory_space<vmem>> -> memref<1x1x128xi32, #tpu.memory_space<vmem>>
        %dma_wait3A_382 = tpu.memref_squeeze %dma_wait3A_381 : memref<1x1x128xi32, #tpu.memory_space<vmem>> -> memref<128xi32, #tpu.memory_space<vmem>>
        %dma_wait3A_383 = arith.constant 0 : i32
        %dma_wait3A_384 = arith.constant 0 : i32
        %dma_wait3A_385 = tpu.memref_slice %arg9[%dma_wait3A_383, %dma_wait3A_384] : memref<10240x128xf32, #tpu.memory_space<vmem_shared>> -> memref<10240x128xf32, #tpu.memory_space<vmem_shared>>
        tpu.wait_indirect_dma semaphore(%run_scoped3A_365 : memref<!tpu.dma_semaphore, #tpu.memory_space<semaphore_mem>>) src(%dma_wait3A_379 : memref<128x128xf32, #tpu.memory_space<vmem>>) dst(%dma_wait3A_385 : memref<10240x128xf32, #tpu.memory_space<vmem_shared>>)
        tpu.yield
      }) : () -> ()
      %add3A_271 = arith.constant 5 : i32
      %add3A_272 = arith.addi %mul3A_103, %add3A_271 : i32
      %add3A_273 = arith.constant 1 : i32
      %add3A_274 = arith.addi %add3A_272, %add3A_273 : i32
      %min3A_275 = arith.constant 79 : i32
      %min3A_276 = arith.minsi %add3A_274, %min3A_275 : i32
      %dma_start3A_277 = arith.constant 0 : i32
      %dma_start3A_278 = arith.constant 0 : i32
      %dma_start3A_279 = arith.constant 0 : i32
      %dma_start3A_280 = tpu.memref_slice %arg8[%dma_start3A_277, %dma_start3A_278, %dma_start3A_279] : memref<2x128x128xf32, #tpu.memory_space<vmem>> -> memref<1x128x128xf32, #tpu.memory_space<vmem>>
      %dma_start3A_281 = tpu.memref_squeeze %dma_start3A_280 : memref<1x128x128xf32, #tpu.memory_space<vmem>> -> memref<128x128xf32, #tpu.memory_space<vmem>>
      %dma_start3A_282 = arith.constant 0 : i32
      %dma_start3A_283 = tpu.memref_slice %arg6[%min3A_276, %dma_start3A_282] : memref<80x128xi32, #tpu.memory_space<vmem>> -> memref<1x128xi32, #tpu.memory_space<vmem>>
      %dma_start3A_284 = tpu.memref_squeeze %dma_start3A_283 : memref<1x128xi32, #tpu.memory_space<vmem>> -> memref<128xi32, #tpu.memory_space<vmem>>
      %dma_start3A_285 = arith.constant 0 : i32
      %dma_start3A_286 = arith.constant 0 : i32
      %dma_start3A_287 = tpu.memref_slice %arg2[%dma_start3A_285, %dma_start3A_286] : memref<10240x128xf32, #tpu.memory_space<hbm>> -> memref<10240x128xf32, #tpu.memory_space<hbm>>
      tpu.enqueue_indirect_dma source(%dma_start3A_287 : memref<10240x128xf32, #tpu.memory_space<hbm>>) target(%dma_start3A_281 : memref<128x128xf32, #tpu.memory_space<vmem>>) offsets(%dma_start3A_284 : memref<128xi32, #tpu.memory_space<vmem>>) semaphore(%arg10 : memref<!tpu.dma_semaphore, #tpu.memory_space<semaphore_mem>>)
      %dma_wait3A_288 = arith.constant 0 : i32
      %dma_wait3A_289 = arith.constant 1 : i32
      %dma_wait3A_290 = arith.constant 0 : i32
      %dma_wait3A_291 = arith.constant 0 : i32
      %dma_wait3A_292 = tpu.memref_slice %arg8[%dma_wait3A_289, %dma_wait3A_290, %dma_wait3A_291] : memref<2x128x128xf32, #tpu.memory_space<vmem>> -> memref<1x128x128xf32, #tpu.memory_space<vmem>>
      %dma_wait3A_293 = tpu.memref_squeeze %dma_wait3A_292 : memref<1x128x128xf32, #tpu.memory_space<vmem>> -> memref<128x128xf32, #tpu.memory_space<vmem>>
      %dma_wait3A_294 = arith.constant 0 : i32
      %dma_wait3A_295 = tpu.memref_slice %arg6[%dma_wait3A_288, %dma_wait3A_294] : memref<80x128xi32, #tpu.memory_space<vmem>> -> memref<1x128xi32, #tpu.memory_space<vmem>>
      %dma_wait3A_296 = tpu.memref_squeeze %dma_wait3A_295 : memref<1x128xi32, #tpu.memory_space<vmem>> -> memref<128xi32, #tpu.memory_space<vmem>>
      %dma_wait3A_297 = arith.constant 0 : i32
      %dma_wait3A_298 = arith.constant 0 : i32
      %dma_wait3A_299 = tpu.memref_slice %arg2[%dma_wait3A_297, %dma_wait3A_298] : memref<10240x128xf32, #tpu.memory_space<hbm>> -> memref<10240x128xf32, #tpu.memory_space<hbm>>
      tpu.wait_indirect_dma semaphore(%arg11 : memref<!tpu.dma_semaphore, #tpu.memory_space<semaphore_mem>>) src(%dma_wait3A_299 : memref<10240x128xf32, #tpu.memory_space<hbm>>) dst(%dma_wait3A_293 : memref<128x128xf32, #tpu.memory_space<vmem>>)
      %run_scoped3A_300 = arith.constant 1 : i32
      %run_scoped3A_301 = arith.constant 5 : i32
      "tpu.region"() ({
        %run_scoped3A_365 = tpu.sem_alloc : memref<!tpu.dma_semaphore, #tpu.memory_space<semaphore_mem>>
        %dma_start3A_366 = arith.constant 0 : i32
        %dma_start3A_367 = arith.constant 0 : i32
        %dma_start3A_368 = tpu.memref_slice %arg8[%run_scoped3A_300, %dma_start3A_366, %dma_start3A_367] : memref<2x128x128xf32, #tpu.memory_space<vmem>> -> memref<1x128x128xf32, #tpu.memory_space<vmem>>
        %dma_start3A_369 = tpu.memref_squeeze %dma_start3A_368 : memref<1x128x128xf32, #tpu.memory_space<vmem>> -> memref<128x128xf32, #tpu.memory_space<vmem>>
        %dma_start3A_370 = arith.constant 0 : i32
        %dma_start3A_371 = tpu.memref_slice %arg7[%and3A_107, %run_scoped3A_301, %dma_start3A_370] : memref<2x8x128xi32, #tpu.memory_space<vmem>> -> memref<1x1x128xi32, #tpu.memory_space<vmem>>
        %dma_start3A_372 = tpu.memref_squeeze %dma_start3A_371 : memref<1x1x128xi32, #tpu.memory_space<vmem>> -> memref<128xi32, #tpu.memory_space<vmem>>
        %dma_start3A_373 = arith.constant 0 : i32
        %dma_start3A_374 = arith.constant 0 : i32
        %dma_start3A_375 = tpu.memref_slice %arg9[%dma_start3A_373, %dma_start3A_374] : memref<10240x128xf32, #tpu.memory_space<vmem_shared>> -> memref<10240x128xf32, #tpu.memory_space<vmem_shared>>
        tpu.enqueue_indirect_dma source(%dma_start3A_369 : memref<128x128xf32, #tpu.memory_space<vmem>>) target(%dma_start3A_375 : memref<10240x128xf32, #tpu.memory_space<vmem_shared>>) offsets(%dma_start3A_372 : memref<128xi32, #tpu.memory_space<vmem>>) semaphore(%run_scoped3A_365 : memref<!tpu.dma_semaphore, #tpu.memory_space<semaphore_mem>>) {add = true}
        %dma_wait3A_376 = arith.constant 0 : i32
        %dma_wait3A_377 = arith.constant 0 : i32
        %dma_wait3A_378 = tpu.memref_slice %arg8[%run_scoped3A_300, %dma_wait3A_376, %dma_wait3A_377] : memref<2x128x128xf32, #tpu.memory_space<vmem>> -> memref<1x128x128xf32, #tpu.memory_space<vmem>>
        %dma_wait3A_379 = tpu.memref_squeeze %dma_wait3A_378 : memref<1x128x128xf32, #tpu.memory_space<vmem>> -> memref<128x128xf32, #tpu.memory_space<vmem>>
        %dma_wait3A_380 = arith.constant 0 : i32
        %dma_wait3A_381 = tpu.memref_slice %arg7[%and3A_107, %run_scoped3A_301, %dma_wait3A_380] : memref<2x8x128xi32, #tpu.memory_space<vmem>> -> memref<1x1x128xi32, #tpu.memory_space<vmem>>
        %dma_wait3A_382 = tpu.memref_squeeze %dma_wait3A_381 : memref<1x1x128xi32, #tpu.memory_space<vmem>> -> memref<128xi32, #tpu.memory_space<vmem>>
        %dma_wait3A_383 = arith.constant 0 : i32
        %dma_wait3A_384 = arith.constant 0 : i32
        %dma_wait3A_385 = tpu.memref_slice %arg9[%dma_wait3A_383, %dma_wait3A_384] : memref<10240x128xf32, #tpu.memory_space<vmem_shared>> -> memref<10240x128xf32, #tpu.memory_space<vmem_shared>>
        tpu.wait_indirect_dma semaphore(%run_scoped3A_365 : memref<!tpu.dma_semaphore, #tpu.memory_space<semaphore_mem>>) src(%dma_wait3A_379 : memref<128x128xf32, #tpu.memory_space<vmem>>) dst(%dma_wait3A_385 : memref<10240x128xf32, #tpu.memory_space<vmem_shared>>)
        tpu.yield
      }) : () -> ()
      %add3A_302 = arith.constant 6 : i32
      %add3A_303 = arith.addi %mul3A_103, %add3A_302 : i32
      %add3A_304 = arith.constant 1 : i32
      %add3A_305 = arith.addi %add3A_303, %add3A_304 : i32
      %min3A_306 = arith.constant 79 : i32
      %min3A_307 = arith.minsi %add3A_305, %min3A_306 : i32
      %dma_start3A_308 = arith.constant 1 : i32
      %dma_start3A_309 = arith.constant 0 : i32
      %dma_start3A_310 = arith.constant 0 : i32
      %dma_start3A_311 = tpu.memref_slice %arg8[%dma_start3A_308, %dma_start3A_309, %dma_start3A_310] : memref<2x128x128xf32, #tpu.memory_space<vmem>> -> memref<1x128x128xf32, #tpu.memory_space<vmem>>
      %dma_start3A_312 = tpu.memref_squeeze %dma_start3A_311 : memref<1x128x128xf32, #tpu.memory_space<vmem>> -> memref<128x128xf32, #tpu.memory_space<vmem>>
      %dma_start3A_313 = arith.constant 0 : i32
      %dma_start3A_314 = tpu.memref_slice %arg6[%min3A_307, %dma_start3A_313] : memref<80x128xi32, #tpu.memory_space<vmem>> -> memref<1x128xi32, #tpu.memory_space<vmem>>
      %dma_start3A_315 = tpu.memref_squeeze %dma_start3A_314 : memref<1x128xi32, #tpu.memory_space<vmem>> -> memref<128xi32, #tpu.memory_space<vmem>>
      %dma_start3A_316 = arith.constant 0 : i32
      %dma_start3A_317 = arith.constant 0 : i32
      %dma_start3A_318 = tpu.memref_slice %arg2[%dma_start3A_316, %dma_start3A_317] : memref<10240x128xf32, #tpu.memory_space<hbm>> -> memref<10240x128xf32, #tpu.memory_space<hbm>>
      tpu.enqueue_indirect_dma source(%dma_start3A_318 : memref<10240x128xf32, #tpu.memory_space<hbm>>) target(%dma_start3A_312 : memref<128x128xf32, #tpu.memory_space<vmem>>) offsets(%dma_start3A_315 : memref<128xi32, #tpu.memory_space<vmem>>) semaphore(%arg11 : memref<!tpu.dma_semaphore, #tpu.memory_space<semaphore_mem>>)
      %dma_wait3A_319 = arith.constant 0 : i32
      %dma_wait3A_320 = arith.constant 0 : i32
      %dma_wait3A_321 = arith.constant 0 : i32
      %dma_wait3A_322 = arith.constant 0 : i32
      %dma_wait3A_323 = tpu.memref_slice %arg8[%dma_wait3A_320, %dma_wait3A_321, %dma_wait3A_322] : memref<2x128x128xf32, #tpu.memory_space<vmem>> -> memref<1x128x128xf32, #tpu.memory_space<vmem>>
      %dma_wait3A_324 = tpu.memref_squeeze %dma_wait3A_323 : memref<1x128x128xf32, #tpu.memory_space<vmem>> -> memref<128x128xf32, #tpu.memory_space<vmem>>
      %dma_wait3A_325 = arith.constant 0 : i32
      %dma_wait3A_326 = tpu.memref_slice %arg6[%dma_wait3A_319, %dma_wait3A_325] : memref<80x128xi32, #tpu.memory_space<vmem>> -> memref<1x128xi32, #tpu.memory_space<vmem>>
      %dma_wait3A_327 = tpu.memref_squeeze %dma_wait3A_326 : memref<1x128xi32, #tpu.memory_space<vmem>> -> memref<128xi32, #tpu.memory_space<vmem>>
      %dma_wait3A_328 = arith.constant 0 : i32
      %dma_wait3A_329 = arith.constant 0 : i32
      %dma_wait3A_330 = tpu.memref_slice %arg2[%dma_wait3A_328, %dma_wait3A_329] : memref<10240x128xf32, #tpu.memory_space<hbm>> -> memref<10240x128xf32, #tpu.memory_space<hbm>>
      tpu.wait_indirect_dma semaphore(%arg10 : memref<!tpu.dma_semaphore, #tpu.memory_space<semaphore_mem>>) src(%dma_wait3A_330 : memref<10240x128xf32, #tpu.memory_space<hbm>>) dst(%dma_wait3A_324 : memref<128x128xf32, #tpu.memory_space<vmem>>)
      %run_scoped3A_331 = arith.constant 0 : i32
      %run_scoped3A_332 = arith.constant 6 : i32
      "tpu.region"() ({
        %run_scoped3A_365 = tpu.sem_alloc : memref<!tpu.dma_semaphore, #tpu.memory_space<semaphore_mem>>
        %dma_start3A_366 = arith.constant 0 : i32
        %dma_start3A_367 = arith.constant 0 : i32
        %dma_start3A_368 = tpu.memref_slice %arg8[%run_scoped3A_331, %dma_start3A_366, %dma_start3A_367] : memref<2x128x128xf32, #tpu.memory_space<vmem>> -> memref<1x128x128xf32, #tpu.memory_space<vmem>>
        %dma_start3A_369 = tpu.memref_squeeze %dma_start3A_368 : memref<1x128x128xf32, #tpu.memory_space<vmem>> -> memref<128x128xf32, #tpu.memory_space<vmem>>
        %dma_start3A_370 = arith.constant 0 : i32
        %dma_start3A_371 = tpu.memref_slice %arg7[%and3A_107, %run_scoped3A_332, %dma_start3A_370] : memref<2x8x128xi32, #tpu.memory_space<vmem>> -> memref<1x1x128xi32, #tpu.memory_space<vmem>>
        %dma_start3A_372 = tpu.memref_squeeze %dma_start3A_371 : memref<1x1x128xi32, #tpu.memory_space<vmem>> -> memref<128xi32, #tpu.memory_space<vmem>>
        %dma_start3A_373 = arith.constant 0 : i32
        %dma_start3A_374 = arith.constant 0 : i32
        %dma_start3A_375 = tpu.memref_slice %arg9[%dma_start3A_373, %dma_start3A_374] : memref<10240x128xf32, #tpu.memory_space<vmem_shared>> -> memref<10240x128xf32, #tpu.memory_space<vmem_shared>>
        tpu.enqueue_indirect_dma source(%dma_start3A_369 : memref<128x128xf32, #tpu.memory_space<vmem>>) target(%dma_start3A_375 : memref<10240x128xf32, #tpu.memory_space<vmem_shared>>) offsets(%dma_start3A_372 : memref<128xi32, #tpu.memory_space<vmem>>) semaphore(%run_scoped3A_365 : memref<!tpu.dma_semaphore, #tpu.memory_space<semaphore_mem>>) {add = true}
        %dma_wait3A_376 = arith.constant 0 : i32
        %dma_wait3A_377 = arith.constant 0 : i32
        %dma_wait3A_378 = tpu.memref_slice %arg8[%run_scoped3A_331, %dma_wait3A_376, %dma_wait3A_377] : memref<2x128x128xf32, #tpu.memory_space<vmem>> -> memref<1x128x128xf32, #tpu.memory_space<vmem>>
        %dma_wait3A_379 = tpu.memref_squeeze %dma_wait3A_378 : memref<1x128x128xf32, #tpu.memory_space<vmem>> -> memref<128x128xf32, #tpu.memory_space<vmem>>
        %dma_wait3A_380 = arith.constant 0 : i32
        %dma_wait3A_381 = tpu.memref_slice %arg7[%and3A_107, %run_scoped3A_332, %dma_wait3A_380] : memref<2x8x128xi32, #tpu.memory_space<vmem>> -> memref<1x1x128xi32, #tpu.memory_space<vmem>>
        %dma_wait3A_382 = tpu.memref_squeeze %dma_wait3A_381 : memref<1x1x128xi32, #tpu.memory_space<vmem>> -> memref<128xi32, #tpu.memory_space<vmem>>
        %dma_wait3A_383 = arith.constant 0 : i32
        %dma_wait3A_384 = arith.constant 0 : i32
        %dma_wait3A_385 = tpu.memref_slice %arg9[%dma_wait3A_383, %dma_wait3A_384] : memref<10240x128xf32, #tpu.memory_space<vmem_shared>> -> memref<10240x128xf32, #tpu.memory_space<vmem_shared>>
        tpu.wait_indirect_dma semaphore(%run_scoped3A_365 : memref<!tpu.dma_semaphore, #tpu.memory_space<semaphore_mem>>) src(%dma_wait3A_379 : memref<128x128xf32, #tpu.memory_space<vmem>>) dst(%dma_wait3A_385 : memref<10240x128xf32, #tpu.memory_space<vmem_shared>>)
        tpu.yield
      }) : () -> ()
      %add3A_333 = arith.constant 7 : i32
      %add3A_334 = arith.addi %mul3A_103, %add3A_333 : i32
      %add3A_335 = arith.constant 1 : i32
      %add3A_336 = arith.addi %add3A_334, %add3A_335 : i32
      %min3A_337 = arith.constant 79 : i32
      %min3A_338 = arith.minsi %add3A_336, %min3A_337 : i32
      %dma_start3A_339 = arith.constant 0 : i32
      %dma_start3A_340 = arith.constant 0 : i32
      %dma_start3A_341 = arith.constant 0 : i32
      %dma_start3A_342 = tpu.memref_slice %arg8[%dma_start3A_339, %dma_start3A_340, %dma_start3A_341] : memref<2x128x128xf32, #tpu.memory_space<vmem>> -> memref<1x128x128xf32, #tpu.memory_space<vmem>>
      %dma_start3A_343 = tpu.memref_squeeze %dma_start3A_342 : memref<1x128x128xf32, #tpu.memory_space<vmem>> -> memref<128x128xf32, #tpu.memory_space<vmem>>
      %dma_start3A_344 = arith.constant 0 : i32
      %dma_start3A_345 = tpu.memref_slice %arg6[%min3A_338, %dma_start3A_344] : memref<80x128xi32, #tpu.memory_space<vmem>> -> memref<1x128xi32, #tpu.memory_space<vmem>>
      %dma_start3A_346 = tpu.memref_squeeze %dma_start3A_345 : memref<1x128xi32, #tpu.memory_space<vmem>> -> memref<128xi32, #tpu.memory_space<vmem>>
      %dma_start3A_347 = arith.constant 0 : i32
      %dma_start3A_348 = arith.constant 0 : i32
      %dma_start3A_349 = tpu.memref_slice %arg2[%dma_start3A_347, %dma_start3A_348] : memref<10240x128xf32, #tpu.memory_space<hbm>> -> memref<10240x128xf32, #tpu.memory_space<hbm>>
      tpu.enqueue_indirect_dma source(%dma_start3A_349 : memref<10240x128xf32, #tpu.memory_space<hbm>>) target(%dma_start3A_343 : memref<128x128xf32, #tpu.memory_space<vmem>>) offsets(%dma_start3A_346 : memref<128xi32, #tpu.memory_space<vmem>>) semaphore(%arg10 : memref<!tpu.dma_semaphore, #tpu.memory_space<semaphore_mem>>)
      %dma_wait3A_350 = arith.constant 0 : i32
      %dma_wait3A_351 = arith.constant 1 : i32
      %dma_wait3A_352 = arith.constant 0 : i32
      %dma_wait3A_353 = arith.constant 0 : i32
      %dma_wait3A_354 = tpu.memref_slice %arg8[%dma_wait3A_351, %dma_wait3A_352, %dma_wait3A_353] : memref<2x128x128xf32, #tpu.memory_space<vmem>> -> memref<1x128x128xf32, #tpu.memory_space<vmem>>
      %dma_wait3A_355 = tpu.memref_squeeze %dma_wait3A_354 : memref<1x128x128xf32, #tpu.memory_space<vmem>> -> memref<128x128xf32, #tpu.memory_space<vmem>>
      %dma_wait3A_356 = arith.constant 0 : i32
      %dma_wait3A_357 = tpu.memref_slice %arg6[%dma_wait3A_350, %dma_wait3A_356] : memref<80x128xi32, #tpu.memory_space<vmem>> -> memref<1x128xi32, #tpu.memory_space<vmem>>
      %dma_wait3A_358 = tpu.memref_squeeze %dma_wait3A_357 : memref<1x128xi32, #tpu.memory_space<vmem>> -> memref<128xi32, #tpu.memory_space<vmem>>
      %dma_wait3A_359 = arith.constant 0 : i32
      %dma_wait3A_360 = arith.constant 0 : i32
      %dma_wait3A_361 = tpu.memref_slice %arg2[%dma_wait3A_359, %dma_wait3A_360] : memref<10240x128xf32, #tpu.memory_space<hbm>> -> memref<10240x128xf32, #tpu.memory_space<hbm>>
      tpu.wait_indirect_dma semaphore(%arg11 : memref<!tpu.dma_semaphore, #tpu.memory_space<semaphore_mem>>) src(%dma_wait3A_361 : memref<10240x128xf32, #tpu.memory_space<hbm>>) dst(%dma_wait3A_355 : memref<128x128xf32, #tpu.memory_space<vmem>>)
      %run_scoped3A_362 = arith.constant 1 : i32
      %run_scoped3A_363 = arith.constant 7 : i32
      "tpu.region"() ({
        %run_scoped3A_365 = tpu.sem_alloc : memref<!tpu.dma_semaphore, #tpu.memory_space<semaphore_mem>>
        %dma_start3A_366 = arith.constant 0 : i32
        %dma_start3A_367 = arith.constant 0 : i32
        %dma_start3A_368 = tpu.memref_slice %arg8[%run_scoped3A_362, %dma_start3A_366, %dma_start3A_367] : memref<2x128x128xf32, #tpu.memory_space<vmem>> -> memref<1x128x128xf32, #tpu.memory_space<vmem>>
        %dma_start3A_369 = tpu.memref_squeeze %dma_start3A_368 : memref<1x128x128xf32, #tpu.memory_space<vmem>> -> memref<128x128xf32, #tpu.memory_space<vmem>>
        %dma_start3A_370 = arith.constant 0 : i32
        %dma_start3A_371 = tpu.memref_slice %arg7[%and3A_107, %run_scoped3A_363, %dma_start3A_370] : memref<2x8x128xi32, #tpu.memory_space<vmem>> -> memref<1x1x128xi32, #tpu.memory_space<vmem>>
        %dma_start3A_372 = tpu.memref_squeeze %dma_start3A_371 : memref<1x1x128xi32, #tpu.memory_space<vmem>> -> memref<128xi32, #tpu.memory_space<vmem>>
        %dma_start3A_373 = arith.constant 0 : i32
        %dma_start3A_374 = arith.constant 0 : i32
        %dma_start3A_375 = tpu.memref_slice %arg9[%dma_start3A_373, %dma_start3A_374] : memref<10240x128xf32, #tpu.memory_space<vmem_shared>> -> memref<10240x128xf32, #tpu.memory_space<vmem_shared>>
        tpu.enqueue_indirect_dma source(%dma_start3A_369 : memref<128x128xf32, #tpu.memory_space<vmem>>) target(%dma_start3A_375 : memref<10240x128xf32, #tpu.memory_space<vmem_shared>>) offsets(%dma_start3A_372 : memref<128xi32, #tpu.memory_space<vmem>>) semaphore(%run_scoped3A_365 : memref<!tpu.dma_semaphore, #tpu.memory_space<semaphore_mem>>) {add = true}
        %dma_wait3A_376 = arith.constant 0 : i32
        %dma_wait3A_377 = arith.constant 0 : i32
        %dma_wait3A_378 = tpu.memref_slice %arg8[%run_scoped3A_362, %dma_wait3A_376, %dma_wait3A_377] : memref<2x128x128xf32, #tpu.memory_space<vmem>> -> memref<1x128x128xf32, #tpu.memory_space<vmem>>
        %dma_wait3A_379 = tpu.memref_squeeze %dma_wait3A_378 : memref<1x128x128xf32, #tpu.memory_space<vmem>> -> memref<128x128xf32, #tpu.memory_space<vmem>>
        %dma_wait3A_380 = arith.constant 0 : i32
        %dma_wait3A_381 = tpu.memref_slice %arg7[%and3A_107, %run_scoped3A_363, %dma_wait3A_380] : memref<2x8x128xi32, #tpu.memory_space<vmem>> -> memref<1x1x128xi32, #tpu.memory_space<vmem>>
        %dma_wait3A_382 = tpu.memref_squeeze %dma_wait3A_381 : memref<1x1x128xi32, #tpu.memory_space<vmem>> -> memref<128xi32, #tpu.memory_space<vmem>>
        %dma_wait3A_383 = arith.constant 0 : i32
        %dma_wait3A_384 = arith.constant 0 : i32
        %dma_wait3A_385 = tpu.memref_slice %arg9[%dma_wait3A_383, %dma_wait3A_384] : memref<10240x128xf32, #tpu.memory_space<vmem_shared>> -> memref<10240x128xf32, #tpu.memory_space<vmem_shared>>
        tpu.wait_indirect_dma semaphore(%run_scoped3A_365 : memref<!tpu.dma_semaphore, #tpu.memory_space<semaphore_mem>>) src(%dma_wait3A_379 : memref<128x128xf32, #tpu.memory_space<vmem>>) dst(%dma_wait3A_385 : memref<10240x128xf32, #tpu.memory_space<vmem_shared>>)
        tpu.yield
      }) : () -> ()
      %scan3A_364 = arith.constant 0 : i32
      scf.yield %scan3A_364 : i32
    }
    %scan3A_66 = arith.constant 10 : i32
    %dma_wait3A = arith.constant 0 : i32
    %dma_wait3A_67 = arith.constant 0 : i32
    %dma_wait3A_68 = arith.constant 0 : i32
    %dma_wait3A_69 = arith.constant 0 : i32
    %dma_wait3A_70 = tpu.memref_slice %arg8[%dma_wait3A_67, %dma_wait3A_68, %dma_wait3A_69] : memref<2x128x128xf32, #tpu.memory_space<vmem>> -> memref<1x128x128xf32, #tpu.memory_space<vmem>>
    %dma_wait3A_71 = tpu.memref_squeeze %dma_wait3A_70 : memref<1x128x128xf32, #tpu.memory_space<vmem>> -> memref<128x128xf32, #tpu.memory_space<vmem>>
    %dma_wait3A_72 = arith.constant 0 : i32
    %dma_wait3A_73 = tpu.memref_slice %arg6[%dma_wait3A, %dma_wait3A_72] : memref<80x128xi32, #tpu.memory_space<vmem>> -> memref<1x128xi32, #tpu.memory_space<vmem>>
    %dma_wait3A_74 = tpu.memref_squeeze %dma_wait3A_73 : memref<1x128xi32, #tpu.memory_space<vmem>> -> memref<128xi32, #tpu.memory_space<vmem>>
    %dma_wait3A_75 = arith.constant 0 : i32
    %dma_wait3A_76 = arith.constant 0 : i32
    %dma_wait3A_77 = tpu.memref_slice %arg2[%dma_wait3A_75, %dma_wait3A_76] : memref<10240x128xf32, #tpu.memory_space<hbm>> -> memref<10240x128xf32, #tpu.memory_space<hbm>>
    tpu.wait_indirect_dma semaphore(%arg10 : memref<!tpu.dma_semaphore, #tpu.memory_space<semaphore_mem>>) src(%dma_wait3A_77 : memref<10240x128xf32, #tpu.memory_space<hbm>>) dst(%dma_wait3A_71 : memref<128x128xf32, #tpu.memory_space<vmem>>)
    %dma_wait3A_78 = arith.constant 0 : i32
    %dma_wait3A_79 = arith.constant 0 : i32
    %dma_wait3A_80 = arith.constant 0 : i32
    %dma_wait3A_81 = tpu.memref_slice %arg7[%dma_wait3A_78, %dma_wait3A_79, %dma_wait3A_80] : memref<2x8x128xi32, #tpu.memory_space<vmem>> -> memref<1x8x128xi32, #tpu.memory_space<vmem>>
    %dma_wait3A_82 = tpu.memref_squeeze %dma_wait3A_81 : memref<1x8x128xi32, #tpu.memory_space<vmem>> -> memref<8x128xi32, #tpu.memory_space<vmem>>
    %dma_wait3A_83 = arith.constant 0 : i32
    %dma_wait3A_84 = arith.constant 0 : i32
    %dma_wait3A_85 = tpu.memref_slice %arg4[%add3A, %dma_wait3A_83, %dma_wait3A_84] : memref<32x80x128xi32, #tpu.memory_space<hbm>> -> memref<1x8x128xi32, #tpu.memory_space<hbm>>
    %dma_wait3A_86 = tpu.memref_squeeze %dma_wait3A_85 : memref<1x8x128xi32, #tpu.memory_space<hbm>> -> memref<8x128xi32, #tpu.memory_space<hbm>>
    %dma_wait3A_87 = arith.constant 0 : i32
    %dma_wait3A_88 = arith.constant 0 : i32
    %dma_wait3A_89 = tpu.memref_slice %arg7[%dma_wait3A_78, %dma_wait3A_87, %dma_wait3A_88] : memref<2x8x128xi32, #tpu.memory_space<vmem>> -> memref<1x8x128xi32, #tpu.memory_space<vmem>>
    %dma_wait3A_90 = tpu.memref_squeeze %dma_wait3A_89 : memref<1x8x128xi32, #tpu.memory_space<vmem>> -> memref<8x128xi32, #tpu.memory_space<vmem>>
    %dma_wait3A_91 = arith.constant 0 : i32
    %dma_wait3A_92 = arith.constant 0 : i32
    %dma_wait3A_93 = tpu.memref_slice %arg4[%add3A, %dma_wait3A_91, %dma_wait3A_92] : memref<32x80x128xi32, #tpu.memory_space<hbm>> -> memref<1x8x128xi32, #tpu.memory_space<hbm>>
    %dma_wait3A_94 = tpu.memref_squeeze %dma_wait3A_93 : memref<1x8x128xi32, #tpu.memory_space<hbm>> -> memref<8x128xi32, #tpu.memory_space<hbm>>
    tpu.wait_dma2 semaphore(%arg12 : memref<!tpu.dma_semaphore, #tpu.memory_space<semaphore_mem>>) src(%dma_wait3A_94 : memref<8x128xi32, #tpu.memory_space<hbm>>) dst(%dma_wait3A_90 : memref<8x128xi32, #tpu.memory_space<vmem>>)
    %barrier3A_95 = arith.constant 0 : index
    tpu.barrier barrier_id(%barrier3A_95)
    %mul3A_96 = arith.constant 640 : i32
    %mul3A_97 = arith.muli %arg1, %mul3A_96 : i32
    %mul3A_98 = arith.constant 640 : i32
    %mul3A_99 = arith.muli %arg1, %mul3A_98 : i32
    "tpu.region"() ({
      %run_scoped3A_100 = tpu.sem_alloc : memref<!tpu.dma_semaphore, #tpu.memory_space<semaphore_mem>>
      %dma_start3A_101 = arith.constant 0 : i32
      %dma_start3A_102 = tpu.memref_slice %arg5[%arg0, %mul3A_99, %dma_start3A_101] : memref<2x10240x128xf32, #tpu.memory_space<hbm>> -> memref<1x640x128xf32, #tpu.memory_space<hbm>>
      %dma_start3A_103 = tpu.memref_squeeze %dma_start3A_102 : memref<1x640x128xf32, #tpu.memory_space<hbm>> -> memref<640x128xf32, #tpu.memory_space<hbm>>
      %dma_start3A_104 = arith.constant 0 : i32
      %dma_start3A_105 = tpu.memref_slice %arg9[%mul3A_97, %dma_start3A_104] : memref<10240x128xf32, #tpu.memory_space<vmem_shared>> -> memref<640x128xf32, #tpu.memory_space<vmem_shared>>
      tpu.enqueue_dma source(%dma_start3A_105 : memref<640x128xf32, #tpu.memory_space<vmem_shared>>) target(%dma_start3A_103 : memref<640x128xf32, #tpu.memory_space<hbm>>) target_semaphore(%run_scoped3A_100 : memref<!tpu.dma_semaphore, #tpu.memory_space<semaphore_mem>>)
      %dma_wait3A_106 = arith.constant 0 : i32
      %dma_wait3A_107 = tpu.memref_slice %arg5[%arg0, %mul3A_99, %dma_wait3A_106] : memref<2x10240x128xf32, #tpu.memory_space<hbm>> -> memref<1x640x128xf32, #tpu.memory_space<hbm>>
      %dma_wait3A_108 = tpu.memref_squeeze %dma_wait3A_107 : memref<1x640x128xf32, #tpu.memory_space<hbm>> -> memref<640x128xf32, #tpu.memory_space<hbm>>
      %dma_wait3A_109 = arith.constant 0 : i32
      %dma_wait3A_110 = tpu.memref_slice %arg9[%mul3A_97, %dma_wait3A_109] : memref<10240x128xf32, #tpu.memory_space<vmem_shared>> -> memref<640x128xf32, #tpu.memory_space<vmem_shared>>
      tpu.wait_dma2 semaphore(%run_scoped3A_100 : memref<!tpu.dma_semaphore, #tpu.memory_space<semaphore_mem>>) src(%dma_wait3A_110 : memref<640x128xf32, #tpu.memory_space<vmem_shared>>) dst(%dma_wait3A_108 : memref<640x128xf32, #tpu.memory_space<hbm>>)
      tpu.yield
    }) : () -> ()
    return
  }
}

module attributes {stable_mosaic.version = 14 : i64} {
  func.func @_gru_body_msg(%arg0: i32, %arg1: memref<2x2048x128xf32, #tpu.memory_space<vmem>>, %arg2: memref<2048x128xf32, #tpu.memory_space<vmem>>, %arg3: memref<128x128xf32, #tpu.memory_space<vmem>>, %arg4: memref<128x384xf32, #tpu.memory_space<vmem>>, %arg5: memref<128x384xf32, #tpu.memory_space<vmem>>, %arg6: memref<1x384xf32, #tpu.memory_space<vmem>>, %arg7: memref<1x384xf32, #tpu.memory_space<vmem>>, %arg8: memref<2048x128xf32, #tpu.memory_space<vmem>>, %arg9: memref<2048x128xf32, #tpu.memory_space<vmem>>) attributes {dimension_semantics = [#tpu.dimension_semantics<arbitrary>], iteration_bounds = array<i64: 5>, scalar_prefetch = 0 : i64, scratch_operands = 0 : i64, tpu.core_type = #tpu.core_type<tc>, window_params = [{transform_indices = @transform_0, window_bounds = array<i64: 2, 2048, 128>}, {transform_indices = @transform_1, window_bounds = array<i64: 2048, 128>}, {pipeline_mode = #tpu.pipeline_mode<synchronous>, transform_indices = @transform_2, window_bounds = array<i64: 128, 128>}, {pipeline_mode = #tpu.pipeline_mode<synchronous>, transform_indices = @transform_3, window_bounds = array<i64: 128, 384>}, {pipeline_mode = #tpu.pipeline_mode<synchronous>, transform_indices = @transform_4, window_bounds = array<i64: 128, 384>}, {pipeline_mode = #tpu.pipeline_mode<synchronous>, transform_indices = @transform_5, window_bounds = array<i64: 1, 384>}, {pipeline_mode = #tpu.pipeline_mode<synchronous>, transform_indices = @transform_6, window_bounds = array<i64: 1, 384>}, {transform_indices = @transform_7, window_bounds = array<i64: 2048, 128>}, {transform_indices = @transform_8, window_bounds = array<i64: 2048, 128>}]} {
    %get3A = arith.constant 0 : index
    %get3A_0 = arith.constant 0 : index
    %get3A_1 = arith.constant 0 : index
    %get3A_2 = vector.load %arg1[%get3A, %get3A_0, %get3A_1] : memref<2x2048x128xf32, #tpu.memory_space<vmem>>, vector<1x2048x128xf32>
    %get3A_3 = vector.shape_cast %get3A_2 : vector<1x2048x128xf32> to vector<2048x128xf32>
    %get3A_4 = arith.constant 1 : index
    %get3A_5 = arith.constant 0 : index
    %get3A_6 = arith.constant 0 : index
    %get3A_7 = vector.load %arg1[%get3A_4, %get3A_5, %get3A_6] : memref<2x2048x128xf32, #tpu.memory_space<vmem>>, vector<1x2048x128xf32>
    %get3A_8 = vector.shape_cast %get3A_7 : vector<1x2048x128xf32> to vector<2048x128xf32>
    %add3A = arith.addf %get3A_3, %get3A_8 : vector<2048x128xf32>
    %get3A_9 = arith.constant 0 : index
    %get3A_10 = arith.constant 0 : index
    %get3A_11 = vector.load %arg3[%get3A_9, %get3A_10] : memref<128x128xf32, #tpu.memory_space<vmem>>, vector<128x128xf32>
    %dot_general3A = arith.constant dense<0.000000e+00> : vector<2048x128xf32>
    %dot_general3A_12 = tpu.matmul %add3A, %get3A_11, %dot_general3A {dimension_numbers = #tpu.dot_dimension_numbers<[1], [0], [0], [1], [0, 0, 1, 1], [], []>, precision = #tpu.contract_precision<fp32>, transpose_lhs_hint = false} : vector<2048x128xf32>, vector<128x128xf32>, vector<2048x128xf32> -> vector<2048x128xf32>
    %get3A_13 = arith.constant 0 : index
    %get3A_14 = arith.constant 0 : index
    %get3A_15 = vector.load %arg4[%get3A_13, %get3A_14] : memref<128x384xf32, #tpu.memory_space<vmem>>, vector<128x384xf32>
    %dot_general3A_16 = arith.constant dense<0.000000e+00> : vector<2048x384xf32>
    %dot_general3A_17 = tpu.matmul %dot_general3A_12, %get3A_15, %dot_general3A_16 {dimension_numbers = #tpu.dot_dimension_numbers<[1], [0], [0], [1], [0, 0, 1, 1], [], []>, transpose_lhs_hint = false} : vector<2048x128xf32>, vector<128x384xf32>, vector<2048x384xf32> -> vector<2048x384xf32>
    %get3A_18 = arith.constant 0 : index
    %get3A_19 = arith.constant 0 : index
    %get3A_20 = vector.load %arg6[%get3A_18, %get3A_19] : memref<1x384xf32, #tpu.memory_space<vmem>>, vector<1x384xf32>
    %add3A_21 = vector.broadcast %get3A_20 : vector<1x384xf32> to vector<2048x384xf32>
    %add3A_22 = arith.addf %dot_general3A_17, %add3A_21 : vector<2048x384xf32>
    %get3A_23 = arith.constant 0 : index
    %get3A_24 = arith.constant 0 : index
    %get3A_25 = vector.load %arg2[%get3A_23, %get3A_24] : memref<2048x128xf32, #tpu.memory_space<vmem>>, vector<2048x128xf32>
    %get3A_26 = arith.constant 0 : index
    %get3A_27 = arith.constant 0 : index
    %get3A_28 = vector.load %arg5[%get3A_26, %get3A_27] : memref<128x384xf32, #tpu.memory_space<vmem>>, vector<128x384xf32>
    %dot_general3A_29 = arith.constant dense<0.000000e+00> : vector<2048x384xf32>
    %dot_general3A_30 = tpu.matmul %get3A_25, %get3A_28, %dot_general3A_29 {dimension_numbers = #tpu.dot_dimension_numbers<[1], [0], [0], [1], [0, 0, 1, 1], [], []>, transpose_lhs_hint = false} : vector<2048x128xf32>, vector<128x384xf32>, vector<2048x384xf32> -> vector<2048x384xf32>
    %get3A_31 = arith.constant 0 : index
    %get3A_32 = arith.constant 0 : index
    %get3A_33 = vector.load %arg7[%get3A_31, %get3A_32] : memref<1x384xf32, #tpu.memory_space<vmem>>, vector<1x384xf32>
    %add3A_34 = vector.broadcast %get3A_33 : vector<1x384xf32> to vector<2048x384xf32>
    %add3A_35 = arith.addf %dot_general3A_30, %add3A_34 : vector<2048x384xf32>
    %slice3A = vector.extract_strided_slice %add3A_22 {offsets = [0, 0], sizes = [2048, 128], strides = [1, 1]} : vector<2048x384xf32> to vector<2048x128xf32>
    %slice3A_36 = vector.extract_strided_slice %add3A_35 {offsets = [0, 0], sizes = [2048, 128], strides = [1, 1]} : vector<2048x384xf32> to vector<2048x128xf32>
    %add3A_37 = arith.addf %slice3A, %slice3A_36 : vector<2048x128xf32>
    %logistic3A = arith.negf %add3A_37 : vector<2048x128xf32>
    %logistic3A_38 = math.exp %logistic3A : vector<2048x128xf32>
    %logistic3A_39 = arith.constant 1.000000e+00 : f32
    %logistic3A_40 = vector.broadcast %logistic3A_39 : f32 to vector<2048x128xf32>
    %logistic3A_41 = arith.addf %logistic3A_40, %logistic3A_38 : vector<2048x128xf32>
    %logistic3A_42 = arith.divf %logistic3A_40, %logistic3A_41 : vector<2048x128xf32>
    %slice3A_43 = vector.extract_strided_slice %add3A_22 {offsets = [0, 128], sizes = [2048, 128], strides = [1, 1]} : vector<2048x384xf32> to vector<2048x128xf32>
    %slice3A_44 = vector.extract_strided_slice %add3A_35 {offsets = [0, 128], sizes = [2048, 128], strides = [1, 1]} : vector<2048x384xf32> to vector<2048x128xf32>
    %add3A_45 = arith.addf %slice3A_43, %slice3A_44 : vector<2048x128xf32>
    %logistic3A_46 = arith.negf %add3A_45 : vector<2048x128xf32>
    %logistic3A_47 = math.exp %logistic3A_46 : vector<2048x128xf32>
    %logistic3A_48 = arith.constant 1.000000e+00 : f32
    %logistic3A_49 = vector.broadcast %logistic3A_48 : f32 to vector<2048x128xf32>
    %logistic3A_50 = arith.addf %logistic3A_49, %logistic3A_47 : vector<2048x128xf32>
    %logistic3A_51 = arith.divf %logistic3A_49, %logistic3A_50 : vector<2048x128xf32>
    %slice3A_52 = vector.extract_strided_slice %add3A_22 {offsets = [0, 256], sizes = [2048, 128], strides = [1, 1]} : vector<2048x384xf32> to vector<2048x128xf32>
    %slice3A_53 = vector.extract_strided_slice %add3A_35 {offsets = [0, 256], sizes = [2048, 128], strides = [1, 1]} : vector<2048x384xf32> to vector<2048x128xf32>
    %mul3A = arith.mulf %logistic3A_42, %slice3A_53 : vector<2048x128xf32>
    %add3A_54 = arith.addf %slice3A_52, %mul3A : vector<2048x128xf32>
    %tanh3A = math.tanh %add3A_54 : vector<2048x128xf32>
    %sub3A = arith.constant 1.000000e+00 : f32
    %sub3A_55 = vector.broadcast %sub3A : f32 to vector<2048x128xf32>
    %sub3A_56 = arith.subf %sub3A_55, %logistic3A_51 : vector<2048x128xf32>
    %mul3A_57 = arith.mulf %sub3A_56, %tanh3A : vector<2048x128xf32>
    %mul3A_58 = arith.mulf %logistic3A_51, %get3A_25 : vector<2048x128xf32>
    %add3A_59 = arith.addf %mul3A_57, %mul3A_58 : vector<2048x128xf32>
    %max3A = arith.constant 0.000000e+00 : f32
    %max3A_60 = vector.broadcast %max3A : f32 to vector<2048x128xf32>
    %max3A_61 = arith.maximumf %add3A_59, %max3A_60 : vector<2048x128xf32>
    %swap3A = arith.constant 0 : index
    %swap3A_62 = arith.constant 0 : index
    %swap3A_63 = vector.load %arg8[%swap3A, %swap3A_62] : memref<2048x128xf32, #tpu.memory_space<vmem>>, vector<2048x128xf32>
    tpu.vector_store %arg8[%swap3A, %swap3A_62], %max3A_61 {strides = array<i32>} : memref<2048x128xf32, #tpu.memory_space<vmem>>, vector<2048x128xf32>,
    %bitcast_convert_type3A = tpu.bitcast %max3A_61 : vector<2048x128xf32> -> vector<2048x128xi32>
    %add3A_64 = arith.constant 32767 : i32
    %add3A_65 = vector.broadcast %add3A_64 : i32 to vector<2048x128xi32>
    %add3A_66 = arith.addi %bitcast_convert_type3A, %add3A_65 : vector<2048x128xi32>
    %shift_right_logical3A = arith.constant 16 : i32
    %shift_right_logical3A_67 = vector.broadcast %shift_right_logical3A : i32 to vector<2048x128xi32>
    %shift_right_logical3A_68 = arith.shrui %bitcast_convert_type3A, %shift_right_logical3A_67 : vector<2048x128xi32>
    %and3A = arith.constant 1 : i32
    %and3A_69 = vector.broadcast %and3A : i32 to vector<2048x128xi32>
    %and3A_70 = arith.andi %shift_right_logical3A_68, %and3A_69 : vector<2048x128xi32>
    %add3A_71 = arith.addi %add3A_66, %and3A_70 : vector<2048x128xi32>
    %and3A_72 = arith.constant -65536 : i32
    %and3A_73 = vector.broadcast %and3A_72 : i32 to vector<2048x128xi32>
    %and3A_74 = arith.andi %add3A_71, %and3A_73 : vector<2048x128xi32>
    %bitcast_convert_type3A_75 = tpu.bitcast %and3A_74 : vector<2048x128xi32> -> vector<2048x128xf32>
    %swap3A_76 = arith.constant 0 : index
    %swap3A_77 = arith.constant 0 : index
    %swap3A_78 = vector.load %arg9[%swap3A_76, %swap3A_77] : memref<2048x128xf32, #tpu.memory_space<vmem>>, vector<2048x128xf32>
    tpu.vector_store %arg9[%swap3A_76, %swap3A_77], %bitcast_convert_type3A_75 {strides = array<i32>} : memref<2048x128xf32, #tpu.memory_space<vmem>>, vector<2048x128xf32>,
    return
  }
  func.func @transform_0(%arg0: i32) -> (i32, i32, i32) {
    %c0_i32 = arith.constant 0 : i32
    %c0_i32_0 = arith.constant 0 : i32
    %c0_i32_1 = arith.constant 0 : i32
    return %c0_i32, %arg0, %c0_i32_0 : i32, i32, i32
  }
  func.func @transform_1(%arg0: i32) -> (i32, i32) {
    %c0_i32 = arith.constant 0 : i32
    %c0_i32_0 = arith.constant 0 : i32
    return %arg0, %c0_i32 : i32, i32
  }
  func.func @transform_2(%arg0: i32) -> (i32, i32) {
    %c0_i32 = arith.constant 0 : i32
    %c0_i32_0 = arith.constant 0 : i32
    %c0_i32_1 = arith.constant 0 : i32
    return %c0_i32, %c0_i32_0 : i32, i32
  }
  func.func @transform_3(%arg0: i32) -> (i32, i32) {
    %c0_i32 = arith.constant 0 : i32
    %c0_i32_0 = arith.constant 0 : i32
    %c0_i32_1 = arith.constant 0 : i32
    return %c0_i32, %c0_i32_0 : i32, i32
  }
  func.func @transform_4(%arg0: i32) -> (i32, i32) {
    %c0_i32 = arith.constant 0 : i32
    %c0_i32_0 = arith.constant 0 : i32
    %c0_i32_1 = arith.constant 0 : i32
    return %c0_i32, %c0_i32_0 : i32, i32
  }
  func.func @transform_5(%arg0: i32) -> (i32, i32) {
    %c0_i32 = arith.constant 0 : i32
    %c0_i32_0 = arith.constant 0 : i32
    %c0_i32_1 = arith.constant 0 : i32
    return %c0_i32, %c0_i32_0 : i32, i32
  }
  func.func @transform_6(%arg0: i32) -> (i32, i32) {
    %c0_i32 = arith.constant 0 : i32
    %c0_i32_0 = arith.constant 0 : i32
    %c0_i32_1 = arith.constant 0 : i32
    return %c0_i32, %c0_i32_0 : i32, i32
  }
  func.func @transform_7(%arg0: i32) -> (i32, i32) {
    %c0_i32 = arith.constant 0 : i32
    %c0_i32_0 = arith.constant 0 : i32
    return %arg0, %c0_i32 : i32, i32
  }
  func.func @transform_8(%arg0: i32) -> (i32, i32) {
    %c0_i32 = arith.constant 0 : i32
    %c0_i32_0 = arith.constant 0 : i32
    return %arg0, %c0_i32 : i32, i32
  }
}

module attributes {stable_mosaic.version = 14 : i64} {
  func.func @_gru_body_last(%arg0: i32, %arg1: memref<2x2048x128xf32, #tpu.memory_space<vmem>>, %arg2: memref<2048x128xf32, #tpu.memory_space<vmem>>, %arg3: memref<128x128xf32, #tpu.memory_space<vmem>>, %arg4: memref<128x384xf32, #tpu.memory_space<vmem>>, %arg5: memref<128x384xf32, #tpu.memory_space<vmem>>, %arg6: memref<1x384xf32, #tpu.memory_space<vmem>>, %arg7: memref<1x384xf32, #tpu.memory_space<vmem>>, %arg8: memref<2048x128xf32, #tpu.memory_space<vmem>>) attributes {dimension_semantics = [#tpu.dimension_semantics<arbitrary>], iteration_bounds = array<i64: 5>, scalar_prefetch = 0 : i64, scratch_operands = 0 : i64, tpu.core_type = #tpu.core_type<tc>, window_params = [{transform_indices = @transform_0, window_bounds = array<i64: 2, 2048, 128>}, {transform_indices = @transform_1, window_bounds = array<i64: 2048, 128>}, {pipeline_mode = #tpu.pipeline_mode<synchronous>, transform_indices = @transform_2, window_bounds = array<i64: 128, 128>}, {pipeline_mode = #tpu.pipeline_mode<synchronous>, transform_indices = @transform_3, window_bounds = array<i64: 128, 384>}, {pipeline_mode = #tpu.pipeline_mode<synchronous>, transform_indices = @transform_4, window_bounds = array<i64: 128, 384>}, {pipeline_mode = #tpu.pipeline_mode<synchronous>, transform_indices = @transform_5, window_bounds = array<i64: 1, 384>}, {pipeline_mode = #tpu.pipeline_mode<synchronous>, transform_indices = @transform_6, window_bounds = array<i64: 1, 384>}, {transform_indices = @transform_7, window_bounds = array<i64: 2048, 128>}]} {
    %get3A = arith.constant 0 : index
    %get3A_0 = arith.constant 0 : index
    %get3A_1 = arith.constant 0 : index
    %get3A_2 = vector.load %arg1[%get3A, %get3A_0, %get3A_1] : memref<2x2048x128xf32, #tpu.memory_space<vmem>>, vector<1x2048x128xf32>
    %get3A_3 = vector.shape_cast %get3A_2 : vector<1x2048x128xf32> to vector<2048x128xf32>
    %get3A_4 = arith.constant 1 : index
    %get3A_5 = arith.constant 0 : index
    %get3A_6 = arith.constant 0 : index
    %get3A_7 = vector.load %arg1[%get3A_4, %get3A_5, %get3A_6] : memref<2x2048x128xf32, #tpu.memory_space<vmem>>, vector<1x2048x128xf32>
    %get3A_8 = vector.shape_cast %get3A_7 : vector<1x2048x128xf32> to vector<2048x128xf32>
    %add3A = arith.addf %get3A_3, %get3A_8 : vector<2048x128xf32>
    %get3A_9 = arith.constant 0 : index
    %get3A_10 = arith.constant 0 : index
    %get3A_11 = vector.load %arg3[%get3A_9, %get3A_10] : memref<128x128xf32, #tpu.memory_space<vmem>>, vector<128x128xf32>
    %dot_general3A = arith.constant dense<0.000000e+00> : vector<2048x128xf32>
    %dot_general3A_12 = tpu.matmul %add3A, %get3A_11, %dot_general3A {dimension_numbers = #tpu.dot_dimension_numbers<[1], [0], [0], [1], [0, 0, 1, 1], [], []>, precision = #tpu.contract_precision<fp32>, transpose_lhs_hint = false} : vector<2048x128xf32>, vector<128x128xf32>, vector<2048x128xf32> -> vector<2048x128xf32>
    %get3A_13 = arith.constant 0 : index
    %get3A_14 = arith.constant 0 : index
    %get3A_15 = vector.load %arg4[%get3A_13, %get3A_14] : memref<128x384xf32, #tpu.memory_space<vmem>>, vector<128x384xf32>
    %dot_general3A_16 = arith.constant dense<0.000000e+00> : vector<2048x384xf32>
    %dot_general3A_17 = tpu.matmul %dot_general3A_12, %get3A_15, %dot_general3A_16 {dimension_numbers = #tpu.dot_dimension_numbers<[1], [0], [0], [1], [0, 0, 1, 1], [], []>, transpose_lhs_hint = false} : vector<2048x128xf32>, vector<128x384xf32>, vector<2048x384xf32> -> vector<2048x384xf32>
    %get3A_18 = arith.constant 0 : index
    %get3A_19 = arith.constant 0 : index
    %get3A_20 = vector.load %arg6[%get3A_18, %get3A_19] : memref<1x384xf32, #tpu.memory_space<vmem>>, vector<1x384xf32>
    %add3A_21 = vector.broadcast %get3A_20 : vector<1x384xf32> to vector<2048x384xf32>
    %add3A_22 = arith.addf %dot_general3A_17, %add3A_21 : vector<2048x384xf32>
    %get3A_23 = arith.constant 0 : index
    %get3A_24 = arith.constant 0 : index
    %get3A_25 = vector.load %arg2[%get3A_23, %get3A_24] : memref<2048x128xf32, #tpu.memory_space<vmem>>, vector<2048x128xf32>
    %get3A_26 = arith.constant 0 : index
    %get3A_27 = arith.constant 0 : index
    %get3A_28 = vector.load %arg5[%get3A_26, %get3A_27] : memref<128x384xf32, #tpu.memory_space<vmem>>, vector<128x384xf32>
    %dot_general3A_29 = arith.constant dense<0.000000e+00> : vector<2048x384xf32>
    %dot_general3A_30 = tpu.matmul %get3A_25, %get3A_28, %dot_general3A_29 {dimension_numbers = #tpu.dot_dimension_numbers<[1], [0], [0], [1], [0, 0, 1, 1], [], []>, transpose_lhs_hint = false} : vector<2048x128xf32>, vector<128x384xf32>, vector<2048x384xf32> -> vector<2048x384xf32>
    %get3A_31 = arith.constant 0 : index
    %get3A_32 = arith.constant 0 : index
    %get3A_33 = vector.load %arg7[%get3A_31, %get3A_32] : memref<1x384xf32, #tpu.memory_space<vmem>>, vector<1x384xf32>
    %add3A_34 = vector.broadcast %get3A_33 : vector<1x384xf32> to vector<2048x384xf32>
    %add3A_35 = arith.addf %dot_general3A_30, %add3A_34 : vector<2048x384xf32>
    %slice3A = vector.extract_strided_slice %add3A_22 {offsets = [0, 0], sizes = [2048, 128], strides = [1, 1]} : vector<2048x384xf32> to vector<2048x128xf32>
    %slice3A_36 = vector.extract_strided_slice %add3A_35 {offsets = [0, 0], sizes = [2048, 128], strides = [1, 1]} : vector<2048x384xf32> to vector<2048x128xf32>
    %add3A_37 = arith.addf %slice3A, %slice3A_36 : vector<2048x128xf32>
    %logistic3A = arith.negf %add3A_37 : vector<2048x128xf32>
    %logistic3A_38 = math.exp %logistic3A : vector<2048x128xf32>
    %logistic3A_39 = arith.constant 1.000000e+00 : f32
    %logistic3A_40 = vector.broadcast %logistic3A_39 : f32 to vector<2048x128xf32>
    %logistic3A_41 = arith.addf %logistic3A_40, %logistic3A_38 : vector<2048x128xf32>
    %logistic3A_42 = arith.divf %logistic3A_40, %logistic3A_41 : vector<2048x128xf32>
    %slice3A_43 = vector.extract_strided_slice %add3A_22 {offsets = [0, 128], sizes = [2048, 128], strides = [1, 1]} : vector<2048x384xf32> to vector<2048x128xf32>
    %slice3A_44 = vector.extract_strided_slice %add3A_35 {offsets = [0, 128], sizes = [2048, 128], strides = [1, 1]} : vector<2048x384xf32> to vector<2048x128xf32>
    %add3A_45 = arith.addf %slice3A_43, %slice3A_44 : vector<2048x128xf32>
    %logistic3A_46 = arith.negf %add3A_45 : vector<2048x128xf32>
    %logistic3A_47 = math.exp %logistic3A_46 : vector<2048x128xf32>
    %logistic3A_48 = arith.constant 1.000000e+00 : f32
    %logistic3A_49 = vector.broadcast %logistic3A_48 : f32 to vector<2048x128xf32>
    %logistic3A_50 = arith.addf %logistic3A_49, %logistic3A_47 : vector<2048x128xf32>
    %logistic3A_51 = arith.divf %logistic3A_49, %logistic3A_50 : vector<2048x128xf32>
    %slice3A_52 = vector.extract_strided_slice %add3A_22 {offsets = [0, 256], sizes = [2048, 128], strides = [1, 1]} : vector<2048x384xf32> to vector<2048x128xf32>
    %slice3A_53 = vector.extract_strided_slice %add3A_35 {offsets = [0, 256], sizes = [2048, 128], strides = [1, 1]} : vector<2048x384xf32> to vector<2048x128xf32>
    %mul3A = arith.mulf %logistic3A_42, %slice3A_53 : vector<2048x128xf32>
    %add3A_54 = arith.addf %slice3A_52, %mul3A : vector<2048x128xf32>
    %tanh3A = math.tanh %add3A_54 : vector<2048x128xf32>
    %sub3A = arith.constant 1.000000e+00 : f32
    %sub3A_55 = vector.broadcast %sub3A : f32 to vector<2048x128xf32>
    %sub3A_56 = arith.subf %sub3A_55, %logistic3A_51 : vector<2048x128xf32>
    %mul3A_57 = arith.mulf %sub3A_56, %tanh3A : vector<2048x128xf32>
    %mul3A_58 = arith.mulf %logistic3A_51, %get3A_25 : vector<2048x128xf32>
    %add3A_59 = arith.addf %mul3A_57, %mul3A_58 : vector<2048x128xf32>
    %max3A = arith.constant 0.000000e+00 : f32
    %max3A_60 = vector.broadcast %max3A : f32 to vector<2048x128xf32>
    %max3A_61 = arith.maximumf %add3A_59, %max3A_60 : vector<2048x128xf32>
    %swap3A = arith.constant 0 : index
    %swap3A_62 = arith.constant 0 : index
    %swap3A_63 = vector.load %arg8[%swap3A, %swap3A_62] : memref<2048x128xf32, #tpu.memory_space<vmem>>, vector<2048x128xf32>
    tpu.vector_store %arg8[%swap3A, %swap3A_62], %max3A_61 {strides = array<i32>} : memref<2048x128xf32, #tpu.memory_space<vmem>>, vector<2048x128xf32>,
    return
  }
  func.func @transform_0(%arg0: i32) -> (i32, i32, i32) {
    %c0_i32 = arith.constant 0 : i32
    %c0_i32_0 = arith.constant 0 : i32
    %c0_i32_1 = arith.constant 0 : i32
    return %c0_i32, %arg0, %c0_i32_0 : i32, i32, i32
  }
  func.func @transform_1(%arg0: i32) -> (i32, i32) {
    %c0_i32 = arith.constant 0 : i32
    %c0_i32_0 = arith.constant 0 : i32
    return %arg0, %c0_i32 : i32, i32
  }
  func.func @transform_2(%arg0: i32) -> (i32, i32) {
    %c0_i32 = arith.constant 0 : i32
    %c0_i32_0 = arith.constant 0 : i32
    %c0_i32_1 = arith.constant 0 : i32
    return %c0_i32, %c0_i32_0 : i32, i32
  }
  func.func @transform_3(%arg0: i32) -> (i32, i32) {
    %c0_i32 = arith.constant 0 : i32
    %c0_i32_0 = arith.constant 0 : i32
    %c0_i32_1 = arith.constant 0 : i32
    return %c0_i32, %c0_i32_0 : i32, i32
  }
  func.func @transform_4(%arg0: i32) -> (i32, i32) {
    %c0_i32 = arith.constant 0 : i32
    %c0_i32_0 = arith.constant 0 : i32
    %c0_i32_1 = arith.constant 0 : i32
    return %c0_i32, %c0_i32_0 : i32, i32
  }
  func.func @transform_5(%arg0: i32) -> (i32, i32) {
    %c0_i32 = arith.constant 0 : i32
    %c0_i32_0 = arith.constant 0 : i32
    %c0_i32_1 = arith.constant 0 : i32
    return %c0_i32, %c0_i32_0 : i32, i32
  }
  func.func @transform_6(%arg0: i32) -> (i32, i32) {
    %c0_i32 = arith.constant 0 : i32
    %c0_i32_0 = arith.constant 0 : i32
    %c0_i32_1 = arith.constant 0 : i32
    return %c0_i32, %c0_i32_0 : i32, i32
  }
  func.func @transform_7(%arg0: i32) -> (i32, i32) {
    %c0_i32 = arith.constant 0 : i32
    %c0_i32_0 = arith.constant 0 : i32
    return %arg0, %c0_i32 : i32, i32
  }
}

</mosaic_0001>

<sc_bundles>
// kernel: kernel.11.cloned.1.call-start
scs
__scs_entry_jumppad:
0x0: {  	(pc) =	sbr.rel $0x88, $3  }
0x1: {  	(tag) =	ssettag $0x0;
	lr =	simm.s32 $0x1  }
0x2: {  	[smem:$0x3F90] =	sst lr;
	_ =	strace $0xD0000000  }
0x3: {  	_ = 	snop  }
0x4: {  	_ = 	snop  }
0x5: {  	_ = 	snop  }
0x6: {  	_ = 	snop  }
0x7: {  	_ = 	snop  }
__scs_overlays_trampoline_lowered:
0x8: {  	[smem:$0x3F9F] =	sst s0  }
0x9: {  	[smem:$0x3FA0] =	sst s1  }
0xa: {  	[smem:$0x3FA1] =	sst s2  }
0xb: {  	[smem:$0x3FA2] =	sst s3  }
0xc: {  	[smem:$0x3FA3] =	sst s4  }
0xd: {  	[smem:$0x3FA4] =	sst s5  }
0xe: {  	[smem:$0x3FA5] =	sst s6  }
0xf: {  	[smem:$0x3FA6] =	sst s7  }
0x10: {  	[smem:$0x3FA7] =	sst s8  }
0x11: {  	[smem:$0x3FA8] =	sst s9;
	s0 =	simm.s32 @!p0 $0x0  }
0x12: {  	s1 =	sld [smem:$0x3F8E];
	s0 =	simm.s32 @p0 $0x1  }
0x13: {  	[smem:$0x3FA9] =	sst s0;
	s0 =	simm.s32 @!p1 $0x0  }
0x14: {  	s2 =	sld [smem:$0x3F8D];
	s0 =	simm.s32 @p1 $0x1  }
0x15: {  	[smem:$0x3FAA] =	sst s0;
	s0 =	simm.s32 @!p2 $0x0  }
0x16: {  	s3 =	sld [smem:$0x3FDB];
	s0 =	simm.s32 @p2 $0x1  }
0x17: {  	s4 =	simm.s32 $0x1BF5;
	[smem:$0x3FAC] =	sst s0  }
0x18: {  	s0 =	sld [smem:$0x3F8F];
	_ =	swait.ge [sflag:s4], $0x0  }
0x19: {  	s7 =	sld [smem:$0x3F90]  }
0x1a: {  	s8 =	sadd.s32 $0xFFFFE003, lr  }
0x1b: {  	s9 =	sadd.s32 $0xFFFFFEF7, lr;
	s5 =	simm.s32 $0xFFFFFFFF;
	p2 =	slt.u32 s8, $0xFFFFF086  }
0x1c: {  	p1 =	slt.u32 s9, $0xF7A;
	s5 =	simm.s32 @!p2 $0x0  }
0x1d: {  	s5 =	simm.s32 @p1 $0x1;
	p0 =	seq.s32 s7, s2  }
0x1e: {  	s7 =	smul.u32 @!p0 $0xF7A, s2;
	p2 =	seq.s32 @!p0 s5, $0x0  }
0x1f: {  	s9 =	smul.u32 $0xF7A, s1;
	s8 =	simm.s32 @!p0 $0x1BF5;
	p2 =	por !p2, p0  }
0x20: {  	[sflag:s8] =	ssyncset.s32 @!p0 $0xFFFFF086;
	s6 =	sadd.s32 @!p0 s3, s7;
	s7 =	simm.s32 @!p0 $0x108  }
0x21: {  	s3 =	sadd.s32 s3, s9;
	s6 =	sadd.s32 @!p0 $0x88, s6;
	s7 =	simm.s32 @p2 $0x1082  }
0x22: {  	[simem:s7], [sflag:s8] =	dma.local @!p0 [hbm:s6], $0xF7A  }
0x23: {  	s9 =	sor.u32 $0xD0000000, s2;
	s6 =	simm.s32 $0x108;
	_ =	swait.ge @!p0 [sflag:s8], $0x0  }
0x24: {  	s3 =	sadd.s32 $0x88, s3;
	s6 =	simm.s32 @!p1 $0x1082;
	[sflag:s4] =	ssyncset.s32 $0xFFFFF086  }
0x25: {  	[simem:s6], [sflag:s4] =	dma.local [hbm:s3], $0xF7A  }
0x26: {  	[smem:$0x3F90] =	sst s1;
	(tag) =	ssettag s2;
	_ =	strace s9  }
0x27: {  	s1 =	sld [smem:$0x3FA0]  }
0x28: {  	s2 =	sld [smem:$0x3FA1]  }
0x29: {  	s4 =	sld [smem:$0x3FA3]  }
0x2a: {  	p0 =	seq.s32 s5, $0x0;
	s5 =	sld [smem:$0x3FA4]  }
0x2b: {  	s6 =	sld [smem:$0x3FA5]  }
0x2c: {  	s7 =	sld [smem:$0x3FA6]  }
0x2d: {  	s3 =	simm.s32 $0x108;
	s8 =	sld [smem:$0x3FA7]  }
0x2e: {  	s3 =	simm.s32 @!p0 $0x1082;
	s9 =	sld [smem:$0x3FA8]  }
0x2f: {  	lr =	sadd.s32 s0, s3;
	s0 =	sld [smem:$0x3F9F]  }
0x30: {  	s3 =	sld [smem:$0x3FA2]  }
0x31: {  	[smem:$0x3FAB] =	sst s10  }
0x32: {  	s10 =	sld [smem:$0x3FA9];
	_ =	sdelay $0x3  }
0x33: {  	p0 =	seq.s32 s10, $0x1;
	s10 =	sld [smem:$0x3FAB];
	_ =	sdelay $0x3  }
0x34: {  	[smem:$0x3FAB] =	sst s10  }
0x35: {  	s10 =	sld [smem:$0x3FAA];
	_ =	sdelay $0x3  }
0x36: {  	p1 =	seq.s32 s10, $0x1;
	s10 =	sld [smem:$0x3FAB];
	_ =	sdelay $0x3  }
0x37: {  	[smem:$0x3FAB] =	sst s10  }
0x38: {  	s10 =	sld [smem:$0x3FAC]  }
0x39: {  	_ = 	snop;
	(pc) =	sbr.ind lr, $3  }
0x3a: {  	_ = 	snop  }
0x3b: {  	_ = 	snop  }
0x3c: {  	p2 =	seq.s32 s10, $0x1;
	s10 =	sld [smem:$0x3FAB]  }
0x3d: {  	_ =	shalt  }
0x3e: {  	_ =	shalt  }
0x3f: {  	_ =	shalt  }
0x40: {  	_ =	shalt  }
0x41: {  	_ =	shalt  }
0x42: {  	_ =	shalt  }
0x43: {  	_ =	shalt  }
0x44: {  	_ =	shalt  }
0x45: {  	_ =	shalt  }
0x46: {  	_ =	shalt  }
0x47: {  	_ =	shalt  }
0x48: {  	_ =	shalt  }
0x49: {  	_ =	shalt  }
0x4a: {  	_ =	shalt  }
0x4b: {  	_ =	shalt  }
0x4c: {  	_ =	shalt  }
0x4d: {  	_ =	shalt  }
0x4e: {  	_ =	shalt  }
0x4f: {  	_ =	shalt  }
0x50: {  	_ =	shalt  }
0x51: {  	_ =	shalt  }
0x52: {  	_ =	shalt  }
0x53: {  	_ =	shalt  }
0x54: {  	_ =	shalt  }
0x55: {  	_ =	shalt  }
0x56: {  	_ =	shalt  }
0x57: {  	_ =	shalt  }
0x58: {  	_ =	shalt  }
0x59: {  	_ =	shalt  }
0x5a: {  	_ =	shalt  }
0x5b: {  	_ =	shalt  }
0x5c: {  	_ =	shalt  }
0x5d: {  	_ =	shalt  }
0x5e: {  	_ =	shalt  }
0x5f: {  	_ =	shalt  }
0x60: {  	_ =	shalt  }
0x61: {  	_ =	shalt  }
0x62: {  	_ =	shalt  }
0x63: {  	_ =	shalt  }
0x64: {  	_ =	shalt  }
0x65: {  	_ =	shalt  }
0x66: {  	_ =	shalt  }
0x67: {  	_ =	shalt  }
0x68: {  	_ =	shalt  }
0x69: {  	_ =	shalt  }
0x6a: {  	_ =	shalt  }
0x6b: {  	_ =	shalt  }
0x6c: {  	_ =	shalt  }
0x6d: {  	_ =	shalt  }
0x6e: {  	_ =	shalt  }
0x6f: {  	_ =	shalt  }
0x70: {  	_ =	shalt  }
0x71: {  	_ =	shalt  }
0x72: {  	_ =	shalt  }
0x73: {  	_ =	shalt  }
0x74: {  	_ =	shalt  }
0x75: {  	_ =	shalt  }
0x76: {  	_ =	shalt  }
0x77: {  	_ =	shalt  }
0x78: {  	_ =	shalt  }
0x79: {  	_ =	shalt  }
0x7a: {  	_ =	shalt  }
0x7b: {  	_ =	shalt  }
0x7c: {  	_ =	shalt  }
0x7d: {  	_ =	shalt  }
0x7e: {  	_ =	shalt  }
0x7f: {  	_ =	shalt  }
0x80: {  	_ =	shalt  }
0x81: {  	_ =	shalt  }
0x82: {  	_ =	shalt  }
0x83: {  	_ =	shalt  }
0x84: {  	_ =	shalt  }
0x85: {  	_ =	shalt  }
0x86: {  	_ =	shalt  }
0x87: {  	_ =	shalt  }
.Lfunc_end0:
.L_simem_size_0:
called_computation.1_lowered:
.L_overlay_start_0:
0x88: {  	s2 =	sld [smem:$0x3FD9]  }
0x89: {  	s3 =	sld [smem:$0x3FFE];
	_ =	sdelay $0x1  }
0x8a: {  	s1 =	srdreg.scid  }
0x8b: {  	s0 =	sand.u32 $0x1, s1  }
0x8c: {  	s17 =	sshll.u32 s0, $0xA;
	s2 =	sadd.s32 s3, s2  }
0x8d: {  	s2 =	sadd.s32 s2, s17  }
0x8e: {  	[smem:$0x3FB7] =	sst s2  }
0x8f: {  	_ = 	snop  }
0x90: {  	s2 =	sld [smem:$0x3FD0];
	(tm) =	ssettm $0x1  }
0x91: {  	s18 =	sld [smem:$0x3FFB];
	_ =	sdelay $0x3  }
0x92: {  	_ =	strace s18  }
0x93: {  	s3 =	sld [smem:$0x3FFC];
	_ =	sdelay $0x3  }
0x94: {  	_ =	strace s3  }
0x95: {  	s3 =	sld [smem:$0x3FFD];
	_ =	sdelay $0x3  }
0x96: {  	_ =	strace s3  }
0x97: {  	_ =	strace $0x8FFFFFFF  }
0x98: {  	s19 =	sld [smem:$0x3FDB];
	_ =	sdelay $0x1  }
0x99: {  	s4 =	simm.s32 $_scs_section_size  }
0x9a: {  	s5 =	simm.s32 $_size__tile_overlayer_lowered;
	s6 =	simm.s32 $_tile_overlayer_lowered  }
0x9b: {  	s22 =	simm.s32 $0x1BFF;
	s21 =	sshll.u32 s6, $0x1;
	s3 =	sadd.s32 s4, s19  }
0x9c: {  	s7 =	simm.s32 $0x0;
	s20 =	sshll.u32 s5, $0x1;
	s5 =	sadd.s32 s21, s3  }
0x9d: {  	[timem:s7], [sflag:s22] =	dma.local [hbm:s5], s20  }
0x9e: {  	_ =	swait.ge [sflag:s22], s20  }
0x9f: {  	s4 =	ssub.s32 $0x0, s20;
	[sflag:s22] =	ssyncset.done $0x0  }
0xa0: {  	[sflag:s22] =	ssyncadd.s32 s4;
	_ =	sdelay $0x1  }
0xa1: {  	s23 =	simm.s32 $0x1B8B  }
0xa2: {  	_ =	swait.ge [sflag:s23], $0x1  }
0xa3: {  	[sflag:s23] =	ssyncset.done $0x0  }
0xa4: {  	s25 =	simm.s32 $0x1B8E;
	s24 =	sld [smem:$0x3FFE];
	[sflag:s23] =	ssyncadd.s32 $0xFFFFFFFF  }
0xa5: {  	s26 =	simm.s32 $execute0_lowered;
	[smem:$0x3FD2] =	sst s25  }
0xa6: {  	s5 =	sshll.u32 s26, $0x1;
	_ =	strace $0x80000049;
	[dreg:$0x1] =	wrdreg $0xFFFFFFFF  }
0xa7: {  	s28 =	simm.s32 $_size_execute0_lowered;
	s3 =	sadd.s32 s3, s5;
	[dreg:$0x0] =	wrdreg $0x0  }
0xa8: {  	s5 =	sshll.u32 s28, $0x1;
	[dreg:$0x2] =	wrdreg s3  }
0xa9: {  	[dreg:$0x3] =	wrdreg s5  }
0xaa: {  	[dreg:$0x4] =	wrdreg $0xC0  }
0xab: {  	_ =	task [dreg:s7], $0x5FFFF  }
0xac: {  	[dreg:$0x1] =	wrdreg $0xFFFFFFFF  }
0xad: {  	[dreg:$0x0] =	wrdreg $0x60  }
0xae: {  	[dreg:$0x2] =	wrdreg s24  }
0xaf: {  	[dreg:$0x3] =	wrdreg s2  }
0xb0: {  	[dreg:$0x4] =	wrdreg $0xB0000  }
0xb1: {  	[dreg:$0x5] =	wrdreg $0x9  }
0xb2: {  	_ =	task.clear_ibuf [dreg:s7], $0x6FFFF;
	_ =	strace $0x90000049  }
0xb3: {  	s29 =	simm.s32 $0x9;
	_ =	strace $0x8000004B  }
0xb4: {  	_ =	swait.ge [sflag:s29], $0x1  }
0xb5: {  	[sflag:s29] =	ssyncadd.s32 $0xFFFFFFFF  }
0xb6: {  	_ =	strace $0x9000004B  }
0xb7: {  	_ =	sfence  }
0xb8: {  	s30 =	sld [smem:$0x0];
	_ =	sdelay $0x2  }
0xb9: {  	s31 =	sshll.u32 s1, $0xD;
	s1 =	sshrl.u32 s1, $0x2  }
0xba: {  	s3 =	sand.u32 $0x4000, s31;
	s1 =	sadd.s32 s1, s30  }
0xbb: {  	s0 =	sor.u32 s3, s0;
	s1 =	sshll.u32 s1, $0x11  }
0xbc: {  	s0 =	sor.u32 s1, s0  }
0xbd: {  	s0 =	sadd.s32 $0x8F2B, s0  }
0xbe: {  	[sflag:s0] =	ssyncadd.remote.s32 $0x1  }
0xbf: {  	_ =	sfence.sel $0xFFFF  }
0xc0: {  	[dreg:$0x0] =	wrdreg $0xFFFFFFFF;
	(pc) =	sbr.abs _section_cstart, $3  }
0xc1: {  	[dreg:$0x1] =	wrdreg $0xFFFFFFFF  }
0xc2: {  	_ =	task.clear_ibuf [dreg:s7], $0x2FFFF;
	_ =	strace $0x9FFFFFFF  }
0xc3: {  	(tm) =	ssettm $0x7FFFFFFF  }
tec
execute0_lowered:
.L_overlay_start_1:
0x0: {  	(tag) =	ssettag $0x1  }
0x1: {  	s8 =	rddreg [dreg:$0x0]  }
0x2: {  	s1 =	srdreg.scid;
	s2 =	rddreg [dreg:$0x1]  }
0x3: {  	s0 =	stileid.u32;
	s4 =	rddreg [dreg:$0x2]  }
0x4: {  	s5 =	simm.s32 $0x0;
	s16 =	simm.s32 $0x3000;
	s17 =	simm.s32 $0x5  }
0x5: {  	s18 =	simm.s32 $0x80;
	s20 =	simm.s32 $0x7000;
	s21 =	simm.s32 $0x1  }
0x6: {  	s22 =	simm.s32 $0x2;
	s23 =	simm.s32 $0x3;
	s7 =	sand.u32 $0x1, s1  }
0x7: {  	s28 =	sshll.u32 s0, $0x1;
	s10 =	smul.u32 $0x14000, s0;
	[smem:$0x7FF] =	sst s5  }
0x8: {  	s11 =	smul.u32 $0x50000, s0;
	s6 =	sadd.s32 $0x3200, s8;
	s1 =	sor.u32 s7, s28  }
0x9: {  	s9 =	smul.u32 $0x140000, s7;
	_ =	strace $0x8000004A;
	s29 =	ssub.s32 $0x2, s7  }
0xa: {  	s3 =	smul.u32 $0x2800, s1;
	s30 =	sshrl.u32 s11, $0x2;
	s31 =	sshrl.u32 s29, $0x1  }
0xb: {  	s9 =	sadd.s32 s10, s9;
	s7 =	sadd.s32 s30, s4;
	s15 =	ssub.s32 s29, s31  }
0xc: {  	s13 =	sshrl.u32 s3, $0x3;
	s9 =	sshrl.u32 s9, $0x3;
	s10 =	sadd.s32 $0xC000, s7  }
0xd: {  	s11 =	sadd.s32 $0x10000, s7;
	s15 =	smax.u32 s15, $0x1;
	s12 =	sadd.s32 s13, s8  }
0xe: {  	s14 =	sadd.s32 s9, s8;
	s8 =	sadd.s32 $0x4000, s7;
	s9 =	sadd.s32 $0x8000, s7  }
0xf: {  	v0 =	vimm.f32 $0.0e+00;
	s13 =	sadd.s32 s2, s13;
	s12 =	sadd.s32 $0x2B200, s12;
	s14 =	sadd.s32 $0x35200, s14  }
.LBB2_1:
0x10: {  	s24 =	simm.s32 $0x0;
	s25 =	simm.s32 $0x200  }
.LBB2_2:
0x11: {  	p0 =	sne.s32 s25, $0xFE00;
	[tilespmem:s24+$0x3070] =	vst v0  }
0x12: {  	[tilespmem:s24+$0x3000] =	vst v0  }
0x13: {  	[tilespmem:s24+$0x3010] =	vst v0  }
.Ltmp0:
0x14: {  	[tilespmem:s24+$0x3020] =	vst v0;
	(pc) =	sbr.rel @p0 .LBB2_2-.Ltmp0, $4  }
0x15: {  	[tilespmem:s24+$0x3030] =	vst v0  }
0x16: {  	[tilespmem:s24+$0x3040] =	vst v0  }
0x17: {  	[tilespmem:s24+$0x3050] =	vst v0  }
0x18: {  	[tilespmem:s24+$0x3060] =	vst v0;
	s24 =	sshra.s32 s25, $0x2;
	s25 =	sadd.s32 $0x200, s25  }
0x19: {  	[tilespmem:s24+$0x3070] =	vst v0  }
0x1a: {  	[tilespmem:s24+$0x3000] =	vst v0  }
0x1b: {  	[tilespmem:s24+$0x3010] =	vst v0  }
0x1c: {  	[tilespmem:s24+$0x3020] =	vst v0  }
0x1d: {  	[tilespmem:s24+$0x3030] =	vst v0  }
0x1e: {  	[tilespmem:s24+$0x3040] =	vst v0  }
0x1f: {  	[tilespmem:s24+$0x3050] =	vst v0  }
0x20: {  	[tilespmem:s24+$0x3060] =	vst v0  }
0x21: {  	[spmem:s7] =	stream.linear.scatter [tilespmem:s16], [sflag:$0x5], $0x4000, $0x38;
	[tilespmem:$0x1F000] =	vst v63  }
0x22: {  	_ =	swait.ge [sflag:s17], $0x4000  }
0x23: {  	[sflag:s17] =	ssyncset.done $0x0  }
0x24: {  	[sflag:s17] =	ssyncadd.s32 $0xFFFFC000  }
0x25: {  	[spmem:s8] =	stream.linear.scatter [tilespmem:s16], [sflag:$0x5], $0x4000, $0x38;
	[tilespmem:$0x1F000] =	vst v63  }
0x26: {  	_ =	swait.ge [sflag:s17], $0x4000  }
0x27: {  	[sflag:s17] =	ssyncset.done $0x0  }
0x28: {  	[sflag:s17] =	ssyncadd.s32 $0xFFFFC000  }
0x29: {  	[spmem:s9] =	stream.linear.scatter [tilespmem:s16], [sflag:$0x5], $0x4000, $0x38;
	[tilespmem:$0x1F000] =	vst v63  }
0x2a: {  	_ =	swait.ge [sflag:s17], $0x4000  }
0x2b: {  	[sflag:s17] =	ssyncset.done $0x0  }
0x2c: {  	[sflag:s17] =	ssyncadd.s32 $0xFFFFC000  }
0x2d: {  	[spmem:s10] =	stream.linear.scatter [tilespmem:s16], [sflag:$0x5], $0x4000, $0x38;
	[tilespmem:$0x1F000] =	vst v63  }
0x2e: {  	_ =	swait.ge [sflag:s17], $0x4000  }
0x2f: {  	[sflag:s17] =	ssyncset.done $0x0  }
0x30: {  	[sflag:s17] =	ssyncadd.s32 $0xFFFFC000  }
0x31: {  	[spmem:s11] =	stream.linear.scatter [tilespmem:s16], [sflag:$0x5], $0x4000, $0x38;
	[tilespmem:$0x1F000] =	vst v63  }
0x32: {  	_ =	swait.ge [sflag:s17], $0x4000  }
0x33: {  	[sflag:s17] =	ssyncset.done $0x0  }
0x34: {  	s24 =	simm.s32 $0x0;
	[sflag:s17] =	ssyncadd.s32 $0xFFFFC000  }
0x35: {  	[tilespmem:s24], [sflag:$0x5] =	stream.linear.gather [hbm4b:s12+s24], $0x2800, $0x38;
	[tilespmem:$0x1F000] =	vst v63  }
0x36: {  	_ =	swait.ge [sflag:s17], $0x2800  }
0x37: {  	s25 =	simm.s32 $0x0;
	[sflag:s17] =	ssyncset.done $0x0  }
0x38: {  	s26 =	simm.s32 $0x1;
	s25 =	sand.u32 $0x1, s25;
	[sflag:s17] =	ssyncadd.s32 $0xFFFFD800  }
0x39: {  	s26 =	smin.u32 s26, $0x9;
	p0 =	seq.s32 s25, $0x1;
	[bflag:$0x0] =	sbarrier.arrive $0xFFFF  }
0x3a: {  	[tilespmem:s16], [sflag:$0x1] =	stream.indirect.gather [hbm4b:s6+s18], $0x80, s24, s18, $0xb8;
	[tilespmem:$0x1F000] =	vst v63  }
0x3b: {  	s0 =	simm.s32 $0x2800;
	s26 =	sshll.u32 s26, $0xA;
	s28 =	simm.s32 @p0 $0x4  }
0x3c: {  	[tilespmem:s0], [sflag:$0x3] =	stream.linear.gather [hbm4b:s13+s24], $0x400, $0x38;
	[tilespmem:$0x1F000] =	vst v63  }
0x3d: {  	s26 =	sadd.s32 s3, s26;
	s29 =	simm.s32 @p0 $0x2800;
	_ =	swait.ge @p0 [sflag:s28], $0x400  }
0x3e: {  	s30 =	simm.s32 @!p0 $0x3;
	s26 =	sshrl.u32 s26, $0x3;
	[sflag:s28] =	ssyncset.done @p0 $0x0  }
0x3f: {  	s26 =	sadd.s32 s2, s26;
	[sflag:s28] =	ssyncadd.s32 @p0 $0xFFFFFC00;
	s28 =	simm.s32 @p0 $0x0  }
0x40: {  	[tilespmem:s29], [sflag:$0x3] =	stream.linear.gather @p0 [hbm4b:s26+s28], $0x400, $0x38;
	[tilespmem:$0x1F000] =	vst v63  }
0x41: {  	_ =	swait.ge @!p0 [sflag:s30], $0x400  }
0x42: {  	[sflag:s30] =	ssyncset.done @!p0 $0x0  }
0x43: {  	s28 =	simm.s32 @!p0 $0x0;
	s29 =	simm.s32 @!p0 $0x2C00;
	[sflag:s30] =	ssyncadd.s32 @!p0 $0xFFFFFC00  }
0x44: {  	[tilespmem:s29], [sflag:$0x4] =	stream.linear.gather @!p0 [hbm4b:s26+s28], $0x400, $0x38;
	[tilespmem:$0x1F000] =	vst v63  }
0x45: {  	s1 =	simm.s32 $0x80  }
0x46: {  	[tilespmem:s20], [sflag:$0x2] =	stream.indirect.gather [hbm4b:s6+s18], $0x80, s1, s18, $0xb8;
	[tilespmem:$0x1F000] =	vst v63  }
0x47: {  	_ =	swait.ge [sflag:s21], $0x4000  }
0x48: {  	s25 =	sshll.u32 s25, $0xA;
	[sflag:s21] =	ssyncset.done $0x0  }
0x49: {  	s19 =	sor.u32 $0x2800, s25;
	[sflag:s21] =	ssyncadd.s32 $0xFFFFC000  }
0x4a: {  	[spmem:s4] =	stream.indirect.scatter.add.f32 [tilespmem:s16], [sflag:$0x5], $0x80, s19, s18, $0xb8;
	[tilespmem:$0x1F000] =	vst v63  }
0x4b: {  	_ =	swait.ge [sflag:s17], $0x4000  }
0x4c: {  	[sflag:s17] =	ssyncset.done $0x0  }
0x4d: {  	s31 =	simm.s32 $0x100;
	[sflag:s17] =	ssyncadd.s32 $0xFFFFC000  }
0x4e: {  	[tilespmem:s16], [sflag:$0x1] =	stream.indirect.gather [hbm4b:s6+s18], $0x80, s31, s18, $0xb8;
	[tilespmem:$0x1F000] =	vst v63  }
0x4f: {  	_ =	swait.ge [sflag:s22], $0x4000  }
0x50: {  	[sflag:s22] =	ssyncset.done $0x0  }
0x51: {  	s0 =	sor.u32 $0x2880, s25;
	[sflag:s22] =	ssyncadd.s32 $0xFFFFC000  }
0x52: {  	[spmem:s4] =	stream.indirect.scatter.add.f32 [tilespmem:s20], [sflag:$0x5], $0x80, s0, s18, $0xb8;
	[tilespmem:$0x1F000] =	vst v63  }
0x53: {  	_ =	swait.ge [sflag:s17], $0x4000  }
0x54: {  	[sflag:s17] =	ssyncset.done $0x0  }
0x55: {  	s1 =	simm.s32 $0x180;
	[sflag:s17] =	ssyncadd.s32 $0xFFFFC000  }
0x56: {  	[tilespmem:s20], [sflag:$0x2] =	stream.indirect.gather [hbm4b:s6+s18], $0x80, s1, s18, $0xb8;
	[tilespmem:$0x1F000] =	vst v63  }
0x57: {  	_ =	swait.ge [sflag:s21], $0x4000  }
0x58: {  	[sflag:s21] =	ssyncset.done $0x0  }
0x59: {  	s19 =	sor.u32 $0x2900, s25;
	[sflag:s21] =	ssyncadd.s32 $0xFFFFC000  }
0x5a: {  	[spmem:s4] =	stream.indirect.scatter.add.f32 [tilespmem:s16], [sflag:$0x5], $0x80, s19, s18, $0xb8;
	[tilespmem:$0x1F000] =	vst v63  }
0x5b: {  	_ =	swait.ge [sflag:s17], $0x4000  }
0x5c: {  	[sflag:s17] =	ssyncset.done $0x0  }
0x5d: {  	s31 =	simm.s32 $0x200;
	[sflag:s17] =	ssyncadd.s32 $0xFFFFC000  }
0x5e: {  	[tilespmem:s16], [sflag:$0x1] =	stream.indirect.gather [hbm4b:s6+s18], $0x80, s31, s18, $0xb8;
	[tilespmem:$0x1F000] =	vst v63  }
0x5f: {  	_ =	swait.ge [sflag:s22], $0x4000  }
0x60: {  	[sflag:s22] =	ssyncset.done $0x0  }
0x61: {  	s0 =	sor.u32 $0x2980, s25;
	[sflag:s22] =	ssyncadd.s32 $0xFFFFC000  }
0x62: {  	[spmem:s4] =	stream.indirect.scatter.add.f32 [tilespmem:s20], [sflag:$0x5], $0x80, s0, s18, $0xb8;
	[tilespmem:$0x1F000] =	vst v63  }
0x63: {  	_ =	swait.ge [sflag:s17], $0x4000  }
0x64: {  	[sflag:s17] =	ssyncset.done $0x0  }
0x65: {  	s1 =	simm.s32 $0x280;
	[sflag:s17] =	ssyncadd.s32 $0xFFFFC000  }
0x66: {  	[tilespmem:s20], [sflag:$0x2] =	stream.indirect.gather [hbm4b:s6+s18], $0x80, s1, s18, $0xb8;
	[tilespmem:$0x1F000] =	vst v63  }
0x67: {  	_ =	swait.ge [sflag:s21], $0x4000  }
0x68: {  	[sflag:s21] =	ssyncset.done $0x0  }
0x69: {  	s19 =	sor.u32 $0x2A00, s25;
	[sflag:s21] =	ssyncadd.s32 $0xFFFFC000  }
0x6a: {  	[spmem:s4] =	stream.indirect.scatter.add.f32 [tilespmem:s16], [sflag:$0x5], $0x80, s19, s18, $0xb8;
	[tilespmem:$0x1F000] =	vst v63  }
0x6b: {  	_ =	swait.ge [sflag:s17], $0x4000  }
0x6c: {  	[sflag:s17] =	ssyncset.done $0x0  }
0x6d: {  	s31 =	simm.s32 $0x300;
	[sflag:s17] =	ssyncadd.s32 $0xFFFFC000  }
0x6e: {  	[tilespmem:s16], [sflag:$0x1] =	stream.indirect.gather [hbm4b:s6+s18], $0x80, s31, s18, $0xb8;
	[tilespmem:$0x1F000] =	vst v63  }
0x6f: {  	_ =	swait.ge [sflag:s22], $0x4000  }
0x70: {  	[sflag:s22] =	ssyncset.done $0x0  }
0x71: {  	s0 =	sor.u32 $0x2A80, s25;
	[sflag:s22] =	ssyncadd.s32 $0xFFFFC000  }
0x72: {  	[spmem:s4] =	stream.indirect.scatter.add.f32 [tilespmem:s20], [sflag:$0x5], $0x80, s0, s18, $0xb8;
	[tilespmem:$0x1F000] =	vst v63  }
0x73: {  	_ =	swait.ge [sflag:s17], $0x4000  }
0x74: {  	[sflag:s17] =	ssyncset.done $0x0  }
0x75: {  	s1 =	simm.s32 $0x380;
	[sflag:s17] =	ssyncadd.s32 $0xFFFFC000  }
0x76: {  	[tilespmem:s20], [sflag:$0x2] =	stream.indirect.gather [hbm4b:s6+s18], $0x80, s1, s18, $0xb8;
	[tilespmem:$0x1F000] =	vst v63  }
0x77: {  	_ =	swait.ge [sflag:s21], $0x4000  }
0x78: {  	[sflag:s21] =	ssyncset.done $0x0  }
0x79: {  	s19 =	sor.u32 $0x2B00, s25;
	[sflag:s21] =	ssyncadd.s32 $0xFFFFC000  }
0x7a: {  	[spmem:s4] =	stream.indirect.scatter.add.f32 [tilespmem:s16], [sflag:$0x5], $0x80, s19, s18, $0xb8;
	[tilespmem:$0x1F000] =	vst v63  }
0x7b: {  	s24 =	smin.u32 s24, $0x47;
	_ =	swait.ge [sflag:s17], $0x4000  }
0x7c: {  	s24 =	sshll.u32 s24, $0x7;
	[sflag:s17] =	ssyncset.done $0x0  }
0x7d: {  	s24 =	sadd.s32 $0x400, s24;
	[sflag:s17] =	ssyncadd.s32 $0xFFFFC000  }
0x7e: {  	[tilespmem:s16], [sflag:$0x1] =	stream.indirect.gather [hbm4b:s6+s18], $0x80, s24, s18, $0xb8;
	[tilespmem:$0x1F000] =	vst v63  }
0x7f: {  	s30 =	simm.s32 $0x1;
	s26 =	simm.s32 $0x1000;
	_ =	swait.ge [sflag:s22], $0x4000  }
0x80: {  	s28 =	simm.s32 $0x2000;
	s29 =	simm.s32 $0x2;
	[sflag:s22] =	ssyncset.done $0x0  }
0x81: {  	s25 =	sor.u32 $0x2B80, s25;
	s31 =	sand.u32 $0x1, s30;
	[sflag:s22] =	ssyncadd.s32 $0xFFFFC000  }
0x82: {  	[spmem:s4] =	stream.indirect.scatter.add.f32 [tilespmem:s20], [sflag:$0x5], $0x80, s25, s18, $0xb8;
	[tilespmem:$0x1F000] =	vst v63  }
0x83: {  	s30 =	smin.u32 s29, $0x9;
	p1 =	seq.s32 s31, $0x1;
	_ =	swait.ge [sflag:s17], $0x4000  }
0x84: {  	s24 =	simm.s32 $0x8;
	s25 =	sshll.u32 s31, $0xA;
	[sflag:s17] =	ssyncset.done $0x0  }
.LBB2_4:
0x85: {  	s30 =	sshll.u32 s30, $0xA;
	s31 =	simm.s32 @p1 $0x4;
	[sflag:s17] =	ssyncadd.s32 $0xFFFFC000  }
0x86: {  	s1 =	simm.s32 @p1 $0x2800;
	s30 =	sadd.s32 s3, s30;
	_ =	swait.ge @p1 [sflag:s31], $0x400  }
0x87: {  	s19 =	simm.s32 @!p1 $0x3;
	s30 =	sshrl.u32 s30, $0x3;
	[sflag:s31] =	ssyncset.done @p1 $0x0  }
0x88: {  	s0 =	sadd.s32 s2, s30;
	[sflag:s31] =	ssyncadd.s32 @p1 $0xFFFFFC00;
	s30 =	simm.s32 @p1 $0x0  }
0x89: {  	[tilespmem:s1], [sflag:$0x3] =	stream.linear.gather @p1 [hbm4b:s0+s30], $0x400, $0x38;
	[tilespmem:$0x1F000] =	vst v63  }
0x8a: {  	s1 =	smov.u32 s28;
	s28 =	sadd.s32 $0x1000, s28;
	_ =	swait.ge @!p1 [sflag:s19], $0x400  }
0x8b: {  	s30 =	sshra.s32 s26, $0x2;
	p0 =	sne.s32 s28, $0xA000;
	[sflag:s19] =	ssyncset.done @!p1 $0x0  }
0x8c: {  	s26 =	simm.s32 @!p1 $0x2C00;
	[sflag:s19] =	ssyncadd.s32 @!p1 $0xFFFFFC00;
	s19 =	simm.s32 @!p1 $0x0  }
0x8d: {  	[tilespmem:s26], [sflag:$0x4] =	stream.linear.gather @!p1 [hbm4b:s0+s19], $0x400, $0x38;
	[tilespmem:$0x1F000] =	vst v63  }
0x8e: {  	s0 =	sadd.s32 $0x80, s30;
	s26 =	smov.u32 s1  }
0x8f: {  	[tilespmem:s20], [sflag:$0x2] =	stream.indirect.gather [hbm4b:s6+s18], $0x80, s0, s18, $0xb8;
	[tilespmem:$0x1F000] =	vst v63  }
0x90: {  	_ =	swait.ge [sflag:s21], $0x4000  }
0x91: {  	[sflag:s21] =	ssyncset.done $0x0  }
0x92: {  	s0 =	sor.u32 $0x2800, s25;
	[sflag:s21] =	ssyncadd.s32 $0xFFFFC000  }
0x93: {  	[spmem:s4] =	stream.indirect.scatter.add.f32 [tilespmem:s16], [sflag:$0x5], $0x80, s0, s18, $0xb8;
	[tilespmem:$0x1F000] =	vst v63  }
0x94: {  	_ =	swait.ge [sflag:s17], $0x4000  }
0x95: {  	[sflag:s17] =	ssyncset.done $0x0  }
0x96: {  	s0 =	sadd.s32 $0x100, s30;
	[sflag:s17] =	ssyncadd.s32 $0xFFFFC000  }
0x97: {  	[tilespmem:s16], [sflag:$0x1] =	stream.indirect.gather [hbm4b:s6+s18], $0x80, s0, s18, $0xb8;
	[tilespmem:$0x1F000] =	vst v63  }
0x98: {  	_ =	swait.ge [sflag:s22], $0x4000  }
0x99: {  	[sflag:s22] =	ssyncset.done $0x0  }
0x9a: {  	s0 =	sor.u32 $0x2880, s25;
	[sflag:s22] =	ssyncadd.s32 $0xFFFFC000  }
0x9b: {  	[spmem:s4] =	stream.indirect.scatter.add.f32 [tilespmem:s20], [sflag:$0x5], $0x80, s0, s18, $0xb8;
	[tilespmem:$0x1F000] =	vst v63  }
0x9c: {  	_ =	swait.ge [sflag:s17], $0x4000  }
0x9d: {  	[sflag:s17] =	ssyncset.done $0x0  }
0x9e: {  	s0 =	sadd.s32 $0x180, s30;
	[sflag:s17] =	ssyncadd.s32 $0xFFFFC000  }
0x9f: {  	[tilespmem:s20], [sflag:$0x2] =	stream.indirect.gather [hbm4b:s6+s18], $0x80, s0, s18, $0xb8;
	[tilespmem:$0x1F000] =	vst v63  }
0xa0: {  	_ =	swait.ge [sflag:s21], $0x4000  }
0xa1: {  	[sflag:s21] =	ssyncset.done $0x0  }
0xa2: {  	s0 =	sor.u32 $0x2900, s25;
	[sflag:s21] =	ssyncadd.s32 $0xFFFFC000  }
0xa3: {  	[spmem:s4] =	stream.indirect.scatter.add.f32 [tilespmem:s16], [sflag:$0x5], $0x80, s0, s18, $0xb8;
	[tilespmem:$0x1F000] =	vst v63  }
0xa4: {  	_ =	swait.ge [sflag:s17], $0x4000  }
0xa5: {  	[sflag:s17] =	ssyncset.done $0x0  }
0xa6: {  	s0 =	sadd.s32 $0x200, s30;
	[sflag:s17] =	ssyncadd.s32 $0xFFFFC000  }
0xa7: {  	[tilespmem:s16], [sflag:$0x1] =	stream.indirect.gather [hbm4b:s6+s18], $0x80, s0, s18, $0xb8;
	[tilespmem:$0x1F000] =	vst v63  }
0xa8: {  	_ =	swait.ge [sflag:s22], $0x4000  }
0xa9: {  	[sflag:s22] =	ssyncset.done $0x0  }
0xaa: {  	s0 =	sor.u32 $0x2980, s25;
	[sflag:s22] =	ssyncadd.s32 $0xFFFFC000  }
0xab: {  	[spmem:s4] =	stream.indirect.scatter.add.f32 [tilespmem:s20], [sflag:$0x5], $0x80, s0, s18, $0xb8;
	[tilespmem:$0x1F000] =	vst v63  }
0xac: {  	_ =	swait.ge [sflag:s17], $0x4000  }
0xad: {  	[sflag:s17] =	ssyncset.done $0x0  }
0xae: {  	s0 =	sadd.s32 $0x280, s30;
	[sflag:s17] =	ssyncadd.s32 $0xFFFFC000  }
0xaf: {  	[tilespmem:s20], [sflag:$0x2] =	stream.indirect.gather [hbm4b:s6+s18], $0x80, s0, s18, $0xb8;
	[tilespmem:$0x1F000] =	vst v63  }
0xb0: {  	_ =	swait.ge [sflag:s21], $0x4000  }
0xb1: {  	[sflag:s21] =	ssyncset.done $0x0  }
0xb2: {  	s0 =	sor.u32 $0x2A00, s25;
	[sflag:s21] =	ssyncadd.s32 $0xFFFFC000  }
0xb3: {  	[spmem:s4] =	stream.indirect.scatter.add.f32 [tilespmem:s16], [sflag:$0x5], $0x80, s0, s18, $0xb8;
	[tilespmem:$0x1F000] =	vst v63  }
0xb4: {  	_ =	swait.ge [sflag:s17], $0x4000  }
0xb5: {  	[sflag:s17] =	ssyncset.done $0x0  }
0xb6: {  	s0 =	sadd.s32 $0x300, s30;
	[sflag:s17] =	ssyncadd.s32 $0xFFFFC000  }
0xb7: {  	[tilespmem:s16], [sflag:$0x1] =	stream.indirect.gather [hbm4b:s6+s18], $0x80, s0, s18, $0xb8;
	[tilespmem:$0x1F000] =	vst v63  }
0xb8: {  	_ =	swait.ge [sflag:s22], $0x4000  }
0xb9: {  	[sflag:s22] =	ssyncset.done $0x0  }
0xba: {  	s0 =	sor.u32 $0x2A80, s25;
	[sflag:s22] =	ssyncadd.s32 $0xFFFFC000  }
0xbb: {  	[spmem:s4] =	stream.indirect.scatter.add.f32 [tilespmem:s20], [sflag:$0x5], $0x80, s0, s18, $0xb8;
	[tilespmem:$0x1F000] =	vst v63  }
0xbc: {  	_ =	swait.ge [sflag:s17], $0x4000  }
0xbd: {  	[sflag:s17] =	ssyncset.done $0x0  }
0xbe: {  	s0 =	sadd.s32 $0x380, s30;
	[sflag:s17] =	ssyncadd.s32 $0xFFFFC000  }
0xbf: {  	[tilespmem:s20], [sflag:$0x2] =	stream.indirect.gather [hbm4b:s6+s18], $0x80, s0, s18, $0xb8;
	[tilespmem:$0x1F000] =	vst v63  }
0xc0: {  	_ =	swait.ge [sflag:s21], $0x4000  }
0xc1: {  	[sflag:s21] =	ssyncset.done $0x0  }
0xc2: {  	s0 =	sor.u32 $0x2B00, s25;
	[sflag:s21] =	ssyncadd.s32 $0xFFFFC000  }
0xc3: {  	[spmem:s4] =	stream.indirect.scatter.add.f32 [tilespmem:s16], [sflag:$0x5], $0x80, s0, s18, $0xb8;
	[tilespmem:$0x1F000] =	vst v63  }
0xc4: {  	s0 =	smin.u32 s24, $0x47;
	_ =	swait.ge [sflag:s17], $0x4000  }
0xc5: {  	s0 =	sshll.u32 s0, $0x7;
	[sflag:s17] =	ssyncset.done $0x0  }
0xc6: {  	s0 =	sadd.s32 $0x400, s0;
	[sflag:s17] =	ssyncadd.s32 $0xFFFFC000  }
0xc7: {  	[tilespmem:s16], [sflag:$0x1] =	stream.indirect.gather [hbm4b:s6+s18], $0x80, s0, s18, $0xb8;
	[tilespmem:$0x1F000] =	vst v63  }
0xc8: {  	s24 =	sadd.s32 $0x8, s24;
	_ =	swait.ge [sflag:s22], $0x4000  }
.Ltmp1:
0xc9: {  	s29 =	sadd.s32 $0x1, s29;
	[sflag:s22] =	ssyncset.done $0x0;
	(pc) =	sbr.rel @p0 .LBB2_4-.Ltmp1, $4  }
0xca: {  	s1 =	sor.u32 $0x2B80, s25;
	s0 =	sadd.s32 $0xFFFFFFFF, s29;
	[sflag:s22] =	ssyncadd.s32 $0xFFFFC000  }
0xcb: {  	[spmem:s4] =	stream.indirect.scatter.add.f32 [tilespmem:s20], [sflag:$0x5], $0x80, s1, s18, $0xb8;
	[tilespmem:$0x1F000] =	vst v63  }
0xcc: {  	s30 =	smin.u32 s29, $0x9;
	s0 =	sand.u32 $0x1, s0;
	_ =	swait.ge [sflag:s17], $0x4000  }
0xcd: {  	p1 =	seq.s32 s0, $0x1;
	s25 =	sshll.u32 s0, $0xA;
	[sflag:s17] =	ssyncset.done $0x0  }
0xce: {  	s0 =	sshll.u32 s30, $0xA;
	s1 =	simm.s32 @p1 $0x4;
	[sflag:s17] =	ssyncadd.s32 $0xFFFFC000  }
0xcf: {  	s19 =	simm.s32 @p1 $0x2800;
	s0 =	sadd.s32 s3, s0;
	_ =	swait.ge @p1 [sflag:s1], $0x400  }
0xd0: {  	s28 =	simm.s32 @!p1 $0x3;
	s0 =	sshrl.u32 s0, $0x3;
	[sflag:s1] =	ssyncset.done @p1 $0x0  }
0xd1: {  	s0 =	sadd.s32 s2, s0;
	[sflag:s1] =	ssyncadd.s32 @p1 $0xFFFFFC00;
	s1 =	simm.s32 @p1 $0x0  }
0xd2: {  	[tilespmem:s19], [sflag:$0x3] =	stream.linear.gather @p1 [hbm4b:s0+s1], $0x400, $0x38;
	[tilespmem:$0x1F000] =	vst v63  }
0xd3: {  	_ =	swait.ge @!p1 [sflag:s28], $0x400  }
0xd4: {  	s26 =	sshra.s32 s26, $0x2;
	[sflag:s28] =	ssyncset.done @!p1 $0x0  }
0xd5: {  	s1 =	simm.s32 @!p1 $0x0;
	s19 =	simm.s32 @!p1 $0x2C00;
	[sflag:s28] =	ssyncadd.s32 @!p1 $0xFFFFFC00  }
0xd6: {  	[tilespmem:s19], [sflag:$0x4] =	stream.linear.gather @!p1 [hbm4b:s0+s1], $0x400, $0x38;
	[tilespmem:$0x1F000] =	vst v63  }
0xd7: {  	s19 =	sadd.s32 $0x80, s26  }
0xd8: {  	[tilespmem:s20], [sflag:$0x2] =	stream.indirect.gather [hbm4b:s6+s18], $0x80, s19, s18, $0xb8;
	[tilespmem:$0x1F000] =	vst v63  }
0xd9: {  	_ =	swait.ge [sflag:s21], $0x4000  }
0xda: {  	[sflag:s21] =	ssyncset.done $0x0  }
0xdb: {  	s28 =	sor.u32 $0x2800, s25;
	[sflag:s21] =	ssyncadd.s32 $0xFFFFC000  }
0xdc: {  	[spmem:s4] =	stream.indirect.scatter.add.f32 [tilespmem:s16], [sflag:$0x5], $0x80, s28, s18, $0xb8;
	[tilespmem:$0x1F000] =	vst v63  }
0xdd: {  	_ =	swait.ge [sflag:s17], $0x4000  }
0xde: {  	[sflag:s17] =	ssyncset.done $0x0  }
0xdf: {  	s29 =	sadd.s32 $0x100, s26;
	[sflag:s17] =	ssyncadd.s32 $0xFFFFC000  }
0xe0: {  	[tilespmem:s16], [sflag:$0x1] =	stream.indirect.gather [hbm4b:s6+s18], $0x80, s29, s18, $0xb8;
	[tilespmem:$0x1F000] =	vst v63  }
0xe1: {  	_ =	swait.ge [sflag:s22], $0x4000  }
0xe2: {  	[sflag:s22] =	ssyncset.done $0x0  }
0xe3: {  	s30 =	sor.u32 $0x2880, s25;
	[sflag:s22] =	ssyncadd.s32 $0xFFFFC000  }
0xe4: {  	[spmem:s4] =	stream.indirect.scatter.add.f32 [tilespmem:s20], [sflag:$0x5], $0x80, s30, s18, $0xb8;
	[tilespmem:$0x1F000] =	vst v63  }
0xe5: {  	_ =	swait.ge [sflag:s17], $0x4000  }
0xe6: {  	[sflag:s17] =	ssyncset.done $0x0  }
0xe7: {  	s31 =	sadd.s32 $0x180, s26;
	[sflag:s17] =	ssyncadd.s32 $0xFFFFC000  }
0xe8: {  	[tilespmem:s20], [sflag:$0x2] =	stream.indirect.gather [hbm4b:s6+s18], $0x80, s31, s18, $0xb8;
	[tilespmem:$0x1F000] =	vst v63  }
0xe9: {  	_ =	swait.ge [sflag:s21], $0x4000  }
0xea: {  	[sflag:s21] =	ssyncset.done $0x0  }
0xeb: {  	s1 =	sor.u32 $0x2900, s25;
	[sflag:s21] =	ssyncadd.s32 $0xFFFFC000  }
0xec: {  	[spmem:s4] =	stream.indirect.scatter.add.f32 [tilespmem:s16], [sflag:$0x5], $0x80, s1, s18, $0xb8;
	[tilespmem:$0x1F000] =	vst v63  }
0xed: {  	_ =	swait.ge [sflag:s17], $0x4000  }
0xee: {  	[sflag:s17] =	ssyncset.done $0x0  }
0xef: {  	s19 =	sadd.s32 $0x200, s26;
	[sflag:s17] =	ssyncadd.s32 $0xFFFFC000  }
0xf0: {  	[tilespmem:s16], [sflag:$0x1] =	stream.indirect.gather [hbm4b:s6+s18], $0x80, s19, s18, $0xb8;
	[tilespmem:$0x1F000] =	vst v63  }
0xf1: {  	_ =	swait.ge [sflag:s22], $0x4000  }
0xf2: {  	[sflag:s22] =	ssyncset.done $0x0  }
0xf3: {  	s28 =	sor.u32 $0x2980, s25;
	[sflag:s22] =	ssyncadd.s32 $0xFFFFC000  }
0xf4: {  	[spmem:s4] =	stream.indirect.scatter.add.f32 [tilespmem:s20], [sflag:$0x5], $0x80, s28, s18, $0xb8;
	[tilespmem:$0x1F000] =	vst v63  }
0xf5: {  	_ =	swait.ge [sflag:s17], $0x4000  }
0xf6: {  	[sflag:s17] =	ssyncset.done $0x0  }
0xf7: {  	s29 =	sadd.s32 $0x280, s26;
	[sflag:s17] =	ssyncadd.s32 $0xFFFFC000  }
0xf8: {  	[tilespmem:s20], [sflag:$0x2] =	stream.indirect.gather [hbm4b:s6+s18], $0x80, s29, s18, $0xb8;
	[tilespmem:$0x1F000] =	vst v63  }
0xf9: {  	_ =	swait.ge [sflag:s21], $0x4000  }
0xfa: {  	[sflag:s21] =	ssyncset.done $0x0  }
0xfb: {  	s30 =	sor.u32 $0x2A00, s25;
	[sflag:s21] =	ssyncadd.s32 $0xFFFFC000  }
0xfc: {  	[spmem:s4] =	stream.indirect.scatter.add.f32 [tilespmem:s16], [sflag:$0x5], $0x80, s30, s18, $0xb8;
	[tilespmem:$0x1F000] =	vst v63  }
0xfd: {  	_ =	swait.ge [sflag:s17], $0x4000  }
0xfe: {  	[sflag:s17] =	ssyncset.done $0x0  }
0xff: {  	s31 =	sadd.s32 $0x300, s26;
	[sflag:s17] =	ssyncadd.s32 $0xFFFFC000  }
0x100: {  	[tilespmem:s16], [sflag:$0x1] =	stream.indirect.gather [hbm4b:s6+s18], $0x80, s31, s18, $0xb8;
	[tilespmem:$0x1F000] =	vst v63  }
0x101: {  	_ =	swait.ge [sflag:s22], $0x4000  }
0x102: {  	[sflag:s22] =	ssyncset.done $0x0  }
0x103: {  	s1 =	sor.u32 $0x2A80, s25;
	[sflag:s22] =	ssyncadd.s32 $0xFFFFC000  }
0x104: {  	[spmem:s4] =	stream.indirect.scatter.add.f32 [tilespmem:s20], [sflag:$0x5], $0x80, s1, s18, $0xb8;
	[tilespmem:$0x1F000] =	vst v63  }
0x105: {  	_ =	swait.ge [sflag:s17], $0x4000  }
0x106: {  	[sflag:s17] =	ssyncset.done $0x0  }
0x107: {  	s19 =	sadd.s32 $0x380, s26;
	[sflag:s17] =	ssyncadd.s32 $0xFFFFC000  }
0x108: {  	[tilespmem:s20], [sflag:$0x2] =	stream.indirect.gather [hbm4b:s6+s18], $0x80, s19, s18, $0xb8;
	[tilespmem:$0x1F000] =	vst v63  }
0x109: {  	_ =	swait.ge [sflag:s21], $0x4000  }
0x10a: {  	[sflag:s21] =	ssyncset.done $0x0  }
0x10b: {  	s26 =	sor.u32 $0x2B00, s25;
	[sflag:s21] =	ssyncadd.s32 $0xFFFFC000  }
0x10c: {  	[spmem:s4] =	stream.indirect.scatter.add.f32 [tilespmem:s16], [sflag:$0x5], $0x80, s26, s18, $0xb8;
	[tilespmem:$0x1F000] =	vst v63  }
0x10d: {  	s28 =	smin.u32 s24, $0x47;
	_ =	swait.ge [sflag:s17], $0x4000  }
0x10e: {  	s0 =	sshll.u32 s28, $0x7;
	[sflag:s17] =	ssyncset.done $0x0  }
0x10f: {  	s0 =	sadd.s32 $0x400, s0;
	[sflag:s17] =	ssyncadd.s32 $0xFFFFC000  }
0x110: {  	[tilespmem:s16], [sflag:$0x1] =	stream.indirect.gather [hbm4b:s6+s18], $0x80, s0, s18, $0xb8;
	[tilespmem:$0x1F000] =	vst v63  }
0x111: {  	_ =	swait.ge [sflag:s22], $0x4000  }
0x112: {  	[sflag:s22] =	ssyncset.done $0x0  }
0x113: {  	s29 =	sor.u32 $0x2B80, s25;
	[sflag:s22] =	ssyncadd.s32 $0xFFFFC000  }
0x114: {  	[spmem:s4] =	stream.indirect.scatter.add.f32 [tilespmem:s20], [sflag:$0x5], $0x80, s29, s18, $0xb8;
	[tilespmem:$0x1F000] =	vst v63  }
0x115: {  	_ =	swait.ge [sflag:s17], $0x4000  }
0x116: {  	[sflag:s17] =	ssyncset.done $0x0  }
0x117: {  	[sflag:s17] =	ssyncadd.s32 $0xFFFFC000  }
0x118: {  	_ =	swait.ge [sflag:s21], $0x4000  }
0x119: {  	[sflag:s21] =	ssyncset.done $0x0  }
0x11a: {  	[sflag:s21] =	ssyncadd.s32 $0xFFFFC000  }
0x11b: {  	s5 =	sadd.s32 $0x1, s5;
	_ =	swait.ge [sflag:s23], $0x400  }
0x11c: {  	p0 =	sne.s32 s5, s15;
	s30 =	stileid.u32;
	[sflag:s23] =	ssyncset.done $0x0  }
0x11d: {  	s31 =	sshrl.u32 s7, $0x3;
	s0 =	sshll.u32 s30, $0x6;
	[sflag:s23] =	ssyncadd.s32 $0xFFFFFC00  }
.Ltmp2:
0x11e: {  	s0 =	sor.u32 $0x1C05, s0;
	[bflag:$0x0] =	sbarrier.arrive $0xFFFF;
	(pc) =	sbr.rel @p0 .LBB2_1-.Ltmp2, $4  }
0x11f: {  	[hbm:s14], [sflag:s0] =	dma.local [spmem:s31], $0x2800  }
0x120: {  	_ =	swait.ge [sflag:s17], $0x2800  }
0x121: {  	[sflag:s17] =	ssyncset.done $0x0  }
0x122: {  	[sflag:s17] =	ssyncadd.s32 $0xFFFFD800  }
0x123: {  	_ =	sfence.sel $0x180000  }
0x124: {  	[bflag:$0x0] =	sbarrier.arrive $0xFFFF  }
0x125: {  	_ =	strace $0x9000004A  }
0x126: {  	s0 =	stileid.u32;
	[bflag:$0x2] =	sbarrier.arrive $0xFFFF  }
0x127: {  	p0 =	sne.s32 s0, $0x0;
	s0 =	rddreg [dreg:$0x3]  }
0x128: {  	s0 =	sadd.s32 @!p0 $0x100000, s0  }
0x129: {  	[sflag:s0] =	ssyncadd.tile.s32 @!p0 $0x1;
	_ =	shalt  }
.Lfunc_end2:
_tile_overlayer_lowered:
.L_overlay_start_2:
0x12a: {  	(tag) =	ssettag $0x2  }
0x12b: {  	s0 =	rddreg [dreg:$0x0];
	s2 =	stileid.u32  }
0x12c: {  	s1 =	rddreg [dreg:$0x1];
	p0 =	sne.s32 s2, $0x0  }
0x12d: {  	s3 =	rddreg [dreg:$0x2];
	[bflag:$0x3] =	sbarrier.arrive $0xFFFF;
	s2 =	simm.s32 @!p0 $0x1C05  }
0x12e: {  	[timem:s3], [sflag:s2] =	dma.local @!p0 [hbm:s0], s1  }
0x12f: {  	s0 =	simm.s32 @!p0 $0x5  }
0x130: {  	_ =	swait.ge @!p0 [sflag:s0], s1  }
0x131: {  	s1 =	ssub.s32 @!p0 $0x0, s1;
	[sflag:s0] =	ssyncset.done @!p0 $0x0  }
0x132: {  	[sflag:s0] =	ssyncadd.s32 @!p0 s1  }
0x133: {  	[bflag:$0x3] =	sbarrier.arrive $0xFFFF  }
0x134: {  	_ =	shalt  }

// kernel: kernel.14.cloned.1.call-start
scs
__scs_entry_jumppad:
0x0: {  	(pc) =	sbr.rel $0x88, $3  }
0x1: {  	(tag) =	ssettag $0x0;
	lr =	simm.s32 $0x1  }
0x2: {  	[smem:$0x3F90] =	sst lr;
	_ =	strace $0xD0000000  }
0x3: {  	_ = 	snop  }
0x4: {  	_ = 	snop  }
0x5: {  	_ = 	snop  }
0x6: {  	_ = 	snop  }
0x7: {  	_ = 	snop  }
__scs_overlays_trampoline_lowered:
0x8: {  	[smem:$0x3F9F] =	sst s0  }
0x9: {  	[smem:$0x3FA0] =	sst s1  }
0xa: {  	[smem:$0x3FA1] =	sst s2  }
0xb: {  	[smem:$0x3FA2] =	sst s3  }
0xc: {  	[smem:$0x3FA3] =	sst s4  }
0xd: {  	[smem:$0x3FA4] =	sst s5  }
0xe: {  	[smem:$0x3FA5] =	sst s6  }
0xf: {  	[smem:$0x3FA6] =	sst s7  }
0x10: {  	[smem:$0x3FA7] =	sst s8  }
0x11: {  	[smem:$0x3FA8] =	sst s9;
	s0 =	simm.s32 @!p0 $0x0  }
0x12: {  	s1 =	sld [smem:$0x3F8E];
	s0 =	simm.s32 @p0 $0x1  }
0x13: {  	[smem:$0x3FA9] =	sst s0;
	s0 =	simm.s32 @!p1 $0x0  }
0x14: {  	s2 =	sld [smem:$0x3F8D];
	s0 =	simm.s32 @p1 $0x1  }
0x15: {  	[smem:$0x3FAA] =	sst s0;
	s0 =	simm.s32 @!p2 $0x0  }
0x16: {  	s3 =	sld [smem:$0x3FDB];
	s0 =	simm.s32 @p2 $0x1  }
0x17: {  	s4 =	simm.s32 $0x1BF5;
	[smem:$0x3FAC] =	sst s0  }
0x18: {  	s0 =	sld [smem:$0x3F8F];
	_ =	swait.ge [sflag:s4], $0x0  }
0x19: {  	s7 =	sld [smem:$0x3F90]  }
0x1a: {  	s8 =	sadd.s32 $0xFFFFE003, lr  }
0x1b: {  	s9 =	sadd.s32 $0xFFFFFEF7, lr;
	s5 =	simm.s32 $0xFFFFFFFF;
	p2 =	slt.u32 s8, $0xFFFFF086  }
0x1c: {  	p1 =	slt.u32 s9, $0xF7A;
	s5 =	simm.s32 @!p2 $0x0  }
0x1d: {  	s5 =	simm.s32 @p1 $0x1;
	p0 =	seq.s32 s7, s2  }
0x1e: {  	s7 =	smul.u32 @!p0 $0xF7A, s2;
	p2 =	seq.s32 @!p0 s5, $0x0  }
0x1f: {  	s9 =	smul.u32 $0xF7A, s1;
	s8 =	simm.s32 @!p0 $0x1BF5;
	p2 =	por !p2, p0  }
0x20: {  	[sflag:s8] =	ssyncset.s32 @!p0 $0xFFFFF086;
	s6 =	sadd.s32 @!p0 s3, s7;
	s7 =	simm.s32 @!p0 $0x108  }
0x21: {  	s3 =	sadd.s32 s3, s9;
	s6 =	sadd.s32 @!p0 $0x88, s6;
	s7 =	simm.s32 @p2 $0x1082  }
0x22: {  	[simem:s7], [sflag:s8] =	dma.local @!p0 [hbm:s6], $0xF7A  }
0x23: {  	s9 =	sor.u32 $0xD0000000, s2;
	s6 =	simm.s32 $0x108;
	_ =	swait.ge @!p0 [sflag:s8], $0x0  }
0x24: {  	s3 =	sadd.s32 $0x88, s3;
	s6 =	simm.s32 @!p1 $0x1082;
	[sflag:s4] =	ssyncset.s32 $0xFFFFF086  }
0x25: {  	[simem:s6], [sflag:s4] =	dma.local [hbm:s3], $0xF7A  }
0x26: {  	[smem:$0x3F90] =	sst s1;
	(tag) =	ssettag s2;
	_ =	strace s9  }
0x27: {  	s1 =	sld [smem:$0x3FA0]  }
0x28: {  	s2 =	sld [smem:$0x3FA1]  }
0x29: {  	s4 =	sld [smem:$0x3FA3]  }
0x2a: {  	p0 =	seq.s32 s5, $0x0;
	s5 =	sld [smem:$0x3FA4]  }
0x2b: {  	s6 =	sld [smem:$0x3FA5]  }
0x2c: {  	s7 =	sld [smem:$0x3FA6]  }
0x2d: {  	s3 =	simm.s32 $0x108;
	s8 =	sld [smem:$0x3FA7]  }
0x2e: {  	s3 =	simm.s32 @!p0 $0x1082;
	s9 =	sld [smem:$0x3FA8]  }
0x2f: {  	lr =	sadd.s32 s0, s3;
	s0 =	sld [smem:$0x3F9F]  }
0x30: {  	s3 =	sld [smem:$0x3FA2]  }
0x31: {  	[smem:$0x3FAB] =	sst s10  }
0x32: {  	s10 =	sld [smem:$0x3FA9];
	_ =	sdelay $0x3  }
0x33: {  	p0 =	seq.s32 s10, $0x1;
	s10 =	sld [smem:$0x3FAB];
	_ =	sdelay $0x3  }
0x34: {  	[smem:$0x3FAB] =	sst s10  }
0x35: {  	s10 =	sld [smem:$0x3FAA];
	_ =	sdelay $0x3  }
0x36: {  	p1 =	seq.s32 s10, $0x1;
	s10 =	sld [smem:$0x3FAB];
	_ =	sdelay $0x3  }
0x37: {  	[smem:$0x3FAB] =	sst s10  }
0x38: {  	s10 =	sld [smem:$0x3FAC]  }
0x39: {  	_ = 	snop;
	(pc) =	sbr.ind lr, $3  }
0x3a: {  	_ = 	snop  }
0x3b: {  	_ = 	snop  }
0x3c: {  	p2 =	seq.s32 s10, $0x1;
	s10 =	sld [smem:$0x3FAB]  }
0x3d: {  	_ =	shalt  }
0x3e: {  	_ =	shalt  }
0x3f: {  	_ =	shalt  }
0x40: {  	_ =	shalt  }
0x41: {  	_ =	shalt  }
0x42: {  	_ =	shalt  }
0x43: {  	_ =	shalt  }
0x44: {  	_ =	shalt  }
0x45: {  	_ =	shalt  }
0x46: {  	_ =	shalt  }
0x47: {  	_ =	shalt  }
0x48: {  	_ =	shalt  }
0x49: {  	_ =	shalt  }
0x4a: {  	_ =	shalt  }
0x4b: {  	_ =	shalt  }
0x4c: {  	_ =	shalt  }
0x4d: {  	_ =	shalt  }
0x4e: {  	_ =	shalt  }
0x4f: {  	_ =	shalt  }
0x50: {  	_ =	shalt  }
0x51: {  	_ =	shalt  }
0x52: {  	_ =	shalt  }
0x53: {  	_ =	shalt  }
0x54: {  	_ =	shalt  }
0x55: {  	_ =	shalt  }
0x56: {  	_ =	shalt  }
0x57: {  	_ =	shalt  }
0x58: {  	_ =	shalt  }
0x59: {  	_ =	shalt  }
0x5a: {  	_ =	shalt  }
0x5b: {  	_ =	shalt  }
0x5c: {  	_ =	shalt  }
0x5d: {  	_ =	shalt  }
0x5e: {  	_ =	shalt  }
0x5f: {  	_ =	shalt  }
0x60: {  	_ =	shalt  }
0x61: {  	_ =	shalt  }
0x62: {  	_ =	shalt  }
0x63: {  	_ =	shalt  }
0x64: {  	_ =	shalt  }
0x65: {  	_ =	shalt  }
0x66: {  	_ =	shalt  }
0x67: {  	_ =	shalt  }
0x68: {  	_ =	shalt  }
0x69: {  	_ =	shalt  }
0x6a: {  	_ =	shalt  }
0x6b: {  	_ =	shalt  }
0x6c: {  	_ =	shalt  }
0x6d: {  	_ =	shalt  }
0x6e: {  	_ =	shalt  }
0x6f: {  	_ =	shalt  }
0x70: {  	_ =	shalt  }
0x71: {  	_ =	shalt  }
0x72: {  	_ =	shalt  }
0x73: {  	_ =	shalt  }
0x74: {  	_ =	shalt  }
0x75: {  	_ =	shalt  }
0x76: {  	_ =	shalt  }
0x77: {  	_ =	shalt  }
0x78: {  	_ =	shalt  }
0x79: {  	_ =	shalt  }
0x7a: {  	_ =	shalt  }
0x7b: {  	_ =	shalt  }
0x7c: {  	_ =	shalt  }
0x7d: {  	_ =	shalt  }
0x7e: {  	_ =	shalt  }
0x7f: {  	_ =	shalt  }
0x80: {  	_ =	shalt  }
0x81: {  	_ =	shalt  }
0x82: {  	_ =	shalt  }
0x83: {  	_ =	shalt  }
0x84: {  	_ =	shalt  }
0x85: {  	_ =	shalt  }
0x86: {  	_ =	shalt  }
0x87: {  	_ =	shalt  }
.Lfunc_end0:
.L_simem_size_0:
called_computation.2_lowered:
.L_overlay_start_0:
0x88: {  	s2 =	sld [smem:$0x3FD9]  }
0x89: {  	s3 =	sld [smem:$0x3FFE];
	_ =	sdelay $0x1  }
0x8a: {  	s1 =	srdreg.scid  }
0x8b: {  	s0 =	sand.u32 $0x1, s1  }
0x8c: {  	s17 =	sshll.u32 s0, $0xA;
	s2 =	sadd.s32 s3, s2  }
0x8d: {  	s2 =	sadd.s32 s2, s17  }
0x8e: {  	[smem:$0x3FB7] =	sst s2  }
0x8f: {  	_ = 	snop  }
0x90: {  	s2 =	sld [smem:$0x3FD0];
	(tm) =	ssettm $0x1  }
0x91: {  	s18 =	sld [smem:$0x3FFB];
	_ =	sdelay $0x3  }
0x92: {  	_ =	strace s18  }
0x93: {  	s3 =	sld [smem:$0x3FFC];
	_ =	sdelay $0x3  }
0x94: {  	_ =	strace s3  }
0x95: {  	s3 =	sld [smem:$0x3FFD];
	_ =	sdelay $0x3  }
0x96: {  	_ =	strace s3  }
0x97: {  	_ =	strace $0x8FFFFFFF  }
0x98: {  	s19 =	sld [smem:$0x3FDB];
	_ =	sdelay $0x1  }
0x99: {  	s4 =	simm.s32 $_scs_section_size  }
0x9a: {  	s5 =	simm.s32 $_size__tile_overlayer_lowered;
	s6 =	simm.s32 $_tile_overlayer_lowered  }
0x9b: {  	s22 =	simm.s32 $0x1BFF;
	s21 =	sshll.u32 s6, $0x1;
	s3 =	sadd.s32 s4, s19  }
0x9c: {  	s7 =	simm.s32 $0x0;
	s20 =	sshll.u32 s5, $0x1;
	s5 =	sadd.s32 s21, s3  }
0x9d: {  	[timem:s7], [sflag:s22] =	dma.local [hbm:s5], s20  }
0x9e: {  	_ =	swait.ge [sflag:s22], s20  }
0x9f: {  	s4 =	ssub.s32 $0x0, s20;
	[sflag:s22] =	ssyncset.done $0x0  }
0xa0: {  	[sflag:s22] =	ssyncadd.s32 s4;
	_ =	sdelay $0x1  }
0xa1: {  	s23 =	simm.s32 $0x1B8B  }
0xa2: {  	_ =	swait.ge [sflag:s23], $0x1  }
0xa3: {  	[sflag:s23] =	ssyncset.done $0x0  }
0xa4: {  	s25 =	simm.s32 $0x1B8E;
	s24 =	sld [smem:$0x3FFE];
	[sflag:s23] =	ssyncadd.s32 $0xFFFFFFFF  }
0xa5: {  	s26 =	simm.s32 $execute0_lowered;
	[smem:$0x3FD2] =	sst s25  }
0xa6: {  	s5 =	sshll.u32 s26, $0x1;
	_ =	strace $0x8000004C;
	[dreg:$0x1] =	wrdreg $0xFFFFFFFF  }
0xa7: {  	s28 =	simm.s32 $_size_execute0_lowered;
	s3 =	sadd.s32 s3, s5;
	[dreg:$0x0] =	wrdreg $0x0  }
0xa8: {  	s5 =	sshll.u32 s28, $0x1;
	[dreg:$0x2] =	wrdreg s3  }
0xa9: {  	[dreg:$0x3] =	wrdreg s5  }
0xaa: {  	[dreg:$0x4] =	wrdreg $0xC0  }
0xab: {  	_ =	task [dreg:s7], $0x5FFFF  }
0xac: {  	[dreg:$0x1] =	wrdreg $0xFFFFFFFF  }
0xad: {  	[dreg:$0x0] =	wrdreg $0x60  }
0xae: {  	[dreg:$0x2] =	wrdreg s24  }
0xaf: {  	[dreg:$0x3] =	wrdreg s2  }
0xb0: {  	[dreg:$0x4] =	wrdreg $0xB0000  }
0xb1: {  	[dreg:$0x5] =	wrdreg $0x9  }
0xb2: {  	_ =	task.clear_ibuf [dreg:s7], $0x6FFFF;
	_ =	strace $0x9000004C  }
0xb3: {  	s29 =	simm.s32 $0x9;
	_ =	strace $0x8000004E  }
0xb4: {  	_ =	swait.ge [sflag:s29], $0x1  }
0xb5: {  	[sflag:s29] =	ssyncadd.s32 $0xFFFFFFFF  }
0xb6: {  	_ =	strace $0x9000004E  }
0xb7: {  	_ =	sfence  }
0xb8: {  	s30 =	sld [smem:$0x0];
	_ =	sdelay $0x2  }
0xb9: {  	s31 =	sshll.u32 s1, $0xD;
	s1 =	sshrl.u32 s1, $0x2  }
0xba: {  	s3 =	sand.u32 $0x4000, s31;
	s1 =	sadd.s32 s1, s30  }
0xbb: {  	s0 =	sor.u32 s3, s0;
	s1 =	sshll.u32 s1, $0x11  }
0xbc: {  	s0 =	sor.u32 s1, s0  }
0xbd: {  	s0 =	sadd.s32 $0x8F2B, s0  }
0xbe: {  	[sflag:s0] =	ssyncadd.remote.s32 $0x1  }
0xbf: {  	_ =	sfence.sel $0xFFFF  }
0xc0: {  	[dreg:$0x0] =	wrdreg $0xFFFFFFFF;
	(pc) =	sbr.abs _section_cstart, $3  }
0xc1: {  	[dreg:$0x1] =	wrdreg $0xFFFFFFFF  }
0xc2: {  	_ =	task.clear_ibuf [dreg:s7], $0x2FFFF;
	_ =	strace $0x9FFFFFFF  }
0xc3: {  	(tm) =	ssettm $0x7FFFFFFF  }
tec
execute0_lowered:
.L_overlay_start_1:
0x0: {  	(tag) =	ssettag $0x1  }
0x1: {  	s8 =	rddreg [dreg:$0x0]  }
0x2: {  	s1 =	srdreg.scid;
	s2 =	rddreg [dreg:$0x1]  }
0x3: {  	s0 =	stileid.u32;
	s4 =	rddreg [dreg:$0x2]  }
0x4: {  	s5 =	simm.s32 $0x0;
	s16 =	simm.s32 $0x3000;
	s17 =	simm.s32 $0x5  }
0x5: {  	s18 =	simm.s32 $0x80;
	s20 =	simm.s32 $0x7000;
	s21 =	simm.s32 $0x1  }
0x6: {  	s22 =	simm.s32 $0x2;
	s23 =	simm.s32 $0x3;
	s7 =	sand.u32 $0x1, s1  }
0x7: {  	s28 =	sshll.u32 s0, $0x1;
	s10 =	smul.u32 $0x14000, s0;
	[smem:$0x7FF] =	sst s5  }
0x8: {  	s11 =	smul.u32 $0x50000, s0;
	s6 =	sadd.s32 $0x3200, s8;
	s1 =	sor.u32 s7, s28  }
0x9: {  	s9 =	smul.u32 $0x140000, s7;
	_ =	strace $0x8000004D;
	s29 =	ssub.s32 $0x2, s7  }
0xa: {  	s3 =	smul.u32 $0x2800, s1;
	s30 =	sshrl.u32 s11, $0x2;
	s31 =	sshrl.u32 s29, $0x1  }
0xb: {  	s9 =	sadd.s32 s10, s9;
	s7 =	sadd.s32 s30, s4;
	s15 =	ssub.s32 s29, s31  }
0xc: {  	s13 =	sshrl.u32 s3, $0x3;
	s9 =	sshrl.u32 s9, $0x3;
	s10 =	sadd.s32 $0xC000, s7  }
0xd: {  	s11 =	sadd.s32 $0x10000, s7;
	s15 =	smax.u32 s15, $0x1;
	s12 =	sadd.s32 s13, s8  }
0xe: {  	s14 =	sadd.s32 s9, s8;
	s8 =	sadd.s32 $0x4000, s7;
	s9 =	sadd.s32 $0x8000, s7  }
0xf: {  	v0 =	vimm.f32 $0.0e+00;
	s13 =	sadd.s32 s2, s13;
	s12 =	sadd.s32 $0x2B200, s12;
	s14 =	sadd.s32 $0x35200, s14  }
.LBB2_1:
0x10: {  	s24 =	simm.s32 $0x0;
	s25 =	simm.s32 $0x200  }
.LBB2_2:
0x11: {  	p0 =	sne.s32 s25, $0xFE00;
	[tilespmem:s24+$0x3070] =	vst v0  }
0x12: {  	[tilespmem:s24+$0x3000] =	vst v0  }
0x13: {  	[tilespmem:s24+$0x3010] =	vst v0  }
.Ltmp0:
0x14: {  	[tilespmem:s24+$0x3020] =	vst v0;
	(pc) =	sbr.rel @p0 .LBB2_2-.Ltmp0, $4  }
0x15: {  	[tilespmem:s24+$0x3030] =	vst v0  }
0x16: {  	[tilespmem:s24+$0x3040] =	vst v0  }
0x17: {  	[tilespmem:s24+$0x3050] =	vst v0  }
0x18: {  	[tilespmem:s24+$0x3060] =	vst v0;
	s24 =	sshra.s32 s25, $0x2;
	s25 =	sadd.s32 $0x200, s25  }
0x19: {  	[tilespmem:s24+$0x3070] =	vst v0  }
0x1a: {  	[tilespmem:s24+$0x3000] =	vst v0  }
0x1b: {  	[tilespmem:s24+$0x3010] =	vst v0  }
0x1c: {  	[tilespmem:s24+$0x3020] =	vst v0  }
0x1d: {  	[tilespmem:s24+$0x3030] =	vst v0  }
0x1e: {  	[tilespmem:s24+$0x3040] =	vst v0  }
0x1f: {  	[tilespmem:s24+$0x3050] =	vst v0  }
0x20: {  	[tilespmem:s24+$0x3060] =	vst v0  }
0x21: {  	[spmem:s7] =	stream.linear.scatter [tilespmem:s16], [sflag:$0x5], $0x4000, $0x38;
	[tilespmem:$0x1F000] =	vst v63  }
0x22: {  	_ =	swait.ge [sflag:s17], $0x4000  }
0x23: {  	[sflag:s17] =	ssyncset.done $0x0  }
0x24: {  	[sflag:s17] =	ssyncadd.s32 $0xFFFFC000  }
0x25: {  	[spmem:s8] =	stream.linear.scatter [tilespmem:s16], [sflag:$0x5], $0x4000, $0x38;
	[tilespmem:$0x1F000] =	vst v63  }
0x26: {  	_ =	swait.ge [sflag:s17], $0x4000  }
0x27: {  	[sflag:s17] =	ssyncset.done $0x0  }
0x28: {  	[sflag:s17] =	ssyncadd.s32 $0xFFFFC000  }
0x29: {  	[spmem:s9] =	stream.linear.scatter [tilespmem:s16], [sflag:$0x5], $0x4000, $0x38;
	[tilespmem:$0x1F000] =	vst v63  }
0x2a: {  	_ =	swait.ge [sflag:s17], $0x4000  }
0x2b: {  	[sflag:s17] =	ssyncset.done $0x0  }
0x2c: {  	[sflag:s17] =	ssyncadd.s32 $0xFFFFC000  }
0x2d: {  	[spmem:s10] =	stream.linear.scatter [tilespmem:s16], [sflag:$0x5], $0x4000, $0x38;
	[tilespmem:$0x1F000] =	vst v63  }
0x2e: {  	_ =	swait.ge [sflag:s17], $0x4000  }
0x2f: {  	[sflag:s17] =	ssyncset.done $0x0  }
0x30: {  	[sflag:s17] =	ssyncadd.s32 $0xFFFFC000  }
0x31: {  	[spmem:s11] =	stream.linear.scatter [tilespmem:s16], [sflag:$0x5], $0x4000, $0x38;
	[tilespmem:$0x1F000] =	vst v63  }
0x32: {  	_ =	swait.ge [sflag:s17], $0x4000  }
0x33: {  	[sflag:s17] =	ssyncset.done $0x0  }
0x34: {  	s24 =	simm.s32 $0x0;
	[sflag:s17] =	ssyncadd.s32 $0xFFFFC000  }
0x35: {  	[tilespmem:s24], [sflag:$0x5] =	stream.linear.gather [hbm4b:s12+s24], $0x2800, $0x38;
	[tilespmem:$0x1F000] =	vst v63  }
0x36: {  	_ =	swait.ge [sflag:s17], $0x2800  }
0x37: {  	s25 =	simm.s32 $0x0;
	[sflag:s17] =	ssyncset.done $0x0  }
0x38: {  	s26 =	simm.s32 $0x1;
	s25 =	sand.u32 $0x1, s25;
	[sflag:s17] =	ssyncadd.s32 $0xFFFFD800  }
0x39: {  	s26 =	smin.u32 s26, $0x9;
	p0 =	seq.s32 s25, $0x1;
	[bflag:$0x0] =	sbarrier.arrive $0xFFFF  }
0x3a: {  	[tilespmem:s16], [sflag:$0x1] =	stream.indirect.gather [hbm4b:s6+s18], $0x80, s24, s18, $0xb8;
	[tilespmem:$0x1F000] =	vst v63  }
0x3b: {  	s0 =	simm.s32 $0x2800;
	s26 =	sshll.u32 s26, $0xA;
	s28 =	simm.s32 @p0 $0x4  }
0x3c: {  	[tilespmem:s0], [sflag:$0x3] =	stream.linear.gather [hbm4b:s13+s24], $0x400, $0x38;
	[tilespmem:$0x1F000] =	vst v63  }
0x3d: {  	s26 =	sadd.s32 s3, s26;
	s29 =	simm.s32 @p0 $0x2800;
	_ =	swait.ge @p0 [sflag:s28], $0x400  }
0x3e: {  	s30 =	simm.s32 @!p0 $0x3;
	s26 =	sshrl.u32 s26, $0x3;
	[sflag:s28] =	ssyncset.done @p0 $0x0  }
0x3f: {  	s26 =	sadd.s32 s2, s26;
	[sflag:s28] =	ssyncadd.s32 @p0 $0xFFFFFC00;
	s28 =	simm.s32 @p0 $0x0  }
0x40: {  	[tilespmem:s29], [sflag:$0x3] =	stream.linear.gather @p0 [hbm4b:s26+s28], $0x400, $0x38;
	[tilespmem:$0x1F000] =	vst v63  }
0x41: {  	_ =	swait.ge @!p0 [sflag:s30], $0x400  }
0x42: {  	[sflag:s30] =	ssyncset.done @!p0 $0x0  }
0x43: {  	s28 =	simm.s32 @!p0 $0x0;
	s29 =	simm.s32 @!p0 $0x2C00;
	[sflag:s30] =	ssyncadd.s32 @!p0 $0xFFFFFC00  }
0x44: {  	[tilespmem:s29], [sflag:$0x4] =	stream.linear.gather @!p0 [hbm4b:s26+s28], $0x400, $0x38;
	[tilespmem:$0x1F000] =	vst v63  }
0x45: {  	s1 =	simm.s32 $0x80  }
0x46: {  	[tilespmem:s20], [sflag:$0x2] =	stream.indirect.gather [hbm4b:s6+s18], $0x80, s1, s18, $0xb8;
	[tilespmem:$0x1F000] =	vst v63  }
0x47: {  	_ =	swait.ge [sflag:s21], $0x4000  }
0x48: {  	s25 =	sshll.u32 s25, $0xA;
	[sflag:s21] =	ssyncset.done $0x0  }
0x49: {  	s19 =	sor.u32 $0x2800, s25;
	[sflag:s21] =	ssyncadd.s32 $0xFFFFC000  }
0x4a: {  	[spmem:s4] =	stream.indirect.scatter.add.f32 [tilespmem:s16], [sflag:$0x5], $0x80, s19, s18, $0xb8;
	[tilespmem:$0x1F000] =	vst v63  }
0x4b: {  	_ =	swait.ge [sflag:s17], $0x4000  }
0x4c: {  	[sflag:s17] =	ssyncset.done $0x0  }
0x4d: {  	s31 =	simm.s32 $0x100;
	[sflag:s17] =	ssyncadd.s32 $0xFFFFC000  }
0x4e: {  	[tilespmem:s16], [sflag:$0x1] =	stream.indirect.gather [hbm4b:s6+s18], $0x80, s31, s18, $0xb8;
	[tilespmem:$0x1F000] =	vst v63  }
0x4f: {  	_ =	swait.ge [sflag:s22], $0x4000  }
0x50: {  	[sflag:s22] =	ssyncset.done $0x0  }
0x51: {  	s0 =	sor.u32 $0x2880, s25;
	[sflag:s22] =	ssyncadd.s32 $0xFFFFC000  }
0x52: {  	[spmem:s4] =	stream.indirect.scatter.add.f32 [tilespmem:s20], [sflag:$0x5], $0x80, s0, s18, $0xb8;
	[tilespmem:$0x1F000] =	vst v63  }
0x53: {  	_ =	swait.ge [sflag:s17], $0x4000  }
0x54: {  	[sflag:s17] =	ssyncset.done $0x0  }
0x55: {  	s1 =	simm.s32 $0x180;
	[sflag:s17] =	ssyncadd.s32 $0xFFFFC000  }
0x56: {  	[tilespmem:s20], [sflag:$0x2] =	stream.indirect.gather [hbm4b:s6+s18], $0x80, s1, s18, $0xb8;
	[tilespmem:$0x1F000] =	vst v63  }
0x57: {  	_ =	swait.ge [sflag:s21], $0x4000  }
0x58: {  	[sflag:s21] =	ssyncset.done $0x0  }
0x59: {  	s19 =	sor.u32 $0x2900, s25;
	[sflag:s21] =	ssyncadd.s32 $0xFFFFC000  }
0x5a: {  	[spmem:s4] =	stream.indirect.scatter.add.f32 [tilespmem:s16], [sflag:$0x5], $0x80, s19, s18, $0xb8;
	[tilespmem:$0x1F000] =	vst v63  }
0x5b: {  	_ =	swait.ge [sflag:s17], $0x4000  }
0x5c: {  	[sflag:s17] =	ssyncset.done $0x0  }
0x5d: {  	s31 =	simm.s32 $0x200;
	[sflag:s17] =	ssyncadd.s32 $0xFFFFC000  }
0x5e: {  	[tilespmem:s16], [sflag:$0x1] =	stream.indirect.gather [hbm4b:s6+s18], $0x80, s31, s18, $0xb8;
	[tilespmem:$0x1F000] =	vst v63  }
0x5f: {  	_ =	swait.ge [sflag:s22], $0x4000  }
0x60: {  	[sflag:s22] =	ssyncset.done $0x0  }
0x61: {  	s0 =	sor.u32 $0x2980, s25;
	[sflag:s22] =	ssyncadd.s32 $0xFFFFC000  }
0x62: {  	[spmem:s4] =	stream.indirect.scatter.add.f32 [tilespmem:s20], [sflag:$0x5], $0x80, s0, s18, $0xb8;
	[tilespmem:$0x1F000] =	vst v63  }
0x63: {  	_ =	swait.ge [sflag:s17], $0x4000  }
0x64: {  	[sflag:s17] =	ssyncset.done $0x0  }
0x65: {  	s1 =	simm.s32 $0x280;
	[sflag:s17] =	ssyncadd.s32 $0xFFFFC000  }
0x66: {  	[tilespmem:s20], [sflag:$0x2] =	stream.indirect.gather [hbm4b:s6+s18], $0x80, s1, s18, $0xb8;
	[tilespmem:$0x1F000] =	vst v63  }
0x67: {  	_ =	swait.ge [sflag:s21], $0x4000  }
0x68: {  	[sflag:s21] =	ssyncset.done $0x0  }
0x69: {  	s19 =	sor.u32 $0x2A00, s25;
	[sflag:s21] =	ssyncadd.s32 $0xFFFFC000  }
0x6a: {  	[spmem:s4] =	stream.indirect.scatter.add.f32 [tilespmem:s16], [sflag:$0x5], $0x80, s19, s18, $0xb8;
	[tilespmem:$0x1F000] =	vst v63  }
0x6b: {  	_ =	swait.ge [sflag:s17], $0x4000  }
0x6c: {  	[sflag:s17] =	ssyncset.done $0x0  }
0x6d: {  	s31 =	simm.s32 $0x300;
	[sflag:s17] =	ssyncadd.s32 $0xFFFFC000  }
0x6e: {  	[tilespmem:s16], [sflag:$0x1] =	stream.indirect.gather [hbm4b:s6+s18], $0x80, s31, s18, $0xb8;
	[tilespmem:$0x1F000] =	vst v63  }
0x6f: {  	_ =	swait.ge [sflag:s22], $0x4000  }
0x70: {  	[sflag:s22] =	ssyncset.done $0x0  }
0x71: {  	s0 =	sor.u32 $0x2A80, s25;
	[sflag:s22] =	ssyncadd.s32 $0xFFFFC000  }
0x72: {  	[spmem:s4] =	stream.indirect.scatter.add.f32 [tilespmem:s20], [sflag:$0x5], $0x80, s0, s18, $0xb8;
	[tilespmem:$0x1F000] =	vst v63  }
0x73: {  	_ =	swait.ge [sflag:s17], $0x4000  }
0x74: {  	[sflag:s17] =	ssyncset.done $0x0  }
0x75: {  	s1 =	simm.s32 $0x380;
	[sflag:s17] =	ssyncadd.s32 $0xFFFFC000  }
0x76: {  	[tilespmem:s20], [sflag:$0x2] =	stream.indirect.gather [hbm4b:s6+s18], $0x80, s1, s18, $0xb8;
	[tilespmem:$0x1F000] =	vst v63  }
0x77: {  	_ =	swait.ge [sflag:s21], $0x4000  }
0x78: {  	[sflag:s21] =	ssyncset.done $0x0  }
0x79: {  	s19 =	sor.u32 $0x2B00, s25;
	[sflag:s21] =	ssyncadd.s32 $0xFFFFC000  }
0x7a: {  	[spmem:s4] =	stream.indirect.scatter.add.f32 [tilespmem:s16], [sflag:$0x5], $0x80, s19, s18, $0xb8;
	[tilespmem:$0x1F000] =	vst v63  }
0x7b: {  	s24 =	smin.u32 s24, $0x47;
	_ =	swait.ge [sflag:s17], $0x4000  }
0x7c: {  	s24 =	sshll.u32 s24, $0x7;
	[sflag:s17] =	ssyncset.done $0x0  }
0x7d: {  	s24 =	sadd.s32 $0x400, s24;
	[sflag:s17] =	ssyncadd.s32 $0xFFFFC000  }
0x7e: {  	[tilespmem:s16], [sflag:$0x1] =	stream.indirect.gather [hbm4b:s6+s18], $0x80, s24, s18, $0xb8;
	[tilespmem:$0x1F000] =	vst v63  }
0x7f: {  	s30 =	simm.s32 $0x1;
	s26 =	simm.s32 $0x1000;
	_ =	swait.ge [sflag:s22], $0x4000  }
0x80: {  	s28 =	simm.s32 $0x2000;
	s29 =	simm.s32 $0x2;
	[sflag:s22] =	ssyncset.done $0x0  }
0x81: {  	s25 =	sor.u32 $0x2B80, s25;
	s31 =	sand.u32 $0x1, s30;
	[sflag:s22] =	ssyncadd.s32 $0xFFFFC000  }
0x82: {  	[spmem:s4] =	stream.indirect.scatter.add.f32 [tilespmem:s20], [sflag:$0x5], $0x80, s25, s18, $0xb8;
	[tilespmem:$0x1F000] =	vst v63  }
0x83: {  	s30 =	smin.u32 s29, $0x9;
	p1 =	seq.s32 s31, $0x1;
	_ =	swait.ge [sflag:s17], $0x4000  }
0x84: {  	s24 =	simm.s32 $0x8;
	s25 =	sshll.u32 s31, $0xA;
	[sflag:s17] =	ssyncset.done $0x0  }
.LBB2_4:
0x85: {  	s30 =	sshll.u32 s30, $0xA;
	s31 =	simm.s32 @p1 $0x4;
	[sflag:s17] =	ssyncadd.s32 $0xFFFFC000  }
0x86: {  	s1 =	simm.s32 @p1 $0x2800;
	s30 =	sadd.s32 s3, s30;
	_ =	swait.ge @p1 [sflag:s31], $0x400  }
0x87: {  	s19 =	simm.s32 @!p1 $0x3;
	s30 =	sshrl.u32 s30, $0x3;
	[sflag:s31] =	ssyncset.done @p1 $0x0  }
0x88: {  	s0 =	sadd.s32 s2, s30;
	[sflag:s31] =	ssyncadd.s32 @p1 $0xFFFFFC00;
	s30 =	simm.s32 @p1 $0x0  }
0x89: {  	[tilespmem:s1], [sflag:$0x3] =	stream.linear.gather @p1 [hbm4b:s0+s30], $0x400, $0x38;
	[tilespmem:$0x1F000] =	vst v63  }
0x8a: {  	s1 =	smov.u32 s28;
	s28 =	sadd.s32 $0x1000, s28;
	_ =	swait.ge @!p1 [sflag:s19], $0x400  }
0x8b: {  	s30 =	sshra.s32 s26, $0x2;
	p0 =	sne.s32 s28, $0xA000;
	[sflag:s19] =	ssyncset.done @!p1 $0x0  }
0x8c: {  	s26 =	simm.s32 @!p1 $0x2C00;
	[sflag:s19] =	ssyncadd.s32 @!p1 $0xFFFFFC00;
	s19 =	simm.s32 @!p1 $0x0  }
0x8d: {  	[tilespmem:s26], [sflag:$0x4] =	stream.linear.gather @!p1 [hbm4b:s0+s19], $0x400, $0x38;
	[tilespmem:$0x1F000] =	vst v63  }
0x8e: {  	s0 =	sadd.s32 $0x80, s30;
	s26 =	smov.u32 s1  }
0x8f: {  	[tilespmem:s20], [sflag:$0x2] =	stream.indirect.gather [hbm4b:s6+s18], $0x80, s0, s18, $0xb8;
	[tilespmem:$0x1F000] =	vst v63  }
0x90: {  	_ =	swait.ge [sflag:s21], $0x4000  }
0x91: {  	[sflag:s21] =	ssyncset.done $0x0  }
0x92: {  	s0 =	sor.u32 $0x2800, s25;
	[sflag:s21] =	ssyncadd.s32 $0xFFFFC000  }
0x93: {  	[spmem:s4] =	stream.indirect.scatter.add.f32 [tilespmem:s16], [sflag:$0x5], $0x80, s0, s18, $0xb8;
	[tilespmem:$0x1F000] =	vst v63  }
0x94: {  	_ =	swait.ge [sflag:s17], $0x4000  }
0x95: {  	[sflag:s17] =	ssyncset.done $0x0  }
0x96: {  	s0 =	sadd.s32 $0x100, s30;
	[sflag:s17] =	ssyncadd.s32 $0xFFFFC000  }
0x97: {  	[tilespmem:s16], [sflag:$0x1] =	stream.indirect.gather [hbm4b:s6+s18], $0x80, s0, s18, $0xb8;
	[tilespmem:$0x1F000] =	vst v63  }
0x98: {  	_ =	swait.ge [sflag:s22], $0x4000  }
0x99: {  	[sflag:s22] =	ssyncset.done $0x0  }
0x9a: {  	s0 =	sor.u32 $0x2880, s25;
	[sflag:s22] =	ssyncadd.s32 $0xFFFFC000  }
0x9b: {  	[spmem:s4] =	stream.indirect.scatter.add.f32 [tilespmem:s20], [sflag:$0x5], $0x80, s0, s18, $0xb8;
	[tilespmem:$0x1F000] =	vst v63  }
0x9c: {  	_ =	swait.ge [sflag:s17], $0x4000  }
0x9d: {  	[sflag:s17] =	ssyncset.done $0x0  }
0x9e: {  	s0 =	sadd.s32 $0x180, s30;
	[sflag:s17] =	ssyncadd.s32 $0xFFFFC000  }
0x9f: {  	[tilespmem:s20], [sflag:$0x2] =	stream.indirect.gather [hbm4b:s6+s18], $0x80, s0, s18, $0xb8;
	[tilespmem:$0x1F000] =	vst v63  }
0xa0: {  	_ =	swait.ge [sflag:s21], $0x4000  }
0xa1: {  	[sflag:s21] =	ssyncset.done $0x0  }
0xa2: {  	s0 =	sor.u32 $0x2900, s25;
	[sflag:s21] =	ssyncadd.s32 $0xFFFFC000  }
0xa3: {  	[spmem:s4] =	stream.indirect.scatter.add.f32 [tilespmem:s16], [sflag:$0x5], $0x80, s0, s18, $0xb8;
	[tilespmem:$0x1F000] =	vst v63  }
0xa4: {  	_ =	swait.ge [sflag:s17], $0x4000  }
0xa5: {  	[sflag:s17] =	ssyncset.done $0x0  }
0xa6: {  	s0 =	sadd.s32 $0x200, s30;
	[sflag:s17] =	ssyncadd.s32 $0xFFFFC000  }
0xa7: {  	[tilespmem:s16], [sflag:$0x1] =	stream.indirect.gather [hbm4b:s6+s18], $0x80, s0, s18, $0xb8;
	[tilespmem:$0x1F000] =	vst v63  }
0xa8: {  	_ =	swait.ge [sflag:s22], $0x4000  }
0xa9: {  	[sflag:s22] =	ssyncset.done $0x0  }
0xaa: {  	s0 =	sor.u32 $0x2980, s25;
	[sflag:s22] =	ssyncadd.s32 $0xFFFFC000  }
0xab: {  	[spmem:s4] =	stream.indirect.scatter.add.f32 [tilespmem:s20], [sflag:$0x5], $0x80, s0, s18, $0xb8;
	[tilespmem:$0x1F000] =	vst v63  }
0xac: {  	_ =	swait.ge [sflag:s17], $0x4000  }
0xad: {  	[sflag:s17] =	ssyncset.done $0x0  }
0xae: {  	s0 =	sadd.s32 $0x280, s30;
	[sflag:s17] =	ssyncadd.s32 $0xFFFFC000  }
0xaf: {  	[tilespmem:s20], [sflag:$0x2] =	stream.indirect.gather [hbm4b:s6+s18], $0x80, s0, s18, $0xb8;
	[tilespmem:$0x1F000] =	vst v63  }
0xb0: {  	_ =	swait.ge [sflag:s21], $0x4000  }
0xb1: {  	[sflag:s21] =	ssyncset.done $0x0  }
0xb2: {  	s0 =	sor.u32 $0x2A00, s25;
	[sflag:s21] =	ssyncadd.s32 $0xFFFFC000  }
0xb3: {  	[spmem:s4] =	stream.indirect.scatter.add.f32 [tilespmem:s16], [sflag:$0x5], $0x80, s0, s18, $0xb8;
	[tilespmem:$0x1F000] =	vst v63  }
0xb4: {  	_ =	swait.ge [sflag:s17], $0x4000  }
0xb5: {  	[sflag:s17] =	ssyncset.done $0x0  }
0xb6: {  	s0 =	sadd.s32 $0x300, s30;
	[sflag:s17] =	ssyncadd.s32 $0xFFFFC000  }
0xb7: {  	[tilespmem:s16], [sflag:$0x1] =	stream.indirect.gather [hbm4b:s6+s18], $0x80, s0, s18, $0xb8;
	[tilespmem:$0x1F000] =	vst v63  }
0xb8: {  	_ =	swait.ge [sflag:s22], $0x4000  }
0xb9: {  	[sflag:s22] =	ssyncset.done $0x0  }
0xba: {  	s0 =	sor.u32 $0x2A80, s25;
	[sflag:s22] =	ssyncadd.s32 $0xFFFFC000  }
0xbb: {  	[spmem:s4] =	stream.indirect.scatter.add.f32 [tilespmem:s20], [sflag:$0x5], $0x80, s0, s18, $0xb8;
	[tilespmem:$0x1F000] =	vst v63  }
0xbc: {  	_ =	swait.ge [sflag:s17], $0x4000  }
0xbd: {  	[sflag:s17] =	ssyncset.done $0x0  }
0xbe: {  	s0 =	sadd.s32 $0x380, s30;
	[sflag:s17] =	ssyncadd.s32 $0xFFFFC000  }
0xbf: {  	[tilespmem:s20], [sflag:$0x2] =	stream.indirect.gather [hbm4b:s6+s18], $0x80, s0, s18, $0xb8;
	[tilespmem:$0x1F000] =	vst v63  }
0xc0: {  	_ =	swait.ge [sflag:s21], $0x4000  }
0xc1: {  	[sflag:s21] =	ssyncset.done $0x0  }
0xc2: {  	s0 =	sor.u32 $0x2B00, s25;
	[sflag:s21] =	ssyncadd.s32 $0xFFFFC000  }
0xc3: {  	[spmem:s4] =	stream.indirect.scatter.add.f32 [tilespmem:s16], [sflag:$0x5], $0x80, s0, s18, $0xb8;
	[tilespmem:$0x1F000] =	vst v63  }
0xc4: {  	s0 =	smin.u32 s24, $0x47;
	_ =	swait.ge [sflag:s17], $0x4000  }
0xc5: {  	s0 =	sshll.u32 s0, $0x7;
	[sflag:s17] =	ssyncset.done $0x0  }
0xc6: {  	s0 =	sadd.s32 $0x400, s0;
	[sflag:s17] =	ssyncadd.s32 $0xFFFFC000  }
0xc7: {  	[tilespmem:s16], [sflag:$0x1] =	stream.indirect.gather [hbm4b:s6+s18], $0x80, s0, s18, $0xb8;
	[tilespmem:$0x1F000] =	vst v63  }
0xc8: {  	s24 =	sadd.s32 $0x8, s24;
	_ =	swait.ge [sflag:s22], $0x4000  }
.Ltmp1:
0xc9: {  	s29 =	sadd.s32 $0x1, s29;
	[sflag:s22] =	ssyncset.done $0x0;
	(pc) =	sbr.rel @p0 .LBB2_4-.Ltmp1, $4  }
0xca: {  	s1 =	sor.u32 $0x2B80, s25;
	s0 =	sadd.s32 $0xFFFFFFFF, s29;
	[sflag:s22] =	ssyncadd.s32 $0xFFFFC000  }
0xcb: {  	[spmem:s4] =	stream.indirect.scatter.add.f32 [tilespmem:s20], [sflag:$0x5], $0x80, s1, s18, $0xb8;
	[tilespmem:$0x1F000] =	vst v63  }
0xcc: {  	s30 =	smin.u32 s29, $0x9;
	s0 =	sand.u32 $0x1, s0;
	_ =	swait.ge [sflag:s17], $0x4000  }
0xcd: {  	p1 =	seq.s32 s0, $0x1;
	s25 =	sshll.u32 s0, $0xA;
	[sflag:s17] =	ssyncset.done $0x0  }
0xce: {  	s0 =	sshll.u32 s30, $0xA;
	s1 =	simm.s32 @p1 $0x4;
	[sflag:s17] =	ssyncadd.s32 $0xFFFFC000  }
0xcf: {  	s19 =	simm.s32 @p1 $0x2800;
	s0 =	sadd.s32 s3, s0;
	_ =	swait.ge @p1 [sflag:s1], $0x400  }
0xd0: {  	s28 =	simm.s32 @!p1 $0x3;
	s0 =	sshrl.u32 s0, $0x3;
	[sflag:s1] =	ssyncset.done @p1 $0x0  }
0xd1: {  	s0 =	sadd.s32 s2, s0;
	[sflag:s1] =	ssyncadd.s32 @p1 $0xFFFFFC00;
	s1 =	simm.s32 @p1 $0x0  }
0xd2: {  	[tilespmem:s19], [sflag:$0x3] =	stream.linear.gather @p1 [hbm4b:s0+s1], $0x400, $0x38;
	[tilespmem:$0x1F000] =	vst v63  }
0xd3: {  	_ =	swait.ge @!p1 [sflag:s28], $0x400  }
0xd4: {  	s26 =	sshra.s32 s26, $0x2;
	[sflag:s28] =	ssyncset.done @!p1 $0x0  }
0xd5: {  	s1 =	simm.s32 @!p1 $0x0;
	s19 =	simm.s32 @!p1 $0x2C00;
	[sflag:s28] =	ssyncadd.s32 @!p1 $0xFFFFFC00  }
0xd6: {  	[tilespmem:s19], [sflag:$0x4] =	stream.linear.gather @!p1 [hbm4b:s0+s1], $0x400, $0x38;
	[tilespmem:$0x1F000] =	vst v63  }
0xd7: {  	s19 =	sadd.s32 $0x80, s26  }
0xd8: {  	[tilespmem:s20], [sflag:$0x2] =	stream.indirect.gather [hbm4b:s6+s18], $0x80, s19, s18, $0xb8;
	[tilespmem:$0x1F000] =	vst v63  }
0xd9: {  	_ =	swait.ge [sflag:s21], $0x4000  }
0xda: {  	[sflag:s21] =	ssyncset.done $0x0  }
0xdb: {  	s28 =	sor.u32 $0x2800, s25;
	[sflag:s21] =	ssyncadd.s32 $0xFFFFC000  }
0xdc: {  	[spmem:s4] =	stream.indirect.scatter.add.f32 [tilespmem:s16], [sflag:$0x5], $0x80, s28, s18, $0xb8;
	[tilespmem:$0x1F000] =	vst v63  }
0xdd: {  	_ =	swait.ge [sflag:s17], $0x4000  }
0xde: {  	[sflag:s17] =	ssyncset.done $0x0  }
0xdf: {  	s29 =	sadd.s32 $0x100, s26;
	[sflag:s17] =	ssyncadd.s32 $0xFFFFC000  }
0xe0: {  	[tilespmem:s16], [sflag:$0x1] =	stream.indirect.gather [hbm4b:s6+s18], $0x80, s29, s18, $0xb8;
	[tilespmem:$0x1F000] =	vst v63  }
0xe1: {  	_ =	swait.ge [sflag:s22], $0x4000  }
0xe2: {  	[sflag:s22] =	ssyncset.done $0x0  }
0xe3: {  	s30 =	sor.u32 $0x2880, s25;
	[sflag:s22] =	ssyncadd.s32 $0xFFFFC000  }
0xe4: {  	[spmem:s4] =	stream.indirect.scatter.add.f32 [tilespmem:s20], [sflag:$0x5], $0x80, s30, s18, $0xb8;
	[tilespmem:$0x1F000] =	vst v63  }
0xe5: {  	_ =	swait.ge [sflag:s17], $0x4000  }
0xe6: {  	[sflag:s17] =	ssyncset.done $0x0  }
0xe7: {  	s31 =	sadd.s32 $0x180, s26;
	[sflag:s17] =	ssyncadd.s32 $0xFFFFC000  }
0xe8: {  	[tilespmem:s20], [sflag:$0x2] =	stream.indirect.gather [hbm4b:s6+s18], $0x80, s31, s18, $0xb8;
	[tilespmem:$0x1F000] =	vst v63  }
0xe9: {  	_ =	swait.ge [sflag:s21], $0x4000  }
0xea: {  	[sflag:s21] =	ssyncset.done $0x0  }
0xeb: {  	s1 =	sor.u32 $0x2900, s25;
	[sflag:s21] =	ssyncadd.s32 $0xFFFFC000  }
0xec: {  	[spmem:s4] =	stream.indirect.scatter.add.f32 [tilespmem:s16], [sflag:$0x5], $0x80, s1, s18, $0xb8;
	[tilespmem:$0x1F000] =	vst v63  }
0xed: {  	_ =	swait.ge [sflag:s17], $0x4000  }
0xee: {  	[sflag:s17] =	ssyncset.done $0x0  }
0xef: {  	s19 =	sadd.s32 $0x200, s26;
	[sflag:s17] =	ssyncadd.s32 $0xFFFFC000  }
0xf0: {  	[tilespmem:s16], [sflag:$0x1] =	stream.indirect.gather [hbm4b:s6+s18], $0x80, s19, s18, $0xb8;
	[tilespmem:$0x1F000] =	vst v63  }
0xf1: {  	_ =	swait.ge [sflag:s22], $0x4000  }
0xf2: {  	[sflag:s22] =	ssyncset.done $0x0  }
0xf3: {  	s28 =	sor.u32 $0x2980, s25;
	[sflag:s22] =	ssyncadd.s32 $0xFFFFC000  }
0xf4: {  	[spmem:s4] =	stream.indirect.scatter.add.f32 [tilespmem:s20], [sflag:$0x5], $0x80, s28, s18, $0xb8;
	[tilespmem:$0x1F000] =	vst v63  }
0xf5: {  	_ =	swait.ge [sflag:s17], $0x4000  }
0xf6: {  	[sflag:s17] =	ssyncset.done $0x0  }
0xf7: {  	s29 =	sadd.s32 $0x280, s26;
	[sflag:s17] =	ssyncadd.s32 $0xFFFFC000  }
0xf8: {  	[tilespmem:s20], [sflag:$0x2] =	stream.indirect.gather [hbm4b:s6+s18], $0x80, s29, s18, $0xb8;
	[tilespmem:$0x1F000] =	vst v63  }
0xf9: {  	_ =	swait.ge [sflag:s21], $0x4000  }
0xfa: {  	[sflag:s21] =	ssyncset.done $0x0  }
0xfb: {  	s30 =	sor.u32 $0x2A00, s25;
	[sflag:s21] =	ssyncadd.s32 $0xFFFFC000  }
0xfc: {  	[spmem:s4] =	stream.indirect.scatter.add.f32 [tilespmem:s16], [sflag:$0x5], $0x80, s30, s18, $0xb8;
	[tilespmem:$0x1F000] =	vst v63  }
0xfd: {  	_ =	swait.ge [sflag:s17], $0x4000  }
0xfe: {  	[sflag:s17] =	ssyncset.done $0x0  }
0xff: {  	s31 =	sadd.s32 $0x300, s26;
	[sflag:s17] =	ssyncadd.s32 $0xFFFFC000  }
0x100: {  	[tilespmem:s16], [sflag:$0x1] =	stream.indirect.gather [hbm4b:s6+s18], $0x80, s31, s18, $0xb8;
	[tilespmem:$0x1F000] =	vst v63  }
0x101: {  	_ =	swait.ge [sflag:s22], $0x4000  }
0x102: {  	[sflag:s22] =	ssyncset.done $0x0  }
0x103: {  	s1 =	sor.u32 $0x2A80, s25;
	[sflag:s22] =	ssyncadd.s32 $0xFFFFC000  }
0x104: {  	[spmem:s4] =	stream.indirect.scatter.add.f32 [tilespmem:s20], [sflag:$0x5], $0x80, s1, s18, $0xb8;
	[tilespmem:$0x1F000] =	vst v63  }
0x105: {  	_ =	swait.ge [sflag:s17], $0x4000  }
0x106: {  	[sflag:s17] =	ssyncset.done $0x0  }
0x107: {  	s19 =	sadd.s32 $0x380, s26;
	[sflag:s17] =	ssyncadd.s32 $0xFFFFC000  }
0x108: {  	[tilespmem:s20], [sflag:$0x2] =	stream.indirect.gather [hbm4b:s6+s18], $0x80, s19, s18, $0xb8;
	[tilespmem:$0x1F000] =	vst v63  }
0x109: {  	_ =	swait.ge [sflag:s21], $0x4000  }
0x10a: {  	[sflag:s21] =	ssyncset.done $0x0  }
0x10b: {  	s26 =	sor.u32 $0x2B00, s25;
	[sflag:s21] =	ssyncadd.s32 $0xFFFFC000  }
0x10c: {  	[spmem:s4] =	stream.indirect.scatter.add.f32 [tilespmem:s16], [sflag:$0x5], $0x80, s26, s18, $0xb8;
	[tilespmem:$0x1F000] =	vst v63  }
0x10d: {  	s28 =	smin.u32 s24, $0x47;
	_ =	swait.ge [sflag:s17], $0x4000  }
0x10e: {  	s0 =	sshll.u32 s28, $0x7;
	[sflag:s17] =	ssyncset.done $0x0  }
0x10f: {  	s0 =	sadd.s32 $0x400, s0;
	[sflag:s17] =	ssyncadd.s32 $0xFFFFC000  }
0x110: {  	[tilespmem:s16], [sflag:$0x1] =	stream.indirect.gather [hbm4b:s6+s18], $0x80, s0, s18, $0xb8;
	[tilespmem:$0x1F000] =	vst v63  }
0x111: {  	_ =	swait.ge [sflag:s22], $0x4000  }
0x112: {  	[sflag:s22] =	ssyncset.done $0x0  }
0x113: {  	s29 =	sor.u32 $0x2B80, s25;
	[sflag:s22] =	ssyncadd.s32 $0xFFFFC000  }
0x114: {  	[spmem:s4] =	stream.indirect.scatter.add.f32 [tilespmem:s20], [sflag:$0x5], $0x80, s29, s18, $0xb8;
	[tilespmem:$0x1F000] =	vst v63  }
0x115: {  	_ =	swait.ge [sflag:s17], $0x4000  }
0x116: {  	[sflag:s17] =	ssyncset.done $0x0  }
0x117: {  	[sflag:s17] =	ssyncadd.s32 $0xFFFFC000  }
0x118: {  	_ =	swait.ge [sflag:s21], $0x4000  }
0x119: {  	[sflag:s21] =	ssyncset.done $0x0  }
0x11a: {  	[sflag:s21] =	ssyncadd.s32 $0xFFFFC000  }
0x11b: {  	s5 =	sadd.s32 $0x1, s5;
	_ =	swait.ge [sflag:s23], $0x400  }
0x11c: {  	p0 =	sne.s32 s5, s15;
	s30 =	stileid.u32;
	[sflag:s23] =	ssyncset.done $0x0  }
0x11d: {  	s31 =	sshrl.u32 s7, $0x3;
	s0 =	sshll.u32 s30, $0x6;
	[sflag:s23] =	ssyncadd.s32 $0xFFFFFC00  }
.Ltmp2:
0x11e: {  	s0 =	sor.u32 $0x1C05, s0;
	[bflag:$0x0] =	sbarrier.arrive $0xFFFF;
	(pc) =	sbr.rel @p0 .LBB2_1-.Ltmp2, $4  }
0x11f: {  	[hbm:s14], [sflag:s0] =	dma.local [spmem:s31], $0x2800  }
0x120: {  	_ =	swait.ge [sflag:s17], $0x2800  }
0x121: {  	[sflag:s17] =	ssyncset.done $0x0  }
0x122: {  	[sflag:s17] =	ssyncadd.s32 $0xFFFFD800  }
0x123: {  	_ =	sfence.sel $0x180000  }
0x124: {  	[bflag:$0x0] =	sbarrier.arrive $0xFFFF  }
0x125: {  	_ =	strace $0x9000004D  }
0x126: {  	s0 =	stileid.u32;
	[bflag:$0x2] =	sbarrier.arrive $0xFFFF  }
0x127: {  	p0 =	sne.s32 s0, $0x0;
	s0 =	rddreg [dreg:$0x3]  }
0x128: {  	s0 =	sadd.s32 @!p0 $0x100000, s0  }
0x129: {  	[sflag:s0] =	ssyncadd.tile.s32 @!p0 $0x1;
	_ =	shalt  }
.Lfunc_end2:
_tile_overlayer_lowered:
.L_overlay_start_2:
0x12a: {  	(tag) =	ssettag $0x2  }
0x12b: {  	s0 =	rddreg [dreg:$0x0];
	s2 =	stileid.u32  }
0x12c: {  	s1 =	rddreg [dreg:$0x1];
	p0 =	sne.s32 s2, $0x0  }
0x12d: {  	s3 =	rddreg [dreg:$0x2];
	[bflag:$0x3] =	sbarrier.arrive $0xFFFF;
	s2 =	simm.s32 @!p0 $0x1C05  }
0x12e: {  	[timem:s3], [sflag:s2] =	dma.local @!p0 [hbm:s0], s1  }
0x12f: {  	s0 =	simm.s32 @!p0 $0x5  }
0x130: {  	_ =	swait.ge @!p0 [sflag:s0], s1  }
0x131: {  	s1 =	ssub.s32 @!p0 $0x0, s1;
	[sflag:s0] =	ssyncset.done @!p0 $0x0  }
0x132: {  	[sflag:s0] =	ssyncadd.s32 @!p0 s1  }
0x133: {  	[bflag:$0x3] =	sbarrier.arrive $0xFFFF  }
0x134: {  	_ =	shalt  }

// kernel: kernel.8.cloned.1.call-start
scs
__scs_entry_jumppad:
0x0: {  	(pc) =	sbr.rel $0x88, $3  }
0x1: {  	(tag) =	ssettag $0x0;
	lr =	simm.s32 $0x1  }
0x2: {  	[smem:$0x3F90] =	sst lr;
	_ =	strace $0xD0000000  }
0x3: {  	_ = 	snop  }
0x4: {  	_ = 	snop  }
0x5: {  	_ = 	snop  }
0x6: {  	_ = 	snop  }
0x7: {  	_ = 	snop  }
__scs_overlays_trampoline_lowered:
0x8: {  	[smem:$0x3F9F] =	sst s0  }
0x9: {  	[smem:$0x3FA0] =	sst s1  }
0xa: {  	[smem:$0x3FA1] =	sst s2  }
0xb: {  	[smem:$0x3FA2] =	sst s3  }
0xc: {  	[smem:$0x3FA3] =	sst s4  }
0xd: {  	[smem:$0x3FA4] =	sst s5  }
0xe: {  	[smem:$0x3FA5] =	sst s6  }
0xf: {  	[smem:$0x3FA6] =	sst s7  }
0x10: {  	[smem:$0x3FA7] =	sst s8  }
0x11: {  	[smem:$0x3FA8] =	sst s9;
	s0 =	simm.s32 @!p0 $0x0  }
0x12: {  	s1 =	sld [smem:$0x3F8E];
	s0 =	simm.s32 @p0 $0x1  }
0x13: {  	[smem:$0x3FA9] =	sst s0;
	s0 =	simm.s32 @!p1 $0x0  }
0x14: {  	s2 =	sld [smem:$0x3F8D];
	s0 =	simm.s32 @p1 $0x1  }
0x15: {  	[smem:$0x3FAA] =	sst s0;
	s0 =	simm.s32 @!p2 $0x0  }
0x16: {  	s3 =	sld [smem:$0x3FDB];
	s0 =	simm.s32 @p2 $0x1  }
0x17: {  	s4 =	simm.s32 $0x1BF5;
	[smem:$0x3FAC] =	sst s0  }
0x18: {  	s0 =	sld [smem:$0x3F8F];
	_ =	swait.ge [sflag:s4], $0x0  }
0x19: {  	s7 =	sld [smem:$0x3F90]  }
0x1a: {  	s8 =	sadd.s32 $0xFFFFE003, lr  }
0x1b: {  	s9 =	sadd.s32 $0xFFFFFEF7, lr;
	s5 =	simm.s32 $0xFFFFFFFF;
	p2 =	slt.u32 s8, $0xFFFFF086  }
0x1c: {  	p1 =	slt.u32 s9, $0xF7A;
	s5 =	simm.s32 @!p2 $0x0  }
0x1d: {  	s5 =	simm.s32 @p1 $0x1;
	p0 =	seq.s32 s7, s2  }
0x1e: {  	s7 =	smul.u32 @!p0 $0xF7A, s2;
	p2 =	seq.s32 @!p0 s5, $0x0  }
0x1f: {  	s9 =	smul.u32 $0xF7A, s1;
	s8 =	simm.s32 @!p0 $0x1BF5;
	p2 =	por !p2, p0  }
0x20: {  	[sflag:s8] =	ssyncset.s32 @!p0 $0xFFFFF086;
	s6 =	sadd.s32 @!p0 s3, s7;
	s7 =	simm.s32 @!p0 $0x108  }
0x21: {  	s3 =	sadd.s32 s3, s9;
	s6 =	sadd.s32 @!p0 $0x88, s6;
	s7 =	simm.s32 @p2 $0x1082  }
0x22: {  	[simem:s7], [sflag:s8] =	dma.local @!p0 [hbm:s6], $0xF7A  }
0x23: {  	s9 =	sor.u32 $0xD0000000, s2;
	s6 =	simm.s32 $0x108;
	_ =	swait.ge @!p0 [sflag:s8], $0x0  }
0x24: {  	s3 =	sadd.s32 $0x88, s3;
	s6 =	simm.s32 @!p1 $0x1082;
	[sflag:s4] =	ssyncset.s32 $0xFFFFF086  }
0x25: {  	[simem:s6], [sflag:s4] =	dma.local [hbm:s3], $0xF7A  }
0x26: {  	[smem:$0x3F90] =	sst s1;
	(tag) =	ssettag s2;
	_ =	strace s9  }
0x27: {  	s1 =	sld [smem:$0x3FA0]  }
0x28: {  	s2 =	sld [smem:$0x3FA1]  }
0x29: {  	s4 =	sld [smem:$0x3FA3]  }
0x2a: {  	p0 =	seq.s32 s5, $0x0;
	s5 =	sld [smem:$0x3FA4]  }
0x2b: {  	s6 =	sld [smem:$0x3FA5]  }
0x2c: {  	s7 =	sld [smem:$0x3FA6]  }
0x2d: {  	s3 =	simm.s32 $0x108;
	s8 =	sld [smem:$0x3FA7]  }
0x2e: {  	s3 =	simm.s32 @!p0 $0x1082;
	s9 =	sld [smem:$0x3FA8]  }
0x2f: {  	lr =	sadd.s32 s0, s3;
	s0 =	sld [smem:$0x3F9F]  }
0x30: {  	s3 =	sld [smem:$0x3FA2]  }
0x31: {  	[smem:$0x3FAB] =	sst s10  }
0x32: {  	s10 =	sld [smem:$0x3FA9];
	_ =	sdelay $0x3  }
0x33: {  	p0 =	seq.s32 s10, $0x1;
	s10 =	sld [smem:$0x3FAB];
	_ =	sdelay $0x3  }
0x34: {  	[smem:$0x3FAB] =	sst s10  }
0x35: {  	s10 =	sld [smem:$0x3FAA];
	_ =	sdelay $0x3  }
0x36: {  	p1 =	seq.s32 s10, $0x1;
	s10 =	sld [smem:$0x3FAB];
	_ =	sdelay $0x3  }
0x37: {  	[smem:$0x3FAB] =	sst s10  }
0x38: {  	s10 =	sld [smem:$0x3FAC]  }
0x39: {  	_ = 	snop;
	(pc) =	sbr.ind lr, $3  }
0x3a: {  	_ = 	snop  }
0x3b: {  	_ = 	snop  }
0x3c: {  	p2 =	seq.s32 s10, $0x1;
	s10 =	sld [smem:$0x3FAB]  }
0x3d: {  	_ =	shalt  }
0x3e: {  	_ =	shalt  }
0x3f: {  	_ =	shalt  }
0x40: {  	_ =	shalt  }
0x41: {  	_ =	shalt  }
0x42: {  	_ =	shalt  }
0x43: {  	_ =	shalt  }
0x44: {  	_ =	shalt  }
0x45: {  	_ =	shalt  }
0x46: {  	_ =	shalt  }
0x47: {  	_ =	shalt  }
0x48: {  	_ =	shalt  }
0x49: {  	_ =	shalt  }
0x4a: {  	_ =	shalt  }
0x4b: {  	_ =	shalt  }
0x4c: {  	_ =	shalt  }
0x4d: {  	_ =	shalt  }
0x4e: {  	_ =	shalt  }
0x4f: {  	_ =	shalt  }
0x50: {  	_ =	shalt  }
0x51: {  	_ =	shalt  }
0x52: {  	_ =	shalt  }
0x53: {  	_ =	shalt  }
0x54: {  	_ =	shalt  }
0x55: {  	_ =	shalt  }
0x56: {  	_ =	shalt  }
0x57: {  	_ =	shalt  }
0x58: {  	_ =	shalt  }
0x59: {  	_ =	shalt  }
0x5a: {  	_ =	shalt  }
0x5b: {  	_ =	shalt  }
0x5c: {  	_ =	shalt  }
0x5d: {  	_ =	shalt  }
0x5e: {  	_ =	shalt  }
0x5f: {  	_ =	shalt  }
0x60: {  	_ =	shalt  }
0x61: {  	_ =	shalt  }
0x62: {  	_ =	shalt  }
0x63: {  	_ =	shalt  }
0x64: {  	_ =	shalt  }
0x65: {  	_ =	shalt  }
0x66: {  	_ =	shalt  }
0x67: {  	_ =	shalt  }
0x68: {  	_ =	shalt  }
0x69: {  	_ =	shalt  }
0x6a: {  	_ =	shalt  }
0x6b: {  	_ =	shalt  }
0x6c: {  	_ =	shalt  }
0x6d: {  	_ =	shalt  }
0x6e: {  	_ =	shalt  }
0x6f: {  	_ =	shalt  }
0x70: {  	_ =	shalt  }
0x71: {  	_ =	shalt  }
0x72: {  	_ =	shalt  }
0x73: {  	_ =	shalt  }
0x74: {  	_ =	shalt  }
0x75: {  	_ =	shalt  }
0x76: {  	_ =	shalt  }
0x77: {  	_ =	shalt  }
0x78: {  	_ =	shalt  }
0x79: {  	_ =	shalt  }
0x7a: {  	_ =	shalt  }
0x7b: {  	_ =	shalt  }
0x7c: {  	_ =	shalt  }
0x7d: {  	_ =	shalt  }
0x7e: {  	_ =	shalt  }
0x7f: {  	_ =	shalt  }
0x80: {  	_ =	shalt  }
0x81: {  	_ =	shalt  }
0x82: {  	_ =	shalt  }
0x83: {  	_ =	shalt  }
0x84: {  	_ =	shalt  }
0x85: {  	_ =	shalt  }
0x86: {  	_ =	shalt  }
0x87: {  	_ =	shalt  }
.Lfunc_end0:
.L_simem_size_0:
called_computation_lowered:
.L_overlay_start_0:
0x88: {  	s2 =	sld [smem:$0x3FD9]  }
0x89: {  	s3 =	sld [smem:$0x3FFE];
	_ =	sdelay $0x1  }
0x8a: {  	s1 =	srdreg.scid  }
0x8b: {  	s0 =	sand.u32 $0x1, s1  }
0x8c: {  	s17 =	sshll.u32 s0, $0xA;
	s2 =	sadd.s32 s3, s2  }
0x8d: {  	s2 =	sadd.s32 s2, s17  }
0x8e: {  	[smem:$0x3FB7] =	sst s2  }
0x8f: {  	_ = 	snop  }
0x90: {  	s2 =	sld [smem:$0x3FD0];
	(tm) =	ssettm $0x1  }
0x91: {  	s18 =	sld [smem:$0x3FFB];
	_ =	sdelay $0x3  }
0x92: {  	_ =	strace s18  }
0x93: {  	s3 =	sld [smem:$0x3FFC];
	_ =	sdelay $0x3  }
0x94: {  	_ =	strace s3  }
0x95: {  	s3 =	sld [smem:$0x3FFD];
	_ =	sdelay $0x3  }
0x96: {  	_ =	strace s3  }
0x97: {  	_ =	strace $0x8FFFFFFF  }
0x98: {  	s19 =	sld [smem:$0x3FDB];
	_ =	sdelay $0x1  }
0x99: {  	s4 =	simm.s32 $_scs_section_size  }
0x9a: {  	s5 =	simm.s32 $_size__tile_overlayer_lowered;
	s6 =	simm.s32 $_tile_overlayer_lowered  }
0x9b: {  	s22 =	simm.s32 $0x1BFF;
	s21 =	sshll.u32 s6, $0x1;
	s3 =	sadd.s32 s4, s19  }
0x9c: {  	s7 =	simm.s32 $0x0;
	s20 =	sshll.u32 s5, $0x1;
	s5 =	sadd.s32 s21, s3  }
0x9d: {  	[timem:s7], [sflag:s22] =	dma.local [hbm:s5], s20  }
0x9e: {  	_ =	swait.ge [sflag:s22], s20  }
0x9f: {  	s4 =	ssub.s32 $0x0, s20;
	[sflag:s22] =	ssyncset.done $0x0  }
0xa0: {  	[sflag:s22] =	ssyncadd.s32 s4;
	_ =	sdelay $0x1  }
0xa1: {  	s23 =	simm.s32 $0x1B8B  }
0xa2: {  	_ =	swait.ge [sflag:s23], $0x1  }
0xa3: {  	[sflag:s23] =	ssyncset.done $0x0  }
0xa4: {  	s25 =	simm.s32 $0x1B8E;
	s24 =	sld [smem:$0x3FFE];
	[sflag:s23] =	ssyncadd.s32 $0xFFFFFFFF  }
0xa5: {  	s26 =	simm.s32 $execute0_lowered;
	[smem:$0x3FD2] =	sst s25  }
0xa6: {  	s5 =	sshll.u32 s26, $0x1;
	_ =	strace $0x80000046;
	[dreg:$0x1] =	wrdreg $0xFFFFFFFF  }
0xa7: {  	s28 =	simm.s32 $_size_execute0_lowered;
	s3 =	sadd.s32 s3, s5;
	[dreg:$0x0] =	wrdreg $0x0  }
0xa8: {  	s5 =	sshll.u32 s28, $0x1;
	[dreg:$0x2] =	wrdreg s3  }
0xa9: {  	[dreg:$0x3] =	wrdreg s5  }
0xaa: {  	[dreg:$0x4] =	wrdreg $0xC0  }
0xab: {  	_ =	task [dreg:s7], $0x5FFFF  }
0xac: {  	[dreg:$0x1] =	wrdreg $0xFFFFFFFF  }
0xad: {  	[dreg:$0x0] =	wrdreg $0x60  }
0xae: {  	[dreg:$0x2] =	wrdreg s24  }
0xaf: {  	[dreg:$0x3] =	wrdreg s2  }
0xb0: {  	[dreg:$0x4] =	wrdreg $0xB0000  }
0xb1: {  	[dreg:$0x5] =	wrdreg $0x9  }
0xb2: {  	_ =	task.clear_ibuf [dreg:s7], $0x6FFFF;
	_ =	strace $0x90000046  }
0xb3: {  	s29 =	simm.s32 $0x9;
	_ =	strace $0x80000048  }
0xb4: {  	_ =	swait.ge [sflag:s29], $0x1  }
0xb5: {  	[sflag:s29] =	ssyncadd.s32 $0xFFFFFFFF  }
0xb6: {  	_ =	strace $0x90000048  }
0xb7: {  	_ =	sfence  }
0xb8: {  	s30 =	sld [smem:$0x0];
	_ =	sdelay $0x2  }
0xb9: {  	s31 =	sshll.u32 s1, $0xD;
	s1 =	sshrl.u32 s1, $0x2  }
0xba: {  	s3 =	sand.u32 $0x4000, s31;
	s1 =	sadd.s32 s1, s30  }
0xbb: {  	s0 =	sor.u32 s3, s0;
	s1 =	sshll.u32 s1, $0x11  }
0xbc: {  	s0 =	sor.u32 s1, s0  }
0xbd: {  	s0 =	sadd.s32 $0x8F2B, s0  }
0xbe: {  	[sflag:s0] =	ssyncadd.remote.s32 $0x1  }
0xbf: {  	_ =	sfence.sel $0xFFFF  }
0xc0: {  	[dreg:$0x0] =	wrdreg $0xFFFFFFFF;
	(pc) =	sbr.abs _section_cstart, $3  }
0xc1: {  	[dreg:$0x1] =	wrdreg $0xFFFFFFFF  }
0xc2: {  	_ =	task.clear_ibuf [dreg:s7], $0x2FFFF;
	_ =	strace $0x9FFFFFFF  }
0xc3: {  	(tm) =	ssettm $0x7FFFFFFF  }
tec
execute0_lowered:
.L_overlay_start_1:
0x0: {  	(tag) =	ssettag $0x1  }
0x1: {  	s8 =	rddreg [dreg:$0x0]  }
0x2: {  	s1 =	srdreg.scid;
	s2 =	rddreg [dreg:$0x1]  }
0x3: {  	s0 =	stileid.u32;
	s4 =	rddreg [dreg:$0x2]  }
0x4: {  	s5 =	simm.s32 $0x0;
	s16 =	simm.s32 $0x3000;
	s17 =	simm.s32 $0x5  }
0x5: {  	s18 =	simm.s32 $0x80;
	s20 =	simm.s32 $0x7000;
	s21 =	simm.s32 $0x1  }
0x6: {  	s22 =	simm.s32 $0x2;
	s23 =	simm.s32 $0x3;
	s7 =	sand.u32 $0x1, s1  }
0x7: {  	s28 =	sshll.u32 s0, $0x1;
	s10 =	smul.u32 $0x14000, s0;
	[smem:$0x7FF] =	sst s5  }
0x8: {  	s11 =	smul.u32 $0x50000, s0;
	s6 =	sadd.s32 $0x3200, s8;
	s1 =	sor.u32 s7, s28  }
0x9: {  	s9 =	smul.u32 $0x140000, s7;
	_ =	strace $0x80000047;
	s29 =	ssub.s32 $0x2, s7  }
0xa: {  	s3 =	smul.u32 $0x2800, s1;
	s30 =	sshrl.u32 s11, $0x2;
	s31 =	sshrl.u32 s29, $0x1  }
0xb: {  	s9 =	sadd.s32 s10, s9;
	s7 =	sadd.s32 s30, s4;
	s15 =	ssub.s32 s29, s31  }
0xc: {  	s13 =	sshrl.u32 s3, $0x3;
	s9 =	sshrl.u32 s9, $0x3;
	s10 =	sadd.s32 $0xC000, s7  }
0xd: {  	s11 =	sadd.s32 $0x10000, s7;
	s15 =	smax.u32 s15, $0x1;
	s12 =	sadd.s32 s13, s8  }
0xe: {  	s14 =	sadd.s32 s9, s8;
	s8 =	sadd.s32 $0x4000, s7;
	s9 =	sadd.s32 $0x8000, s7  }
0xf: {  	v0 =	vimm.f32 $0.0e+00;
	s13 =	sadd.s32 s2, s13;
	s12 =	sadd.s32 $0x2B200, s12;
	s14 =	sadd.s32 $0x35200, s14  }
.LBB2_1:
0x10: {  	s24 =	simm.s32 $0x0;
	s25 =	simm.s32 $0x200  }
.LBB2_2:
0x11: {  	p0 =	sne.s32 s25, $0xFE00;
	[tilespmem:s24+$0x3070] =	vst v0  }
0x12: {  	[tilespmem:s24+$0x3000] =	vst v0  }
0x13: {  	[tilespmem:s24+$0x3010] =	vst v0  }
.Ltmp0:
0x14: {  	[tilespmem:s24+$0x3020] =	vst v0;
	(pc) =	sbr.rel @p0 .LBB2_2-.Ltmp0, $4  }
0x15: {  	[tilespmem:s24+$0x3030] =	vst v0  }
0x16: {  	[tilespmem:s24+$0x3040] =	vst v0  }
0x17: {  	[tilespmem:s24+$0x3050] =	vst v0  }
0x18: {  	[tilespmem:s24+$0x3060] =	vst v0;
	s24 =	sshra.s32 s25, $0x2;
	s25 =	sadd.s32 $0x200, s25  }
0x19: {  	[tilespmem:s24+$0x3070] =	vst v0  }
0x1a: {  	[tilespmem:s24+$0x3000] =	vst v0  }
0x1b: {  	[tilespmem:s24+$0x3010] =	vst v0  }
0x1c: {  	[tilespmem:s24+$0x3020] =	vst v0  }
0x1d: {  	[tilespmem:s24+$0x3030] =	vst v0  }
0x1e: {  	[tilespmem:s24+$0x3040] =	vst v0  }
0x1f: {  	[tilespmem:s24+$0x3050] =	vst v0  }
0x20: {  	[tilespmem:s24+$0x3060] =	vst v0  }
0x21: {  	[spmem:s7] =	stream.linear.scatter [tilespmem:s16], [sflag:$0x5], $0x4000, $0x38;
	[tilespmem:$0x1F000] =	vst v63  }
0x22: {  	_ =	swait.ge [sflag:s17], $0x4000  }
0x23: {  	[sflag:s17] =	ssyncset.done $0x0  }
0x24: {  	[sflag:s17] =	ssyncadd.s32 $0xFFFFC000  }
0x25: {  	[spmem:s8] =	stream.linear.scatter [tilespmem:s16], [sflag:$0x5], $0x4000, $0x38;
	[tilespmem:$0x1F000] =	vst v63  }
0x26: {  	_ =	swait.ge [sflag:s17], $0x4000  }
0x27: {  	[sflag:s17] =	ssyncset.done $0x0  }
0x28: {  	[sflag:s17] =	ssyncadd.s32 $0xFFFFC000  }
0x29: {  	[spmem:s9] =	stream.linear.scatter [tilespmem:s16], [sflag:$0x5], $0x4000, $0x38;
	[tilespmem:$0x1F000] =	vst v63  }
0x2a: {  	_ =	swait.ge [sflag:s17], $0x4000  }
0x2b: {  	[sflag:s17] =	ssyncset.done $0x0  }
0x2c: {  	[sflag:s17] =	ssyncadd.s32 $0xFFFFC000  }
0x2d: {  	[spmem:s10] =	stream.linear.scatter [tilespmem:s16], [sflag:$0x5], $0x4000, $0x38;
	[tilespmem:$0x1F000] =	vst v63  }
0x2e: {  	_ =	swait.ge [sflag:s17], $0x4000  }
0x2f: {  	[sflag:s17] =	ssyncset.done $0x0  }
0x30: {  	[sflag:s17] =	ssyncadd.s32 $0xFFFFC000  }
0x31: {  	[spmem:s11] =	stream.linear.scatter [tilespmem:s16], [sflag:$0x5], $0x4000, $0x38;
	[tilespmem:$0x1F000] =	vst v63  }
0x32: {  	_ =	swait.ge [sflag:s17], $0x4000  }
0x33: {  	[sflag:s17] =	ssyncset.done $0x0  }
0x34: {  	s24 =	simm.s32 $0x0;
	[sflag:s17] =	ssyncadd.s32 $0xFFFFC000  }
0x35: {  	[tilespmem:s24], [sflag:$0x5] =	stream.linear.gather [hbm4b:s12+s24], $0x2800, $0x38;
	[tilespmem:$0x1F000] =	vst v63  }
0x36: {  	_ =	swait.ge [sflag:s17], $0x2800  }
0x37: {  	s25 =	simm.s32 $0x0;
	[sflag:s17] =	ssyncset.done $0x0  }
0x38: {  	s26 =	simm.s32 $0x1;
	s25 =	sand.u32 $0x1, s25;
	[sflag:s17] =	ssyncadd.s32 $0xFFFFD800  }
0x39: {  	s26 =	smin.u32 s26, $0x9;
	p0 =	seq.s32 s25, $0x1;
	[bflag:$0x0] =	sbarrier.arrive $0xFFFF  }
0x3a: {  	[tilespmem:s16], [sflag:$0x1] =	stream.indirect.gather [hbm4b:s6+s18], $0x80, s24, s18, $0xb8;
	[tilespmem:$0x1F000] =	vst v63  }
0x3b: {  	s0 =	simm.s32 $0x2800;
	s26 =	sshll.u32 s26, $0xA;
	s28 =	simm.s32 @p0 $0x4  }
0x3c: {  	[tilespmem:s0], [sflag:$0x3] =	stream.linear.gather [hbm4b:s13+s24], $0x400, $0x38;
	[tilespmem:$0x1F000] =	vst v63  }
0x3d: {  	s26 =	sadd.s32 s3, s26;
	s29 =	simm.s32 @p0 $0x2800;
	_ =	swait.ge @p0 [sflag:s28], $0x400  }
0x3e: {  	s30 =	simm.s32 @!p0 $0x3;
	s26 =	sshrl.u32 s26, $0x3;
	[sflag:s28] =	ssyncset.done @p0 $0x0  }
0x3f: {  	s26 =	sadd.s32 s2, s26;
	[sflag:s28] =	ssyncadd.s32 @p0 $0xFFFFFC00;
	s28 =	simm.s32 @p0 $0x0  }
0x40: {  	[tilespmem:s29], [sflag:$0x3] =	stream.linear.gather @p0 [hbm4b:s26+s28], $0x400, $0x38;
	[tilespmem:$0x1F000] =	vst v63  }
0x41: {  	_ =	swait.ge @!p0 [sflag:s30], $0x400  }
0x42: {  	[sflag:s30] =	ssyncset.done @!p0 $0x0  }
0x43: {  	s28 =	simm.s32 @!p0 $0x0;
	s29 =	simm.s32 @!p0 $0x2C00;
	[sflag:s30] =	ssyncadd.s32 @!p0 $0xFFFFFC00  }
0x44: {  	[tilespmem:s29], [sflag:$0x4] =	stream.linear.gather @!p0 [hbm4b:s26+s28], $0x400, $0x38;
	[tilespmem:$0x1F000] =	vst v63  }
0x45: {  	s1 =	simm.s32 $0x80  }
0x46: {  	[tilespmem:s20], [sflag:$0x2] =	stream.indirect.gather [hbm4b:s6+s18], $0x80, s1, s18, $0xb8;
	[tilespmem:$0x1F000] =	vst v63  }
0x47: {  	_ =	swait.ge [sflag:s21], $0x4000  }
0x48: {  	s25 =	sshll.u32 s25, $0xA;
	[sflag:s21] =	ssyncset.done $0x0  }
0x49: {  	s19 =	sor.u32 $0x2800, s25;
	[sflag:s21] =	ssyncadd.s32 $0xFFFFC000  }
0x4a: {  	[spmem:s4] =	stream.indirect.scatter.add.f32 [tilespmem:s16], [sflag:$0x5], $0x80, s19, s18, $0xb8;
	[tilespmem:$0x1F000] =	vst v63  }
0x4b: {  	_ =	swait.ge [sflag:s17], $0x4000  }
0x4c: {  	[sflag:s17] =	ssyncset.done $0x0  }
0x4d: {  	s31 =	simm.s32 $0x100;
	[sflag:s17] =	ssyncadd.s32 $0xFFFFC000  }
0x4e: {  	[tilespmem:s16], [sflag:$0x1] =	stream.indirect.gather [hbm4b:s6+s18], $0x80, s31, s18, $0xb8;
	[tilespmem:$0x1F000] =	vst v63  }
0x4f: {  	_ =	swait.ge [sflag:s22], $0x4000  }
0x50: {  	[sflag:s22] =	ssyncset.done $0x0  }
0x51: {  	s0 =	sor.u32 $0x2880, s25;
	[sflag:s22] =	ssyncadd.s32 $0xFFFFC000  }
0x52: {  	[spmem:s4] =	stream.indirect.scatter.add.f32 [tilespmem:s20], [sflag:$0x5], $0x80, s0, s18, $0xb8;
	[tilespmem:$0x1F000] =	vst v63  }
0x53: {  	_ =	swait.ge [sflag:s17], $0x4000  }
0x54: {  	[sflag:s17] =	ssyncset.done $0x0  }
0x55: {  	s1 =	simm.s32 $0x180;
	[sflag:s17] =	ssyncadd.s32 $0xFFFFC000  }
0x56: {  	[tilespmem:s20], [sflag:$0x2] =	stream.indirect.gather [hbm4b:s6+s18], $0x80, s1, s18, $0xb8;
	[tilespmem:$0x1F000] =	vst v63  }
0x57: {  	_ =	swait.ge [sflag:s21], $0x4000  }
0x58: {  	[sflag:s21] =	ssyncset.done $0x0  }
0x59: {  	s19 =	sor.u32 $0x2900, s25;
	[sflag:s21] =	ssyncadd.s32 $0xFFFFC000  }
0x5a: {  	[spmem:s4] =	stream.indirect.scatter.add.f32 [tilespmem:s16], [sflag:$0x5], $0x80, s19, s18, $0xb8;
	[tilespmem:$0x1F000] =	vst v63  }
0x5b: {  	_ =	swait.ge [sflag:s17], $0x4000  }
0x5c: {  	[sflag:s17] =	ssyncset.done $0x0  }
0x5d: {  	s31 =	simm.s32 $0x200;
	[sflag:s17] =	ssyncadd.s32 $0xFFFFC000  }
0x5e: {  	[tilespmem:s16], [sflag:$0x1] =	stream.indirect.gather [hbm4b:s6+s18], $0x80, s31, s18, $0xb8;
	[tilespmem:$0x1F000] =	vst v63  }
0x5f: {  	_ =	swait.ge [sflag:s22], $0x4000  }
0x60: {  	[sflag:s22] =	ssyncset.done $0x0  }
0x61: {  	s0 =	sor.u32 $0x2980, s25;
	[sflag:s22] =	ssyncadd.s32 $0xFFFFC000  }
0x62: {  	[spmem:s4] =	stream.indirect.scatter.add.f32 [tilespmem:s20], [sflag:$0x5], $0x80, s0, s18, $0xb8;
	[tilespmem:$0x1F000] =	vst v63  }
0x63: {  	_ =	swait.ge [sflag:s17], $0x4000  }
0x64: {  	[sflag:s17] =	ssyncset.done $0x0  }
0x65: {  	s1 =	simm.s32 $0x280;
	[sflag:s17] =	ssyncadd.s32 $0xFFFFC000  }
0x66: {  	[tilespmem:s20], [sflag:$0x2] =	stream.indirect.gather [hbm4b:s6+s18], $0x80, s1, s18, $0xb8;
	[tilespmem:$0x1F000] =	vst v63  }
0x67: {  	_ =	swait.ge [sflag:s21], $0x4000  }
0x68: {  	[sflag:s21] =	ssyncset.done $0x0  }
0x69: {  	s19 =	sor.u32 $0x2A00, s25;
	[sflag:s21] =	ssyncadd.s32 $0xFFFFC000  }
0x6a: {  	[spmem:s4] =	stream.indirect.scatter.add.f32 [tilespmem:s16], [sflag:$0x5], $0x80, s19, s18, $0xb8;
	[tilespmem:$0x1F000] =	vst v63  }
0x6b: {  	_ =	swait.ge [sflag:s17], $0x4000  }
0x6c: {  	[sflag:s17] =	ssyncset.done $0x0  }
0x6d: {  	s31 =	simm.s32 $0x300;
	[sflag:s17] =	ssyncadd.s32 $0xFFFFC000  }
0x6e: {  	[tilespmem:s16], [sflag:$0x1] =	stream.indirect.gather [hbm4b:s6+s18], $0x80, s31, s18, $0xb8;
	[tilespmem:$0x1F000] =	vst v63  }
0x6f: {  	_ =	swait.ge [sflag:s22], $0x4000  }
0x70: {  	[sflag:s22] =	ssyncset.done $0x0  }
0x71: {  	s0 =	sor.u32 $0x2A80, s25;
	[sflag:s22] =	ssyncadd.s32 $0xFFFFC000  }
0x72: {  	[spmem:s4] =	stream.indirect.scatter.add.f32 [tilespmem:s20], [sflag:$0x5], $0x80, s0, s18, $0xb8;
	[tilespmem:$0x1F000] =	vst v63  }
0x73: {  	_ =	swait.ge [sflag:s17], $0x4000  }
0x74: {  	[sflag:s17] =	ssyncset.done $0x0  }
0x75: {  	s1 =	simm.s32 $0x380;
	[sflag:s17] =	ssyncadd.s32 $0xFFFFC000  }
0x76: {  	[tilespmem:s20], [sflag:$0x2] =	stream.indirect.gather [hbm4b:s6+s18], $0x80, s1, s18, $0xb8;
	[tilespmem:$0x1F000] =	vst v63  }
0x77: {  	_ =	swait.ge [sflag:s21], $0x4000  }
0x78: {  	[sflag:s21] =	ssyncset.done $0x0  }
0x79: {  	s19 =	sor.u32 $0x2B00, s25;
	[sflag:s21] =	ssyncadd.s32 $0xFFFFC000  }
0x7a: {  	[spmem:s4] =	stream.indirect.scatter.add.f32 [tilespmem:s16], [sflag:$0x5], $0x80, s19, s18, $0xb8;
	[tilespmem:$0x1F000] =	vst v63  }
0x7b: {  	s24 =	smin.u32 s24, $0x47;
	_ =	swait.ge [sflag:s17], $0x4000  }
0x7c: {  	s24 =	sshll.u32 s24, $0x7;
	[sflag:s17] =	ssyncset.done $0x0  }
0x7d: {  	s24 =	sadd.s32 $0x400, s24;
	[sflag:s17] =	ssyncadd.s32 $0xFFFFC000  }
0x7e: {  	[tilespmem:s16], [sflag:$0x1] =	stream.indirect.gather [hbm4b:s6+s18], $0x80, s24, s18, $0xb8;
	[tilespmem:$0x1F000] =	vst v63  }
0x7f: {  	s30 =	simm.s32 $0x1;
	s26 =	simm.s32 $0x1000;
	_ =	swait.ge [sflag:s22], $0x4000  }
0x80: {  	s28 =	simm.s32 $0x2000;
	s29 =	simm.s32 $0x2;
	[sflag:s22] =	ssyncset.done $0x0  }
0x81: {  	s25 =	sor.u32 $0x2B80, s25;
	s31 =	sand.u32 $0x1, s30;
	[sflag:s22] =	ssyncadd.s32 $0xFFFFC000  }
0x82: {  	[spmem:s4] =	stream.indirect.scatter.add.f32 [tilespmem:s20], [sflag:$0x5], $0x80, s25, s18, $0xb8;
	[tilespmem:$0x1F000] =	vst v63  }
0x83: {  	s30 =	smin.u32 s29, $0x9;
	p1 =	seq.s32 s31, $0x1;
	_ =	swait.ge [sflag:s17], $0x4000  }
0x84: {  	s24 =	simm.s32 $0x8;
	s25 =	sshll.u32 s31, $0xA;
	[sflag:s17] =	ssyncset.done $0x0  }
.LBB2_4:
0x85: {  	s30 =	sshll.u32 s30, $0xA;
	s31 =	simm.s32 @p1 $0x4;
	[sflag:s17] =	ssyncadd.s32 $0xFFFFC000  }
0x86: {  	s1 =	simm.s32 @p1 $0x2800;
	s30 =	sadd.s32 s3, s30;
	_ =	swait.ge @p1 [sflag:s31], $0x400  }
0x87: {  	s19 =	simm.s32 @!p1 $0x3;
	s30 =	sshrl.u32 s30, $0x3;
	[sflag:s31] =	ssyncset.done @p1 $0x0  }
0x88: {  	s0 =	sadd.s32 s2, s30;
	[sflag:s31] =	ssyncadd.s32 @p1 $0xFFFFFC00;
	s30 =	simm.s32 @p1 $0x0  }
0x89: {  	[tilespmem:s1], [sflag:$0x3] =	stream.linear.gather @p1 [hbm4b:s0+s30], $0x400, $0x38;
	[tilespmem:$0x1F000] =	vst v63  }
0x8a: {  	s1 =	smov.u32 s28;
	s28 =	sadd.s32 $0x1000, s28;
	_ =	swait.ge @!p1 [sflag:s19], $0x400  }
0x8b: {  	s30 =	sshra.s32 s26, $0x2;
	p0 =	sne.s32 s28, $0xA000;
	[sflag:s19] =	ssyncset.done @!p1 $0x0  }
0x8c: {  	s26 =	simm.s32 @!p1 $0x2C00;
	[sflag:s19] =	ssyncadd.s32 @!p1 $0xFFFFFC00;
	s19 =	simm.s32 @!p1 $0x0  }
0x8d: {  	[tilespmem:s26], [sflag:$0x4] =	stream.linear.gather @!p1 [hbm4b:s0+s19], $0x400, $0x38;
	[tilespmem:$0x1F000] =	vst v63  }
0x8e: {  	s0 =	sadd.s32 $0x80, s30;
	s26 =	smov.u32 s1  }
0x8f: {  	[tilespmem:s20], [sflag:$0x2] =	stream.indirect.gather [hbm4b:s6+s18], $0x80, s0, s18, $0xb8;
	[tilespmem:$0x1F000] =	vst v63  }
0x90: {  	_ =	swait.ge [sflag:s21], $0x4000  }
0x91: {  	[sflag:s21] =	ssyncset.done $0x0  }
0x92: {  	s0 =	sor.u32 $0x2800, s25;
	[sflag:s21] =	ssyncadd.s32 $0xFFFFC000  }
0x93: {  	[spmem:s4] =	stream.indirect.scatter.add.f32 [tilespmem:s16], [sflag:$0x5], $0x80, s0, s18, $0xb8;
	[tilespmem:$0x1F000] =	vst v63  }
0x94: {  	_ =	swait.ge [sflag:s17], $0x4000  }
0x95: {  	[sflag:s17] =	ssyncset.done $0x0  }
0x96: {  	s0 =	sadd.s32 $0x100, s30;
	[sflag:s17] =	ssyncadd.s32 $0xFFFFC000  }
0x97: {  	[tilespmem:s16], [sflag:$0x1] =	stream.indirect.gather [hbm4b:s6+s18], $0x80, s0, s18, $0xb8;
	[tilespmem:$0x1F000] =	vst v63  }
0x98: {  	_ =	swait.ge [sflag:s22], $0x4000  }
0x99: {  	[sflag:s22] =	ssyncset.done $0x0  }
0x9a: {  	s0 =	sor.u32 $0x2880, s25;
	[sflag:s22] =	ssyncadd.s32 $0xFFFFC000  }
0x9b: {  	[spmem:s4] =	stream.indirect.scatter.add.f32 [tilespmem:s20], [sflag:$0x5], $0x80, s0, s18, $0xb8;
	[tilespmem:$0x1F000] =	vst v63  }
0x9c: {  	_ =	swait.ge [sflag:s17], $0x4000  }
0x9d: {  	[sflag:s17] =	ssyncset.done $0x0  }
0x9e: {  	s0 =	sadd.s32 $0x180, s30;
	[sflag:s17] =	ssyncadd.s32 $0xFFFFC000  }
0x9f: {  	[tilespmem:s20], [sflag:$0x2] =	stream.indirect.gather [hbm4b:s6+s18], $0x80, s0, s18, $0xb8;
	[tilespmem:$0x1F000] =	vst v63  }
0xa0: {  	_ =	swait.ge [sflag:s21], $0x4000  }
0xa1: {  	[sflag:s21] =	ssyncset.done $0x0  }
0xa2: {  	s0 =	sor.u32 $0x2900, s25;
	[sflag:s21] =	ssyncadd.s32 $0xFFFFC000  }
0xa3: {  	[spmem:s4] =	stream.indirect.scatter.add.f32 [tilespmem:s16], [sflag:$0x5], $0x80, s0, s18, $0xb8;
	[tilespmem:$0x1F000] =	vst v63  }
0xa4: {  	_ =	swait.ge [sflag:s17], $0x4000  }
0xa5: {  	[sflag:s17] =	ssyncset.done $0x0  }
0xa6: {  	s0 =	sadd.s32 $0x200, s30;
	[sflag:s17] =	ssyncadd.s32 $0xFFFFC000  }
0xa7: {  	[tilespmem:s16], [sflag:$0x1] =	stream.indirect.gather [hbm4b:s6+s18], $0x80, s0, s18, $0xb8;
	[tilespmem:$0x1F000] =	vst v63  }
0xa8: {  	_ =	swait.ge [sflag:s22], $0x4000  }
0xa9: {  	[sflag:s22] =	ssyncset.done $0x0  }
0xaa: {  	s0 =	sor.u32 $0x2980, s25;
	[sflag:s22] =	ssyncadd.s32 $0xFFFFC000  }
0xab: {  	[spmem:s4] =	stream.indirect.scatter.add.f32 [tilespmem:s20], [sflag:$0x5], $0x80, s0, s18, $0xb8;
	[tilespmem:$0x1F000] =	vst v63  }
0xac: {  	_ =	swait.ge [sflag:s17], $0x4000  }
0xad: {  	[sflag:s17] =	ssyncset.done $0x0  }
0xae: {  	s0 =	sadd.s32 $0x280, s30;
	[sflag:s17] =	ssyncadd.s32 $0xFFFFC000  }
0xaf: {  	[tilespmem:s20], [sflag:$0x2] =	stream.indirect.gather [hbm4b:s6+s18], $0x80, s0, s18, $0xb8;
	[tilespmem:$0x1F000] =	vst v63  }
0xb0: {  	_ =	swait.ge [sflag:s21], $0x4000  }
0xb1: {  	[sflag:s21] =	ssyncset.done $0x0  }
0xb2: {  	s0 =	sor.u32 $0x2A00, s25;
	[sflag:s21] =	ssyncadd.s32 $0xFFFFC000  }
0xb3: {  	[spmem:s4] =	stream.indirect.scatter.add.f32 [tilespmem:s16], [sflag:$0x5], $0x80, s0, s18, $0xb8;
	[tilespmem:$0x1F000] =	vst v63  }
0xb4: {  	_ =	swait.ge [sflag:s17], $0x4000  }
0xb5: {  	[sflag:s17] =	ssyncset.done $0x0  }
0xb6: {  	s0 =	sadd.s32 $0x300, s30;
	[sflag:s17] =	ssyncadd.s32 $0xFFFFC000  }
0xb7: {  	[tilespmem:s16], [sflag:$0x1] =	stream.indirect.gather [hbm4b:s6+s18], $0x80, s0, s18, $0xb8;
	[tilespmem:$0x1F000] =	vst v63  }
0xb8: {  	_ =	swait.ge [sflag:s22], $0x4000  }
0xb9: {  	[sflag:s22] =	ssyncset.done $0x0  }
0xba: {  	s0 =	sor.u32 $0x2A80, s25;
	[sflag:s22] =	ssyncadd.s32 $0xFFFFC000  }
0xbb: {  	[spmem:s4] =	stream.indirect.scatter.add.f32 [tilespmem:s20], [sflag:$0x5], $0x80, s0, s18, $0xb8;
	[tilespmem:$0x1F000] =	vst v63  }
0xbc: {  	_ =	swait.ge [sflag:s17], $0x4000  }
0xbd: {  	[sflag:s17] =	ssyncset.done $0x0  }
0xbe: {  	s0 =	sadd.s32 $0x380, s30;
	[sflag:s17] =	ssyncadd.s32 $0xFFFFC000  }
0xbf: {  	[tilespmem:s20], [sflag:$0x2] =	stream.indirect.gather [hbm4b:s6+s18], $0x80, s0, s18, $0xb8;
	[tilespmem:$0x1F000] =	vst v63  }
0xc0: {  	_ =	swait.ge [sflag:s21], $0x4000  }
0xc1: {  	[sflag:s21] =	ssyncset.done $0x0  }
0xc2: {  	s0 =	sor.u32 $0x2B00, s25;
	[sflag:s21] =	ssyncadd.s32 $0xFFFFC000  }
0xc3: {  	[spmem:s4] =	stream.indirect.scatter.add.f32 [tilespmem:s16], [sflag:$0x5], $0x80, s0, s18, $0xb8;
	[tilespmem:$0x1F000] =	vst v63  }
0xc4: {  	s0 =	smin.u32 s24, $0x47;
	_ =	swait.ge [sflag:s17], $0x4000  }
0xc5: {  	s0 =	sshll.u32 s0, $0x7;
	[sflag:s17] =	ssyncset.done $0x0  }
0xc6: {  	s0 =	sadd.s32 $0x400, s0;
	[sflag:s17] =	ssyncadd.s32 $0xFFFFC000  }
0xc7: {  	[tilespmem:s16], [sflag:$0x1] =	stream.indirect.gather [hbm4b:s6+s18], $0x80, s0, s18, $0xb8;
	[tilespmem:$0x1F000] =	vst v63  }
0xc8: {  	s24 =	sadd.s32 $0x8, s24;
	_ =	swait.ge [sflag:s22], $0x4000  }
.Ltmp1:
0xc9: {  	s29 =	sadd.s32 $0x1, s29;
	[sflag:s22] =	ssyncset.done $0x0;
	(pc) =	sbr.rel @p0 .LBB2_4-.Ltmp1, $4  }
0xca: {  	s1 =	sor.u32 $0x2B80, s25;
	s0 =	sadd.s32 $0xFFFFFFFF, s29;
	[sflag:s22] =	ssyncadd.s32 $0xFFFFC000  }
0xcb: {  	[spmem:s4] =	stream.indirect.scatter.add.f32 [tilespmem:s20], [sflag:$0x5], $0x80, s1, s18, $0xb8;
	[tilespmem:$0x1F000] =	vst v63  }
0xcc: {  	s30 =	smin.u32 s29, $0x9;
	s0 =	sand.u32 $0x1, s0;
	_ =	swait.ge [sflag:s17], $0x4000  }
0xcd: {  	p1 =	seq.s32 s0, $0x1;
	s25 =	sshll.u32 s0, $0xA;
	[sflag:s17] =	ssyncset.done $0x0  }
0xce: {  	s0 =	sshll.u32 s30, $0xA;
	s1 =	simm.s32 @p1 $0x4;
	[sflag:s17] =	ssyncadd.s32 $0xFFFFC000  }
0xcf: {  	s19 =	simm.s32 @p1 $0x2800;
	s0 =	sadd.s32 s3, s0;
	_ =	swait.ge @p1 [sflag:s1], $0x400  }
0xd0: {  	s28 =	simm.s32 @!p1 $0x3;
	s0 =	sshrl.u32 s0, $0x3;
	[sflag:s1] =	ssyncset.done @p1 $0x0  }
0xd1: {  	s0 =	sadd.s32 s2, s0;
	[sflag:s1] =	ssyncadd.s32 @p1 $0xFFFFFC00;
	s1 =	simm.s32 @p1 $0x0  }
0xd2: {  	[tilespmem:s19], [sflag:$0x3] =	stream.linear.gather @p1 [hbm4b:s0+s1], $0x400, $0x38;
	[tilespmem:$0x1F000] =	vst v63  }
0xd3: {  	_ =	swait.ge @!p1 [sflag:s28], $0x400  }
0xd4: {  	s26 =	sshra.s32 s26, $0x2;
	[sflag:s28] =	ssyncset.done @!p1 $0x0  }
0xd5: {  	s1 =	simm.s32 @!p1 $0x0;
	s19 =	simm.s32 @!p1 $0x2C00;
	[sflag:s28] =	ssyncadd.s32 @!p1 $0xFFFFFC00  }
0xd6: {  	[tilespmem:s19], [sflag:$0x4] =	stream.linear.gather @!p1 [hbm4b:s0+s1], $0x400, $0x38;
	[tilespmem:$0x1F000] =	vst v63  }
0xd7: {  	s19 =	sadd.s32 $0x80, s26  }
0xd8: {  	[tilespmem:s20], [sflag:$0x2] =	stream.indirect.gather [hbm4b:s6+s18], $0x80, s19, s18, $0xb8;
	[tilespmem:$0x1F000] =	vst v63  }
0xd9: {  	_ =	swait.ge [sflag:s21], $0x4000  }
0xda: {  	[sflag:s21] =	ssyncset.done $0x0  }
0xdb: {  	s28 =	sor.u32 $0x2800, s25;
	[sflag:s21] =	ssyncadd.s32 $0xFFFFC000  }
0xdc: {  	[spmem:s4] =	stream.indirect.scatter.add.f32 [tilespmem:s16], [sflag:$0x5], $0x80, s28, s18, $0xb8;
	[tilespmem:$0x1F000] =	vst v63  }
0xdd: {  	_ =	swait.ge [sflag:s17], $0x4000  }
0xde: {  	[sflag:s17] =	ssyncset.done $0x0  }
0xdf: {  	s29 =	sadd.s32 $0x100, s26;
	[sflag:s17] =	ssyncadd.s32 $0xFFFFC000  }
0xe0: {  	[tilespmem:s16], [sflag:$0x1] =	stream.indirect.gather [hbm4b:s6+s18], $0x80, s29, s18, $0xb8;
	[tilespmem:$0x1F000] =	vst v63  }
0xe1: {  	_ =	swait.ge [sflag:s22], $0x4000  }
0xe2: {  	[sflag:s22] =	ssyncset.done $0x0  }
0xe3: {  	s30 =	sor.u32 $0x2880, s25;
	[sflag:s22] =	ssyncadd.s32 $0xFFFFC000  }
0xe4: {  	[spmem:s4] =	stream.indirect.scatter.add.f32 [tilespmem:s20], [sflag:$0x5], $0x80, s30, s18, $0xb8;
	[tilespmem:$0x1F000] =	vst v63  }
0xe5: {  	_ =	swait.ge [sflag:s17], $0x4000  }
0xe6: {  	[sflag:s17] =	ssyncset.done $0x0  }
0xe7: {  	s31 =	sadd.s32 $0x180, s26;
	[sflag:s17] =	ssyncadd.s32 $0xFFFFC000  }
0xe8: {  	[tilespmem:s20], [sflag:$0x2] =	stream.indirect.gather [hbm4b:s6+s18], $0x80, s31, s18, $0xb8;
	[tilespmem:$0x1F000] =	vst v63  }
0xe9: {  	_ =	swait.ge [sflag:s21], $0x4000  }
0xea: {  	[sflag:s21] =	ssyncset.done $0x0  }
0xeb: {  	s1 =	sor.u32 $0x2900, s25;
	[sflag:s21] =	ssyncadd.s32 $0xFFFFC000  }
0xec: {  	[spmem:s4] =	stream.indirect.scatter.add.f32 [tilespmem:s16], [sflag:$0x5], $0x80, s1, s18, $0xb8;
	[tilespmem:$0x1F000] =	vst v63  }
0xed: {  	_ =	swait.ge [sflag:s17], $0x4000  }
0xee: {  	[sflag:s17] =	ssyncset.done $0x0  }
0xef: {  	s19 =	sadd.s32 $0x200, s26;
	[sflag:s17] =	ssyncadd.s32 $0xFFFFC000  }
0xf0: {  	[tilespmem:s16], [sflag:$0x1] =	stream.indirect.gather [hbm4b:s6+s18], $0x80, s19, s18, $0xb8;
	[tilespmem:$0x1F000] =	vst v63  }
0xf1: {  	_ =	swait.ge [sflag:s22], $0x4000  }
0xf2: {  	[sflag:s22] =	ssyncset.done $0x0  }
0xf3: {  	s28 =	sor.u32 $0x2980, s25;
	[sflag:s22] =	ssyncadd.s32 $0xFFFFC000  }
0xf4: {  	[spmem:s4] =	stream.indirect.scatter.add.f32 [tilespmem:s20], [sflag:$0x5], $0x80, s28, s18, $0xb8;
	[tilespmem:$0x1F000] =	vst v63  }
0xf5: {  	_ =	swait.ge [sflag:s17], $0x4000  }
0xf6: {  	[sflag:s17] =	ssyncset.done $0x0  }
0xf7: {  	s29 =	sadd.s32 $0x280, s26;
	[sflag:s17] =	ssyncadd.s32 $0xFFFFC000  }
0xf8: {  	[tilespmem:s20], [sflag:$0x2] =	stream.indirect.gather [hbm4b:s6+s18], $0x80, s29, s18, $0xb8;
	[tilespmem:$0x1F000] =	vst v63  }
0xf9: {  	_ =	swait.ge [sflag:s21], $0x4000  }
0xfa: {  	[sflag:s21] =	ssyncset.done $0x0  }
0xfb: {  	s30 =	sor.u32 $0x2A00, s25;
	[sflag:s21] =	ssyncadd.s32 $0xFFFFC000  }
0xfc: {  	[spmem:s4] =	stream.indirect.scatter.add.f32 [tilespmem:s16], [sflag:$0x5], $0x80, s30, s18, $0xb8;
	[tilespmem:$0x1F000] =	vst v63  }
0xfd: {  	_ =	swait.ge [sflag:s17], $0x4000  }
0xfe: {  	[sflag:s17] =	ssyncset.done $0x0  }
0xff: {  	s31 =	sadd.s32 $0x300, s26;
	[sflag:s17] =	ssyncadd.s32 $0xFFFFC000  }
0x100: {  	[tilespmem:s16], [sflag:$0x1] =	stream.indirect.gather [hbm4b:s6+s18], $0x80, s31, s18, $0xb8;
	[tilespmem:$0x1F000] =	vst v63  }
0x101: {  	_ =	swait.ge [sflag:s22], $0x4000  }
0x102: {  	[sflag:s22] =	ssyncset.done $0x0  }
0x103: {  	s1 =	sor.u32 $0x2A80, s25;
	[sflag:s22] =	ssyncadd.s32 $0xFFFFC000  }
0x104: {  	[spmem:s4] =	stream.indirect.scatter.add.f32 [tilespmem:s20], [sflag:$0x5], $0x80, s1, s18, $0xb8;
	[tilespmem:$0x1F000] =	vst v63  }
0x105: {  	_ =	swait.ge [sflag:s17], $0x4000  }
0x106: {  	[sflag:s17] =	ssyncset.done $0x0  }
0x107: {  	s19 =	sadd.s32 $0x380, s26;
	[sflag:s17] =	ssyncadd.s32 $0xFFFFC000  }
0x108: {  	[tilespmem:s20], [sflag:$0x2] =	stream.indirect.gather [hbm4b:s6+s18], $0x80, s19, s18, $0xb8;
	[tilespmem:$0x1F000] =	vst v63  }
0x109: {  	_ =	swait.ge [sflag:s21], $0x4000  }
0x10a: {  	[sflag:s21] =	ssyncset.done $0x0  }
0x10b: {  	s26 =	sor.u32 $0x2B00, s25;
	[sflag:s21] =	ssyncadd.s32 $0xFFFFC000  }
0x10c: {  	[spmem:s4] =	stream.indirect.scatter.add.f32 [tilespmem:s16], [sflag:$0x5], $0x80, s26, s18, $0xb8;
	[tilespmem:$0x1F000] =	vst v63  }
0x10d: {  	s28 =	smin.u32 s24, $0x47;
	_ =	swait.ge [sflag:s17], $0x4000  }
0x10e: {  	s0 =	sshll.u32 s28, $0x7;
	[sflag:s17] =	ssyncset.done $0x0  }
0x10f: {  	s0 =	sadd.s32 $0x400, s0;
	[sflag:s17] =	ssyncadd.s32 $0xFFFFC000  }
0x110: {  	[tilespmem:s16], [sflag:$0x1] =	stream.indirect.gather [hbm4b:s6+s18], $0x80, s0, s18, $0xb8;
	[tilespmem:$0x1F000] =	vst v63  }
0x111: {  	_ =	swait.ge [sflag:s22], $0x4000  }
0x112: {  	[sflag:s22] =	ssyncset.done $0x0  }
0x113: {  	s29 =	sor.u32 $0x2B80, s25;
	[sflag:s22] =	ssyncadd.s32 $0xFFFFC000  }
0x114: {  	[spmem:s4] =	stream.indirect.scatter.add.f32 [tilespmem:s20], [sflag:$0x5], $0x80, s29, s18, $0xb8;
	[tilespmem:$0x1F000] =	vst v63  }
0x115: {  	_ =	swait.ge [sflag:s17], $0x4000  }
0x116: {  	[sflag:s17] =	ssyncset.done $0x0  }
0x117: {  	[sflag:s17] =	ssyncadd.s32 $0xFFFFC000  }
0x118: {  	_ =	swait.ge [sflag:s21], $0x4000  }
0x119: {  	[sflag:s21] =	ssyncset.done $0x0  }
0x11a: {  	[sflag:s21] =	ssyncadd.s32 $0xFFFFC000  }
0x11b: {  	s5 =	sadd.s32 $0x1, s5;
	_ =	swait.ge [sflag:s23], $0x400  }
0x11c: {  	p0 =	sne.s32 s5, s15;
	s30 =	stileid.u32;
	[sflag:s23] =	ssyncset.done $0x0  }
0x11d: {  	s31 =	sshrl.u32 s7, $0x3;
	s0 =	sshll.u32 s30, $0x6;
	[sflag:s23] =	ssyncadd.s32 $0xFFFFFC00  }
.Ltmp2:
0x11e: {  	s0 =	sor.u32 $0x1C05, s0;
	[bflag:$0x0] =	sbarrier.arrive $0xFFFF;
	(pc) =	sbr.rel @p0 .LBB2_1-.Ltmp2, $4  }
0x11f: {  	[hbm:s14], [sflag:s0] =	dma.local [spmem:s31], $0x2800  }
0x120: {  	_ =	swait.ge [sflag:s17], $0x2800  }
0x121: {  	[sflag:s17] =	ssyncset.done $0x0  }
0x122: {  	[sflag:s17] =	ssyncadd.s32 $0xFFFFD800  }
0x123: {  	_ =	sfence.sel $0x180000  }
0x124: {  	[bflag:$0x0] =	sbarrier.arrive $0xFFFF  }
0x125: {  	_ =	strace $0x90000047  }
0x126: {  	s0 =	stileid.u32;
	[bflag:$0x2] =	sbarrier.arrive $0xFFFF  }
0x127: {  	p0 =	sne.s32 s0, $0x0;
	s0 =	rddreg [dreg:$0x3]  }
0x128: {  	s0 =	sadd.s32 @!p0 $0x100000, s0  }
0x129: {  	[sflag:s0] =	ssyncadd.tile.s32 @!p0 $0x1;
	_ =	shalt  }
.Lfunc_end2:
_tile_overlayer_lowered:
.L_overlay_start_2:
0x12a: {  	(tag) =	ssettag $0x2  }
0x12b: {  	s0 =	rddreg [dreg:$0x0];
	s2 =	stileid.u32  }
0x12c: {  	s1 =	rddreg [dreg:$0x1];
	p0 =	sne.s32 s2, $0x0  }
0x12d: {  	s3 =	rddreg [dreg:$0x2];
	[bflag:$0x3] =	sbarrier.arrive $0xFFFF;
	s2 =	simm.s32 @!p0 $0x1C05  }
0x12e: {  	[timem:s3], [sflag:s2] =	dma.local @!p0 [hbm:s0], s1  }
0x12f: {  	s0 =	simm.s32 @!p0 $0x5  }
0x130: {  	_ =	swait.ge @!p0 [sflag:s0], s1  }
0x131: {  	s1 =	ssub.s32 @!p0 $0x0, s1;
	[sflag:s0] =	ssyncset.done @!p0 $0x0  }
0x132: {  	[sflag:s0] =	ssyncadd.s32 @!p0 s1  }
0x133: {  	[bflag:$0x3] =	sbarrier.arrive $0xFFFF  }
0x134: {  	_ =	shalt  }

</sc_bundles>
